<compile_context>
chip_gen: v7x
topology: tpu7x:2x2x1
jax: 0.10.2.dev20260603
libtpu: 0.0.44.dev20260713+nightly
codegen_flags: <defaults>
</compile_context>

<pallas_src>
import functools

import jax
import jax.numpy as jnp
from jax import lax
from jax.experimental import pallas as pl
from jax.experimental.pallas import tpu as pltpu
from jax.experimental.pallas import tpu_sc as plsc

KEEP_RATE = 0.7

_GDN = lax.GatherDimensionNumbers(offset_dims=(), collapsed_slice_dims=(0,),
                                  start_index_map=(0,))


def _lane_perm(v, idx):
    return lax.gather(v, idx[:, None], _GDN, (1,),
                      mode=lax.GatherScatterMode.PROMISE_IN_BOUNDS)

NT = 32
CH = 32
NCH = 2
RPT = CH * NCH
SC_ROWS = NT * RPT
TC_ROWS = 16384 - SC_ROWS
TC_BLOCK = 1024


def _sc_body(pred_hbm, tgt_hbm, sums_out, tlog_out, buf, tgtv, sums_l,
             tlog_l, dsem, tsem, osem, *, num_classes):
    wid = lax.axis_index("s") * 2 + lax.axis_index("c")
    base = TC_ROWS + wid * RPT
    lanes = lax.iota(jnp.int32, 16)
    nfull = num_classes // 16
    tail = num_classes - nfull * 16

    pltpu.make_async_copy(tgt_hbm.at[pl.ds(base, RPT)],
                          tgtv.at[pl.ds(0, RPT)], tsem).start()

    def copy_chunk(k, slot):
        return pltpu.make_async_copy(
            pred_hbm.at[pl.ds(base + k * CH, CH), :], buf.at[slot],
            dsem.at[slot])

    copy_chunk(0, 0).start()
    copy_chunk(1, 1).start()
    pltpu.make_async_copy(tgt_hbm.at[pl.ds(base, RPT)],
                          tgtv.at[pl.ds(0, RPT)], tsem).wait()

    def pair_body(kk, _):
        for slot in (0, 1):
            k = 2 * kk + slot
            copy_chunk(k, slot).wait()
            bufS = buf.at[slot]

            def row_body(rl, carry):
                rowsums, tlrow = carry
                rem = lax.rem(rl, 16)
                tv = tgtv[pl.ds(k * CH + rl - rem, 16)]
                tsp = _lane_perm(tv, lanes * 0 + rem)
                accs = [jnp.zeros((16,), jnp.float32) for _ in range(4)]
                tls = [jnp.zeros((16,), jnp.float32) for _ in range(2)]
                for j in range(nfull):
                    xj = bufS[rl, pl.ds(j * 16, 16)]
                    accs[j % 4] = accs[j % 4] + jnp.exp(xj)
                    tls[j % 2] = tls[j % 2] + jnp.where(
                        lanes + j * 16 == tsp, xj, 0.0)
                xt = bufS[rl, pl.ds(num_classes - 16, 16)]
                tmask = lanes >= 16 - tail
                accs[nfull % 4] = accs[nfull % 4] + jnp.where(
                    tmask, jnp.exp(xt), 0.0)
                tls[nfull % 2] = tls[nfull % 2] + jnp.where(
                    tmask & (lanes + (num_classes - 16) == tsp), xt, 0.0)
                acc = (accs[0] + accs[1]) + (accs[2] + accs[3])
                tl = tls[0] + tls[1]
                for m in (8, 4, 2, 1):
                    acc = acc + _lane_perm(acc, lanes ^ m)
                    tl = tl + _lane_perm(tl, lanes ^ m)
                sel = lanes == rem
                rowsums = jnp.where(sel, acc, rowsums)
                tlrow = jnp.where(sel, tl, tlrow)

                @pl.when(rem == 15)
                def _():
                    sums_l[pl.ds(k * CH + rl - 15, 16)] = rowsums
                    tlog_l[pl.ds(k * CH + rl - 15, 16)] = tlrow

                return (rowsums, tlrow)

            z16 = jnp.zeros((16,), jnp.float32)
            lax.fori_loop(0, CH, row_body, (z16, z16))

            @pl.when(k + 2 < NCH)
            def _():
                copy_chunk(k + 2, slot).start()
        return 0

    lax.fori_loop(0, NCH // 2, pair_body, 0)

    pltpu.make_async_copy(sums_l, sums_out.at[wid], osem).start()
    pltpu.make_async_copy(sums_l, sums_out.at[wid], osem).wait()
    pltpu.make_async_copy(tlog_l, tlog_out.at[wid], osem).start()
    pltpu.make_async_copy(tlog_l, tlog_out.at[wid], osem).wait()


def _sc_sums(predict, target):
    n, c = predict.shape
    mesh = plsc.VectorSubcoreMesh(core_axis_name="c", subcore_axis_name="s")
    f = pl.kernel(
        functools.partial(_sc_body, num_classes=c),
        mesh=mesh,
        out_type=[
            jax.ShapeDtypeStruct((NT, RPT), jnp.float32),
            jax.ShapeDtypeStruct((NT, RPT), jnp.float32),
        ],
        scratch_types=[
            pltpu.VMEM((2, CH, c), jnp.float32),
            pltpu.VMEM((RPT,), jnp.int32),
            pltpu.VMEM((RPT,), jnp.float32),
            pltpu.VMEM((RPT,), jnp.float32),
            pltpu.SemaphoreType.DMA((2,)),
            pltpu.SemaphoreType.DMA,
            pltpu.SemaphoreType.DMA,
        ],
    )
    return f(predict, target)


def _tc_loss_body(predict_ref, target_ref, loss_ref, *, num_classes):
    x = predict_ref[...]
    block, c = x.shape
    col = lax.broadcasted_iota(jnp.int32, (block, c), 1)
    in_bounds = col < num_classes
    e = jnp.where(in_bounds, jnp.exp(x), 0.0)
    sum_exp = jnp.sum(e, axis=1, keepdims=True)
    tgt = target_ref[...]
    tgt_logit = jnp.sum(jnp.where(col == tgt, x, 0.0), axis=1, keepdims=True)
    loss = jnp.log(sum_exp) - tgt_logit
    loss_ref[...] = jnp.transpose(loss, (1, 0))[None]


def _tc_losses(predict, target):
    n, c = predict.shape
    g = TC_ROWS // TC_BLOCK
    return pl.pallas_call(
        functools.partial(_tc_loss_body, num_classes=c),
        grid=(g,),
        in_specs=[
            pl.BlockSpec((TC_BLOCK, c), lambda i: (i, 0)),
            pl.BlockSpec((TC_BLOCK, 1), lambda i: (i, 0)),
        ],
        out_specs=pl.BlockSpec((1, 1, TC_BLOCK), lambda i: (i, 0, 0)),
        out_shape=jax.ShapeDtypeStruct((g, 1, TC_BLOCK), jnp.float32),
    )(predict[:TC_ROWS], target[:TC_ROWS].reshape(TC_ROWS, 1))


def _finish_body(tcl_ref, sums_ref, tlog_ref, out_ref, *, keep_num):
    x1 = tcl_ref[...][:, 0, :]
    x2 = jnp.log(sums_ref[...]) - tlog_ref[...]
    b1 = lax.bitcast_convert_type(x1, jnp.int32)
    b2 = lax.bitcast_convert_type(x2, jnp.int32)

    def step(j, t):
        cand = t | (1 << (30 - j))
        cnt = (jnp.sum((b1 >= cand).astype(jnp.int32))
               + jnp.sum((b2 >= cand).astype(jnp.int32)))
        return jnp.where(cnt >= keep_num, cand, t)

    t = lax.fori_loop(0, 31, step, jnp.int32(0))
    thresh = lax.bitcast_convert_type(t, jnp.float32)
    g1, g2 = b1 > t, b2 > t
    cnt_gt = (jnp.sum(g1.astype(jnp.int32)) + jnp.sum(g2.astype(jnp.int32)))
    sum_gt = jnp.sum(jnp.where(g1, x1, 0.0)) + jnp.sum(jnp.where(g2, x2, 0.0))
    total = sum_gt + (keep_num - cnt_gt).astype(jnp.float32) * thresh
    out_ref[...] = jnp.broadcast_to(total, (1, 1))


def kernel(predict, target):
    n, c = predict.shape
    keep_num = min(n, int(n * KEEP_RATE))
    tgt32 = target.astype(jnp.int32)
    sums, tlog = _sc_sums(predict, tgt32)
    tcl = _tc_losses(predict, tgt32)
    out = pl.pallas_call(
        functools.partial(_finish_body, keep_num=keep_num),
        out_shape=jax.ShapeDtypeStruct((1, 1), jnp.float32),
    )(tcl, sums, tlog)
    return out[0, 0]

# --- scband reference (transcript-rebuilt; emitter-appended) ---
"""Pipeline reference for scband-ohemloss-68513318306163 (READ-ONLY COPY).

The authoritative reference and input builder live on the scoring server;
editing this copy changes nothing except your own understanding.
"""

import jax, jax.numpy as jnp
import numpy as np

KEEP_RATE = 0.7


def setup_inputs(seed: int = 0) -> dict:
    key = jax.random.key(seed)
    k1, k2 = jax.random.split(key)
    predict = jax.random.normal(k1, (16384, 1000), dtype=jnp.float32)
    target = jax.random.randint(k2, (16384,), 0, 1000, dtype=jnp.int64)
    return {"predict": predict, "target": target}


def reference(predict, target):
    batch_size = predict.shape[0]
    # F.cross_entropy(predict, target, reduction='none', ignore_index=-1)
    logp = jax.nn.log_softmax(predict, axis=-1)
    valid = target != -1
    safe_t = jnp.where(valid, target, 0)
    per_ex = -jnp.take_along_axis(logp, safe_t[:, None], axis=1)[:, 0]
    ohem_cls_loss = jnp.where(valid, per_ex, 0.0)
    # torch.sort(descending=True)
    sorted_ohem_loss = jnp.sort(ohem_cls_loss)[::-1]
    keep_num = min(sorted_ohem_loss.shape[0], int(batch_size * KEEP_RATE))
    if keep_num < sorted_ohem_loss.shape[0]:
        kept = sorted_ohem_loss[:keep_num]
    else:
        kept = sorted_ohem_loss
    # reduction == 'sum'
    cls_loss = kept.sum()
    return cls_loss

if __name__ == "__main__":
    import jax
    _d = setup_inputs()
    print(jax.jit(kernel)(*tuple(_d.values())))

</pallas_src>

<mosaic_0001>
#map = affine_map<(d0, d1) -> (0, 0)>
#map1 = affine_map<(d0, d1) -> (0)>
module attributes {stable_mosaic.version = 14 : i64} {
  func.func @_sc_body(%arg0: i32, %arg1: i32, %arg2: memref<16384x1000xf32, #tpu.memory_space<hbm>>, %arg3: memref<16384xi32, #tpu.memory_space<hbm>>, %arg4: memref<32x64xf32, #tpu.memory_space<hbm>>, %arg5: memref<32x64xf32, #tpu.memory_space<hbm>>, %arg6: memref<2x32x1000xf32, #tpu.memory_space<vmem>>, %arg7: memref<64xi32, #tpu.memory_space<vmem>>, %arg8: memref<64xf32, #tpu.memory_space<vmem>>, %arg9: memref<64xf32, #tpu.memory_space<vmem>>, %arg10: memref<2x!tpu.dma_semaphore, #tpu.memory_space<semaphore_mem>>, %arg11: memref<!tpu.dma_semaphore, #tpu.memory_space<semaphore_mem>>, %arg12: memref<!tpu.dma_semaphore, #tpu.memory_space<semaphore_mem>>) attributes {dimension_semantics = [#tpu.dimension_semantics<core_parallel>, #tpu.dimension_semantics<subcore_parallel>], iteration_bounds = array<i64: 2, 16>, scalar_prefetch = 0 : i64, scratch_operands = 7 : i64, tpu.core_type = #tpu.core_type<sc_vector_subcore>, window_params = [{transform_indices = #map}, {transform_indices = #map1}, {transform_indices = #map}, {transform_indices = #map}]} {
    %mul3A = arith.constant 2 : i32
    %mul3A_0 = arith.muli %arg1, %mul3A : i32
    %add3A = arith.addi %mul3A_0, %arg0 : i32
    %mul3A_1 = arith.constant 64 : i32
    %mul3A_2 = arith.muli %add3A, %mul3A_1 : i32
    %add3A_3 = arith.constant 14336 : i32
    %add3A_4 = arith.addi %add3A_3, %mul3A_2 : i32
    %iota3A = tpu.iota {dimensions = array<i32: 0>} : vector<16xi32>
    %dma_start3A = arith.constant 0 : i32
    %dma_start3A_5 = tpu.memref_slice %arg7[%dma_start3A] : memref<64xi32, #tpu.memory_space<vmem>> -> memref<64xi32, #tpu.memory_space<vmem>>
    %dma_start3A_6 = tpu.memref_slice %arg3[%add3A_4] : memref<16384xi32, #tpu.memory_space<hbm>> -> memref<64xi32, #tpu.memory_space<hbm>>
    %dma_start3A_7 = arith.constant 0 : i32
    %dma_start3A_8 = tpu.memref_slice %arg7[%dma_start3A_7] : memref<64xi32, #tpu.memory_space<vmem>> -> memref<64xi32, #tpu.memory_space<vmem>>
    %dma_start3A_9 = tpu.memref_slice %arg3[%add3A_4] : memref<16384xi32, #tpu.memory_space<hbm>> -> memref<64xi32, #tpu.memory_space<hbm>>
    tpu.enqueue_dma source(%dma_start3A_9 : memref<64xi32, #tpu.memory_space<hbm>>) target(%dma_start3A_8 : memref<64xi32, #tpu.memory_space<vmem>>) target_semaphore(%arg11 : memref<!tpu.dma_semaphore, #tpu.memory_space<semaphore_mem>>)
    %add3A_10 = arith.constant 0 : i32
    %add3A_11 = arith.addi %add3A_4, %add3A_10 : i32
    %dma_start3A_12 = arith.constant 0 : i32
    %dma_start3A_13 = arith.constant 0 : i32
    %dma_start3A_14 = arith.constant 0 : i32
    %dma_start3A_15 = arith.constant 0 : i32
    %dma_start3A_16 = tpu.memref_slice %arg6[%dma_start3A_12, %dma_start3A_14, %dma_start3A_15] : memref<2x32x1000xf32, #tpu.memory_space<vmem>> -> memref<1x32x1000xf32, #tpu.memory_space<vmem>>
    %dma_start3A_17 = tpu.memref_squeeze %dma_start3A_16 : memref<1x32x1000xf32, #tpu.memory_space<vmem>> -> memref<32x1000xf32, #tpu.memory_space<vmem>>
    %dma_start3A_18 = arith.constant 0 : i32
    %dma_start3A_19 = tpu.memref_slice %arg2[%add3A_11, %dma_start3A_18] : memref<16384x1000xf32, #tpu.memory_space<hbm>> -> memref<32x1000xf32, #tpu.memory_space<hbm>>
    %dma_start3A_20 = tpu.memref_slice %arg10[%dma_start3A_13] : memref<2x!tpu.dma_semaphore, #tpu.memory_space<semaphore_mem>> -> memref<1x!tpu.dma_semaphore, #tpu.memory_space<semaphore_mem>>
    %dma_start3A_21 = tpu.memref_squeeze %dma_start3A_20 : memref<1x!tpu.dma_semaphore, #tpu.memory_space<semaphore_mem>> -> memref<!tpu.dma_semaphore, #tpu.memory_space<semaphore_mem>>
    %dma_start3A_22 = arith.constant 0 : i32
    %dma_start3A_23 = arith.constant 0 : i32
    %dma_start3A_24 = tpu.memref_slice %arg6[%dma_start3A_12, %dma_start3A_22, %dma_start3A_23] : memref<2x32x1000xf32, #tpu.memory_space<vmem>> -> memref<1x32x1000xf32, #tpu.memory_space<vmem>>
    %dma_start3A_25 = tpu.memref_squeeze %dma_start3A_24 : memref<1x32x1000xf32, #tpu.memory_space<vmem>> -> memref<32x1000xf32, #tpu.memory_space<vmem>>
    %dma_start3A_26 = arith.constant 0 : i32
    %dma_start3A_27 = tpu.memref_slice %arg2[%add3A_11, %dma_start3A_26] : memref<16384x1000xf32, #tpu.memory_space<hbm>> -> memref<32x1000xf32, #tpu.memory_space<hbm>>
    tpu.enqueue_dma source(%dma_start3A_27 : memref<32x1000xf32, #tpu.memory_space<hbm>>) target(%dma_start3A_25 : memref<32x1000xf32, #tpu.memory_space<vmem>>) target_semaphore(%dma_start3A_21 : memref<!tpu.dma_semaphore, #tpu.memory_space<semaphore_mem>>)
    %add3A_28 = arith.constant 32 : i32
    %add3A_29 = arith.addi %add3A_4, %add3A_28 : i32
    %dma_start3A_30 = arith.constant 1 : i32
    %dma_start3A_31 = arith.constant 1 : i32
    %dma_start3A_32 = arith.constant 0 : i32
    %dma_start3A_33 = arith.constant 0 : i32
    %dma_start3A_34 = tpu.memref_slice %arg6[%dma_start3A_30, %dma_start3A_32, %dma_start3A_33] : memref<2x32x1000xf32, #tpu.memory_space<vmem>> -> memref<1x32x1000xf32, #tpu.memory_space<vmem>>
    %dma_start3A_35 = tpu.memref_squeeze %dma_start3A_34 : memref<1x32x1000xf32, #tpu.memory_space<vmem>> -> memref<32x1000xf32, #tpu.memory_space<vmem>>
    %dma_start3A_36 = arith.constant 0 : i32
    %dma_start3A_37 = tpu.memref_slice %arg2[%add3A_29, %dma_start3A_36] : memref<16384x1000xf32, #tpu.memory_space<hbm>> -> memref<32x1000xf32, #tpu.memory_space<hbm>>
    %dma_start3A_38 = tpu.memref_slice %arg10[%dma_start3A_31] : memref<2x!tpu.dma_semaphore, #tpu.memory_space<semaphore_mem>> -> memref<1x!tpu.dma_semaphore, #tpu.memory_space<semaphore_mem>>
    %dma_start3A_39 = tpu.memref_squeeze %dma_start3A_38 : memref<1x!tpu.dma_semaphore, #tpu.memory_space<semaphore_mem>> -> memref<!tpu.dma_semaphore, #tpu.memory_space<semaphore_mem>>
    %dma_start3A_40 = arith.constant 0 : i32
    %dma_start3A_41 = arith.constant 0 : i32
    %dma_start3A_42 = tpu.memref_slice %arg6[%dma_start3A_30, %dma_start3A_40, %dma_start3A_41] : memref<2x32x1000xf32, #tpu.memory_space<vmem>> -> memref<1x32x1000xf32, #tpu.memory_space<vmem>>
    %dma_start3A_43 = tpu.memref_squeeze %dma_start3A_42 : memref<1x32x1000xf32, #tpu.memory_space<vmem>> -> memref<32x1000xf32, #tpu.memory_space<vmem>>
    %dma_start3A_44 = arith.constant 0 : i32
    %dma_start3A_45 = tpu.memref_slice %arg2[%add3A_29, %dma_start3A_44] : memref<16384x1000xf32, #tpu.memory_space<hbm>> -> memref<32x1000xf32, #tpu.memory_space<hbm>>
    tpu.enqueue_dma source(%dma_start3A_45 : memref<32x1000xf32, #tpu.memory_space<hbm>>) target(%dma_start3A_43 : memref<32x1000xf32, #tpu.memory_space<vmem>>) target_semaphore(%dma_start3A_39 : memref<!tpu.dma_semaphore, #tpu.memory_space<semaphore_mem>>)
    %dma_wait3A = arith.constant 0 : i32
    %dma_wait3A_46 = tpu.memref_slice %arg7[%dma_wait3A] : memref<64xi32, #tpu.memory_space<vmem>> -> memref<64xi32, #tpu.memory_space<vmem>>
    %dma_wait3A_47 = tpu.memref_slice %arg3[%add3A_4] : memref<16384xi32, #tpu.memory_space<hbm>> -> memref<64xi32, #tpu.memory_space<hbm>>
    %dma_wait3A_48 = arith.constant 0 : i32
    %dma_wait3A_49 = tpu.memref_slice %arg7[%dma_wait3A_48] : memref<64xi32, #tpu.memory_space<vmem>> -> memref<64xi32, #tpu.memory_space<vmem>>
    %dma_wait3A_50 = tpu.memref_slice %arg3[%add3A_4] : memref<16384xi32, #tpu.memory_space<hbm>> -> memref<64xi32, #tpu.memory_space<hbm>>
    tpu.wait_dma2 semaphore(%arg11 : memref<!tpu.dma_semaphore, #tpu.memory_space<semaphore_mem>>) src(%dma_wait3A_50 : memref<64xi32, #tpu.memory_space<hbm>>) dst(%dma_wait3A_49 : memref<64xi32, #tpu.memory_space<vmem>>)
    %scan3A = arith.constant 0 : i32
    %scan3A_51 = arith.constant 0 : i32
    %mul3A_52 = arith.constant 2 : i32
    %mul3A_53 = arith.muli %mul3A_52, %scan3A_51 : i32
    %add3A_54 = arith.constant 0 : i32
    %add3A_55 = arith.addi %mul3A_53, %add3A_54 : i32
    %mul3A_56 = arith.constant 32 : i32
    %mul3A_57 = arith.muli %add3A_55, %mul3A_56 : i32
    %add3A_58 = arith.addi %add3A_4, %mul3A_57 : i32
    %dma_wait3A_59 = arith.constant 0 : i32
    %dma_wait3A_60 = arith.constant 0 : i32
    %dma_wait3A_61 = arith.constant 0 : i32
    %dma_wait3A_62 = arith.constant 0 : i32
    %dma_wait3A_63 = tpu.memref_slice %arg6[%dma_wait3A_59, %dma_wait3A_61, %dma_wait3A_62] : memref<2x32x1000xf32, #tpu.memory_space<vmem>> -> memref<1x32x1000xf32, #tpu.memory_space<vmem>>
    %dma_wait3A_64 = tpu.memref_squeeze %dma_wait3A_63 : memref<1x32x1000xf32, #tpu.memory_space<vmem>> -> memref<32x1000xf32, #tpu.memory_space<vmem>>
    %dma_wait3A_65 = arith.constant 0 : i32
    %dma_wait3A_66 = tpu.memref_slice %arg2[%add3A_58, %dma_wait3A_65] : memref<16384x1000xf32, #tpu.memory_space<hbm>> -> memref<32x1000xf32, #tpu.memory_space<hbm>>
    %dma_wait3A_67 = tpu.memref_slice %arg10[%dma_wait3A_60] : memref<2x!tpu.dma_semaphore, #tpu.memory_space<semaphore_mem>> -> memref<1x!tpu.dma_semaphore, #tpu.memory_space<semaphore_mem>>
    %dma_wait3A_68 = tpu.memref_squeeze %dma_wait3A_67 : memref<1x!tpu.dma_semaphore, #tpu.memory_space<semaphore_mem>> -> memref<!tpu.dma_semaphore, #tpu.memory_space<semaphore_mem>>
    %dma_wait3A_69 = arith.constant 0 : i32
    %dma_wait3A_70 = arith.constant 0 : i32
    %dma_wait3A_71 = tpu.memref_slice %arg6[%dma_wait3A_59, %dma_wait3A_69, %dma_wait3A_70] : memref<2x32x1000xf32, #tpu.memory_space<vmem>> -> memref<1x32x1000xf32, #tpu.memory_space<vmem>>
    %dma_wait3A_72 = tpu.memref_squeeze %dma_wait3A_71 : memref<1x32x1000xf32, #tpu.memory_space<vmem>> -> memref<32x1000xf32, #tpu.memory_space<vmem>>
    %dma_wait3A_73 = arith.constant 0 : i32
    %dma_wait3A_74 = tpu.memref_slice %arg2[%add3A_58, %dma_wait3A_73] : memref<16384x1000xf32, #tpu.memory_space<hbm>> -> memref<32x1000xf32, #tpu.memory_space<hbm>>
    tpu.wait_dma2 semaphore(%dma_wait3A_68 : memref<!tpu.dma_semaphore, #tpu.memory_space<semaphore_mem>>) src(%dma_wait3A_74 : memref<32x1000xf32, #tpu.memory_space<hbm>>) dst(%dma_wait3A_72 : memref<32x1000xf32, #tpu.memory_space<vmem>>)
    %broadcast_in_dim3A = arith.constant 0.000000e+00 : f32
    %broadcast_in_dim3A_75 = vector.broadcast %broadcast_in_dim3A : f32 to vector<16xf32>
    %scan3A_76 = arith.constant 0 : i32
    %scan3A_77 = arith.constant 0 : i32
    %scan3A_78 = arith.constant 32 : i32
    %scan3A_79 = arith.addi %scan3A_77, %scan3A_78 : i32
    %scan3A_80 = arith.constant 1 : i32
    %scan3A_81:2 = scf.for %scan3A_152 = %scan3A_77 to %scan3A_79 step %scan3A_80 iter_args(%scan3A_153 = %broadcast_in_dim3A_75, %scan3A_154 = %broadcast_in_dim3A_75) -> (vector<16xf32>, vector<16xf32>)  : i32 {
      %rem3A = arith.constant 16 : i32
      %rem3A_155 = arith.remsi %scan3A_152, %rem3A : i32
      %mul3A_156 = arith.constant 32 : i32
      %mul3A_157 = arith.muli %add3A_55, %mul3A_156 : i32
      %add3A_158 = arith.addi %mul3A_157, %scan3A_152 : i32
      %sub3A = arith.subi %add3A_158, %rem3A_155 : i32
      %get3A = arith.index_cast %sub3A : i32 to index
      %get3A_159 = tpu.vector_load %arg7[%get3A] {strides = array<i32>} : memref<64xi32, #tpu.memory_space<vmem>>, vector<16xi32>,
      %get3A_160 = vector.shape_cast %get3A_159 : vector<16xi32> to vector<16xi32>
      %mul3A_161 = arith.constant 0 : i32
      %mul3A_162 = vector.broadcast %mul3A_161 : i32 to vector<16xi32>
      %mul3A_163 = arith.muli %iota3A, %mul3A_162 : vector<16xi32>
      %add3A_164 = vector.broadcast %rem3A_155 : i32 to vector<16xi32>
      %add3A_165 = arith.addi %mul3A_163, %add3A_164 : vector<16xi32>
      %broadcast_in_dim3A_166 = vector.shape_cast %add3A_165 : vector<16xi32> to vector<16x1xi32>
      %gather3A = vector.shape_cast %broadcast_in_dim3A_166 : vector<16x1xi32> to vector<16xi32>
      %gather3A_167 = tpu.dynamic_gather %get3A_160[%gather3A] in [0] : vector<16xi32>, vector<16xi32> -> vector<16xi32>
      %broadcast_in_dim3A_168 = arith.constant 0.000000e+00 : f32
      %broadcast_in_dim3A_169 = vector.broadcast %broadcast_in_dim3A_168 : f32 to vector<16xf32>
      %broadcast_in_dim3A_170 = arith.constant 0.000000e+00 : f32
      %broadcast_in_dim3A_171 = vector.broadcast %broadcast_in_dim3A_170 : f32 to vector<16xf32>
      %broadcast_in_dim3A_172 = arith.constant 0.000000e+00 : f32
      %broadcast_in_dim3A_173 = vector.broadcast %broadcast_in_dim3A_172 : f32 to vector<16xf32>
      %broadcast_in_dim3A_174 = arith.constant 0.000000e+00 : f32
      %broadcast_in_dim3A_175 = vector.broadcast %broadcast_in_dim3A_174 : f32 to vector<16xf32>
      %broadcast_in_dim3A_176 = arith.constant 0.000000e+00 : f32
      %broadcast_in_dim3A_177 = vector.broadcast %broadcast_in_dim3A_176 : f32 to vector<16xf32>
      %broadcast_in_dim3A_178 = arith.constant 0.000000e+00 : f32
      %broadcast_in_dim3A_179 = vector.broadcast %broadcast_in_dim3A_178 : f32 to vector<16xf32>
      %get3A_180 = arith.constant 0 : i32
      %get3A_181 = arith.constant 0 : i32
      %get3A_182 = tpu.memref_slice %arg6[%scan3A_76, %get3A_180, %get3A_181] : memref<2x32x1000xf32, #tpu.memory_space<vmem>> -> memref<1x32x1000xf32, #tpu.memory_space<vmem>>
      %get3A_183 = tpu.memref_squeeze %get3A_182 : memref<1x32x1000xf32, #tpu.memory_space<vmem>> -> memref<32x1000xf32, #tpu.memory_space<vmem>>
      %get3A_184 = arith.index_cast %scan3A_152 : i32 to index
      %get3A_185 = arith.constant 0 : index
      %get3A_186 = tpu.vector_load %get3A_183[%get3A_184, %get3A_185] {strides = array<i32>} : memref<32x1000xf32, #tpu.memory_space<vmem>>, vector<1x16xf32>,
      %get3A_187 = vector.shape_cast %get3A_186 : vector<1x16xf32> to vector<16xf32>
      %exp3A = math.exp %get3A_187 : vector<16xf32>
      %add3A_188 = arith.addf %broadcast_in_dim3A_169, %exp3A : vector<16xf32>
      %add3A_189 = arith.constant 0 : i32
      %add3A_190 = vector.broadcast %add3A_189 : i32 to vector<16xi32>
      %add3A_191 = arith.addi %iota3A, %add3A_190 : vector<16xi32>
      %eq3A = arith.cmpi eq, %add3A_191, %gather3A_167 : vector<16xi32>
      %jit3A = arith.constant 0.000000e+00 : f32
      %broadcast_in_dim3A_192 = vector.broadcast %jit3A : f32 to vector<16xf32>
      %select_n3A = arith.select %eq3A, %get3A_187, %broadcast_in_dim3A_192 : vector<16xi1>, vector<16xf32>
      %add3A_193 = arith.addf %broadcast_in_dim3A_177, %select_n3A : vector<16xf32>
      %get3A_194 = arith.constant 0 : i32
      %get3A_195 = arith.constant 0 : i32
      %get3A_196 = tpu.memref_slice %arg6[%scan3A_76, %get3A_194, %get3A_195] : memref<2x32x1000xf32, #tpu.memory_space<vmem>> -> memref<1x32x1000xf32, #tpu.memory_space<vmem>>
      %get3A_197 = tpu.memref_squeeze %get3A_196 : memref<1x32x1000xf32, #tpu.memory_space<vmem>> -> memref<32x1000xf32, #tpu.memory_space<vmem>>
      %get3A_198 = arith.index_cast %scan3A_152 : i32 to index
      %get3A_199 = arith.constant 16 : index
      %get3A_200 = tpu.vector_load %get3A_197[%get3A_198, %get3A_199] {strides = array<i32>} : memref<32x1000xf32, #tpu.memory_space<vmem>>, vector<1x16xf32>,
      %get3A_201 = vector.shape_cast %get3A_200 : vector<1x16xf32> to vector<16xf32>
      %exp3A_202 = math.exp %get3A_201 : vector<16xf32>
      %add3A_203 = arith.addf %broadcast_in_dim3A_171, %exp3A_202 : vector<16xf32>
      %add3A_204 = arith.constant 16 : i32
      %add3A_205 = vector.broadcast %add3A_204 : i32 to vector<16xi32>
      %add3A_206 = arith.addi %iota3A, %add3A_205 : vector<16xi32>
      %eq3A_207 = arith.cmpi eq, %add3A_206, %gather3A_167 : vector<16xi32>
      %jit3A_208 = arith.constant 0.000000e+00 : f32
      %broadcast_in_dim3A_209 = vector.broadcast %jit3A_208 : f32 to vector<16xf32>
      %select_n3A_210 = arith.select %eq3A_207, %get3A_201, %broadcast_in_dim3A_209 : vector<16xi1>, vector<16xf32>
      %add3A_211 = arith.addf %broadcast_in_dim3A_179, %select_n3A_210 : vector<16xf32>
      %get3A_212 = arith.constant 0 : i32
      %get3A_213 = arith.constant 0 : i32
      %get3A_214 = tpu.memref_slice %arg6[%scan3A_76, %get3A_212, %get3A_213] : memref<2x32x1000xf32, #tpu.memory_space<vmem>> -> memref<1x32x1000xf32, #tpu.memory_space<vmem>>
      %get3A_215 = tpu.memref_squeeze %get3A_214 : memref<1x32x1000xf32, #tpu.memory_space<vmem>> -> memref<32x1000xf32, #tpu.memory_space<vmem>>
      %get3A_216 = arith.index_cast %scan3A_152 : i32 to index
      %get3A_217 = arith.constant 32 : index
      %get3A_218 = tpu.vector_load %get3A_215[%get3A_216, %get3A_217] {strides = array<i32>} : memref<32x1000xf32, #tpu.memory_space<vmem>>, vector<1x16xf32>,
      %get3A_219 = vector.shape_cast %get3A_218 : vector<1x16xf32> to vector<16xf32>
      %exp3A_220 = math.exp %get3A_219 : vector<16xf32>
      %add3A_221 = arith.addf %broadcast_in_dim3A_173, %exp3A_220 : vector<16xf32>
      %add3A_222 = arith.constant 32 : i32
      %add3A_223 = vector.broadcast %add3A_222 : i32 to vector<16xi32>
      %add3A_224 = arith.addi %iota3A, %add3A_223 : vector<16xi32>
      %eq3A_225 = arith.cmpi eq, %add3A_224, %gather3A_167 : vector<16xi32>
      %jit3A_226 = arith.constant 0.000000e+00 : f32
      %broadcast_in_dim3A_227 = vector.broadcast %jit3A_226 : f32 to vector<16xf32>
      %select_n3A_228 = arith.select %eq3A_225, %get3A_219, %broadcast_in_dim3A_227 : vector<16xi1>, vector<16xf32>
      %add3A_229 = arith.addf %add3A_193, %select_n3A_228 : vector<16xf32>
      %get3A_230 = arith.constant 0 : i32
      %get3A_231 = arith.constant 0 : i32
      %get3A_232 = tpu.memref_slice %arg6[%scan3A_76, %get3A_230, %get3A_231] : memref<2x32x1000xf32, #tpu.memory_space<vmem>> -> memref<1x32x1000xf32, #tpu.memory_space<vmem>>
      %get3A_233 = tpu.memref_squeeze %get3A_232 : memref<1x32x1000xf32, #tpu.memory_space<vmem>> -> memref<32x1000xf32, #tpu.memory_space<vmem>>
      %get3A_234 = arith.index_cast %scan3A_152 : i32 to index
      %get3A_235 = arith.constant 48 : index
      %get3A_236 = tpu.vector_load %get3A_233[%get3A_234, %get3A_235] {strides = array<i32>} : memref<32x1000xf32, #tpu.memory_space<vmem>>, vector<1x16xf32>,
      %get3A_237 = vector.shape_cast %get3A_236 : vector<1x16xf32> to vector<16xf32>
      %exp3A_238 = math.exp %get3A_237 : vector<16xf32>
      %add3A_239 = arith.addf %broadcast_in_dim3A_175, %exp3A_238 : vector<16xf32>
      %add3A_240 = arith.constant 48 : i32
      %add3A_241 = vector.broadcast %add3A_240 : i32 to vector<16xi32>
      %add3A_242 = arith.addi %iota3A, %add3A_241 : vector<16xi32>
      %eq3A_243 = arith.cmpi eq, %add3A_242, %gather3A_167 : vector<16xi32>
      %jit3A_244 = arith.constant 0.000000e+00 : f32
      %broadcast_in_dim3A_245 = vector.broadcast %jit3A_244 : f32 to vector<16xf32>
      %select_n3A_246 = arith.select %eq3A_243, %get3A_237, %broadcast_in_dim3A_245 : vector<16xi1>, vector<16xf32>
      %add3A_247 = arith.addf %add3A_211, %select_n3A_246 : vector<16xf32>
      %get3A_248 = arith.constant 0 : i32
      %get3A_249 = arith.constant 0 : i32
      %get3A_250 = tpu.memref_slice %arg6[%scan3A_76, %get3A_248, %get3A_249] : memref<2x32x1000xf32, #tpu.memory_space<vmem>> -> memref<1x32x1000xf32, #tpu.memory_space<vmem>>
      %get3A_251 = tpu.memref_squeeze %get3A_250 : memref<1x32x1000xf32, #tpu.memory_space<vmem>> -> memref<32x1000xf32, #tpu.memory_space<vmem>>
      %get3A_252 = arith.index_cast %scan3A_152 : i32 to index
      %get3A_253 = arith.constant 64 : index
      %get3A_254 = tpu.vector_load %get3A_251[%get3A_252, %get3A_253] {strides = array<i32>} : memref<32x1000xf32, #tpu.memory_space<vmem>>, vector<1x16xf32>,
      %get3A_255 = vector.shape_cast %get3A_254 : vector<1x16xf32> to vector<16xf32>
      %exp3A_256 = math.exp %get3A_255 : vector<16xf32>
      %add3A_257 = arith.addf %add3A_188, %exp3A_256 : vector<16xf32>
      %add3A_258 = arith.constant 64 : i32
      %add3A_259 = vector.broadcast %add3A_258 : i32 to vector<16xi32>
      %add3A_260 = arith.addi %iota3A, %add3A_259 : vector<16xi32>
      %eq3A_261 = arith.cmpi eq, %add3A_260, %gather3A_167 : vector<16xi32>
      %jit3A_262 = arith.constant 0.000000e+00 : f32
      %broadcast_in_dim3A_263 = vector.broadcast %jit3A_262 : f32 to vector<16xf32>
      %select_n3A_264 = arith.select %eq3A_261, %get3A_255, %broadcast_in_dim3A_263 : vector<16xi1>, vector<16xf32>
      %add3A_265 = arith.addf %add3A_229, %select_n3A_264 : vector<16xf32>
      %get3A_266 = arith.constant 0 : i32
      %get3A_267 = arith.constant 0 : i32
      %get3A_268 = tpu.memref_slice %arg6[%scan3A_76, %get3A_266, %get3A_267] : memref<2x32x1000xf32, #tpu.memory_space<vmem>> -> memref<1x32x1000xf32, #tpu.memory_space<vmem>>
      %get3A_269 = tpu.memref_squeeze %get3A_268 : memref<1x32x1000xf32, #tpu.memory_space<vmem>> -> memref<32x1000xf32, #tpu.memory_space<vmem>>
      %get3A_270 = arith.index_cast %scan3A_152 : i32 to index
      %get3A_271 = arith.constant 80 : index
      %get3A_272 = tpu.vector_load %get3A_269[%get3A_270, %get3A_271] {strides = array<i32>} : memref<32x1000xf32, #tpu.memory_space<vmem>>, vector<1x16xf32>,
      %get3A_273 = vector.shape_cast %get3A_272 : vector<1x16xf32> to vector<16xf32>
      %exp3A_274 = math.exp %get3A_273 : vector<16xf32>
      %add3A_275 = arith.addf %add3A_203, %exp3A_274 : vector<16xf32>
      %add3A_276 = arith.constant 80 : i32
      %add3A_277 = vector.broadcast %add3A_276 : i32 to vector<16xi32>
      %add3A_278 = arith.addi %iota3A, %add3A_277 : vector<16xi32>
      %eq3A_279 = arith.cmpi eq, %add3A_278, %gather3A_167 : vector<16xi32>
      %jit3A_280 = arith.constant 0.000000e+00 : f32
      %broadcast_in_dim3A_281 = vector.broadcast %jit3A_280 : f32 to vector<16xf32>
      %select_n3A_282 = arith.select %eq3A_279, %get3A_273, %broadcast_in_dim3A_281 : vector<16xi1>, vector<16xf32>
      %add3A_283 = arith.addf %add3A_247, %select_n3A_282 : vector<16xf32>
      %get3A_284 = arith.constant 0 : i32
      %get3A_285 = arith.constant 0 : i32
      %get3A_286 = tpu.memref_slice %arg6[%scan3A_76, %get3A_284, %get3A_285] : memref<2x32x1000xf32, #tpu.memory_space<vmem>> -> memref<1x32x1000xf32, #tpu.memory_space<vmem>>
      %get3A_287 = tpu.memref_squeeze %get3A_286 : memref<1x32x1000xf32, #tpu.memory_space<vmem>> -> memref<32x1000xf32, #tpu.memory_space<vmem>>
      %get3A_288 = arith.index_cast %scan3A_152 : i32 to index
      %get3A_289 = arith.constant 96 : index
      %get3A_290 = tpu.vector_load %get3A_287[%get3A_288, %get3A_289] {strides = array<i32>} : memref<32x1000xf32, #tpu.memory_space<vmem>>, vector<1x16xf32>,
      %get3A_291 = vector.shape_cast %get3A_290 : vector<1x16xf32> to vector<16xf32>
      %exp3A_292 = math.exp %get3A_291 : vector<16xf32>
      %add3A_293 = arith.addf %add3A_221, %exp3A_292 : vector<16xf32>
      %add3A_294 = arith.constant 96 : i32
      %add3A_295 = vector.broadcast %add3A_294 : i32 to vector<16xi32>
      %add3A_296 = arith.addi %iota3A, %add3A_295 : vector<16xi32>
      %eq3A_297 = arith.cmpi eq, %add3A_296, %gather3A_167 : vector<16xi32>
      %jit3A_298 = arith.constant 0.000000e+00 : f32
      %broadcast_in_dim3A_299 = vector.broadcast %jit3A_298 : f32 to vector<16xf32>
      %select_n3A_300 = arith.select %eq3A_297, %get3A_291, %broadcast_in_dim3A_299 : vector<16xi1>, vector<16xf32>
      %add3A_301 = arith.addf %add3A_265, %select_n3A_300 : vector<16xf32>
      %get3A_302 = arith.constant 0 : i32
      %get3A_303 = arith.constant 0 : i32
      %get3A_304 = tpu.memref_slice %arg6[%scan3A_76, %get3A_302, %get3A_303] : memref<2x32x1000xf32, #tpu.memory_space<vmem>> -> memref<1x32x1000xf32, #tpu.memory_space<vmem>>
      %get3A_305 = tpu.memref_squeeze %get3A_304 : memref<1x32x1000xf32, #tpu.memory_space<vmem>> -> memref<32x1000xf32, #tpu.memory_space<vmem>>
      %get3A_306 = arith.index_cast %scan3A_152 : i32 to index
      %get3A_307 = arith.constant 112 : index
      %get3A_308 = tpu.vector_load %get3A_305[%get3A_306, %get3A_307] {strides = array<i32>} : memref<32x1000xf32, #tpu.memory_space<vmem>>, vector<1x16xf32>,
      %get3A_309 = vector.shape_cast %get3A_308 : vector<1x16xf32> to vector<16xf32>
      %exp3A_310 = math.exp %get3A_309 : vector<16xf32>
      %add3A_311 = arith.addf %add3A_239, %exp3A_310 : vector<16xf32>
      %add3A_312 = arith.constant 112 : i32
      %add3A_313 = vector.broadcast %add3A_312 : i32 to vector<16xi32>
      %add3A_314 = arith.addi %iota3A, %add3A_313 : vector<16xi32>
      %eq3A_315 = arith.cmpi eq, %add3A_314, %gather3A_167 : vector<16xi32>
      %jit3A_316 = arith.constant 0.000000e+00 : f32
      %broadcast_in_dim3A_317 = vector.broadcast %jit3A_316 : f32 to vector<16xf32>
      %select_n3A_318 = arith.select %eq3A_315, %get3A_309, %broadcast_in_dim3A_317 : vector<16xi1>, vector<16xf32>
      %add3A_319 = arith.addf %add3A_283, %select_n3A_318 : vector<16xf32>
      %get3A_320 = arith.constant 0 : i32
      %get3A_321 = arith.constant 0 : i32
      %get3A_322 = tpu.memref_slice %arg6[%scan3A_76, %get3A_320, %get3A_321] : memref<2x32x1000xf32, #tpu.memory_space<vmem>> -> memref<1x32x1000xf32, #tpu.memory_space<vmem>>
      %get3A_323 = tpu.memref_squeeze %get3A_322 : memref<1x32x1000xf32, #tpu.memory_space<vmem>> -> memref<32x1000xf32, #tpu.memory_space<vmem>>
      %get3A_324 = arith.index_cast %scan3A_152 : i32 to index
      %get3A_325 = arith.constant 128 : index
      %get3A_326 = tpu.vector_load %get3A_323[%get3A_324, %get3A_325] {strides = array<i32>} : memref<32x1000xf32, #tpu.memory_space<vmem>>, vector<1x16xf32>,
      %get3A_327 = vector.shape_cast %get3A_326 : vector<1x16xf32> to vector<16xf32>
      %exp3A_328 = math.exp %get3A_327 : vector<16xf32>
      %add3A_329 = arith.addf %add3A_257, %exp3A_328 : vector<16xf32>
      %add3A_330 = arith.constant 128 : i32
      %add3A_331 = vector.broadcast %add3A_330 : i32 to vector<16xi32>
      %add3A_332 = arith.addi %iota3A, %add3A_331 : vector<16xi32>
      %eq3A_333 = arith.cmpi eq, %add3A_332, %gather3A_167 : vector<16xi32>
      %jit3A_334 = arith.constant 0.000000e+00 : f32
      %broadcast_in_dim3A_335 = vector.broadcast %jit3A_334 : f32 to vector<16xf32>
      %select_n3A_336 = arith.select %eq3A_333, %get3A_327, %broadcast_in_dim3A_335 : vector<16xi1>, vector<16xf32>
      %add3A_337 = arith.addf %add3A_301, %select_n3A_336 : vector<16xf32>
      %get3A_338 = arith.constant 0 : i32
      %get3A_339 = arith.constant 0 : i32
      %get3A_340 = tpu.memref_slice %arg6[%scan3A_76, %get3A_338, %get3A_339] : memref<2x32x1000xf32, #tpu.memory_space<vmem>> -> memref<1x32x1000xf32, #tpu.memory_space<vmem>>
      %get3A_341 = tpu.memref_squeeze %get3A_340 : memref<1x32x1000xf32, #tpu.memory_space<vmem>> -> memref<32x1000xf32, #tpu.memory_space<vmem>>
      %get3A_342 = arith.index_cast %scan3A_152 : i32 to index
      %get3A_343 = arith.constant 144 : index
      %get3A_344 = tpu.vector_load %get3A_341[%get3A_342, %get3A_343] {strides = array<i32>} : memref<32x1000xf32, #tpu.memory_space<vmem>>, vector<1x16xf32>,
      %get3A_345 = vector.shape_cast %get3A_344 : vector<1x16xf32> to vector<16xf32>
      %exp3A_346 = math.exp %get3A_345 : vector<16xf32>
      %add3A_347 = arith.addf %add3A_275, %exp3A_346 : vector<16xf32>
      %add3A_348 = arith.constant 144 : i32
      %add3A_349 = vector.broadcast %add3A_348 : i32 to vector<16xi32>
      %add3A_350 = arith.addi %iota3A, %add3A_349 : vector<16xi32>
      %eq3A_351 = arith.cmpi eq, %add3A_350, %gather3A_167 : vector<16xi32>
      %jit3A_352 = arith.constant 0.000000e+00 : f32
      %broadcast_in_dim3A_353 = vector.broadcast %jit3A_352 : f32 to vector<16xf32>
      %select_n3A_354 = arith.select %eq3A_351, %get3A_345, %broadcast_in_dim3A_353 : vector<16xi1>, vector<16xf32>
      %add3A_355 = arith.addf %add3A_319, %select_n3A_354 : vector<16xf32>
      %get3A_356 = arith.constant 0 : i32
      %get3A_357 = arith.constant 0 : i32
      %get3A_358 = tpu.memref_slice %arg6[%scan3A_76, %get3A_356, %get3A_357] : memref<2x32x1000xf32, #tpu.memory_space<vmem>> -> memref<1x32x1000xf32, #tpu.memory_space<vmem>>
      %get3A_359 = tpu.memref_squeeze %get3A_358 : memref<1x32x1000xf32, #tpu.memory_space<vmem>> -> memref<32x1000xf32, #tpu.memory_space<vmem>>
      %get3A_360 = arith.index_cast %scan3A_152 : i32 to index
      %get3A_361 = arith.constant 160 : index
      %get3A_362 = tpu.vector_load %get3A_359[%get3A_360, %get3A_361] {strides = array<i32>} : memref<32x1000xf32, #tpu.memory_space<vmem>>, vector<1x16xf32>,
      %get3A_363 = vector.shape_cast %get3A_362 : vector<1x16xf32> to vector<16xf32>
      %exp3A_364 = math.exp %get3A_363 : vector<16xf32>
      %add3A_365 = arith.addf %add3A_293, %exp3A_364 : vector<16xf32>
      %add3A_366 = arith.constant 160 : i32
      %add3A_367 = vector.broadcast %add3A_366 : i32 to vector<16xi32>
      %add3A_368 = arith.addi %iota3A, %add3A_367 : vector<16xi32>
      %eq3A_369 = arith.cmpi eq, %add3A_368, %gather3A_167 : vector<16xi32>
      %jit3A_370 = arith.constant 0.000000e+00 : f32
      %broadcast_in_dim3A_371 = vector.broadcast %jit3A_370 : f32 to vector<16xf32>
      %select_n3A_372 = arith.select %eq3A_369, %get3A_363, %broadcast_in_dim3A_371 : vector<16xi1>, vector<16xf32>
      %add3A_373 = arith.addf %add3A_337, %select_n3A_372 : vector<16xf32>
      %get3A_374 = arith.constant 0 : i32
      %get3A_375 = arith.constant 0 : i32
      %get3A_376 = tpu.memref_slice %arg6[%scan3A_76, %get3A_374, %get3A_375] : memref<2x32x1000xf32, #tpu.memory_space<vmem>> -> memref<1x32x1000xf32, #tpu.memory_space<vmem>>
      %get3A_377 = tpu.memref_squeeze %get3A_376 : memref<1x32x1000xf32, #tpu.memory_space<vmem>> -> memref<32x1000xf32, #tpu.memory_space<vmem>>
      %get3A_378 = arith.index_cast %scan3A_152 : i32 to index
      %get3A_379 = arith.constant 176 : index
      %get3A_380 = tpu.vector_load %get3A_377[%get3A_378, %get3A_379] {strides = array<i32>} : memref<32x1000xf32, #tpu.memory_space<vmem>>, vector<1x16xf32>,
      %get3A_381 = vector.shape_cast %get3A_380 : vector<1x16xf32> to vector<16xf32>
      %exp3A_382 = math.exp %get3A_381 : vector<16xf32>
      %add3A_383 = arith.addf %add3A_311, %exp3A_382 : vector<16xf32>
      %add3A_384 = arith.constant 176 : i32
      %add3A_385 = vector.broadcast %add3A_384 : i32 to vector<16xi32>
      %add3A_386 = arith.addi %iota3A, %add3A_385 : vector<16xi32>
      %eq3A_387 = arith.cmpi eq, %add3A_386, %gather3A_167 : vector<16xi32>
      %jit3A_388 = arith.constant 0.000000e+00 : f32
      %broadcast_in_dim3A_389 = vector.broadcast %jit3A_388 : f32 to vector<16xf32>
      %select_n3A_390 = arith.select %eq3A_387, %get3A_381, %broadcast_in_dim3A_389 : vector<16xi1>, vector<16xf32>
      %add3A_391 = arith.addf %add3A_355, %select_n3A_390 : vector<16xf32>
      %get3A_392 = arith.constant 0 : i32
      %get3A_393 = arith.constant 0 : i32
      %get3A_394 = tpu.memref_slice %arg6[%scan3A_76, %get3A_392, %get3A_393] : memref<2x32x1000xf32, #tpu.memory_space<vmem>> -> memref<1x32x1000xf32, #tpu.memory_space<vmem>>
      %get3A_395 = tpu.memref_squeeze %get3A_394 : memref<1x32x1000xf32, #tpu.memory_space<vmem>> -> memref<32x1000xf32, #tpu.memory_space<vmem>>
      %get3A_396 = arith.index_cast %scan3A_152 : i32 to index
      %get3A_397 = arith.constant 192 : index
      %get3A_398 = tpu.vector_load %get3A_395[%get3A_396, %get3A_397] {strides = array<i32>} : memref<32x1000xf32, #tpu.memory_space<vmem>>, vector<1x16xf32>,
      %get3A_399 = vector.shape_cast %get3A_398 : vector<1x16xf32> to vector<16xf32>
      %exp3A_400 = math.exp %get3A_399 : vector<16xf32>
      %add3A_401 = arith.addf %add3A_329, %exp3A_400 : vector<16xf32>
      %add3A_402 = arith.constant 192 : i32
      %add3A_403 = vector.broadcast %add3A_402 : i32 to vector<16xi32>
      %add3A_404 = arith.addi %iota3A, %add3A_403 : vector<16xi32>
      %eq3A_405 = arith.cmpi eq, %add3A_404, %gather3A_167 : vector<16xi32>
      %jit3A_406 = arith.constant 0.000000e+00 : f32
      %broadcast_in_dim3A_407 = vector.broadcast %jit3A_406 : f32 to vector<16xf32>
      %select_n3A_408 = arith.select %eq3A_405, %get3A_399, %broadcast_in_dim3A_407 : vector<16xi1>, vector<16xf32>
      %add3A_409 = arith.addf %add3A_373, %select_n3A_408 : vector<16xf32>
      %get3A_410 = arith.constant 0 : i32
      %get3A_411 = arith.constant 0 : i32
      %get3A_412 = tpu.memref_slice %arg6[%scan3A_76, %get3A_410, %get3A_411] : memref<2x32x1000xf32, #tpu.memory_space<vmem>> -> memref<1x32x1000xf32, #tpu.memory_space<vmem>>
      %get3A_413 = tpu.memref_squeeze %get3A_412 : memref<1x32x1000xf32, #tpu.memory_space<vmem>> -> memref<32x1000xf32, #tpu.memory_space<vmem>>
      %get3A_414 = arith.index_cast %scan3A_152 : i32 to index
      %get3A_415 = arith.constant 208 : index
      %get3A_416 = tpu.vector_load %get3A_413[%get3A_414, %get3A_415] {strides = array<i32>} : memref<32x1000xf32, #tpu.memory_space<vmem>>, vector<1x16xf32>,
      %get3A_417 = vector.shape_cast %get3A_416 : vector<1x16xf32> to vector<16xf32>
      %exp3A_418 = math.exp %get3A_417 : vector<16xf32>
      %add3A_419 = arith.addf %add3A_347, %exp3A_418 : vector<16xf32>
      %add3A_420 = arith.constant 208 : i32
      %add3A_421 = vector.broadcast %add3A_420 : i32 to vector<16xi32>
      %add3A_422 = arith.addi %iota3A, %add3A_421 : vector<16xi32>
      %eq3A_423 = arith.cmpi eq, %add3A_422, %gather3A_167 : vector<16xi32>
      %jit3A_424 = arith.constant 0.000000e+00 : f32
      %broadcast_in_dim3A_425 = vector.broadcast %jit3A_424 : f32 to vector<16xf32>
      %select_n3A_426 = arith.select %eq3A_423, %get3A_417, %broadcast_in_dim3A_425 : vector<16xi1>, vector<16xf32>
      %add3A_427 = arith.addf %add3A_391, %select_n3A_426 : vector<16xf32>
      %get3A_428 = arith.constant 0 : i32
      %get3A_429 = arith.constant 0 : i32
      %get3A_430 = tpu.memref_slice %arg6[%scan3A_76, %get3A_428, %get3A_429] : memref<2x32x1000xf32, #tpu.memory_space<vmem>> -> memref<1x32x1000xf32, #tpu.memory_space<vmem>>
      %get3A_431 = tpu.memref_squeeze %get3A_430 : memref<1x32x1000xf32, #tpu.memory_space<vmem>> -> memref<32x1000xf32, #tpu.memory_space<vmem>>
      %get3A_432 = arith.index_cast %scan3A_152 : i32 to index
      %get3A_433 = arith.constant 224 : index
      %get3A_434 = tpu.vector_load %get3A_431[%get3A_432, %get3A_433] {strides = array<i32>} : memref<32x1000xf32, #tpu.memory_space<vmem>>, vector<1x16xf32>,
      %get3A_435 = vector.shape_cast %get3A_434 : vector<1x16xf32> to vector<16xf32>
      %exp3A_436 = math.exp %get3A_435 : vector<16xf32>
      %add3A_437 = arith.addf %add3A_365, %exp3A_436 : vector<16xf32>
      %add3A_438 = arith.constant 224 : i32
      %add3A_439 = vector.broadcast %add3A_438 : i32 to vector<16xi32>
      %add3A_440 = arith.addi %iota3A, %add3A_439 : vector<16xi32>
      %eq3A_441 = arith.cmpi eq, %add3A_440, %gather3A_167 : vector<16xi32>
      %jit3A_442 = arith.constant 0.000000e+00 : f32
      %broadcast_in_dim3A_443 = vector.broadcast %jit3A_442 : f32 to vector<16xf32>
      %select_n3A_444 = arith.select %eq3A_441, %get3A_435, %broadcast_in_dim3A_443 : vector<16xi1>, vector<16xf32>
      %add3A_445 = arith.addf %add3A_409, %select_n3A_444 : vector<16xf32>
      %get3A_446 = arith.constant 0 : i32
      %get3A_447 = arith.constant 0 : i32
      %get3A_448 = tpu.memref_slice %arg6[%scan3A_76, %get3A_446, %get3A_447] : memref<2x32x1000xf32, #tpu.memory_space<vmem>> -> memref<1x32x1000xf32, #tpu.memory_space<vmem>>
      %get3A_449 = tpu.memref_squeeze %get3A_448 : memref<1x32x1000xf32, #tpu.memory_space<vmem>> -> memref<32x1000xf32, #tpu.memory_space<vmem>>
      %get3A_450 = arith.index_cast %scan3A_152 : i32 to index
      %get3A_451 = arith.constant 240 : index
      %get3A_452 = tpu.vector_load %get3A_449[%get3A_450, %get3A_451] {strides = array<i32>} : memref<32x1000xf32, #tpu.memory_space<vmem>>, vector<1x16xf32>,
      %get3A_453 = vector.shape_cast %get3A_452 : vector<1x16xf32> to vector<16xf32>
      %exp3A_454 = math.exp %get3A_453 : vector<16xf32>
      %add3A_455 = arith.addf %add3A_383, %exp3A_454 : vector<16xf32>
      %add3A_456 = arith.constant 240 : i32
      %add3A_457 = vector.broadcast %add3A_456 : i32 to vector<16xi32>
      %add3A_458 = arith.addi %iota3A, %add3A_457 : vector<16xi32>
      %eq3A_459 = arith.cmpi eq, %add3A_458, %gather3A_167 : vector<16xi32>
      %jit3A_460 = arith.constant 0.000000e+00 : f32
      %broadcast_in_dim3A_461 = vector.broadcast %jit3A_460 : f32 to vector<16xf32>
      %select_n3A_462 = arith.select %eq3A_459, %get3A_453, %broadcast_in_dim3A_461 : vector<16xi1>, vector<16xf32>
      %add3A_463 = arith.addf %add3A_427, %select_n3A_462 : vector<16xf32>
      %get3A_464 = arith.constant 0 : i32
      %get3A_465 = arith.constant 0 : i32
      %get3A_466 = tpu.memref_slice %arg6[%scan3A_76, %get3A_464, %get3A_465] : memref<2x32x1000xf32, #tpu.memory_space<vmem>> -> memref<1x32x1000xf32, #tpu.memory_space<vmem>>
      %get3A_467 = tpu.memref_squeeze %get3A_466 : memref<1x32x1000xf32, #tpu.memory_space<vmem>> -> memref<32x1000xf32, #tpu.memory_space<vmem>>
      %get3A_468 = arith.index_cast %scan3A_152 : i32 to index
      %get3A_469 = arith.constant 256 : index
      %get3A_470 = tpu.vector_load %get3A_467[%get3A_468, %get3A_469] {strides = array<i32>} : memref<32x1000xf32, #tpu.memory_space<vmem>>, vector<1x16xf32>,
      %get3A_471 = vector.shape_cast %get3A_470 : vector<1x16xf32> to vector<16xf32>
      %exp3A_472 = math.exp %get3A_471 : vector<16xf32>
      %add3A_473 = arith.addf %add3A_401, %exp3A_472 : vector<16xf32>
      %add3A_474 = arith.constant 256 : i32
      %add3A_475 = vector.broadcast %add3A_474 : i32 to vector<16xi32>
      %add3A_476 = arith.addi %iota3A, %add3A_475 : vector<16xi32>
      %eq3A_477 = arith.cmpi eq, %add3A_476, %gather3A_167 : vector<16xi32>
      %jit3A_478 = arith.constant 0.000000e+00 : f32
      %broadcast_in_dim3A_479 = vector.broadcast %jit3A_478 : f32 to vector<16xf32>
      %select_n3A_480 = arith.select %eq3A_477, %get3A_471, %broadcast_in_dim3A_479 : vector<16xi1>, vector<16xf32>
      %add3A_481 = arith.addf %add3A_445, %select_n3A_480 : vector<16xf32>
      %get3A_482 = arith.constant 0 : i32
      %get3A_483 = arith.constant 0 : i32
      %get3A_484 = tpu.memref_slice %arg6[%scan3A_76, %get3A_482, %get3A_483] : memref<2x32x1000xf32, #tpu.memory_space<vmem>> -> memref<1x32x1000xf32, #tpu.memory_space<vmem>>
      %get3A_485 = tpu.memref_squeeze %get3A_484 : memref<1x32x1000xf32, #tpu.memory_space<vmem>> -> memref<32x1000xf32, #tpu.memory_space<vmem>>
      %get3A_486 = arith.index_cast %scan3A_152 : i32 to index
      %get3A_487 = arith.constant 272 : index
      %get3A_488 = tpu.vector_load %get3A_485[%get3A_486, %get3A_487] {strides = array<i32>} : memref<32x1000xf32, #tpu.memory_space<vmem>>, vector<1x16xf32>,
      %get3A_489 = vector.shape_cast %get3A_488 : vector<1x16xf32> to vector<16xf32>
      %exp3A_490 = math.exp %get3A_489 : vector<16xf32>
      %add3A_491 = arith.addf %add3A_419, %exp3A_490 : vector<16xf32>
      %add3A_492 = arith.constant 272 : i32
      %add3A_493 = vector.broadcast %add3A_492 : i32 to vector<16xi32>
      %add3A_494 = arith.addi %iota3A, %add3A_493 : vector<16xi32>
      %eq3A_495 = arith.cmpi eq, %add3A_494, %gather3A_167 : vector<16xi32>
      %jit3A_496 = arith.constant 0.000000e+00 : f32
      %broadcast_in_dim3A_497 = vector.broadcast %jit3A_496 : f32 to vector<16xf32>
      %select_n3A_498 = arith.select %eq3A_495, %get3A_489, %broadcast_in_dim3A_497 : vector<16xi1>, vector<16xf32>
      %add3A_499 = arith.addf %add3A_463, %select_n3A_498 : vector<16xf32>
      %get3A_500 = arith.constant 0 : i32
      %get3A_501 = arith.constant 0 : i32
      %get3A_502 = tpu.memref_slice %arg6[%scan3A_76, %get3A_500, %get3A_501] : memref<2x32x1000xf32, #tpu.memory_space<vmem>> -> memref<1x32x1000xf32, #tpu.memory_space<vmem>>
      %get3A_503 = tpu.memref_squeeze %get3A_502 : memref<1x32x1000xf32, #tpu.memory_space<vmem>> -> memref<32x1000xf32, #tpu.memory_space<vmem>>
      %get3A_504 = arith.index_cast %scan3A_152 : i32 to index
      %get3A_505 = arith.constant 288 : index
      %get3A_506 = tpu.vector_load %get3A_503[%get3A_504, %get3A_505] {strides = array<i32>} : memref<32x1000xf32, #tpu.memory_space<vmem>>, vector<1x16xf32>,
      %get3A_507 = vector.shape_cast %get3A_506 : vector<1x16xf32> to vector<16xf32>
      %exp3A_508 = math.exp %get3A_507 : vector<16xf32>
      %add3A_509 = arith.addf %add3A_437, %exp3A_508 : vector<16xf32>
      %add3A_510 = arith.constant 288 : i32
      %add3A_511 = vector.broadcast %add3A_510 : i32 to vector<16xi32>
      %add3A_512 = arith.addi %iota3A, %add3A_511 : vector<16xi32>
      %eq3A_513 = arith.cmpi eq, %add3A_512, %gather3A_167 : vector<16xi32>
      %jit3A_514 = arith.constant 0.000000e+00 : f32
      %broadcast_in_dim3A_515 = vector.broadcast %jit3A_514 : f32 to vector<16xf32>
      %select_n3A_516 = arith.select %eq3A_513, %get3A_507, %broadcast_in_dim3A_515 : vector<16xi1>, vector<16xf32>
      %add3A_517 = arith.addf %add3A_481, %select_n3A_516 : vector<16xf32>
      %get3A_518 = arith.constant 0 : i32
      %get3A_519 = arith.constant 0 : i32
      %get3A_520 = tpu.memref_slice %arg6[%scan3A_76, %get3A_518, %get3A_519] : memref<2x32x1000xf32, #tpu.memory_space<vmem>> -> memref<1x32x1000xf32, #tpu.memory_space<vmem>>
      %get3A_521 = tpu.memref_squeeze %get3A_520 : memref<1x32x1000xf32, #tpu.memory_space<vmem>> -> memref<32x1000xf32, #tpu.memory_space<vmem>>
      %get3A_522 = arith.index_cast %scan3A_152 : i32 to index
      %get3A_523 = arith.constant 304 : index
      %get3A_524 = tpu.vector_load %get3A_521[%get3A_522, %get3A_523] {strides = array<i32>} : memref<32x1000xf32, #tpu.memory_space<vmem>>, vector<1x16xf32>,
      %get3A_525 = vector.shape_cast %get3A_524 : vector<1x16xf32> to vector<16xf32>
      %exp3A_526 = math.exp %get3A_525 : vector<16xf32>
      %add3A_527 = arith.addf %add3A_455, %exp3A_526 : vector<16xf32>
      %add3A_528 = arith.constant 304 : i32
      %add3A_529 = vector.broadcast %add3A_528 : i32 to vector<16xi32>
      %add3A_530 = arith.addi %iota3A, %add3A_529 : vector<16xi32>
      %eq3A_531 = arith.cmpi eq, %add3A_530, %gather3A_167 : vector<16xi32>
      %jit3A_532 = arith.constant 0.000000e+00 : f32
      %broadcast_in_dim3A_533 = vector.broadcast %jit3A_532 : f32 to vector<16xf32>
      %select_n3A_534 = arith.select %eq3A_531, %get3A_525, %broadcast_in_dim3A_533 : vector<16xi1>, vector<16xf32>
      %add3A_535 = arith.addf %add3A_499, %select_n3A_534 : vector<16xf32>
      %get3A_536 = arith.constant 0 : i32
      %get3A_537 = arith.constant 0 : i32
      %get3A_538 = tpu.memref_slice %arg6[%scan3A_76, %get3A_536, %get3A_537] : memref<2x32x1000xf32, #tpu.memory_space<vmem>> -> memref<1x32x1000xf32, #tpu.memory_space<vmem>>
      %get3A_539 = tpu.memref_squeeze %get3A_538 : memref<1x32x1000xf32, #tpu.memory_space<vmem>> -> memref<32x1000xf32, #tpu.memory_space<vmem>>
      %get3A_540 = arith.index_cast %scan3A_152 : i32 to index
      %get3A_541 = arith.constant 320 : index
      %get3A_542 = tpu.vector_load %get3A_539[%get3A_540, %get3A_541] {strides = array<i32>} : memref<32x1000xf32, #tpu.memory_space<vmem>>, vector<1x16xf32>,
      %get3A_543 = vector.shape_cast %get3A_542 : vector<1x16xf32> to vector<16xf32>
      %exp3A_544 = math.exp %get3A_543 : vector<16xf32>
      %add3A_545 = arith.addf %add3A_473, %exp3A_544 : vector<16xf32>
      %add3A_546 = arith.constant 320 : i32
      %add3A_547 = vector.broadcast %add3A_546 : i32 to vector<16xi32>
      %add3A_548 = arith.addi %iota3A, %add3A_547 : vector<16xi32>
      %eq3A_549 = arith.cmpi eq, %add3A_548, %gather3A_167 : vector<16xi32>
      %jit3A_550 = arith.constant 0.000000e+00 : f32
      %broadcast_in_dim3A_551 = vector.broadcast %jit3A_550 : f32 to vector<16xf32>
      %select_n3A_552 = arith.select %eq3A_549, %get3A_543, %broadcast_in_dim3A_551 : vector<16xi1>, vector<16xf32>
      %add3A_553 = arith.addf %add3A_517, %select_n3A_552 : vector<16xf32>
      %get3A_554 = arith.constant 0 : i32
      %get3A_555 = arith.constant 0 : i32
      %get3A_556 = tpu.memref_slice %arg6[%scan3A_76, %get3A_554, %get3A_555] : memref<2x32x1000xf32, #tpu.memory_space<vmem>> -> memref<1x32x1000xf32, #tpu.memory_space<vmem>>
      %get3A_557 = tpu.memref_squeeze %get3A_556 : memref<1x32x1000xf32, #tpu.memory_space<vmem>> -> memref<32x1000xf32, #tpu.memory_space<vmem>>
      %get3A_558 = arith.index_cast %scan3A_152 : i32 to index
      %get3A_559 = arith.constant 336 : index
      %get3A_560 = tpu.vector_load %get3A_557[%get3A_558, %get3A_559] {strides = array<i32>} : memref<32x1000xf32, #tpu.memory_space<vmem>>, vector<1x16xf32>,
      %get3A_561 = vector.shape_cast %get3A_560 : vector<1x16xf32> to vector<16xf32>
      %exp3A_562 = math.exp %get3A_561 : vector<16xf32>
      %add3A_563 = arith.addf %add3A_491, %exp3A_562 : vector<16xf32>
      %add3A_564 = arith.constant 336 : i32
      %add3A_565 = vector.broadcast %add3A_564 : i32 to vector<16xi32>
      %add3A_566 = arith.addi %iota3A, %add3A_565 : vector<16xi32>
      %eq3A_567 = arith.cmpi eq, %add3A_566, %gather3A_167 : vector<16xi32>
      %jit3A_568 = arith.constant 0.000000e+00 : f32
      %broadcast_in_dim3A_569 = vector.broadcast %jit3A_568 : f32 to vector<16xf32>
      %select_n3A_570 = arith.select %eq3A_567, %get3A_561, %broadcast_in_dim3A_569 : vector<16xi1>, vector<16xf32>
      %add3A_571 = arith.addf %add3A_535, %select_n3A_570 : vector<16xf32>
      %get3A_572 = arith.constant 0 : i32
      %get3A_573 = arith.constant 0 : i32
      %get3A_574 = tpu.memref_slice %arg6[%scan3A_76, %get3A_572, %get3A_573] : memref<2x32x1000xf32, #tpu.memory_space<vmem>> -> memref<1x32x1000xf32, #tpu.memory_space<vmem>>
      %get3A_575 = tpu.memref_squeeze %get3A_574 : memref<1x32x1000xf32, #tpu.memory_space<vmem>> -> memref<32x1000xf32, #tpu.memory_space<vmem>>
      %get3A_576 = arith.index_cast %scan3A_152 : i32 to index
      %get3A_577 = arith.constant 352 : index
      %get3A_578 = tpu.vector_load %get3A_575[%get3A_576, %get3A_577] {strides = array<i32>} : memref<32x1000xf32, #tpu.memory_space<vmem>>, vector<1x16xf32>,
      %get3A_579 = vector.shape_cast %get3A_578 : vector<1x16xf32> to vector<16xf32>
      %exp3A_580 = math.exp %get3A_579 : vector<16xf32>
      %add3A_581 = arith.addf %add3A_509, %exp3A_580 : vector<16xf32>
      %add3A_582 = arith.constant 352 : i32
      %add3A_583 = vector.broadcast %add3A_582 : i32 to vector<16xi32>
      %add3A_584 = arith.addi %iota3A, %add3A_583 : vector<16xi32>
      %eq3A_585 = arith.cmpi eq, %add3A_584, %gather3A_167 : vector<16xi32>
      %jit3A_586 = arith.constant 0.000000e+00 : f32
      %broadcast_in_dim3A_587 = vector.broadcast %jit3A_586 : f32 to vector<16xf32>
      %select_n3A_588 = arith.select %eq3A_585, %get3A_579, %broadcast_in_dim3A_587 : vector<16xi1>, vector<16xf32>
      %add3A_589 = arith.addf %add3A_553, %select_n3A_588 : vector<16xf32>
      %get3A_590 = arith.constant 0 : i32
      %get3A_591 = arith.constant 0 : i32
      %get3A_592 = tpu.memref_slice %arg6[%scan3A_76, %get3A_590, %get3A_591] : memref<2x32x1000xf32, #tpu.memory_space<vmem>> -> memref<1x32x1000xf32, #tpu.memory_space<vmem>>
      %get3A_593 = tpu.memref_squeeze %get3A_592 : memref<1x32x1000xf32, #tpu.memory_space<vmem>> -> memref<32x1000xf32, #tpu.memory_space<vmem>>
      %get3A_594 = arith.index_cast %scan3A_152 : i32 to index
      %get3A_595 = arith.constant 368 : index
      %get3A_596 = tpu.vector_load %get3A_593[%get3A_594, %get3A_595] {strides = array<i32>} : memref<32x1000xf32, #tpu.memory_space<vmem>>, vector<1x16xf32>,
      %get3A_597 = vector.shape_cast %get3A_596 : vector<1x16xf32> to vector<16xf32>
      %exp3A_598 = math.exp %get3A_597 : vector<16xf32>
      %add3A_599 = arith.addf %add3A_527, %exp3A_598 : vector<16xf32>
      %add3A_600 = arith.constant 368 : i32
      %add3A_601 = vector.broadcast %add3A_600 : i32 to vector<16xi32>
      %add3A_602 = arith.addi %iota3A, %add3A_601 : vector<16xi32>
      %eq3A_603 = arith.cmpi eq, %add3A_602, %gather3A_167 : vector<16xi32>
      %jit3A_604 = arith.constant 0.000000e+00 : f32
      %broadcast_in_dim3A_605 = vector.broadcast %jit3A_604 : f32 to vector<16xf32>
      %select_n3A_606 = arith.select %eq3A_603, %get3A_597, %broadcast_in_dim3A_605 : vector<16xi1>, vector<16xf32>
      %add3A_607 = arith.addf %add3A_571, %select_n3A_606 : vector<16xf32>
      %get3A_608 = arith.constant 0 : i32
      %get3A_609 = arith.constant 0 : i32
      %get3A_610 = tpu.memref_slice %arg6[%scan3A_76, %get3A_608, %get3A_609] : memref<2x32x1000xf32, #tpu.memory_space<vmem>> -> memref<1x32x1000xf32, #tpu.memory_space<vmem>>
      %get3A_611 = tpu.memref_squeeze %get3A_610 : memref<1x32x1000xf32, #tpu.memory_space<vmem>> -> memref<32x1000xf32, #tpu.memory_space<vmem>>
      %get3A_612 = arith.index_cast %scan3A_152 : i32 to index
      %get3A_613 = arith.constant 384 : index
      %get3A_614 = tpu.vector_load %get3A_611[%get3A_612, %get3A_613] {strides = array<i32>} : memref<32x1000xf32, #tpu.memory_space<vmem>>, vector<1x16xf32>,
      %get3A_615 = vector.shape_cast %get3A_614 : vector<1x16xf32> to vector<16xf32>
      %exp3A_616 = math.exp %get3A_615 : vector<16xf32>
      %add3A_617 = arith.addf %add3A_545, %exp3A_616 : vector<16xf32>
      %add3A_618 = arith.constant 384 : i32
      %add3A_619 = vector.broadcast %add3A_618 : i32 to vector<16xi32>
      %add3A_620 = arith.addi %iota3A, %add3A_619 : vector<16xi32>
      %eq3A_621 = arith.cmpi eq, %add3A_620, %gather3A_167 : vector<16xi32>
      %jit3A_622 = arith.constant 0.000000e+00 : f32
      %broadcast_in_dim3A_623 = vector.broadcast %jit3A_622 : f32 to vector<16xf32>
      %select_n3A_624 = arith.select %eq3A_621, %get3A_615, %broadcast_in_dim3A_623 : vector<16xi1>, vector<16xf32>
      %add3A_625 = arith.addf %add3A_589, %select_n3A_624 : vector<16xf32>
      %get3A_626 = arith.constant 0 : i32
      %get3A_627 = arith.constant 0 : i32
      %get3A_628 = tpu.memref_slice %arg6[%scan3A_76, %get3A_626, %get3A_627] : memref<2x32x1000xf32, #tpu.memory_space<vmem>> -> memref<1x32x1000xf32, #tpu.memory_space<vmem>>
      %get3A_629 = tpu.memref_squeeze %get3A_628 : memref<1x32x1000xf32, #tpu.memory_space<vmem>> -> memref<32x1000xf32, #tpu.memory_space<vmem>>
      %get3A_630 = arith.index_cast %scan3A_152 : i32 to index
      %get3A_631 = arith.constant 400 : index
      %get3A_632 = tpu.vector_load %get3A_629[%get3A_630, %get3A_631] {strides = array<i32>} : memref<32x1000xf32, #tpu.memory_space<vmem>>, vector<1x16xf32>,
      %get3A_633 = vector.shape_cast %get3A_632 : vector<1x16xf32> to vector<16xf32>
      %exp3A_634 = math.exp %get3A_633 : vector<16xf32>
      %add3A_635 = arith.addf %add3A_563, %exp3A_634 : vector<16xf32>
      %add3A_636 = arith.constant 400 : i32
      %add3A_637 = vector.broadcast %add3A_636 : i32 to vector<16xi32>
      %add3A_638 = arith.addi %iota3A, %add3A_637 : vector<16xi32>
      %eq3A_639 = arith.cmpi eq, %add3A_638, %gather3A_167 : vector<16xi32>
      %jit3A_640 = arith.constant 0.000000e+00 : f32
      %broadcast_in_dim3A_641 = vector.broadcast %jit3A_640 : f32 to vector<16xf32>
      %select_n3A_642 = arith.select %eq3A_639, %get3A_633, %broadcast_in_dim3A_641 : vector<16xi1>, vector<16xf32>
      %add3A_643 = arith.addf %add3A_607, %select_n3A_642 : vector<16xf32>
      %get3A_644 = arith.constant 0 : i32
      %get3A_645 = arith.constant 0 : i32
      %get3A_646 = tpu.memref_slice %arg6[%scan3A_76, %get3A_644, %get3A_645] : memref<2x32x1000xf32, #tpu.memory_space<vmem>> -> memref<1x32x1000xf32, #tpu.memory_space<vmem>>
      %get3A_647 = tpu.memref_squeeze %get3A_646 : memref<1x32x1000xf32, #tpu.memory_space<vmem>> -> memref<32x1000xf32, #tpu.memory_space<vmem>>
      %get3A_648 = arith.index_cast %scan3A_152 : i32 to index
      %get3A_649 = arith.constant 416 : index
      %get3A_650 = tpu.vector_load %get3A_647[%get3A_648, %get3A_649] {strides = array<i32>} : memref<32x1000xf32, #tpu.memory_space<vmem>>, vector<1x16xf32>,
      %get3A_651 = vector.shape_cast %get3A_650 : vector<1x16xf32> to vector<16xf32>
      %exp3A_652 = math.exp %get3A_651 : vector<16xf32>
      %add3A_653 = arith.addf %add3A_581, %exp3A_652 : vector<16xf32>
      %add3A_654 = arith.constant 416 : i32
      %add3A_655 = vector.broadcast %add3A_654 : i32 to vector<16xi32>
      %add3A_656 = arith.addi %iota3A, %add3A_655 : vector<16xi32>
      %eq3A_657 = arith.cmpi eq, %add3A_656, %gather3A_167 : vector<16xi32>
      %jit3A_658 = arith.constant 0.000000e+00 : f32
      %broadcast_in_dim3A_659 = vector.broadcast %jit3A_658 : f32 to vector<16xf32>
      %select_n3A_660 = arith.select %eq3A_657, %get3A_651, %broadcast_in_dim3A_659 : vector<16xi1>, vector<16xf32>
      %add3A_661 = arith.addf %add3A_625, %select_n3A_660 : vector<16xf32>
      %get3A_662 = arith.constant 0 : i32
      %get3A_663 = arith.constant 0 : i32
      %get3A_664 = tpu.memref_slice %arg6[%scan3A_76, %get3A_662, %get3A_663] : memref<2x32x1000xf32, #tpu.memory_space<vmem>> -> memref<1x32x1000xf32, #tpu.memory_space<vmem>>
      %get3A_665 = tpu.memref_squeeze %get3A_664 : memref<1x32x1000xf32, #tpu.memory_space<vmem>> -> memref<32x1000xf32, #tpu.memory_space<vmem>>
      %get3A_666 = arith.index_cast %scan3A_152 : i32 to index
      %get3A_667 = arith.constant 432 : index
      %get3A_668 = tpu.vector_load %get3A_665[%get3A_666, %get3A_667] {strides = array<i32>} : memref<32x1000xf32, #tpu.memory_space<vmem>>, vector<1x16xf32>,
      %get3A_669 = vector.shape_cast %get3A_668 : vector<1x16xf32> to vector<16xf32>
      %exp3A_670 = math.exp %get3A_669 : vector<16xf32>
      %add3A_671 = arith.addf %add3A_599, %exp3A_670 : vector<16xf32>
      %add3A_672 = arith.constant 432 : i32
      %add3A_673 = vector.broadcast %add3A_672 : i32 to vector<16xi32>
      %add3A_674 = arith.addi %iota3A, %add3A_673 : vector<16xi32>
      %eq3A_675 = arith.cmpi eq, %add3A_674, %gather3A_167 : vector<16xi32>
      %jit3A_676 = arith.constant 0.000000e+00 : f32
      %broadcast_in_dim3A_677 = vector.broadcast %jit3A_676 : f32 to vector<16xf32>
      %select_n3A_678 = arith.select %eq3A_675, %get3A_669, %broadcast_in_dim3A_677 : vector<16xi1>, vector<16xf32>
      %add3A_679 = arith.addf %add3A_643, %select_n3A_678 : vector<16xf32>
      %get3A_680 = arith.constant 0 : i32
      %get3A_681 = arith.constant 0 : i32
      %get3A_682 = tpu.memref_slice %arg6[%scan3A_76, %get3A_680, %get3A_681] : memref<2x32x1000xf32, #tpu.memory_space<vmem>> -> memref<1x32x1000xf32, #tpu.memory_space<vmem>>
      %get3A_683 = tpu.memref_squeeze %get3A_682 : memref<1x32x1000xf32, #tpu.memory_space<vmem>> -> memref<32x1000xf32, #tpu.memory_space<vmem>>
      %get3A_684 = arith.index_cast %scan3A_152 : i32 to index
      %get3A_685 = arith.constant 448 : index
      %get3A_686 = tpu.vector_load %get3A_683[%get3A_684, %get3A_685] {strides = array<i32>} : memref<32x1000xf32, #tpu.memory_space<vmem>>, vector<1x16xf32>,
      %get3A_687 = vector.shape_cast %get3A_686 : vector<1x16xf32> to vector<16xf32>
      %exp3A_688 = math.exp %get3A_687 : vector<16xf32>
      %add3A_689 = arith.addf %add3A_617, %exp3A_688 : vector<16xf32>
      %add3A_690 = arith.constant 448 : i32
      %add3A_691 = vector.broadcast %add3A_690 : i32 to vector<16xi32>
      %add3A_692 = arith.addi %iota3A, %add3A_691 : vector<16xi32>
      %eq3A_693 = arith.cmpi eq, %add3A_692, %gather3A_167 : vector<16xi32>
      %jit3A_694 = arith.constant 0.000000e+00 : f32
      %broadcast_in_dim3A_695 = vector.broadcast %jit3A_694 : f32 to vector<16xf32>
      %select_n3A_696 = arith.select %eq3A_693, %get3A_687, %broadcast_in_dim3A_695 : vector<16xi1>, vector<16xf32>
      %add3A_697 = arith.addf %add3A_661, %select_n3A_696 : vector<16xf32>
      %get3A_698 = arith.constant 0 : i32
      %get3A_699 = arith.constant 0 : i32
      %get3A_700 = tpu.memref_slice %arg6[%scan3A_76, %get3A_698, %get3A_699] : memref<2x32x1000xf32, #tpu.memory_space<vmem>> -> memref<1x32x1000xf32, #tpu.memory_space<vmem>>
      %get3A_701 = tpu.memref_squeeze %get3A_700 : memref<1x32x1000xf32, #tpu.memory_space<vmem>> -> memref<32x1000xf32, #tpu.memory_space<vmem>>
      %get3A_702 = arith.index_cast %scan3A_152 : i32 to index
      %get3A_703 = arith.constant 464 : index
      %get3A_704 = tpu.vector_load %get3A_701[%get3A_702, %get3A_703] {strides = array<i32>} : memref<32x1000xf32, #tpu.memory_space<vmem>>, vector<1x16xf32>,
      %get3A_705 = vector.shape_cast %get3A_704 : vector<1x16xf32> to vector<16xf32>
      %exp3A_706 = math.exp %get3A_705 : vector<16xf32>
      %add3A_707 = arith.addf %add3A_635, %exp3A_706 : vector<16xf32>
      %add3A_708 = arith.constant 464 : i32
      %add3A_709 = vector.broadcast %add3A_708 : i32 to vector<16xi32>
      %add3A_710 = arith.addi %iota3A, %add3A_709 : vector<16xi32>
      %eq3A_711 = arith.cmpi eq, %add3A_710, %gather3A_167 : vector<16xi32>
      %jit3A_712 = arith.constant 0.000000e+00 : f32
      %broadcast_in_dim3A_713 = vector.broadcast %jit3A_712 : f32 to vector<16xf32>
      %select_n3A_714 = arith.select %eq3A_711, %get3A_705, %broadcast_in_dim3A_713 : vector<16xi1>, vector<16xf32>
      %add3A_715 = arith.addf %add3A_679, %select_n3A_714 : vector<16xf32>
      %get3A_716 = arith.constant 0 : i32
      %get3A_717 = arith.constant 0 : i32
      %get3A_718 = tpu.memref_slice %arg6[%scan3A_76, %get3A_716, %get3A_717] : memref<2x32x1000xf32, #tpu.memory_space<vmem>> -> memref<1x32x1000xf32, #tpu.memory_space<vmem>>
      %get3A_719 = tpu.memref_squeeze %get3A_718 : memref<1x32x1000xf32, #tpu.memory_space<vmem>> -> memref<32x1000xf32, #tpu.memory_space<vmem>>
      %get3A_720 = arith.index_cast %scan3A_152 : i32 to index
      %get3A_721 = arith.constant 480 : index
      %get3A_722 = tpu.vector_load %get3A_719[%get3A_720, %get3A_721] {strides = array<i32>} : memref<32x1000xf32, #tpu.memory_space<vmem>>, vector<1x16xf32>,
      %get3A_723 = vector.shape_cast %get3A_722 : vector<1x16xf32> to vector<16xf32>
      %exp3A_724 = math.exp %get3A_723 : vector<16xf32>
      %add3A_725 = arith.addf %add3A_653, %exp3A_724 : vector<16xf32>
      %add3A_726 = arith.constant 480 : i32
      %add3A_727 = vector.broadcast %add3A_726 : i32 to vector<16xi32>
      %add3A_728 = arith.addi %iota3A, %add3A_727 : vector<16xi32>
      %eq3A_729 = arith.cmpi eq, %add3A_728, %gather3A_167 : vector<16xi32>
      %jit3A_730 = arith.constant 0.000000e+00 : f32
      %broadcast_in_dim3A_731 = vector.broadcast %jit3A_730 : f32 to vector<16xf32>
      %select_n3A_732 = arith.select %eq3A_729, %get3A_723, %broadcast_in_dim3A_731 : vector<16xi1>, vector<16xf32>
      %add3A_733 = arith.addf %add3A_697, %select_n3A_732 : vector<16xf32>
      %get3A_734 = arith.constant 0 : i32
      %get3A_735 = arith.constant 0 : i32
      %get3A_736 = tpu.memref_slice %arg6[%scan3A_76, %get3A_734, %get3A_735] : memref<2x32x1000xf32, #tpu.memory_space<vmem>> -> memref<1x32x1000xf32, #tpu.memory_space<vmem>>
      %get3A_737 = tpu.memref_squeeze %get3A_736 : memref<1x32x1000xf32, #tpu.memory_space<vmem>> -> memref<32x1000xf32, #tpu.memory_space<vmem>>
      %get3A_738 = arith.index_cast %scan3A_152 : i32 to index
      %get3A_739 = arith.constant 496 : index
      %get3A_740 = tpu.vector_load %get3A_737[%get3A_738, %get3A_739] {strides = array<i32>} : memref<32x1000xf32, #tpu.memory_space<vmem>>, vector<1x16xf32>,
      %get3A_741 = vector.shape_cast %get3A_740 : vector<1x16xf32> to vector<16xf32>
      %exp3A_742 = math.exp %get3A_741 : vector<16xf32>
      %add3A_743 = arith.addf %add3A_671, %exp3A_742 : vector<16xf32>
      %add3A_744 = arith.constant 496 : i32
      %add3A_745 = vector.broadcast %add3A_744 : i32 to vector<16xi32>
      %add3A_746 = arith.addi %iota3A, %add3A_745 : vector<16xi32>
      %eq3A_747 = arith.cmpi eq, %add3A_746, %gather3A_167 : vector<16xi32>
      %jit3A_748 = arith.constant 0.000000e+00 : f32
      %broadcast_in_dim3A_749 = vector.broadcast %jit3A_748 : f32 to vector<16xf32>
      %select_n3A_750 = arith.select %eq3A_747, %get3A_741, %broadcast_in_dim3A_749 : vector<16xi1>, vector<16xf32>
      %add3A_751 = arith.addf %add3A_715, %select_n3A_750 : vector<16xf32>
      %get3A_752 = arith.constant 0 : i32
      %get3A_753 = arith.constant 0 : i32
      %get3A_754 = tpu.memref_slice %arg6[%scan3A_76, %get3A_752, %get3A_753] : memref<2x32x1000xf32, #tpu.memory_space<vmem>> -> memref<1x32x1000xf32, #tpu.memory_space<vmem>>
      %get3A_755 = tpu.memref_squeeze %get3A_754 : memref<1x32x1000xf32, #tpu.memory_space<vmem>> -> memref<32x1000xf32, #tpu.memory_space<vmem>>
      %get3A_756 = arith.index_cast %scan3A_152 : i32 to index
      %get3A_757 = arith.constant 512 : index
      %get3A_758 = tpu.vector_load %get3A_755[%get3A_756, %get3A_757] {strides = array<i32>} : memref<32x1000xf32, #tpu.memory_space<vmem>>, vector<1x16xf32>,
      %get3A_759 = vector.shape_cast %get3A_758 : vector<1x16xf32> to vector<16xf32>
      %exp3A_760 = math.exp %get3A_759 : vector<16xf32>
      %add3A_761 = arith.addf %add3A_689, %exp3A_760 : vector<16xf32>
      %add3A_762 = arith.constant 512 : i32
      %add3A_763 = vector.broadcast %add3A_762 : i32 to vector<16xi32>
      %add3A_764 = arith.addi %iota3A, %add3A_763 : vector<16xi32>
      %eq3A_765 = arith.cmpi eq, %add3A_764, %gather3A_167 : vector<16xi32>
      %jit3A_766 = arith.constant 0.000000e+00 : f32
      %broadcast_in_dim3A_767 = vector.broadcast %jit3A_766 : f32 to vector<16xf32>
      %select_n3A_768 = arith.select %eq3A_765, %get3A_759, %broadcast_in_dim3A_767 : vector<16xi1>, vector<16xf32>
      %add3A_769 = arith.addf %add3A_733, %select_n3A_768 : vector<16xf32>
      %get3A_770 = arith.constant 0 : i32
      %get3A_771 = arith.constant 0 : i32
      %get3A_772 = tpu.memref_slice %arg6[%scan3A_76, %get3A_770, %get3A_771] : memref<2x32x1000xf32, #tpu.memory_space<vmem>> -> memref<1x32x1000xf32, #tpu.memory_space<vmem>>
      %get3A_773 = tpu.memref_squeeze %get3A_772 : memref<1x32x1000xf32, #tpu.memory_space<vmem>> -> memref<32x1000xf32, #tpu.memory_space<vmem>>
      %get3A_774 = arith.index_cast %scan3A_152 : i32 to index
      %get3A_775 = arith.constant 528 : index
      %get3A_776 = tpu.vector_load %get3A_773[%get3A_774, %get3A_775] {strides = array<i32>} : memref<32x1000xf32, #tpu.memory_space<vmem>>, vector<1x16xf32>,
      %get3A_777 = vector.shape_cast %get3A_776 : vector<1x16xf32> to vector<16xf32>
      %exp3A_778 = math.exp %get3A_777 : vector<16xf32>
      %add3A_779 = arith.addf %add3A_707, %exp3A_778 : vector<16xf32>
      %add3A_780 = arith.constant 528 : i32
      %add3A_781 = vector.broadcast %add3A_780 : i32 to vector<16xi32>
      %add3A_782 = arith.addi %iota3A, %add3A_781 : vector<16xi32>
      %eq3A_783 = arith.cmpi eq, %add3A_782, %gather3A_167 : vector<16xi32>
      %jit3A_784 = arith.constant 0.000000e+00 : f32
      %broadcast_in_dim3A_785 = vector.broadcast %jit3A_784 : f32 to vector<16xf32>
      %select_n3A_786 = arith.select %eq3A_783, %get3A_777, %broadcast_in_dim3A_785 : vector<16xi1>, vector<16xf32>
      %add3A_787 = arith.addf %add3A_751, %select_n3A_786 : vector<16xf32>
      %get3A_788 = arith.constant 0 : i32
      %get3A_789 = arith.constant 0 : i32
      %get3A_790 = tpu.memref_slice %arg6[%scan3A_76, %get3A_788, %get3A_789] : memref<2x32x1000xf32, #tpu.memory_space<vmem>> -> memref<1x32x1000xf32, #tpu.memory_space<vmem>>
      %get3A_791 = tpu.memref_squeeze %get3A_790 : memref<1x32x1000xf32, #tpu.memory_space<vmem>> -> memref<32x1000xf32, #tpu.memory_space<vmem>>
      %get3A_792 = arith.index_cast %scan3A_152 : i32 to index
      %get3A_793 = arith.constant 544 : index
      %get3A_794 = tpu.vector_load %get3A_791[%get3A_792, %get3A_793] {strides = array<i32>} : memref<32x1000xf32, #tpu.memory_space<vmem>>, vector<1x16xf32>,
      %get3A_795 = vector.shape_cast %get3A_794 : vector<1x16xf32> to vector<16xf32>
      %exp3A_796 = math.exp %get3A_795 : vector<16xf32>
      %add3A_797 = arith.addf %add3A_725, %exp3A_796 : vector<16xf32>
      %add3A_798 = arith.constant 544 : i32
      %add3A_799 = vector.broadcast %add3A_798 : i32 to vector<16xi32>
      %add3A_800 = arith.addi %iota3A, %add3A_799 : vector<16xi32>
      %eq3A_801 = arith.cmpi eq, %add3A_800, %gather3A_167 : vector<16xi32>
      %jit3A_802 = arith.constant 0.000000e+00 : f32
      %broadcast_in_dim3A_803 = vector.broadcast %jit3A_802 : f32 to vector<16xf32>
      %select_n3A_804 = arith.select %eq3A_801, %get3A_795, %broadcast_in_dim3A_803 : vector<16xi1>, vector<16xf32>
      %add3A_805 = arith.addf %add3A_769, %select_n3A_804 : vector<16xf32>
      %get3A_806 = arith.constant 0 : i32
      %get3A_807 = arith.constant 0 : i32
      %get3A_808 = tpu.memref_slice %arg6[%scan3A_76, %get3A_806, %get3A_807] : memref<2x32x1000xf32, #tpu.memory_space<vmem>> -> memref<1x32x1000xf32, #tpu.memory_space<vmem>>
      %get3A_809 = tpu.memref_squeeze %get3A_808 : memref<1x32x1000xf32, #tpu.memory_space<vmem>> -> memref<32x1000xf32, #tpu.memory_space<vmem>>
      %get3A_810 = arith.index_cast %scan3A_152 : i32 to index
      %get3A_811 = arith.constant 560 : index
      %get3A_812 = tpu.vector_load %get3A_809[%get3A_810, %get3A_811] {strides = array<i32>} : memref<32x1000xf32, #tpu.memory_space<vmem>>, vector<1x16xf32>,
      %get3A_813 = vector.shape_cast %get3A_812 : vector<1x16xf32> to vector<16xf32>
      %exp3A_814 = math.exp %get3A_813 : vector<16xf32>
      %add3A_815 = arith.addf %add3A_743, %exp3A_814 : vector<16xf32>
      %add3A_816 = arith.constant 560 : i32
      %add3A_817 = vector.broadcast %add3A_816 : i32 to vector<16xi32>
      %add3A_818 = arith.addi %iota3A, %add3A_817 : vector<16xi32>
      %eq3A_819 = arith.cmpi eq, %add3A_818, %gather3A_167 : vector<16xi32>
      %jit3A_820 = arith.constant 0.000000e+00 : f32
      %broadcast_in_dim3A_821 = vector.broadcast %jit3A_820 : f32 to vector<16xf32>
      %select_n3A_822 = arith.select %eq3A_819, %get3A_813, %broadcast_in_dim3A_821 : vector<16xi1>, vector<16xf32>
      %add3A_823 = arith.addf %add3A_787, %select_n3A_822 : vector<16xf32>
      %get3A_824 = arith.constant 0 : i32
      %get3A_825 = arith.constant 0 : i32
      %get3A_826 = tpu.memref_slice %arg6[%scan3A_76, %get3A_824, %get3A_825] : memref<2x32x1000xf32, #tpu.memory_space<vmem>> -> memref<1x32x1000xf32, #tpu.memory_space<vmem>>
      %get3A_827 = tpu.memref_squeeze %get3A_826 : memref<1x32x1000xf32, #tpu.memory_space<vmem>> -> memref<32x1000xf32, #tpu.memory_space<vmem>>
      %get3A_828 = arith.index_cast %scan3A_152 : i32 to index
      %get3A_829 = arith.constant 576 : index
      %get3A_830 = tpu.vector_load %get3A_827[%get3A_828, %get3A_829] {strides = array<i32>} : memref<32x1000xf32, #tpu.memory_space<vmem>>, vector<1x16xf32>,
      %get3A_831 = vector.shape_cast %get3A_830 : vector<1x16xf32> to vector<16xf32>
      %exp3A_832 = math.exp %get3A_831 : vector<16xf32>
      %add3A_833 = arith.addf %add3A_761, %exp3A_832 : vector<16xf32>
      %add3A_834 = arith.constant 576 : i32
      %add3A_835 = vector.broadcast %add3A_834 : i32 to vector<16xi32>
      %add3A_836 = arith.addi %iota3A, %add3A_835 : vector<16xi32>
      %eq3A_837 = arith.cmpi eq, %add3A_836, %gather3A_167 : vector<16xi32>
      %jit3A_838 = arith.constant 0.000000e+00 : f32
      %broadcast_in_dim3A_839 = vector.broadcast %jit3A_838 : f32 to vector<16xf32>
      %select_n3A_840 = arith.select %eq3A_837, %get3A_831, %broadcast_in_dim3A_839 : vector<16xi1>, vector<16xf32>
      %add3A_841 = arith.addf %add3A_805, %select_n3A_840 : vector<16xf32>
      %get3A_842 = arith.constant 0 : i32
      %get3A_843 = arith.constant 0 : i32
      %get3A_844 = tpu.memref_slice %arg6[%scan3A_76, %get3A_842, %get3A_843] : memref<2x32x1000xf32, #tpu.memory_space<vmem>> -> memref<1x32x1000xf32, #tpu.memory_space<vmem>>
      %get3A_845 = tpu.memref_squeeze %get3A_844 : memref<1x32x1000xf32, #tpu.memory_space<vmem>> -> memref<32x1000xf32, #tpu.memory_space<vmem>>
      %get3A_846 = arith.index_cast %scan3A_152 : i32 to index
      %get3A_847 = arith.constant 592 : index
      %get3A_848 = tpu.vector_load %get3A_845[%get3A_846, %get3A_847] {strides = array<i32>} : memref<32x1000xf32, #tpu.memory_space<vmem>>, vector<1x16xf32>,
      %get3A_849 = vector.shape_cast %get3A_848 : vector<1x16xf32> to vector<16xf32>
      %exp3A_850 = math.exp %get3A_849 : vector<16xf32>
      %add3A_851 = arith.addf %add3A_779, %exp3A_850 : vector<16xf32>
      %add3A_852 = arith.constant 592 : i32
      %add3A_853 = vector.broadcast %add3A_852 : i32 to vector<16xi32>
      %add3A_854 = arith.addi %iota3A, %add3A_853 : vector<16xi32>
      %eq3A_855 = arith.cmpi eq, %add3A_854, %gather3A_167 : vector<16xi32>
      %jit3A_856 = arith.constant 0.000000e+00 : f32
      %broadcast_in_dim3A_857 = vector.broadcast %jit3A_856 : f32 to vector<16xf32>
      %select_n3A_858 = arith.select %eq3A_855, %get3A_849, %broadcast_in_dim3A_857 : vector<16xi1>, vector<16xf32>
      %add3A_859 = arith.addf %add3A_823, %select_n3A_858 : vector<16xf32>
      %get3A_860 = arith.constant 0 : i32
      %get3A_861 = arith.constant 0 : i32
      %get3A_862 = tpu.memref_slice %arg6[%scan3A_76, %get3A_860, %get3A_861] : memref<2x32x1000xf32, #tpu.memory_space<vmem>> -> memref<1x32x1000xf32, #tpu.memory_space<vmem>>
      %get3A_863 = tpu.memref_squeeze %get3A_862 : memref<1x32x1000xf32, #tpu.memory_space<vmem>> -> memref<32x1000xf32, #tpu.memory_space<vmem>>
      %get3A_864 = arith.index_cast %scan3A_152 : i32 to index
      %get3A_865 = arith.constant 608 : index
      %get3A_866 = tpu.vector_load %get3A_863[%get3A_864, %get3A_865] {strides = array<i32>} : memref<32x1000xf32, #tpu.memory_space<vmem>>, vector<1x16xf32>,
      %get3A_867 = vector.shape_cast %get3A_866 : vector<1x16xf32> to vector<16xf32>
      %exp3A_868 = math.exp %get3A_867 : vector<16xf32>
      %add3A_869 = arith.addf %add3A_797, %exp3A_868 : vector<16xf32>
      %add3A_870 = arith.constant 608 : i32
      %add3A_871 = vector.broadcast %add3A_870 : i32 to vector<16xi32>
      %add3A_872 = arith.addi %iota3A, %add3A_871 : vector<16xi32>
      %eq3A_873 = arith.cmpi eq, %add3A_872, %gather3A_167 : vector<16xi32>
      %jit3A_874 = arith.constant 0.000000e+00 : f32
      %broadcast_in_dim3A_875 = vector.broadcast %jit3A_874 : f32 to vector<16xf32>
      %select_n3A_876 = arith.select %eq3A_873, %get3A_867, %broadcast_in_dim3A_875 : vector<16xi1>, vector<16xf32>
      %add3A_877 = arith.addf %add3A_841, %select_n3A_876 : vector<16xf32>
      %get3A_878 = arith.constant 0 : i32
      %get3A_879 = arith.constant 0 : i32
      %get3A_880 = tpu.memref_slice %arg6[%scan3A_76, %get3A_878, %get3A_879] : memref<2x32x1000xf32, #tpu.memory_space<vmem>> -> memref<1x32x1000xf32, #tpu.memory_space<vmem>>
      %get3A_881 = tpu.memref_squeeze %get3A_880 : memref<1x32x1000xf32, #tpu.memory_space<vmem>> -> memref<32x1000xf32, #tpu.memory_space<vmem>>
      %get3A_882 = arith.index_cast %scan3A_152 : i32 to index
      %get3A_883 = arith.constant 624 : index
      %get3A_884 = tpu.vector_load %get3A_881[%get3A_882, %get3A_883] {strides = array<i32>} : memref<32x1000xf32, #tpu.memory_space<vmem>>, vector<1x16xf32>,
      %get3A_885 = vector.shape_cast %get3A_884 : vector<1x16xf32> to vector<16xf32>
      %exp3A_886 = math.exp %get3A_885 : vector<16xf32>
      %add3A_887 = arith.addf %add3A_815, %exp3A_886 : vector<16xf32>
      %add3A_888 = arith.constant 624 : i32
      %add3A_889 = vector.broadcast %add3A_888 : i32 to vector<16xi32>
      %add3A_890 = arith.addi %iota3A, %add3A_889 : vector<16xi32>
      %eq3A_891 = arith.cmpi eq, %add3A_890, %gather3A_167 : vector<16xi32>
      %jit3A_892 = arith.constant 0.000000e+00 : f32
      %broadcast_in_dim3A_893 = vector.broadcast %jit3A_892 : f32 to vector<16xf32>
      %select_n3A_894 = arith.select %eq3A_891, %get3A_885, %broadcast_in_dim3A_893 : vector<16xi1>, vector<16xf32>
      %add3A_895 = arith.addf %add3A_859, %select_n3A_894 : vector<16xf32>
      %get3A_896 = arith.constant 0 : i32
      %get3A_897 = arith.constant 0 : i32
      %get3A_898 = tpu.memref_slice %arg6[%scan3A_76, %get3A_896, %get3A_897] : memref<2x32x1000xf32, #tpu.memory_space<vmem>> -> memref<1x32x1000xf32, #tpu.memory_space<vmem>>
      %get3A_899 = tpu.memref_squeeze %get3A_898 : memref<1x32x1000xf32, #tpu.memory_space<vmem>> -> memref<32x1000xf32, #tpu.memory_space<vmem>>
      %get3A_900 = arith.index_cast %scan3A_152 : i32 to index
      %get3A_901 = arith.constant 640 : index
      %get3A_902 = tpu.vector_load %get3A_899[%get3A_900, %get3A_901] {strides = array<i32>} : memref<32x1000xf32, #tpu.memory_space<vmem>>, vector<1x16xf32>,
      %get3A_903 = vector.shape_cast %get3A_902 : vector<1x16xf32> to vector<16xf32>
      %exp3A_904 = math.exp %get3A_903 : vector<16xf32>
      %add3A_905 = arith.addf %add3A_833, %exp3A_904 : vector<16xf32>
      %add3A_906 = arith.constant 640 : i32
      %add3A_907 = vector.broadcast %add3A_906 : i32 to vector<16xi32>
      %add3A_908 = arith.addi %iota3A, %add3A_907 : vector<16xi32>
      %eq3A_909 = arith.cmpi eq, %add3A_908, %gather3A_167 : vector<16xi32>
      %jit3A_910 = arith.constant 0.000000e+00 : f32
      %broadcast_in_dim3A_911 = vector.broadcast %jit3A_910 : f32 to vector<16xf32>
      %select_n3A_912 = arith.select %eq3A_909, %get3A_903, %broadcast_in_dim3A_911 : vector<16xi1>, vector<16xf32>
      %add3A_913 = arith.addf %add3A_877, %select_n3A_912 : vector<16xf32>
      %get3A_914 = arith.constant 0 : i32
      %get3A_915 = arith.constant 0 : i32
      %get3A_916 = tpu.memref_slice %arg6[%scan3A_76, %get3A_914, %get3A_915] : memref<2x32x1000xf32, #tpu.memory_space<vmem>> -> memref<1x32x1000xf32, #tpu.memory_space<vmem>>
      %get3A_917 = tpu.memref_squeeze %get3A_916 : memref<1x32x1000xf32, #tpu.memory_space<vmem>> -> memref<32x1000xf32, #tpu.memory_space<vmem>>
      %get3A_918 = arith.index_cast %scan3A_152 : i32 to index
      %get3A_919 = arith.constant 656 : index
      %get3A_920 = tpu.vector_load %get3A_917[%get3A_918, %get3A_919] {strides = array<i32>} : memref<32x1000xf32, #tpu.memory_space<vmem>>, vector<1x16xf32>,
      %get3A_921 = vector.shape_cast %get3A_920 : vector<1x16xf32> to vector<16xf32>
      %exp3A_922 = math.exp %get3A_921 : vector<16xf32>
      %add3A_923 = arith.addf %add3A_851, %exp3A_922 : vector<16xf32>
      %add3A_924 = arith.constant 656 : i32
      %add3A_925 = vector.broadcast %add3A_924 : i32 to vector<16xi32>
      %add3A_926 = arith.addi %iota3A, %add3A_925 : vector<16xi32>
      %eq3A_927 = arith.cmpi eq, %add3A_926, %gather3A_167 : vector<16xi32>
      %jit3A_928 = arith.constant 0.000000e+00 : f32
      %broadcast_in_dim3A_929 = vector.broadcast %jit3A_928 : f32 to vector<16xf32>
      %select_n3A_930 = arith.select %eq3A_927, %get3A_921, %broadcast_in_dim3A_929 : vector<16xi1>, vector<16xf32>
      %add3A_931 = arith.addf %add3A_895, %select_n3A_930 : vector<16xf32>
      %get3A_932 = arith.constant 0 : i32
      %get3A_933 = arith.constant 0 : i32
      %get3A_934 = tpu.memref_slice %arg6[%scan3A_76, %get3A_932, %get3A_933] : memref<2x32x1000xf32, #tpu.memory_space<vmem>> -> memref<1x32x1000xf32, #tpu.memory_space<vmem>>
      %get3A_935 = tpu.memref_squeeze %get3A_934 : memref<1x32x1000xf32, #tpu.memory_space<vmem>> -> memref<32x1000xf32, #tpu.memory_space<vmem>>
      %get3A_936 = arith.index_cast %scan3A_152 : i32 to index
      %get3A_937 = arith.constant 672 : index
      %get3A_938 = tpu.vector_load %get3A_935[%get3A_936, %get3A_937] {strides = array<i32>} : memref<32x1000xf32, #tpu.memory_space<vmem>>, vector<1x16xf32>,
      %get3A_939 = vector.shape_cast %get3A_938 : vector<1x16xf32> to vector<16xf32>
      %exp3A_940 = math.exp %get3A_939 : vector<16xf32>
      %add3A_941 = arith.addf %add3A_869, %exp3A_940 : vector<16xf32>
      %add3A_942 = arith.constant 672 : i32
      %add3A_943 = vector.broadcast %add3A_942 : i32 to vector<16xi32>
      %add3A_944 = arith.addi %iota3A, %add3A_943 : vector<16xi32>
      %eq3A_945 = arith.cmpi eq, %add3A_944, %gather3A_167 : vector<16xi32>
      %jit3A_946 = arith.constant 0.000000e+00 : f32
      %broadcast_in_dim3A_947 = vector.broadcast %jit3A_946 : f32 to vector<16xf32>
      %select_n3A_948 = arith.select %eq3A_945, %get3A_939, %broadcast_in_dim3A_947 : vector<16xi1>, vector<16xf32>
      %add3A_949 = arith.addf %add3A_913, %select_n3A_948 : vector<16xf32>
      %get3A_950 = arith.constant 0 : i32
      %get3A_951 = arith.constant 0 : i32
      %get3A_952 = tpu.memref_slice %arg6[%scan3A_76, %get3A_950, %get3A_951] : memref<2x32x1000xf32, #tpu.memory_space<vmem>> -> memref<1x32x1000xf32, #tpu.memory_space<vmem>>
      %get3A_953 = tpu.memref_squeeze %get3A_952 : memref<1x32x1000xf32, #tpu.memory_space<vmem>> -> memref<32x1000xf32, #tpu.memory_space<vmem>>
      %get3A_954 = arith.index_cast %scan3A_152 : i32 to index
      %get3A_955 = arith.constant 688 : index
      %get3A_956 = tpu.vector_load %get3A_953[%get3A_954, %get3A_955] {strides = array<i32>} : memref<32x1000xf32, #tpu.memory_space<vmem>>, vector<1x16xf32>,
      %get3A_957 = vector.shape_cast %get3A_956 : vector<1x16xf32> to vector<16xf32>
      %exp3A_958 = math.exp %get3A_957 : vector<16xf32>
      %add3A_959 = arith.addf %add3A_887, %exp3A_958 : vector<16xf32>
      %add3A_960 = arith.constant 688 : i32
      %add3A_961 = vector.broadcast %add3A_960 : i32 to vector<16xi32>
      %add3A_962 = arith.addi %iota3A, %add3A_961 : vector<16xi32>
      %eq3A_963 = arith.cmpi eq, %add3A_962, %gather3A_167 : vector<16xi32>
      %jit3A_964 = arith.constant 0.000000e+00 : f32
      %broadcast_in_dim3A_965 = vector.broadcast %jit3A_964 : f32 to vector<16xf32>
      %select_n3A_966 = arith.select %eq3A_963, %get3A_957, %broadcast_in_dim3A_965 : vector<16xi1>, vector<16xf32>
      %add3A_967 = arith.addf %add3A_931, %select_n3A_966 : vector<16xf32>
      %get3A_968 = arith.constant 0 : i32
      %get3A_969 = arith.constant 0 : i32
      %get3A_970 = tpu.memref_slice %arg6[%scan3A_76, %get3A_968, %get3A_969] : memref<2x32x1000xf32, #tpu.memory_space<vmem>> -> memref<1x32x1000xf32, #tpu.memory_space<vmem>>
      %get3A_971 = tpu.memref_squeeze %get3A_970 : memref<1x32x1000xf32, #tpu.memory_space<vmem>> -> memref<32x1000xf32, #tpu.memory_space<vmem>>
      %get3A_972 = arith.index_cast %scan3A_152 : i32 to index
      %get3A_973 = arith.constant 704 : index
      %get3A_974 = tpu.vector_load %get3A_971[%get3A_972, %get3A_973] {strides = array<i32>} : memref<32x1000xf32, #tpu.memory_space<vmem>>, vector<1x16xf32>,
      %get3A_975 = vector.shape_cast %get3A_974 : vector<1x16xf32> to vector<16xf32>
      %exp3A_976 = math.exp %get3A_975 : vector<16xf32>
      %add3A_977 = arith.addf %add3A_905, %exp3A_976 : vector<16xf32>
      %add3A_978 = arith.constant 704 : i32
      %add3A_979 = vector.broadcast %add3A_978 : i32 to vector<16xi32>
      %add3A_980 = arith.addi %iota3A, %add3A_979 : vector<16xi32>
      %eq3A_981 = arith.cmpi eq, %add3A_980, %gather3A_167 : vector<16xi32>
      %jit3A_982 = arith.constant 0.000000e+00 : f32
      %broadcast_in_dim3A_983 = vector.broadcast %jit3A_982 : f32 to vector<16xf32>
      %select_n3A_984 = arith.select %eq3A_981, %get3A_975, %broadcast_in_dim3A_983 : vector<16xi1>, vector<16xf32>
      %add3A_985 = arith.addf %add3A_949, %select_n3A_984 : vector<16xf32>
      %get3A_986 = arith.constant 0 : i32
      %get3A_987 = arith.constant 0 : i32
      %get3A_988 = tpu.memref_slice %arg6[%scan3A_76, %get3A_986, %get3A_987] : memref<2x32x1000xf32, #tpu.memory_space<vmem>> -> memref<1x32x1000xf32, #tpu.memory_space<vmem>>
      %get3A_989 = tpu.memref_squeeze %get3A_988 : memref<1x32x1000xf32, #tpu.memory_space<vmem>> -> memref<32x1000xf32, #tpu.memory_space<vmem>>
      %get3A_990 = arith.index_cast %scan3A_152 : i32 to index
      %get3A_991 = arith.constant 720 : index
      %get3A_992 = tpu.vector_load %get3A_989[%get3A_990, %get3A_991] {strides = array<i32>} : memref<32x1000xf32, #tpu.memory_space<vmem>>, vector<1x16xf32>,
      %get3A_993 = vector.shape_cast %get3A_992 : vector<1x16xf32> to vector<16xf32>
      %exp3A_994 = math.exp %get3A_993 : vector<16xf32>
      %add3A_995 = arith.addf %add3A_923, %exp3A_994 : vector<16xf32>
      %add3A_996 = arith.constant 720 : i32
      %add3A_997 = vector.broadcast %add3A_996 : i32 to vector<16xi32>
      %add3A_998 = arith.addi %iota3A, %add3A_997 : vector<16xi32>
      %eq3A_999 = arith.cmpi eq, %add3A_998, %gather3A_167 : vector<16xi32>
      %jit3A_1000 = arith.constant 0.000000e+00 : f32
      %broadcast_in_dim3A_1001 = vector.broadcast %jit3A_1000 : f32 to vector<16xf32>
      %select_n3A_1002 = arith.select %eq3A_999, %get3A_993, %broadcast_in_dim3A_1001 : vector<16xi1>, vector<16xf32>
      %add3A_1003 = arith.addf %add3A_967, %select_n3A_1002 : vector<16xf32>
      %get3A_1004 = arith.constant 0 : i32
      %get3A_1005 = arith.constant 0 : i32
      %get3A_1006 = tpu.memref_slice %arg6[%scan3A_76, %get3A_1004, %get3A_1005] : memref<2x32x1000xf32, #tpu.memory_space<vmem>> -> memref<1x32x1000xf32, #tpu.memory_space<vmem>>
      %get3A_1007 = tpu.memref_squeeze %get3A_1006 : memref<1x32x1000xf32, #tpu.memory_space<vmem>> -> memref<32x1000xf32, #tpu.memory_space<vmem>>
      %get3A_1008 = arith.index_cast %scan3A_152 : i32 to index
      %get3A_1009 = arith.constant 736 : index
      %get3A_1010 = tpu.vector_load %get3A_1007[%get3A_1008, %get3A_1009] {strides = array<i32>} : memref<32x1000xf32, #tpu.memory_space<vmem>>, vector<1x16xf32>,
      %get3A_1011 = vector.shape_cast %get3A_1010 : vector<1x16xf32> to vector<16xf32>
      %exp3A_1012 = math.exp %get3A_1011 : vector<16xf32>
      %add3A_1013 = arith.addf %add3A_941, %exp3A_1012 : vector<16xf32>
      %add3A_1014 = arith.constant 736 : i32
      %add3A_1015 = vector.broadcast %add3A_1014 : i32 to vector<16xi32>
      %add3A_1016 = arith.addi %iota3A, %add3A_1015 : vector<16xi32>
      %eq3A_1017 = arith.cmpi eq, %add3A_1016, %gather3A_167 : vector<16xi32>
      %jit3A_1018 = arith.constant 0.000000e+00 : f32
      %broadcast_in_dim3A_1019 = vector.broadcast %jit3A_1018 : f32 to vector<16xf32>
      %select_n3A_1020 = arith.select %eq3A_1017, %get3A_1011, %broadcast_in_dim3A_1019 : vector<16xi1>, vector<16xf32>
      %add3A_1021 = arith.addf %add3A_985, %select_n3A_1020 : vector<16xf32>
      %get3A_1022 = arith.constant 0 : i32
      %get3A_1023 = arith.constant 0 : i32
      %get3A_1024 = tpu.memref_slice %arg6[%scan3A_76, %get3A_1022, %get3A_1023] : memref<2x32x1000xf32, #tpu.memory_space<vmem>> -> memref<1x32x1000xf32, #tpu.memory_space<vmem>>
      %get3A_1025 = tpu.memref_squeeze %get3A_1024 : memref<1x32x1000xf32, #tpu.memory_space<vmem>> -> memref<32x1000xf32, #tpu.memory_space<vmem>>
      %get3A_1026 = arith.index_cast %scan3A_152 : i32 to index
      %get3A_1027 = arith.constant 752 : index
      %get3A_1028 = tpu.vector_load %get3A_1025[%get3A_1026, %get3A_1027] {strides = array<i32>} : memref<32x1000xf32, #tpu.memory_space<vmem>>, vector<1x16xf32>,
      %get3A_1029 = vector.shape_cast %get3A_1028 : vector<1x16xf32> to vector<16xf32>
      %exp3A_1030 = math.exp %get3A_1029 : vector<16xf32>
      %add3A_1031 = arith.addf %add3A_959, %exp3A_1030 : vector<16xf32>
      %add3A_1032 = arith.constant 752 : i32
      %add3A_1033 = vector.broadcast %add3A_1032 : i32 to vector<16xi32>
      %add3A_1034 = arith.addi %iota3A, %add3A_1033 : vector<16xi32>
      %eq3A_1035 = arith.cmpi eq, %add3A_1034, %gather3A_167 : vector<16xi32>
      %jit3A_1036 = arith.constant 0.000000e+00 : f32
      %broadcast_in_dim3A_1037 = vector.broadcast %jit3A_1036 : f32 to vector<16xf32>
      %select_n3A_1038 = arith.select %eq3A_1035, %get3A_1029, %broadcast_in_dim3A_1037 : vector<16xi1>, vector<16xf32>
      %add3A_1039 = arith.addf %add3A_1003, %select_n3A_1038 : vector<16xf32>
      %get3A_1040 = arith.constant 0 : i32
      %get3A_1041 = arith.constant 0 : i32
      %get3A_1042 = tpu.memref_slice %arg6[%scan3A_76, %get3A_1040, %get3A_1041] : memref<2x32x1000xf32, #tpu.memory_space<vmem>> -> memref<1x32x1000xf32, #tpu.memory_space<vmem>>
      %get3A_1043 = tpu.memref_squeeze %get3A_1042 : memref<1x32x1000xf32, #tpu.memory_space<vmem>> -> memref<32x1000xf32, #tpu.memory_space<vmem>>
      %get3A_1044 = arith.index_cast %scan3A_152 : i32 to index
      %get3A_1045 = arith.constant 768 : index
      %get3A_1046 = tpu.vector_load %get3A_1043[%get3A_1044, %get3A_1045] {strides = array<i32>} : memref<32x1000xf32, #tpu.memory_space<vmem>>, vector<1x16xf32>,
      %get3A_1047 = vector.shape_cast %get3A_1046 : vector<1x16xf32> to vector<16xf32>
      %exp3A_1048 = math.exp %get3A_1047 : vector<16xf32>
      %add3A_1049 = arith.addf %add3A_977, %exp3A_1048 : vector<16xf32>
      %add3A_1050 = arith.constant 768 : i32
      %add3A_1051 = vector.broadcast %add3A_1050 : i32 to vector<16xi32>
      %add3A_1052 = arith.addi %iota3A, %add3A_1051 : vector<16xi32>
      %eq3A_1053 = arith.cmpi eq, %add3A_1052, %gather3A_167 : vector<16xi32>
      %jit3A_1054 = arith.constant 0.000000e+00 : f32
      %broadcast_in_dim3A_1055 = vector.broadcast %jit3A_1054 : f32 to vector<16xf32>
      %select_n3A_1056 = arith.select %eq3A_1053, %get3A_1047, %broadcast_in_dim3A_1055 : vector<16xi1>, vector<16xf32>
      %add3A_1057 = arith.addf %add3A_1021, %select_n3A_1056 : vector<16xf32>
      %get3A_1058 = arith.constant 0 : i32
      %get3A_1059 = arith.constant 0 : i32
      %get3A_1060 = tpu.memref_slice %arg6[%scan3A_76, %get3A_1058, %get3A_1059] : memref<2x32x1000xf32, #tpu.memory_space<vmem>> -> memref<1x32x1000xf32, #tpu.memory_space<vmem>>
      %get3A_1061 = tpu.memref_squeeze %get3A_1060 : memref<1x32x1000xf32, #tpu.memory_space<vmem>> -> memref<32x1000xf32, #tpu.memory_space<vmem>>
      %get3A_1062 = arith.index_cast %scan3A_152 : i32 to index
      %get3A_1063 = arith.constant 784 : index
      %get3A_1064 = tpu.vector_load %get3A_1061[%get3A_1062, %get3A_1063] {strides = array<i32>} : memref<32x1000xf32, #tpu.memory_space<vmem>>, vector<1x16xf32>,
      %get3A_1065 = vector.shape_cast %get3A_1064 : vector<1x16xf32> to vector<16xf32>
      %exp3A_1066 = math.exp %get3A_1065 : vector<16xf32>
      %add3A_1067 = arith.addf %add3A_995, %exp3A_1066 : vector<16xf32>
      %add3A_1068 = arith.constant 784 : i32
      %add3A_1069 = vector.broadcast %add3A_1068 : i32 to vector<16xi32>
      %add3A_1070 = arith.addi %iota3A, %add3A_1069 : vector<16xi32>
      %eq3A_1071 = arith.cmpi eq, %add3A_1070, %gather3A_167 : vector<16xi32>
      %jit3A_1072 = arith.constant 0.000000e+00 : f32
      %broadcast_in_dim3A_1073 = vector.broadcast %jit3A_1072 : f32 to vector<16xf32>
      %select_n3A_1074 = arith.select %eq3A_1071, %get3A_1065, %broadcast_in_dim3A_1073 : vector<16xi1>, vector<16xf32>
      %add3A_1075 = arith.addf %add3A_1039, %select_n3A_1074 : vector<16xf32>
      %get3A_1076 = arith.constant 0 : i32
      %get3A_1077 = arith.constant 0 : i32
      %get3A_1078 = tpu.memref_slice %arg6[%scan3A_76, %get3A_1076, %get3A_1077] : memref<2x32x1000xf32, #tpu.memory_space<vmem>> -> memref<1x32x1000xf32, #tpu.memory_space<vmem>>
      %get3A_1079 = tpu.memref_squeeze %get3A_1078 : memref<1x32x1000xf32, #tpu.memory_space<vmem>> -> memref<32x1000xf32, #tpu.memory_space<vmem>>
      %get3A_1080 = arith.index_cast %scan3A_152 : i32 to index
      %get3A_1081 = arith.constant 800 : index
      %get3A_1082 = tpu.vector_load %get3A_1079[%get3A_1080, %get3A_1081] {strides = array<i32>} : memref<32x1000xf32, #tpu.memory_space<vmem>>, vector<1x16xf32>,
      %get3A_1083 = vector.shape_cast %get3A_1082 : vector<1x16xf32> to vector<16xf32>
      %exp3A_1084 = math.exp %get3A_1083 : vector<16xf32>
      %add3A_1085 = arith.addf %add3A_1013, %exp3A_1084 : vector<16xf32>
      %add3A_1086 = arith.constant 800 : i32
      %add3A_1087 = vector.broadcast %add3A_1086 : i32 to vector<16xi32>
      %add3A_1088 = arith.addi %iota3A, %add3A_1087 : vector<16xi32>
      %eq3A_1089 = arith.cmpi eq, %add3A_1088, %gather3A_167 : vector<16xi32>
      %jit3A_1090 = arith.constant 0.000000e+00 : f32
      %broadcast_in_dim3A_1091 = vector.broadcast %jit3A_1090 : f32 to vector<16xf32>
      %select_n3A_1092 = arith.select %eq3A_1089, %get3A_1083, %broadcast_in_dim3A_1091 : vector<16xi1>, vector<16xf32>
      %add3A_1093 = arith.addf %add3A_1057, %select_n3A_1092 : vector<16xf32>
      %get3A_1094 = arith.constant 0 : i32
      %get3A_1095 = arith.constant 0 : i32
      %get3A_1096 = tpu.memref_slice %arg6[%scan3A_76, %get3A_1094, %get3A_1095] : memref<2x32x1000xf32, #tpu.memory_space<vmem>> -> memref<1x32x1000xf32, #tpu.memory_space<vmem>>
      %get3A_1097 = tpu.memref_squeeze %get3A_1096 : memref<1x32x1000xf32, #tpu.memory_space<vmem>> -> memref<32x1000xf32, #tpu.memory_space<vmem>>
      %get3A_1098 = arith.index_cast %scan3A_152 : i32 to index
      %get3A_1099 = arith.constant 816 : index
      %get3A_1100 = tpu.vector_load %get3A_1097[%get3A_1098, %get3A_1099] {strides = array<i32>} : memref<32x1000xf32, #tpu.memory_space<vmem>>, vector<1x16xf32>,
      %get3A_1101 = vector.shape_cast %get3A_1100 : vector<1x16xf32> to vector<16xf32>
      %exp3A_1102 = math.exp %get3A_1101 : vector<16xf32>
      %add3A_1103 = arith.addf %add3A_1031, %exp3A_1102 : vector<16xf32>
      %add3A_1104 = arith.constant 816 : i32
      %add3A_1105 = vector.broadcast %add3A_1104 : i32 to vector<16xi32>
      %add3A_1106 = arith.addi %iota3A, %add3A_1105 : vector<16xi32>
      %eq3A_1107 = arith.cmpi eq, %add3A_1106, %gather3A_167 : vector<16xi32>
      %jit3A_1108 = arith.constant 0.000000e+00 : f32
      %broadcast_in_dim3A_1109 = vector.broadcast %jit3A_1108 : f32 to vector<16xf32>
      %select_n3A_1110 = arith.select %eq3A_1107, %get3A_1101, %broadcast_in_dim3A_1109 : vector<16xi1>, vector<16xf32>
      %add3A_1111 = arith.addf %add3A_1075, %select_n3A_1110 : vector<16xf32>
      %get3A_1112 = arith.constant 0 : i32
      %get3A_1113 = arith.constant 0 : i32
      %get3A_1114 = tpu.memref_slice %arg6[%scan3A_76, %get3A_1112, %get3A_1113] : memref<2x32x1000xf32, #tpu.memory_space<vmem>> -> memref<1x32x1000xf32, #tpu.memory_space<vmem>>
      %get3A_1115 = tpu.memref_squeeze %get3A_1114 : memref<1x32x1000xf32, #tpu.memory_space<vmem>> -> memref<32x1000xf32, #tpu.memory_space<vmem>>
      %get3A_1116 = arith.index_cast %scan3A_152 : i32 to index
      %get3A_1117 = arith.constant 832 : index
      %get3A_1118 = tpu.vector_load %get3A_1115[%get3A_1116, %get3A_1117] {strides = array<i32>} : memref<32x1000xf32, #tpu.memory_space<vmem>>, vector<1x16xf32>,
      %get3A_1119 = vector.shape_cast %get3A_1118 : vector<1x16xf32> to vector<16xf32>
      %exp3A_1120 = math.exp %get3A_1119 : vector<16xf32>
      %add3A_1121 = arith.addf %add3A_1049, %exp3A_1120 : vector<16xf32>
      %add3A_1122 = arith.constant 832 : i32
      %add3A_1123 = vector.broadcast %add3A_1122 : i32 to vector<16xi32>
      %add3A_1124 = arith.addi %iota3A, %add3A_1123 : vector<16xi32>
      %eq3A_1125 = arith.cmpi eq, %add3A_1124, %gather3A_167 : vector<16xi32>
      %jit3A_1126 = arith.constant 0.000000e+00 : f32
      %broadcast_in_dim3A_1127 = vector.broadcast %jit3A_1126 : f32 to vector<16xf32>
      %select_n3A_1128 = arith.select %eq3A_1125, %get3A_1119, %broadcast_in_dim3A_1127 : vector<16xi1>, vector<16xf32>
      %add3A_1129 = arith.addf %add3A_1093, %select_n3A_1128 : vector<16xf32>
      %get3A_1130 = arith.constant 0 : i32
      %get3A_1131 = arith.constant 0 : i32
      %get3A_1132 = tpu.memref_slice %arg6[%scan3A_76, %get3A_1130, %get3A_1131] : memref<2x32x1000xf32, #tpu.memory_space<vmem>> -> memref<1x32x1000xf32, #tpu.memory_space<vmem>>
      %get3A_1133 = tpu.memref_squeeze %get3A_1132 : memref<1x32x1000xf32, #tpu.memory_space<vmem>> -> memref<32x1000xf32, #tpu.memory_space<vmem>>
      %get3A_1134 = arith.index_cast %scan3A_152 : i32 to index
      %get3A_1135 = arith.constant 848 : index
      %get3A_1136 = tpu.vector_load %get3A_1133[%get3A_1134, %get3A_1135] {strides = array<i32>} : memref<32x1000xf32, #tpu.memory_space<vmem>>, vector<1x16xf32>,
      %get3A_1137 = vector.shape_cast %get3A_1136 : vector<1x16xf32> to vector<16xf32>
      %exp3A_1138 = math.exp %get3A_1137 : vector<16xf32>
      %add3A_1139 = arith.addf %add3A_1067, %exp3A_1138 : vector<16xf32>
      %add3A_1140 = arith.constant 848 : i32
      %add3A_1141 = vector.broadcast %add3A_1140 : i32 to vector<16xi32>
      %add3A_1142 = arith.addi %iota3A, %add3A_1141 : vector<16xi32>
      %eq3A_1143 = arith.cmpi eq, %add3A_1142, %gather3A_167 : vector<16xi32>
      %jit3A_1144 = arith.constant 0.000000e+00 : f32
      %broadcast_in_dim3A_1145 = vector.broadcast %jit3A_1144 : f32 to vector<16xf32>
      %select_n3A_1146 = arith.select %eq3A_1143, %get3A_1137, %broadcast_in_dim3A_1145 : vector<16xi1>, vector<16xf32>
      %add3A_1147 = arith.addf %add3A_1111, %select_n3A_1146 : vector<16xf32>
      %get3A_1148 = arith.constant 0 : i32
      %get3A_1149 = arith.constant 0 : i32
      %get3A_1150 = tpu.memref_slice %arg6[%scan3A_76, %get3A_1148, %get3A_1149] : memref<2x32x1000xf32, #tpu.memory_space<vmem>> -> memref<1x32x1000xf32, #tpu.memory_space<vmem>>
      %get3A_1151 = tpu.memref_squeeze %get3A_1150 : memref<1x32x1000xf32, #tpu.memory_space<vmem>> -> memref<32x1000xf32, #tpu.memory_space<vmem>>
      %get3A_1152 = arith.index_cast %scan3A_152 : i32 to index
      %get3A_1153 = arith.constant 864 : index
      %get3A_1154 = tpu.vector_load %get3A_1151[%get3A_1152, %get3A_1153] {strides = array<i32>} : memref<32x1000xf32, #tpu.memory_space<vmem>>, vector<1x16xf32>,
      %get3A_1155 = vector.shape_cast %get3A_1154 : vector<1x16xf32> to vector<16xf32>
      %exp3A_1156 = math.exp %get3A_1155 : vector<16xf32>
      %add3A_1157 = arith.addf %add3A_1085, %exp3A_1156 : vector<16xf32>
      %add3A_1158 = arith.constant 864 : i32
      %add3A_1159 = vector.broadcast %add3A_1158 : i32 to vector<16xi32>
      %add3A_1160 = arith.addi %iota3A, %add3A_1159 : vector<16xi32>
      %eq3A_1161 = arith.cmpi eq, %add3A_1160, %gather3A_167 : vector<16xi32>
      %jit3A_1162 = arith.constant 0.000000e+00 : f32
      %broadcast_in_dim3A_1163 = vector.broadcast %jit3A_1162 : f32 to vector<16xf32>
      %select_n3A_1164 = arith.select %eq3A_1161, %get3A_1155, %broadcast_in_dim3A_1163 : vector<16xi1>, vector<16xf32>
      %add3A_1165 = arith.addf %add3A_1129, %select_n3A_1164 : vector<16xf32>
      %get3A_1166 = arith.constant 0 : i32
      %get3A_1167 = arith.constant 0 : i32
      %get3A_1168 = tpu.memref_slice %arg6[%scan3A_76, %get3A_1166, %get3A_1167] : memref<2x32x1000xf32, #tpu.memory_space<vmem>> -> memref<1x32x1000xf32, #tpu.memory_space<vmem>>
      %get3A_1169 = tpu.memref_squeeze %get3A_1168 : memref<1x32x1000xf32, #tpu.memory_space<vmem>> -> memref<32x1000xf32, #tpu.memory_space<vmem>>
      %get3A_1170 = arith.index_cast %scan3A_152 : i32 to index
      %get3A_1171 = arith.constant 880 : index
      %get3A_1172 = tpu.vector_load %get3A_1169[%get3A_1170, %get3A_1171] {strides = array<i32>} : memref<32x1000xf32, #tpu.memory_space<vmem>>, vector<1x16xf32>,
      %get3A_1173 = vector.shape_cast %get3A_1172 : vector<1x16xf32> to vector<16xf32>
      %exp3A_1174 = math.exp %get3A_1173 : vector<16xf32>
      %add3A_1175 = arith.addf %add3A_1103, %exp3A_1174 : vector<16xf32>
      %add3A_1176 = arith.constant 880 : i32
      %add3A_1177 = vector.broadcast %add3A_1176 : i32 to vector<16xi32>
      %add3A_1178 = arith.addi %iota3A, %add3A_1177 : vector<16xi32>
      %eq3A_1179 = arith.cmpi eq, %add3A_1178, %gather3A_167 : vector<16xi32>
      %jit3A_1180 = arith.constant 0.000000e+00 : f32
      %broadcast_in_dim3A_1181 = vector.broadcast %jit3A_1180 : f32 to vector<16xf32>
      %select_n3A_1182 = arith.select %eq3A_1179, %get3A_1173, %broadcast_in_dim3A_1181 : vector<16xi1>, vector<16xf32>
      %add3A_1183 = arith.addf %add3A_1147, %select_n3A_1182 : vector<16xf32>
      %get3A_1184 = arith.constant 0 : i32
      %get3A_1185 = arith.constant 0 : i32
      %get3A_1186 = tpu.memref_slice %arg6[%scan3A_76, %get3A_1184, %get3A_1185] : memref<2x32x1000xf32, #tpu.memory_space<vmem>> -> memref<1x32x1000xf32, #tpu.memory_space<vmem>>
      %get3A_1187 = tpu.memref_squeeze %get3A_1186 : memref<1x32x1000xf32, #tpu.memory_space<vmem>> -> memref<32x1000xf32, #tpu.memory_space<vmem>>
      %get3A_1188 = arith.index_cast %scan3A_152 : i32 to index
      %get3A_1189 = arith.constant 896 : index
      %get3A_1190 = tpu.vector_load %get3A_1187[%get3A_1188, %get3A_1189] {strides = array<i32>} : memref<32x1000xf32, #tpu.memory_space<vmem>>, vector<1x16xf32>,
      %get3A_1191 = vector.shape_cast %get3A_1190 : vector<1x16xf32> to vector<16xf32>
      %exp3A_1192 = math.exp %get3A_1191 : vector<16xf32>
      %add3A_1193 = arith.addf %add3A_1121, %exp3A_1192 : vector<16xf32>
      %add3A_1194 = arith.constant 896 : i32
      %add3A_1195 = vector.broadcast %add3A_1194 : i32 to vector<16xi32>
      %add3A_1196 = arith.addi %iota3A, %add3A_1195 : vector<16xi32>
      %eq3A_1197 = arith.cmpi eq, %add3A_1196, %gather3A_167 : vector<16xi32>
      %jit3A_1198 = arith.constant 0.000000e+00 : f32
      %broadcast_in_dim3A_1199 = vector.broadcast %jit3A_1198 : f32 to vector<16xf32>
      %select_n3A_1200 = arith.select %eq3A_1197, %get3A_1191, %broadcast_in_dim3A_1199 : vector<16xi1>, vector<16xf32>
      %add3A_1201 = arith.addf %add3A_1165, %select_n3A_1200 : vector<16xf32>
      %get3A_1202 = arith.constant 0 : i32
      %get3A_1203 = arith.constant 0 : i32
      %get3A_1204 = tpu.memref_slice %arg6[%scan3A_76, %get3A_1202, %get3A_1203] : memref<2x32x1000xf32, #tpu.memory_space<vmem>> -> memref<1x32x1000xf32, #tpu.memory_space<vmem>>
      %get3A_1205 = tpu.memref_squeeze %get3A_1204 : memref<1x32x1000xf32, #tpu.memory_space<vmem>> -> memref<32x1000xf32, #tpu.memory_space<vmem>>
      %get3A_1206 = arith.index_cast %scan3A_152 : i32 to index
      %get3A_1207 = arith.constant 912 : index
      %get3A_1208 = tpu.vector_load %get3A_1205[%get3A_1206, %get3A_1207] {strides = array<i32>} : memref<32x1000xf32, #tpu.memory_space<vmem>>, vector<1x16xf32>,
      %get3A_1209 = vector.shape_cast %get3A_1208 : vector<1x16xf32> to vector<16xf32>
      %exp3A_1210 = math.exp %get3A_1209 : vector<16xf32>
      %add3A_1211 = arith.addf %add3A_1139, %exp3A_1210 : vector<16xf32>
      %add3A_1212 = arith.constant 912 : i32
      %add3A_1213 = vector.broadcast %add3A_1212 : i32 to vector<16xi32>
      %add3A_1214 = arith.addi %iota3A, %add3A_1213 : vector<16xi32>
      %eq3A_1215 = arith.cmpi eq, %add3A_1214, %gather3A_167 : vector<16xi32>
      %jit3A_1216 = arith.constant 0.000000e+00 : f32
      %broadcast_in_dim3A_1217 = vector.broadcast %jit3A_1216 : f32 to vector<16xf32>
      %select_n3A_1218 = arith.select %eq3A_1215, %get3A_1209, %broadcast_in_dim3A_1217 : vector<16xi1>, vector<16xf32>
      %add3A_1219 = arith.addf %add3A_1183, %select_n3A_1218 : vector<16xf32>
      %get3A_1220 = arith.constant 0 : i32
      %get3A_1221 = arith.constant 0 : i32
      %get3A_1222 = tpu.memref_slice %arg6[%scan3A_76, %get3A_1220, %get3A_1221] : memref<2x32x1000xf32, #tpu.memory_space<vmem>> -> memref<1x32x1000xf32, #tpu.memory_space<vmem>>
      %get3A_1223 = tpu.memref_squeeze %get3A_1222 : memref<1x32x1000xf32, #tpu.memory_space<vmem>> -> memref<32x1000xf32, #tpu.memory_space<vmem>>
      %get3A_1224 = arith.index_cast %scan3A_152 : i32 to index
      %get3A_1225 = arith.constant 928 : index
      %get3A_1226 = tpu.vector_load %get3A_1223[%get3A_1224, %get3A_1225] {strides = array<i32>} : memref<32x1000xf32, #tpu.memory_space<vmem>>, vector<1x16xf32>,
      %get3A_1227 = vector.shape_cast %get3A_1226 : vector<1x16xf32> to vector<16xf32>
      %exp3A_1228 = math.exp %get3A_1227 : vector<16xf32>
      %add3A_1229 = arith.addf %add3A_1157, %exp3A_1228 : vector<16xf32>
      %add3A_1230 = arith.constant 928 : i32
      %add3A_1231 = vector.broadcast %add3A_1230 : i32 to vector<16xi32>
      %add3A_1232 = arith.addi %iota3A, %add3A_1231 : vector<16xi32>
      %eq3A_1233 = arith.cmpi eq, %add3A_1232, %gather3A_167 : vector<16xi32>
      %jit3A_1234 = arith.constant 0.000000e+00 : f32
      %broadcast_in_dim3A_1235 = vector.broadcast %jit3A_1234 : f32 to vector<16xf32>
      %select_n3A_1236 = arith.select %eq3A_1233, %get3A_1227, %broadcast_in_dim3A_1235 : vector<16xi1>, vector<16xf32>
      %add3A_1237 = arith.addf %add3A_1201, %select_n3A_1236 : vector<16xf32>
      %get3A_1238 = arith.constant 0 : i32
      %get3A_1239 = arith.constant 0 : i32
      %get3A_1240 = tpu.memref_slice %arg6[%scan3A_76, %get3A_1238, %get3A_1239] : memref<2x32x1000xf32, #tpu.memory_space<vmem>> -> memref<1x32x1000xf32, #tpu.memory_space<vmem>>
      %get3A_1241 = tpu.memref_squeeze %get3A_1240 : memref<1x32x1000xf32, #tpu.memory_space<vmem>> -> memref<32x1000xf32, #tpu.memory_space<vmem>>
      %get3A_1242 = arith.index_cast %scan3A_152 : i32 to index
      %get3A_1243 = arith.constant 944 : index
      %get3A_1244 = tpu.vector_load %get3A_1241[%get3A_1242, %get3A_1243] {strides = array<i32>} : memref<32x1000xf32, #tpu.memory_space<vmem>>, vector<1x16xf32>,
      %get3A_1245 = vector.shape_cast %get3A_1244 : vector<1x16xf32> to vector<16xf32>
      %exp3A_1246 = math.exp %get3A_1245 : vector<16xf32>
      %add3A_1247 = arith.addf %add3A_1175, %exp3A_1246 : vector<16xf32>
      %add3A_1248 = arith.constant 944 : i32
      %add3A_1249 = vector.broadcast %add3A_1248 : i32 to vector<16xi32>
      %add3A_1250 = arith.addi %iota3A, %add3A_1249 : vector<16xi32>
      %eq3A_1251 = arith.cmpi eq, %add3A_1250, %gather3A_167 : vector<16xi32>
      %jit3A_1252 = arith.constant 0.000000e+00 : f32
      %broadcast_in_dim3A_1253 = vector.broadcast %jit3A_1252 : f32 to vector<16xf32>
      %select_n3A_1254 = arith.select %eq3A_1251, %get3A_1245, %broadcast_in_dim3A_1253 : vector<16xi1>, vector<16xf32>
      %add3A_1255 = arith.addf %add3A_1219, %select_n3A_1254 : vector<16xf32>
      %get3A_1256 = arith.constant 0 : i32
      %get3A_1257 = arith.constant 0 : i32
      %get3A_1258 = tpu.memref_slice %arg6[%scan3A_76, %get3A_1256, %get3A_1257] : memref<2x32x1000xf32, #tpu.memory_space<vmem>> -> memref<1x32x1000xf32, #tpu.memory_space<vmem>>
      %get3A_1259 = tpu.memref_squeeze %get3A_1258 : memref<1x32x1000xf32, #tpu.memory_space<vmem>> -> memref<32x1000xf32, #tpu.memory_space<vmem>>
      %get3A_1260 = arith.index_cast %scan3A_152 : i32 to index
      %get3A_1261 = arith.constant 960 : index
      %get3A_1262 = tpu.vector_load %get3A_1259[%get3A_1260, %get3A_1261] {strides = array<i32>} : memref<32x1000xf32, #tpu.memory_space<vmem>>, vector<1x16xf32>,
      %get3A_1263 = vector.shape_cast %get3A_1262 : vector<1x16xf32> to vector<16xf32>
      %exp3A_1264 = math.exp %get3A_1263 : vector<16xf32>
      %add3A_1265 = arith.addf %add3A_1193, %exp3A_1264 : vector<16xf32>
      %add3A_1266 = arith.constant 960 : i32
      %add3A_1267 = vector.broadcast %add3A_1266 : i32 to vector<16xi32>
      %add3A_1268 = arith.addi %iota3A, %add3A_1267 : vector<16xi32>
      %eq3A_1269 = arith.cmpi eq, %add3A_1268, %gather3A_167 : vector<16xi32>
      %jit3A_1270 = arith.constant 0.000000e+00 : f32
      %broadcast_in_dim3A_1271 = vector.broadcast %jit3A_1270 : f32 to vector<16xf32>
      %select_n3A_1272 = arith.select %eq3A_1269, %get3A_1263, %broadcast_in_dim3A_1271 : vector<16xi1>, vector<16xf32>
      %add3A_1273 = arith.addf %add3A_1237, %select_n3A_1272 : vector<16xf32>
      %get3A_1274 = arith.constant 0 : i32
      %get3A_1275 = arith.constant 0 : i32
      %get3A_1276 = tpu.memref_slice %arg6[%scan3A_76, %get3A_1274, %get3A_1275] : memref<2x32x1000xf32, #tpu.memory_space<vmem>> -> memref<1x32x1000xf32, #tpu.memory_space<vmem>>
      %get3A_1277 = tpu.memref_squeeze %get3A_1276 : memref<1x32x1000xf32, #tpu.memory_space<vmem>> -> memref<32x1000xf32, #tpu.memory_space<vmem>>
      %get3A_1278 = arith.index_cast %scan3A_152 : i32 to index
      %get3A_1279 = arith.constant 976 : index
      %get3A_1280 = tpu.vector_load %get3A_1277[%get3A_1278, %get3A_1279] {strides = array<i32>} : memref<32x1000xf32, #tpu.memory_space<vmem>>, vector<1x16xf32>,
      %get3A_1281 = vector.shape_cast %get3A_1280 : vector<1x16xf32> to vector<16xf32>
      %exp3A_1282 = math.exp %get3A_1281 : vector<16xf32>
      %add3A_1283 = arith.addf %add3A_1211, %exp3A_1282 : vector<16xf32>
      %add3A_1284 = arith.constant 976 : i32
      %add3A_1285 = vector.broadcast %add3A_1284 : i32 to vector<16xi32>
      %add3A_1286 = arith.addi %iota3A, %add3A_1285 : vector<16xi32>
      %eq3A_1287 = arith.cmpi eq, %add3A_1286, %gather3A_167 : vector<16xi32>
      %jit3A_1288 = arith.constant 0.000000e+00 : f32
      %broadcast_in_dim3A_1289 = vector.broadcast %jit3A_1288 : f32 to vector<16xf32>
      %select_n3A_1290 = arith.select %eq3A_1287, %get3A_1281, %broadcast_in_dim3A_1289 : vector<16xi1>, vector<16xf32>
      %add3A_1291 = arith.addf %add3A_1255, %select_n3A_1290 : vector<16xf32>
      %get3A_1292 = arith.constant 0 : i32
      %get3A_1293 = arith.constant 0 : i32
      %get3A_1294 = tpu.memref_slice %arg6[%scan3A_76, %get3A_1292, %get3A_1293] : memref<2x32x1000xf32, #tpu.memory_space<vmem>> -> memref<1x32x1000xf32, #tpu.memory_space<vmem>>
      %get3A_1295 = tpu.memref_squeeze %get3A_1294 : memref<1x32x1000xf32, #tpu.memory_space<vmem>> -> memref<32x1000xf32, #tpu.memory_space<vmem>>
      %get3A_1296 = arith.index_cast %scan3A_152 : i32 to index
      %get3A_1297 = arith.constant 984 : index
      %get3A_1298 = tpu.vector_load %get3A_1295[%get3A_1296, %get3A_1297] {strides = array<i32>} : memref<32x1000xf32, #tpu.memory_space<vmem>>, vector<1x16xf32>,
      %get3A_1299 = vector.shape_cast %get3A_1298 : vector<1x16xf32> to vector<16xf32>
      %ge3A = arith.constant 8 : i32
      %ge3A_1300 = vector.broadcast %ge3A : i32 to vector<16xi32>
      %ge3A_1301 = arith.cmpi sge, %iota3A, %ge3A_1300 : vector<16xi32>
      %exp3A_1302 = math.exp %get3A_1299 : vector<16xf32>
      %jit3A_1303 = arith.constant 0.000000e+00 : f32
      %broadcast_in_dim3A_1304 = vector.broadcast %jit3A_1303 : f32 to vector<16xf32>
      %select_n3A_1305 = arith.select %ge3A_1301, %exp3A_1302, %broadcast_in_dim3A_1304 : vector<16xi1>, vector<16xf32>
      %add3A_1306 = arith.addf %add3A_1229, %select_n3A_1305 : vector<16xf32>
      %add3A_1307 = arith.constant 984 : i32
      %add3A_1308 = vector.broadcast %add3A_1307 : i32 to vector<16xi32>
      %add3A_1309 = arith.addi %iota3A, %add3A_1308 : vector<16xi32>
      %eq3A_1310 = arith.cmpi eq, %add3A_1309, %gather3A_167 : vector<16xi32>
      %and3A = arith.andi %ge3A_1301, %eq3A_1310 : vector<16xi1>
      %jit3A_1311 = arith.constant 0.000000e+00 : f32
      %broadcast_in_dim3A_1312 = vector.broadcast %jit3A_1311 : f32 to vector<16xf32>
      %select_n3A_1313 = arith.select %and3A, %get3A_1299, %broadcast_in_dim3A_1312 : vector<16xi1>, vector<16xf32>
      %add3A_1314 = arith.addf %add3A_1273, %select_n3A_1313 : vector<16xf32>
      %add3A_1315 = arith.addf %add3A_1265, %add3A_1283 : vector<16xf32>
      %add3A_1316 = arith.addf %add3A_1306, %add3A_1247 : vector<16xf32>
      %add3A_1317 = arith.addf %add3A_1315, %add3A_1316 : vector<16xf32>
      %add3A_1318 = arith.addf %add3A_1314, %add3A_1291 : vector<16xf32>
      %xor3A = arith.constant 8 : i32
      %xor3A_1319 = vector.broadcast %xor3A : i32 to vector<16xi32>
      %xor3A_1320 = arith.xori %iota3A, %xor3A_1319 : vector<16xi32>
      %broadcast_in_dim3A_1321 = vector.shape_cast %xor3A_1320 : vector<16xi32> to vector<16x1xi32>
      %gather3A_1322 = vector.shape_cast %broadcast_in_dim3A_1321 : vector<16x1xi32> to vector<16xi32>
      %gather3A_1323 = tpu.dynamic_gather %add3A_1317[%gather3A_1322] in [0] : vector<16xf32>, vector<16xi32> -> vector<16xf32>
      %add3A_1324 = arith.addf %add3A_1317, %gather3A_1323 : vector<16xf32>
      %xor3A_1325 = arith.constant 8 : i32
      %xor3A_1326 = vector.broadcast %xor3A_1325 : i32 to vector<16xi32>
      %xor3A_1327 = arith.xori %iota3A, %xor3A_1326 : vector<16xi32>
      %broadcast_in_dim3A_1328 = vector.shape_cast %xor3A_1327 : vector<16xi32> to vector<16x1xi32>
      %gather3A_1329 = vector.shape_cast %broadcast_in_dim3A_1328 : vector<16x1xi32> to vector<16xi32>
      %gather3A_1330 = tpu.dynamic_gather %add3A_1318[%gather3A_1329] in [0] : vector<16xf32>, vector<16xi32> -> vector<16xf32>
      %add3A_1331 = arith.addf %add3A_1318, %gather3A_1330 : vector<16xf32>
      %xor3A_1332 = arith.constant 4 : i32
      %xor3A_1333 = vector.broadcast %xor3A_1332 : i32 to vector<16xi32>
      %xor3A_1334 = arith.xori %iota3A, %xor3A_1333 : vector<16xi32>
      %broadcast_in_dim3A_1335 = vector.shape_cast %xor3A_1334 : vector<16xi32> to vector<16x1xi32>
      %gather3A_1336 = vector.shape_cast %broadcast_in_dim3A_1335 : vector<16x1xi32> to vector<16xi32>
      %gather3A_1337 = tpu.dynamic_gather %add3A_1324[%gather3A_1336] in [0] : vector<16xf32>, vector<16xi32> -> vector<16xf32>
      %add3A_1338 = arith.addf %add3A_1324, %gather3A_1337 : vector<16xf32>
      %xor3A_1339 = arith.constant 4 : i32
      %xor3A_1340 = vector.broadcast %xor3A_1339 : i32 to vector<16xi32>
      %xor3A_1341 = arith.xori %iota3A, %xor3A_1340 : vector<16xi32>
      %broadcast_in_dim3A_1342 = vector.shape_cast %xor3A_1341 : vector<16xi32> to vector<16x1xi32>
      %gather3A_1343 = vector.shape_cast %broadcast_in_dim3A_1342 : vector<16x1xi32> to vector<16xi32>
      %gather3A_1344 = tpu.dynamic_gather %add3A_1331[%gather3A_1343] in [0] : vector<16xf32>, vector<16xi32> -> vector<16xf32>
      %add3A_1345 = arith.addf %add3A_1331, %gather3A_1344 : vector<16xf32>
      %xor3A_1346 = arith.constant 2 : i32
      %xor3A_1347 = vector.broadcast %xor3A_1346 : i32 to vector<16xi32>
      %xor3A_1348 = arith.xori %iota3A, %xor3A_1347 : vector<16xi32>
      %broadcast_in_dim3A_1349 = vector.shape_cast %xor3A_1348 : vector<16xi32> to vector<16x1xi32>
      %gather3A_1350 = vector.shape_cast %broadcast_in_dim3A_1349 : vector<16x1xi32> to vector<16xi32>
      %gather3A_1351 = tpu.dynamic_gather %add3A_1338[%gather3A_1350] in [0] : vector<16xf32>, vector<16xi32> -> vector<16xf32>
      %add3A_1352 = arith.addf %add3A_1338, %gather3A_1351 : vector<16xf32>
      %xor3A_1353 = arith.constant 2 : i32
      %xor3A_1354 = vector.broadcast %xor3A_1353 : i32 to vector<16xi32>
      %xor3A_1355 = arith.xori %iota3A, %xor3A_1354 : vector<16xi32>
      %broadcast_in_dim3A_1356 = vector.shape_cast %xor3A_1355 : vector<16xi32> to vector<16x1xi32>
      %gather3A_1357 = vector.shape_cast %broadcast_in_dim3A_1356 : vector<16x1xi32> to vector<16xi32>
      %gather3A_1358 = tpu.dynamic_gather %add3A_1345[%gather3A_1357] in [0] : vector<16xf32>, vector<16xi32> -> vector<16xf32>
      %add3A_1359 = arith.addf %add3A_1345, %gather3A_1358 : vector<16xf32>
      %xor3A_1360 = arith.constant 1 : i32
      %xor3A_1361 = vector.broadcast %xor3A_1360 : i32 to vector<16xi32>
      %xor3A_1362 = arith.xori %iota3A, %xor3A_1361 : vector<16xi32>
      %broadcast_in_dim3A_1363 = vector.shape_cast %xor3A_1362 : vector<16xi32> to vector<16x1xi32>
      %gather3A_1364 = vector.shape_cast %broadcast_in_dim3A_1363 : vector<16x1xi32> to vector<16xi32>
      %gather3A_1365 = tpu.dynamic_gather %add3A_1352[%gather3A_1364] in [0] : vector<16xf32>, vector<16xi32> -> vector<16xf32>
      %add3A_1366 = arith.addf %add3A_1352, %gather3A_1365 : vector<16xf32>
      %xor3A_1367 = arith.constant 1 : i32
      %xor3A_1368 = vector.broadcast %xor3A_1367 : i32 to vector<16xi32>
      %xor3A_1369 = arith.xori %iota3A, %xor3A_1368 : vector<16xi32>
      %broadcast_in_dim3A_1370 = vector.shape_cast %xor3A_1369 : vector<16xi32> to vector<16x1xi32>
      %gather3A_1371 = vector.shape_cast %broadcast_in_dim3A_1370 : vector<16x1xi32> to vector<16xi32>
      %gather3A_1372 = tpu.dynamic_gather %add3A_1359[%gather3A_1371] in [0] : vector<16xf32>, vector<16xi32> -> vector<16xf32>
      %add3A_1373 = arith.addf %add3A_1359, %gather3A_1372 : vector<16xf32>
      %eq3A_1374 = vector.broadcast %rem3A_155 : i32 to vector<16xi32>
      %eq3A_1375 = arith.cmpi eq, %iota3A, %eq3A_1374 : vector<16xi32>
      %select_n3A_1376 = arith.select %eq3A_1375, %add3A_1366, %scan3A_153 : vector<16xi1>, vector<16xf32>
      %select_n3A_1377 = arith.select %eq3A_1375, %add3A_1373, %scan3A_154 : vector<16xi1>, vector<16xf32>
      %eq3A_1378 = arith.constant 15 : i32
      %eq3A_1379 = arith.cmpi eq, %rem3A_155, %eq3A_1378 : i32
      %convert_element_type3A_1380 = arith.extui %eq3A_1379 : i1 to i32
      %cond3A_1381 = arith.constant 0 : i32
      %cond3A_1382 = arith.cmpi ne, %convert_element_type3A_1380, %cond3A_1381 : i32
      scf.if %cond3A_1382 {
        %mul3A_1383 = arith.constant 32 : i32
        %mul3A_1384 = arith.muli %add3A_55, %mul3A_1383 : i32
        %add3A_1385 = arith.addi %mul3A_1384, %scan3A_152 : i32
        %sub3A_1386 = arith.constant 15 : i32
        %sub3A_1387 = arith.subi %add3A_1385, %sub3A_1386 : i32
        %swap3A = arith.index_cast %sub3A_1387 : i32 to index
        %swap3A_1388 = tpu.vector_load %arg8[%swap3A] {strides = array<i32>} : memref<64xf32, #tpu.memory_space<vmem>>, vector<16xf32>,
        %swap3A_1389 = vector.shape_cast %swap3A_1388 : vector<16xf32> to vector<16xf32>
        %swap3A_1390 = vector.shape_cast %select_n3A_1376 : vector<16xf32> to vector<16xf32>
        tpu.vector_store %arg8[%swap3A], %swap3A_1390 {strides = array<i32>} : memref<64xf32, #tpu.memory_space<vmem>>, vector<16xf32>,
        %mul3A_1391 = arith.constant 32 : i32
        %mul3A_1392 = arith.muli %add3A_55, %mul3A_1391 : i32
        %add3A_1393 = arith.addi %mul3A_1392, %scan3A_152 : i32
        %sub3A_1394 = arith.constant 15 : i32
        %sub3A_1395 = arith.subi %add3A_1393, %sub3A_1394 : i32
        %swap3A_1396 = arith.index_cast %sub3A_1395 : i32 to index
        %swap3A_1397 = tpu.vector_load %arg9[%swap3A_1396] {strides = array<i32>} : memref<64xf32, #tpu.memory_space<vmem>>, vector<16xf32>,
        %swap3A_1398 = vector.shape_cast %swap3A_1397 : vector<16xf32> to vector<16xf32>
        %swap3A_1399 = vector.shape_cast %select_n3A_1377 : vector<16xf32> to vector<16xf32>
        tpu.vector_store %arg9[%swap3A_1396], %swap3A_1399 {strides = array<i32>} : memref<64xf32, #tpu.memory_space<vmem>>, vector<16xf32>,
      } else {
      }
      scf.yield %select_n3A_1376, %select_n3A_1377 : vector<16xf32>, vector<16xf32>
    }
    %scan3A_82 = arith.constant 32 : i32
    %add3A_83 = arith.constant 2 : i32
    %add3A_84 = arith.addi %add3A_55, %add3A_83 : i32
    %lt3A = arith.constant 2 : i32
    %lt3A_85 = arith.cmpi slt, %add3A_84, %lt3A : i32
    %convert_element_type3A = arith.extui %lt3A_85 : i1 to i32
    %cond3A = arith.constant 0 : i32
    %cond3A_86 = arith.cmpi ne, %convert_element_type3A, %cond3A : i32
    scf.if %cond3A_86 {
      %add3A_152 = arith.constant 2 : i32
      %add3A_153 = arith.addi %add3A_55, %add3A_152 : i32
      %mul3A_154 = arith.constant 32 : i32
      %mul3A_155 = arith.muli %add3A_153, %mul3A_154 : i32
      %add3A_156 = arith.addi %add3A_4, %mul3A_155 : i32
      %dma_start3A_157 = arith.constant 0 : i32
      %dma_start3A_158 = arith.constant 0 : i32
      %dma_start3A_159 = arith.constant 0 : i32
      %dma_start3A_160 = arith.constant 0 : i32
      %dma_start3A_161 = tpu.memref_slice %arg6[%dma_start3A_157, %dma_start3A_159, %dma_start3A_160] : memref<2x32x1000xf32, #tpu.memory_space<vmem>> -> memref<1x32x1000xf32, #tpu.memory_space<vmem>>
      %dma_start3A_162 = tpu.memref_squeeze %dma_start3A_161 : memref<1x32x1000xf32, #tpu.memory_space<vmem>> -> memref<32x1000xf32, #tpu.memory_space<vmem>>
      %dma_start3A_163 = arith.constant 0 : i32
      %dma_start3A_164 = tpu.memref_slice %arg2[%add3A_156, %dma_start3A_163] : memref<16384x1000xf32, #tpu.memory_space<hbm>> -> memref<32x1000xf32, #tpu.memory_space<hbm>>
      %dma_start3A_165 = tpu.memref_slice %arg10[%dma_start3A_158] : memref<2x!tpu.dma_semaphore, #tpu.memory_space<semaphore_mem>> -> memref<1x!tpu.dma_semaphore, #tpu.memory_space<semaphore_mem>>
      %dma_start3A_166 = tpu.memref_squeeze %dma_start3A_165 : memref<1x!tpu.dma_semaphore, #tpu.memory_space<semaphore_mem>> -> memref<!tpu.dma_semaphore, #tpu.memory_space<semaphore_mem>>
      %dma_start3A_167 = arith.constant 0 : i32
      %dma_start3A_168 = arith.constant 0 : i32
      %dma_start3A_169 = tpu.memref_slice %arg6[%dma_start3A_157, %dma_start3A_167, %dma_start3A_168] : memref<2x32x1000xf32, #tpu.memory_space<vmem>> -> memref<1x32x1000xf32, #tpu.memory_space<vmem>>
      %dma_start3A_170 = tpu.memref_squeeze %dma_start3A_169 : memref<1x32x1000xf32, #tpu.memory_space<vmem>> -> memref<32x1000xf32, #tpu.memory_space<vmem>>
      %dma_start3A_171 = arith.constant 0 : i32
      %dma_start3A_172 = tpu.memref_slice %arg2[%add3A_156, %dma_start3A_171] : memref<16384x1000xf32, #tpu.memory_space<hbm>> -> memref<32x1000xf32, #tpu.memory_space<hbm>>
      tpu.enqueue_dma source(%dma_start3A_172 : memref<32x1000xf32, #tpu.memory_space<hbm>>) target(%dma_start3A_170 : memref<32x1000xf32, #tpu.memory_space<vmem>>) target_semaphore(%dma_start3A_166 : memref<!tpu.dma_semaphore, #tpu.memory_space<semaphore_mem>>)
    } else {
    }
    %mul3A_87 = arith.constant 2 : i32
    %mul3A_88 = arith.muli %mul3A_87, %scan3A_51 : i32
    %add3A_89 = arith.constant 1 : i32
    %add3A_90 = arith.addi %mul3A_88, %add3A_89 : i32
    %mul3A_91 = arith.constant 32 : i32
    %mul3A_92 = arith.muli %add3A_90, %mul3A_91 : i32
    %add3A_93 = arith.addi %add3A_4, %mul3A_92 : i32
    %dma_wait3A_94 = arith.constant 1 : i32
    %dma_wait3A_95 = arith.constant 1 : i32
    %dma_wait3A_96 = arith.constant 0 : i32
    %dma_wait3A_97 = arith.constant 0 : i32
    %dma_wait3A_98 = tpu.memref_slice %arg6[%dma_wait3A_94, %dma_wait3A_96, %dma_wait3A_97] : memref<2x32x1000xf32, #tpu.memory_space<vmem>> -> memref<1x32x1000xf32, #tpu.memory_space<vmem>>
    %dma_wait3A_99 = tpu.memref_squeeze %dma_wait3A_98 : memref<1x32x1000xf32, #tpu.memory_space<vmem>> -> memref<32x1000xf32, #tpu.memory_space<vmem>>
    %dma_wait3A_100 = arith.constant 0 : i32
    %dma_wait3A_101 = tpu.memref_slice %arg2[%add3A_93, %dma_wait3A_100] : memref<16384x1000xf32, #tpu.memory_space<hbm>> -> memref<32x1000xf32, #tpu.memory_space<hbm>>
    %dma_wait3A_102 = tpu.memref_slice %arg10[%dma_wait3A_95] : memref<2x!tpu.dma_semaphore, #tpu.memory_space<semaphore_mem>> -> memref<1x!tpu.dma_semaphore, #tpu.memory_space<semaphore_mem>>
    %dma_wait3A_103 = tpu.memref_squeeze %dma_wait3A_102 : memref<1x!tpu.dma_semaphore, #tpu.memory_space<semaphore_mem>> -> memref<!tpu.dma_semaphore, #tpu.memory_space<semaphore_mem>>
    %dma_wait3A_104 = arith.constant 0 : i32
    %dma_wait3A_105 = arith.constant 0 : i32
    %dma_wait3A_106 = tpu.memref_slice %arg6[%dma_wait3A_94, %dma_wait3A_104, %dma_wait3A_105] : memref<2x32x1000xf32, #tpu.memory_space<vmem>> -> memref<1x32x1000xf32, #tpu.memory_space<vmem>>
    %dma_wait3A_107 = tpu.memref_squeeze %dma_wait3A_106 : memref<1x32x1000xf32, #tpu.memory_space<vmem>> -> memref<32x1000xf32, #tpu.memory_space<vmem>>
    %dma_wait3A_108 = arith.constant 0 : i32
    %dma_wait3A_109 = tpu.memref_slice %arg2[%add3A_93, %dma_wait3A_108] : memref<16384x1000xf32, #tpu.memory_space<hbm>> -> memref<32x1000xf32, #tpu.memory_space<hbm>>
    tpu.wait_dma2 semaphore(%dma_wait3A_103 : memref<!tpu.dma_semaphore, #tpu.memory_space<semaphore_mem>>) src(%dma_wait3A_109 : memref<32x1000xf32, #tpu.memory_space<hbm>>) dst(%dma_wait3A_107 : memref<32x1000xf32, #tpu.memory_space<vmem>>)
    %broadcast_in_dim3A_110 = arith.constant 0.000000e+00 : f32
    %broadcast_in_dim3A_111 = vector.broadcast %broadcast_in_dim3A_110 : f32 to vector<16xf32>
    %scan3A_112 = arith.constant 1 : i32
    %scan3A_113 = arith.constant 0 : i32
    %scan3A_114 = arith.constant 32 : i32
    %scan3A_115 = arith.addi %scan3A_113, %scan3A_114 : i32
    %scan3A_116 = arith.constant 1 : i32
    %scan3A_117:2 = scf.for %scan3A_152 = %scan3A_113 to %scan3A_115 step %scan3A_116 iter_args(%scan3A_153 = %broadcast_in_dim3A_111, %scan3A_154 = %broadcast_in_dim3A_111) -> (vector<16xf32>, vector<16xf32>)  : i32 {
      %rem3A = arith.constant 16 : i32
      %rem3A_155 = arith.remsi %scan3A_152, %rem3A : i32
      %mul3A_156 = arith.constant 32 : i32
      %mul3A_157 = arith.muli %add3A_90, %mul3A_156 : i32
      %add3A_158 = arith.addi %mul3A_157, %scan3A_152 : i32
      %sub3A = arith.subi %add3A_158, %rem3A_155 : i32
      %get3A = arith.index_cast %sub3A : i32 to index
      %get3A_159 = tpu.vector_load %arg7[%get3A] {strides = array<i32>} : memref<64xi32, #tpu.memory_space<vmem>>, vector<16xi32>,
      %get3A_160 = vector.shape_cast %get3A_159 : vector<16xi32> to vector<16xi32>
      %mul3A_161 = arith.constant 0 : i32
      %mul3A_162 = vector.broadcast %mul3A_161 : i32 to vector<16xi32>
      %mul3A_163 = arith.muli %iota3A, %mul3A_162 : vector<16xi32>
      %add3A_164 = vector.broadcast %rem3A_155 : i32 to vector<16xi32>
      %add3A_165 = arith.addi %mul3A_163, %add3A_164 : vector<16xi32>
      %broadcast_in_dim3A_166 = vector.shape_cast %add3A_165 : vector<16xi32> to vector<16x1xi32>
      %gather3A = vector.shape_cast %broadcast_in_dim3A_166 : vector<16x1xi32> to vector<16xi32>
      %gather3A_167 = tpu.dynamic_gather %get3A_160[%gather3A] in [0] : vector<16xi32>, vector<16xi32> -> vector<16xi32>
      %broadcast_in_dim3A_168 = arith.constant 0.000000e+00 : f32
      %broadcast_in_dim3A_169 = vector.broadcast %broadcast_in_dim3A_168 : f32 to vector<16xf32>
      %broadcast_in_dim3A_170 = arith.constant 0.000000e+00 : f32
      %broadcast_in_dim3A_171 = vector.broadcast %broadcast_in_dim3A_170 : f32 to vector<16xf32>
      %broadcast_in_dim3A_172 = arith.constant 0.000000e+00 : f32
      %broadcast_in_dim3A_173 = vector.broadcast %broadcast_in_dim3A_172 : f32 to vector<16xf32>
      %broadcast_in_dim3A_174 = arith.constant 0.000000e+00 : f32
      %broadcast_in_dim3A_175 = vector.broadcast %broadcast_in_dim3A_174 : f32 to vector<16xf32>
      %broadcast_in_dim3A_176 = arith.constant 0.000000e+00 : f32
      %broadcast_in_dim3A_177 = vector.broadcast %broadcast_in_dim3A_176 : f32 to vector<16xf32>
      %broadcast_in_dim3A_178 = arith.constant 0.000000e+00 : f32
      %broadcast_in_dim3A_179 = vector.broadcast %broadcast_in_dim3A_178 : f32 to vector<16xf32>
      %get3A_180 = arith.constant 0 : i32
      %get3A_181 = arith.constant 0 : i32
      %get3A_182 = tpu.memref_slice %arg6[%scan3A_112, %get3A_180, %get3A_181] : memref<2x32x1000xf32, #tpu.memory_space<vmem>> -> memref<1x32x1000xf32, #tpu.memory_space<vmem>>
      %get3A_183 = tpu.memref_squeeze %get3A_182 : memref<1x32x1000xf32, #tpu.memory_space<vmem>> -> memref<32x1000xf32, #tpu.memory_space<vmem>>
      %get3A_184 = arith.index_cast %scan3A_152 : i32 to index
      %get3A_185 = arith.constant 0 : index
      %get3A_186 = tpu.vector_load %get3A_183[%get3A_184, %get3A_185] {strides = array<i32>} : memref<32x1000xf32, #tpu.memory_space<vmem>>, vector<1x16xf32>,
      %get3A_187 = vector.shape_cast %get3A_186 : vector<1x16xf32> to vector<16xf32>
      %exp3A = math.exp %get3A_187 : vector<16xf32>
      %add3A_188 = arith.addf %broadcast_in_dim3A_169, %exp3A : vector<16xf32>
      %add3A_189 = arith.constant 0 : i32
      %add3A_190 = vector.broadcast %add3A_189 : i32 to vector<16xi32>
      %add3A_191 = arith.addi %iota3A, %add3A_190 : vector<16xi32>
      %eq3A = arith.cmpi eq, %add3A_191, %gather3A_167 : vector<16xi32>
      %jit3A = arith.constant 0.000000e+00 : f32
      %broadcast_in_dim3A_192 = vector.broadcast %jit3A : f32 to vector<16xf32>
      %select_n3A = arith.select %eq3A, %get3A_187, %broadcast_in_dim3A_192 : vector<16xi1>, vector<16xf32>
      %add3A_193 = arith.addf %broadcast_in_dim3A_177, %select_n3A : vector<16xf32>
      %get3A_194 = arith.constant 0 : i32
      %get3A_195 = arith.constant 0 : i32
      %get3A_196 = tpu.memref_slice %arg6[%scan3A_112, %get3A_194, %get3A_195] : memref<2x32x1000xf32, #tpu.memory_space<vmem>> -> memref<1x32x1000xf32, #tpu.memory_space<vmem>>
      %get3A_197 = tpu.memref_squeeze %get3A_196 : memref<1x32x1000xf32, #tpu.memory_space<vmem>> -> memref<32x1000xf32, #tpu.memory_space<vmem>>
      %get3A_198 = arith.index_cast %scan3A_152 : i32 to index
      %get3A_199 = arith.constant 16 : index
      %get3A_200 = tpu.vector_load %get3A_197[%get3A_198, %get3A_199] {strides = array<i32>} : memref<32x1000xf32, #tpu.memory_space<vmem>>, vector<1x16xf32>,
      %get3A_201 = vector.shape_cast %get3A_200 : vector<1x16xf32> to vector<16xf32>
      %exp3A_202 = math.exp %get3A_201 : vector<16xf32>
      %add3A_203 = arith.addf %broadcast_in_dim3A_171, %exp3A_202 : vector<16xf32>
      %add3A_204 = arith.constant 16 : i32
      %add3A_205 = vector.broadcast %add3A_204 : i32 to vector<16xi32>
      %add3A_206 = arith.addi %iota3A, %add3A_205 : vector<16xi32>
      %eq3A_207 = arith.cmpi eq, %add3A_206, %gather3A_167 : vector<16xi32>
      %jit3A_208 = arith.constant 0.000000e+00 : f32
      %broadcast_in_dim3A_209 = vector.broadcast %jit3A_208 : f32 to vector<16xf32>
      %select_n3A_210 = arith.select %eq3A_207, %get3A_201, %broadcast_in_dim3A_209 : vector<16xi1>, vector<16xf32>
      %add3A_211 = arith.addf %broadcast_in_dim3A_179, %select_n3A_210 : vector<16xf32>
      %get3A_212 = arith.constant 0 : i32
      %get3A_213 = arith.constant 0 : i32
      %get3A_214 = tpu.memref_slice %arg6[%scan3A_112, %get3A_212, %get3A_213] : memref<2x32x1000xf32, #tpu.memory_space<vmem>> -> memref<1x32x1000xf32, #tpu.memory_space<vmem>>
      %get3A_215 = tpu.memref_squeeze %get3A_214 : memref<1x32x1000xf32, #tpu.memory_space<vmem>> -> memref<32x1000xf32, #tpu.memory_space<vmem>>
      %get3A_216 = arith.index_cast %scan3A_152 : i32 to index
      %get3A_217 = arith.constant 32 : index
      %get3A_218 = tpu.vector_load %get3A_215[%get3A_216, %get3A_217] {strides = array<i32>} : memref<32x1000xf32, #tpu.memory_space<vmem>>, vector<1x16xf32>,
      %get3A_219 = vector.shape_cast %get3A_218 : vector<1x16xf32> to vector<16xf32>
      %exp3A_220 = math.exp %get3A_219 : vector<16xf32>
      %add3A_221 = arith.addf %broadcast_in_dim3A_173, %exp3A_220 : vector<16xf32>
      %add3A_222 = arith.constant 32 : i32
      %add3A_223 = vector.broadcast %add3A_222 : i32 to vector<16xi32>
      %add3A_224 = arith.addi %iota3A, %add3A_223 : vector<16xi32>
      %eq3A_225 = arith.cmpi eq, %add3A_224, %gather3A_167 : vector<16xi32>
      %jit3A_226 = arith.constant 0.000000e+00 : f32
      %broadcast_in_dim3A_227 = vector.broadcast %jit3A_226 : f32 to vector<16xf32>
      %select_n3A_228 = arith.select %eq3A_225, %get3A_219, %broadcast_in_dim3A_227 : vector<16xi1>, vector<16xf32>
      %add3A_229 = arith.addf %add3A_193, %select_n3A_228 : vector<16xf32>
      %get3A_230 = arith.constant 0 : i32
      %get3A_231 = arith.constant 0 : i32
      %get3A_232 = tpu.memref_slice %arg6[%scan3A_112, %get3A_230, %get3A_231] : memref<2x32x1000xf32, #tpu.memory_space<vmem>> -> memref<1x32x1000xf32, #tpu.memory_space<vmem>>
      %get3A_233 = tpu.memref_squeeze %get3A_232 : memref<1x32x1000xf32, #tpu.memory_space<vmem>> -> memref<32x1000xf32, #tpu.memory_space<vmem>>
      %get3A_234 = arith.index_cast %scan3A_152 : i32 to index
      %get3A_235 = arith.constant 48 : index
      %get3A_236 = tpu.vector_load %get3A_233[%get3A_234, %get3A_235] {strides = array<i32>} : memref<32x1000xf32, #tpu.memory_space<vmem>>, vector<1x16xf32>,
      %get3A_237 = vector.shape_cast %get3A_236 : vector<1x16xf32> to vector<16xf32>
      %exp3A_238 = math.exp %get3A_237 : vector<16xf32>
      %add3A_239 = arith.addf %broadcast_in_dim3A_175, %exp3A_238 : vector<16xf32>
      %add3A_240 = arith.constant 48 : i32
      %add3A_241 = vector.broadcast %add3A_240 : i32 to vector<16xi32>
      %add3A_242 = arith.addi %iota3A, %add3A_241 : vector<16xi32>
      %eq3A_243 = arith.cmpi eq, %add3A_242, %gather3A_167 : vector<16xi32>
      %jit3A_244 = arith.constant 0.000000e+00 : f32
      %broadcast_in_dim3A_245 = vector.broadcast %jit3A_244 : f32 to vector<16xf32>
      %select_n3A_246 = arith.select %eq3A_243, %get3A_237, %broadcast_in_dim3A_245 : vector<16xi1>, vector<16xf32>
      %add3A_247 = arith.addf %add3A_211, %select_n3A_246 : vector<16xf32>
      %get3A_248 = arith.constant 0 : i32
      %get3A_249 = arith.constant 0 : i32
      %get3A_250 = tpu.memref_slice %arg6[%scan3A_112, %get3A_248, %get3A_249] : memref<2x32x1000xf32, #tpu.memory_space<vmem>> -> memref<1x32x1000xf32, #tpu.memory_space<vmem>>
      %get3A_251 = tpu.memref_squeeze %get3A_250 : memref<1x32x1000xf32, #tpu.memory_space<vmem>> -> memref<32x1000xf32, #tpu.memory_space<vmem>>
      %get3A_252 = arith.index_cast %scan3A_152 : i32 to index
      %get3A_253 = arith.constant 64 : index
      %get3A_254 = tpu.vector_load %get3A_251[%get3A_252, %get3A_253] {strides = array<i32>} : memref<32x1000xf32, #tpu.memory_space<vmem>>, vector<1x16xf32>,
      %get3A_255 = vector.shape_cast %get3A_254 : vector<1x16xf32> to vector<16xf32>
      %exp3A_256 = math.exp %get3A_255 : vector<16xf32>
      %add3A_257 = arith.addf %add3A_188, %exp3A_256 : vector<16xf32>
      %add3A_258 = arith.constant 64 : i32
      %add3A_259 = vector.broadcast %add3A_258 : i32 to vector<16xi32>
      %add3A_260 = arith.addi %iota3A, %add3A_259 : vector<16xi32>
      %eq3A_261 = arith.cmpi eq, %add3A_260, %gather3A_167 : vector<16xi32>
      %jit3A_262 = arith.constant 0.000000e+00 : f32
      %broadcast_in_dim3A_263 = vector.broadcast %jit3A_262 : f32 to vector<16xf32>
      %select_n3A_264 = arith.select %eq3A_261, %get3A_255, %broadcast_in_dim3A_263 : vector<16xi1>, vector<16xf32>
      %add3A_265 = arith.addf %add3A_229, %select_n3A_264 : vector<16xf32>
      %get3A_266 = arith.constant 0 : i32
      %get3A_267 = arith.constant 0 : i32
      %get3A_268 = tpu.memref_slice %arg6[%scan3A_112, %get3A_266, %get3A_267] : memref<2x32x1000xf32, #tpu.memory_space<vmem>> -> memref<1x32x1000xf32, #tpu.memory_space<vmem>>
      %get3A_269 = tpu.memref_squeeze %get3A_268 : memref<1x32x1000xf32, #tpu.memory_space<vmem>> -> memref<32x1000xf32, #tpu.memory_space<vmem>>
      %get3A_270 = arith.index_cast %scan3A_152 : i32 to index
      %get3A_271 = arith.constant 80 : index
      %get3A_272 = tpu.vector_load %get3A_269[%get3A_270, %get3A_271] {strides = array<i32>} : memref<32x1000xf32, #tpu.memory_space<vmem>>, vector<1x16xf32>,
      %get3A_273 = vector.shape_cast %get3A_272 : vector<1x16xf32> to vector<16xf32>
      %exp3A_274 = math.exp %get3A_273 : vector<16xf32>
      %add3A_275 = arith.addf %add3A_203, %exp3A_274 : vector<16xf32>
      %add3A_276 = arith.constant 80 : i32
      %add3A_277 = vector.broadcast %add3A_276 : i32 to vector<16xi32>
      %add3A_278 = arith.addi %iota3A, %add3A_277 : vector<16xi32>
      %eq3A_279 = arith.cmpi eq, %add3A_278, %gather3A_167 : vector<16xi32>
      %jit3A_280 = arith.constant 0.000000e+00 : f32
      %broadcast_in_dim3A_281 = vector.broadcast %jit3A_280 : f32 to vector<16xf32>
      %select_n3A_282 = arith.select %eq3A_279, %get3A_273, %broadcast_in_dim3A_281 : vector<16xi1>, vector<16xf32>
      %add3A_283 = arith.addf %add3A_247, %select_n3A_282 : vector<16xf32>
      %get3A_284 = arith.constant 0 : i32
      %get3A_285 = arith.constant 0 : i32
      %get3A_286 = tpu.memref_slice %arg6[%scan3A_112, %get3A_284, %get3A_285] : memref<2x32x1000xf32, #tpu.memory_space<vmem>> -> memref<1x32x1000xf32, #tpu.memory_space<vmem>>
      %get3A_287 = tpu.memref_squeeze %get3A_286 : memref<1x32x1000xf32, #tpu.memory_space<vmem>> -> memref<32x1000xf32, #tpu.memory_space<vmem>>
      %get3A_288 = arith.index_cast %scan3A_152 : i32 to index
      %get3A_289 = arith.constant 96 : index
      %get3A_290 = tpu.vector_load %get3A_287[%get3A_288, %get3A_289] {strides = array<i32>} : memref<32x1000xf32, #tpu.memory_space<vmem>>, vector<1x16xf32>,
      %get3A_291 = vector.shape_cast %get3A_290 : vector<1x16xf32> to vector<16xf32>
      %exp3A_292 = math.exp %get3A_291 : vector<16xf32>
      %add3A_293 = arith.addf %add3A_221, %exp3A_292 : vector<16xf32>
      %add3A_294 = arith.constant 96 : i32
      %add3A_295 = vector.broadcast %add3A_294 : i32 to vector<16xi32>
      %add3A_296 = arith.addi %iota3A, %add3A_295 : vector<16xi32>
      %eq3A_297 = arith.cmpi eq, %add3A_296, %gather3A_167 : vector<16xi32>
      %jit3A_298 = arith.constant 0.000000e+00 : f32
      %broadcast_in_dim3A_299 = vector.broadcast %jit3A_298 : f32 to vector<16xf32>
      %select_n3A_300 = arith.select %eq3A_297, %get3A_291, %broadcast_in_dim3A_299 : vector<16xi1>, vector<16xf32>
      %add3A_301 = arith.addf %add3A_265, %select_n3A_300 : vector<16xf32>
      %get3A_302 = arith.constant 0 : i32
      %get3A_303 = arith.constant 0 : i32
      %get3A_304 = tpu.memref_slice %arg6[%scan3A_112, %get3A_302, %get3A_303] : memref<2x32x1000xf32, #tpu.memory_space<vmem>> -> memref<1x32x1000xf32, #tpu.memory_space<vmem>>
      %get3A_305 = tpu.memref_squeeze %get3A_304 : memref<1x32x1000xf32, #tpu.memory_space<vmem>> -> memref<32x1000xf32, #tpu.memory_space<vmem>>
      %get3A_306 = arith.index_cast %scan3A_152 : i32 to index
      %get3A_307 = arith.constant 112 : index
      %get3A_308 = tpu.vector_load %get3A_305[%get3A_306, %get3A_307] {strides = array<i32>} : memref<32x1000xf32, #tpu.memory_space<vmem>>, vector<1x16xf32>,
      %get3A_309 = vector.shape_cast %get3A_308 : vector<1x16xf32> to vector<16xf32>
      %exp3A_310 = math.exp %get3A_309 : vector<16xf32>
      %add3A_311 = arith.addf %add3A_239, %exp3A_310 : vector<16xf32>
      %add3A_312 = arith.constant 112 : i32
      %add3A_313 = vector.broadcast %add3A_312 : i32 to vector<16xi32>
      %add3A_314 = arith.addi %iota3A, %add3A_313 : vector<16xi32>
      %eq3A_315 = arith.cmpi eq, %add3A_314, %gather3A_167 : vector<16xi32>
      %jit3A_316 = arith.constant 0.000000e+00 : f32
      %broadcast_in_dim3A_317 = vector.broadcast %jit3A_316 : f32 to vector<16xf32>
      %select_n3A_318 = arith.select %eq3A_315, %get3A_309, %broadcast_in_dim3A_317 : vector<16xi1>, vector<16xf32>
      %add3A_319 = arith.addf %add3A_283, %select_n3A_318 : vector<16xf32>
      %get3A_320 = arith.constant 0 : i32
      %get3A_321 = arith.constant 0 : i32
      %get3A_322 = tpu.memref_slice %arg6[%scan3A_112, %get3A_320, %get3A_321] : memref<2x32x1000xf32, #tpu.memory_space<vmem>> -> memref<1x32x1000xf32, #tpu.memory_space<vmem>>
      %get3A_323 = tpu.memref_squeeze %get3A_322 : memref<1x32x1000xf32, #tpu.memory_space<vmem>> -> memref<32x1000xf32, #tpu.memory_space<vmem>>
      %get3A_324 = arith.index_cast %scan3A_152 : i32 to index
      %get3A_325 = arith.constant 128 : index
      %get3A_326 = tpu.vector_load %get3A_323[%get3A_324, %get3A_325] {strides = array<i32>} : memref<32x1000xf32, #tpu.memory_space<vmem>>, vector<1x16xf32>,
      %get3A_327 = vector.shape_cast %get3A_326 : vector<1x16xf32> to vector<16xf32>
      %exp3A_328 = math.exp %get3A_327 : vector<16xf32>
      %add3A_329 = arith.addf %add3A_257, %exp3A_328 : vector<16xf32>
      %add3A_330 = arith.constant 128 : i32
      %add3A_331 = vector.broadcast %add3A_330 : i32 to vector<16xi32>
      %add3A_332 = arith.addi %iota3A, %add3A_331 : vector<16xi32>
      %eq3A_333 = arith.cmpi eq, %add3A_332, %gather3A_167 : vector<16xi32>
      %jit3A_334 = arith.constant 0.000000e+00 : f32
      %broadcast_in_dim3A_335 = vector.broadcast %jit3A_334 : f32 to vector<16xf32>
      %select_n3A_336 = arith.select %eq3A_333, %get3A_327, %broadcast_in_dim3A_335 : vector<16xi1>, vector<16xf32>
      %add3A_337 = arith.addf %add3A_301, %select_n3A_336 : vector<16xf32>
      %get3A_338 = arith.constant 0 : i32
      %get3A_339 = arith.constant 0 : i32
      %get3A_340 = tpu.memref_slice %arg6[%scan3A_112, %get3A_338, %get3A_339] : memref<2x32x1000xf32, #tpu.memory_space<vmem>> -> memref<1x32x1000xf32, #tpu.memory_space<vmem>>
      %get3A_341 = tpu.memref_squeeze %get3A_340 : memref<1x32x1000xf32, #tpu.memory_space<vmem>> -> memref<32x1000xf32, #tpu.memory_space<vmem>>
      %get3A_342 = arith.index_cast %scan3A_152 : i32 to index
      %get3A_343 = arith.constant 144 : index
      %get3A_344 = tpu.vector_load %get3A_341[%get3A_342, %get3A_343] {strides = array<i32>} : memref<32x1000xf32, #tpu.memory_space<vmem>>, vector<1x16xf32>,
      %get3A_345 = vector.shape_cast %get3A_344 : vector<1x16xf32> to vector<16xf32>
      %exp3A_346 = math.exp %get3A_345 : vector<16xf32>
      %add3A_347 = arith.addf %add3A_275, %exp3A_346 : vector<16xf32>
      %add3A_348 = arith.constant 144 : i32
      %add3A_349 = vector.broadcast %add3A_348 : i32 to vector<16xi32>
      %add3A_350 = arith.addi %iota3A, %add3A_349 : vector<16xi32>
      %eq3A_351 = arith.cmpi eq, %add3A_350, %gather3A_167 : vector<16xi32>
      %jit3A_352 = arith.constant 0.000000e+00 : f32
      %broadcast_in_dim3A_353 = vector.broadcast %jit3A_352 : f32 to vector<16xf32>
      %select_n3A_354 = arith.select %eq3A_351, %get3A_345, %broadcast_in_dim3A_353 : vector<16xi1>, vector<16xf32>
      %add3A_355 = arith.addf %add3A_319, %select_n3A_354 : vector<16xf32>
      %get3A_356 = arith.constant 0 : i32
      %get3A_357 = arith.constant 0 : i32
      %get3A_358 = tpu.memref_slice %arg6[%scan3A_112, %get3A_356, %get3A_357] : memref<2x32x1000xf32, #tpu.memory_space<vmem>> -> memref<1x32x1000xf32, #tpu.memory_space<vmem>>
      %get3A_359 = tpu.memref_squeeze %get3A_358 : memref<1x32x1000xf32, #tpu.memory_space<vmem>> -> memref<32x1000xf32, #tpu.memory_space<vmem>>
      %get3A_360 = arith.index_cast %scan3A_152 : i32 to index
      %get3A_361 = arith.constant 160 : index
      %get3A_362 = tpu.vector_load %get3A_359[%get3A_360, %get3A_361] {strides = array<i32>} : memref<32x1000xf32, #tpu.memory_space<vmem>>, vector<1x16xf32>,
      %get3A_363 = vector.shape_cast %get3A_362 : vector<1x16xf32> to vector<16xf32>
      %exp3A_364 = math.exp %get3A_363 : vector<16xf32>
      %add3A_365 = arith.addf %add3A_293, %exp3A_364 : vector<16xf32>
      %add3A_366 = arith.constant 160 : i32
      %add3A_367 = vector.broadcast %add3A_366 : i32 to vector<16xi32>
      %add3A_368 = arith.addi %iota3A, %add3A_367 : vector<16xi32>
      %eq3A_369 = arith.cmpi eq, %add3A_368, %gather3A_167 : vector<16xi32>
      %jit3A_370 = arith.constant 0.000000e+00 : f32
      %broadcast_in_dim3A_371 = vector.broadcast %jit3A_370 : f32 to vector<16xf32>
      %select_n3A_372 = arith.select %eq3A_369, %get3A_363, %broadcast_in_dim3A_371 : vector<16xi1>, vector<16xf32>
      %add3A_373 = arith.addf %add3A_337, %select_n3A_372 : vector<16xf32>
      %get3A_374 = arith.constant 0 : i32
      %get3A_375 = arith.constant 0 : i32
      %get3A_376 = tpu.memref_slice %arg6[%scan3A_112, %get3A_374, %get3A_375] : memref<2x32x1000xf32, #tpu.memory_space<vmem>> -> memref<1x32x1000xf32, #tpu.memory_space<vmem>>
      %get3A_377 = tpu.memref_squeeze %get3A_376 : memref<1x32x1000xf32, #tpu.memory_space<vmem>> -> memref<32x1000xf32, #tpu.memory_space<vmem>>
      %get3A_378 = arith.index_cast %scan3A_152 : i32 to index
      %get3A_379 = arith.constant 176 : index
      %get3A_380 = tpu.vector_load %get3A_377[%get3A_378, %get3A_379] {strides = array<i32>} : memref<32x1000xf32, #tpu.memory_space<vmem>>, vector<1x16xf32>,
      %get3A_381 = vector.shape_cast %get3A_380 : vector<1x16xf32> to vector<16xf32>
      %exp3A_382 = math.exp %get3A_381 : vector<16xf32>
      %add3A_383 = arith.addf %add3A_311, %exp3A_382 : vector<16xf32>
      %add3A_384 = arith.constant 176 : i32
      %add3A_385 = vector.broadcast %add3A_384 : i32 to vector<16xi32>
      %add3A_386 = arith.addi %iota3A, %add3A_385 : vector<16xi32>
      %eq3A_387 = arith.cmpi eq, %add3A_386, %gather3A_167 : vector<16xi32>
      %jit3A_388 = arith.constant 0.000000e+00 : f32
      %broadcast_in_dim3A_389 = vector.broadcast %jit3A_388 : f32 to vector<16xf32>
      %select_n3A_390 = arith.select %eq3A_387, %get3A_381, %broadcast_in_dim3A_389 : vector<16xi1>, vector<16xf32>
      %add3A_391 = arith.addf %add3A_355, %select_n3A_390 : vector<16xf32>
      %get3A_392 = arith.constant 0 : i32
      %get3A_393 = arith.constant 0 : i32
      %get3A_394 = tpu.memref_slice %arg6[%scan3A_112, %get3A_392, %get3A_393] : memref<2x32x1000xf32, #tpu.memory_space<vmem>> -> memref<1x32x1000xf32, #tpu.memory_space<vmem>>
      %get3A_395 = tpu.memref_squeeze %get3A_394 : memref<1x32x1000xf32, #tpu.memory_space<vmem>> -> memref<32x1000xf32, #tpu.memory_space<vmem>>
      %get3A_396 = arith.index_cast %scan3A_152 : i32 to index
      %get3A_397 = arith.constant 192 : index
      %get3A_398 = tpu.vector_load %get3A_395[%get3A_396, %get3A_397] {strides = array<i32>} : memref<32x1000xf32, #tpu.memory_space<vmem>>, vector<1x16xf32>,
      %get3A_399 = vector.shape_cast %get3A_398 : vector<1x16xf32> to vector<16xf32>
      %exp3A_400 = math.exp %get3A_399 : vector<16xf32>
      %add3A_401 = arith.addf %add3A_329, %exp3A_400 : vector<16xf32>
      %add3A_402 = arith.constant 192 : i32
      %add3A_403 = vector.broadcast %add3A_402 : i32 to vector<16xi32>
      %add3A_404 = arith.addi %iota3A, %add3A_403 : vector<16xi32>
      %eq3A_405 = arith.cmpi eq, %add3A_404, %gather3A_167 : vector<16xi32>
      %jit3A_406 = arith.constant 0.000000e+00 : f32
      %broadcast_in_dim3A_407 = vector.broadcast %jit3A_406 : f32 to vector<16xf32>
      %select_n3A_408 = arith.select %eq3A_405, %get3A_399, %broadcast_in_dim3A_407 : vector<16xi1>, vector<16xf32>
      %add3A_409 = arith.addf %add3A_373, %select_n3A_408 : vector<16xf32>
      %get3A_410 = arith.constant 0 : i32
      %get3A_411 = arith.constant 0 : i32
      %get3A_412 = tpu.memref_slice %arg6[%scan3A_112, %get3A_410, %get3A_411] : memref<2x32x1000xf32, #tpu.memory_space<vmem>> -> memref<1x32x1000xf32, #tpu.memory_space<vmem>>
      %get3A_413 = tpu.memref_squeeze %get3A_412 : memref<1x32x1000xf32, #tpu.memory_space<vmem>> -> memref<32x1000xf32, #tpu.memory_space<vmem>>
      %get3A_414 = arith.index_cast %scan3A_152 : i32 to index
      %get3A_415 = arith.constant 208 : index
      %get3A_416 = tpu.vector_load %get3A_413[%get3A_414, %get3A_415] {strides = array<i32>} : memref<32x1000xf32, #tpu.memory_space<vmem>>, vector<1x16xf32>,
      %get3A_417 = vector.shape_cast %get3A_416 : vector<1x16xf32> to vector<16xf32>
      %exp3A_418 = math.exp %get3A_417 : vector<16xf32>
      %add3A_419 = arith.addf %add3A_347, %exp3A_418 : vector<16xf32>
      %add3A_420 = arith.constant 208 : i32
      %add3A_421 = vector.broadcast %add3A_420 : i32 to vector<16xi32>
      %add3A_422 = arith.addi %iota3A, %add3A_421 : vector<16xi32>
      %eq3A_423 = arith.cmpi eq, %add3A_422, %gather3A_167 : vector<16xi32>
      %jit3A_424 = arith.constant 0.000000e+00 : f32
      %broadcast_in_dim3A_425 = vector.broadcast %jit3A_424 : f32 to vector<16xf32>
      %select_n3A_426 = arith.select %eq3A_423, %get3A_417, %broadcast_in_dim3A_425 : vector<16xi1>, vector<16xf32>
      %add3A_427 = arith.addf %add3A_391, %select_n3A_426 : vector<16xf32>
      %get3A_428 = arith.constant 0 : i32
      %get3A_429 = arith.constant 0 : i32
      %get3A_430 = tpu.memref_slice %arg6[%scan3A_112, %get3A_428, %get3A_429] : memref<2x32x1000xf32, #tpu.memory_space<vmem>> -> memref<1x32x1000xf32, #tpu.memory_space<vmem>>
      %get3A_431 = tpu.memref_squeeze %get3A_430 : memref<1x32x1000xf32, #tpu.memory_space<vmem>> -> memref<32x1000xf32, #tpu.memory_space<vmem>>
      %get3A_432 = arith.index_cast %scan3A_152 : i32 to index
      %get3A_433 = arith.constant 224 : index
      %get3A_434 = tpu.vector_load %get3A_431[%get3A_432, %get3A_433] {strides = array<i32>} : memref<32x1000xf32, #tpu.memory_space<vmem>>, vector<1x16xf32>,
      %get3A_435 = vector.shape_cast %get3A_434 : vector<1x16xf32> to vector<16xf32>
      %exp3A_436 = math.exp %get3A_435 : vector<16xf32>
      %add3A_437 = arith.addf %add3A_365, %exp3A_436 : vector<16xf32>
      %add3A_438 = arith.constant 224 : i32
      %add3A_439 = vector.broadcast %add3A_438 : i32 to vector<16xi32>
      %add3A_440 = arith.addi %iota3A, %add3A_439 : vector<16xi32>
      %eq3A_441 = arith.cmpi eq, %add3A_440, %gather3A_167 : vector<16xi32>
      %jit3A_442 = arith.constant 0.000000e+00 : f32
      %broadcast_in_dim3A_443 = vector.broadcast %jit3A_442 : f32 to vector<16xf32>
      %select_n3A_444 = arith.select %eq3A_441, %get3A_435, %broadcast_in_dim3A_443 : vector<16xi1>, vector<16xf32>
      %add3A_445 = arith.addf %add3A_409, %select_n3A_444 : vector<16xf32>
      %get3A_446 = arith.constant 0 : i32
      %get3A_447 = arith.constant 0 : i32
      %get3A_448 = tpu.memref_slice %arg6[%scan3A_112, %get3A_446, %get3A_447] : memref<2x32x1000xf32, #tpu.memory_space<vmem>> -> memref<1x32x1000xf32, #tpu.memory_space<vmem>>
      %get3A_449 = tpu.memref_squeeze %get3A_448 : memref<1x32x1000xf32, #tpu.memory_space<vmem>> -> memref<32x1000xf32, #tpu.memory_space<vmem>>
      %get3A_450 = arith.index_cast %scan3A_152 : i32 to index
      %get3A_451 = arith.constant 240 : index
      %get3A_452 = tpu.vector_load %get3A_449[%get3A_450, %get3A_451] {strides = array<i32>} : memref<32x1000xf32, #tpu.memory_space<vmem>>, vector<1x16xf32>,
      %get3A_453 = vector.shape_cast %get3A_452 : vector<1x16xf32> to vector<16xf32>
      %exp3A_454 = math.exp %get3A_453 : vector<16xf32>
      %add3A_455 = arith.addf %add3A_383, %exp3A_454 : vector<16xf32>
      %add3A_456 = arith.constant 240 : i32
      %add3A_457 = vector.broadcast %add3A_456 : i32 to vector<16xi32>
      %add3A_458 = arith.addi %iota3A, %add3A_457 : vector<16xi32>
      %eq3A_459 = arith.cmpi eq, %add3A_458, %gather3A_167 : vector<16xi32>
      %jit3A_460 = arith.constant 0.000000e+00 : f32
      %broadcast_in_dim3A_461 = vector.broadcast %jit3A_460 : f32 to vector<16xf32>
      %select_n3A_462 = arith.select %eq3A_459, %get3A_453, %broadcast_in_dim3A_461 : vector<16xi1>, vector<16xf32>
      %add3A_463 = arith.addf %add3A_427, %select_n3A_462 : vector<16xf32>
      %get3A_464 = arith.constant 0 : i32
      %get3A_465 = arith.constant 0 : i32
      %get3A_466 = tpu.memref_slice %arg6[%scan3A_112, %get3A_464, %get3A_465] : memref<2x32x1000xf32, #tpu.memory_space<vmem>> -> memref<1x32x1000xf32, #tpu.memory_space<vmem>>
      %get3A_467 = tpu.memref_squeeze %get3A_466 : memref<1x32x1000xf32, #tpu.memory_space<vmem>> -> memref<32x1000xf32, #tpu.memory_space<vmem>>
      %get3A_468 = arith.index_cast %scan3A_152 : i32 to index
      %get3A_469 = arith.constant 256 : index
      %get3A_470 = tpu.vector_load %get3A_467[%get3A_468, %get3A_469] {strides = array<i32>} : memref<32x1000xf32, #tpu.memory_space<vmem>>, vector<1x16xf32>,
      %get3A_471 = vector.shape_cast %get3A_470 : vector<1x16xf32> to vector<16xf32>
      %exp3A_472 = math.exp %get3A_471 : vector<16xf32>
      %add3A_473 = arith.addf %add3A_401, %exp3A_472 : vector<16xf32>
      %add3A_474 = arith.constant 256 : i32
      %add3A_475 = vector.broadcast %add3A_474 : i32 to vector<16xi32>
      %add3A_476 = arith.addi %iota3A, %add3A_475 : vector<16xi32>
      %eq3A_477 = arith.cmpi eq, %add3A_476, %gather3A_167 : vector<16xi32>
      %jit3A_478 = arith.constant 0.000000e+00 : f32
      %broadcast_in_dim3A_479 = vector.broadcast %jit3A_478 : f32 to vector<16xf32>
      %select_n3A_480 = arith.select %eq3A_477, %get3A_471, %broadcast_in_dim3A_479 : vector<16xi1>, vector<16xf32>
      %add3A_481 = arith.addf %add3A_445, %select_n3A_480 : vector<16xf32>
      %get3A_482 = arith.constant 0 : i32
      %get3A_483 = arith.constant 0 : i32
      %get3A_484 = tpu.memref_slice %arg6[%scan3A_112, %get3A_482, %get3A_483] : memref<2x32x1000xf32, #tpu.memory_space<vmem>> -> memref<1x32x1000xf32, #tpu.memory_space<vmem>>
      %get3A_485 = tpu.memref_squeeze %get3A_484 : memref<1x32x1000xf32, #tpu.memory_space<vmem>> -> memref<32x1000xf32, #tpu.memory_space<vmem>>
      %get3A_486 = arith.index_cast %scan3A_152 : i32 to index
      %get3A_487 = arith.constant 272 : index
      %get3A_488 = tpu.vector_load %get3A_485[%get3A_486, %get3A_487] {strides = array<i32>} : memref<32x1000xf32, #tpu.memory_space<vmem>>, vector<1x16xf32>,
      %get3A_489 = vector.shape_cast %get3A_488 : vector<1x16xf32> to vector<16xf32>
      %exp3A_490 = math.exp %get3A_489 : vector<16xf32>
      %add3A_491 = arith.addf %add3A_419, %exp3A_490 : vector<16xf32>
      %add3A_492 = arith.constant 272 : i32
      %add3A_493 = vector.broadcast %add3A_492 : i32 to vector<16xi32>
      %add3A_494 = arith.addi %iota3A, %add3A_493 : vector<16xi32>
      %eq3A_495 = arith.cmpi eq, %add3A_494, %gather3A_167 : vector<16xi32>
      %jit3A_496 = arith.constant 0.000000e+00 : f32
      %broadcast_in_dim3A_497 = vector.broadcast %jit3A_496 : f32 to vector<16xf32>
      %select_n3A_498 = arith.select %eq3A_495, %get3A_489, %broadcast_in_dim3A_497 : vector<16xi1>, vector<16xf32>
      %add3A_499 = arith.addf %add3A_463, %select_n3A_498 : vector<16xf32>
      %get3A_500 = arith.constant 0 : i32
      %get3A_501 = arith.constant 0 : i32
      %get3A_502 = tpu.memref_slice %arg6[%scan3A_112, %get3A_500, %get3A_501] : memref<2x32x1000xf32, #tpu.memory_space<vmem>> -> memref<1x32x1000xf32, #tpu.memory_space<vmem>>
      %get3A_503 = tpu.memref_squeeze %get3A_502 : memref<1x32x1000xf32, #tpu.memory_space<vmem>> -> memref<32x1000xf32, #tpu.memory_space<vmem>>
      %get3A_504 = arith.index_cast %scan3A_152 : i32 to index
      %get3A_505 = arith.constant 288 : index
      %get3A_506 = tpu.vector_load %get3A_503[%get3A_504, %get3A_505] {strides = array<i32>} : memref<32x1000xf32, #tpu.memory_space<vmem>>, vector<1x16xf32>,
      %get3A_507 = vector.shape_cast %get3A_506 : vector<1x16xf32> to vector<16xf32>
      %exp3A_508 = math.exp %get3A_507 : vector<16xf32>
      %add3A_509 = arith.addf %add3A_437, %exp3A_508 : vector<16xf32>
      %add3A_510 = arith.constant 288 : i32
      %add3A_511 = vector.broadcast %add3A_510 : i32 to vector<16xi32>
      %add3A_512 = arith.addi %iota3A, %add3A_511 : vector<16xi32>
      %eq3A_513 = arith.cmpi eq, %add3A_512, %gather3A_167 : vector<16xi32>
      %jit3A_514 = arith.constant 0.000000e+00 : f32
      %broadcast_in_dim3A_515 = vector.broadcast %jit3A_514 : f32 to vector<16xf32>
      %select_n3A_516 = arith.select %eq3A_513, %get3A_507, %broadcast_in_dim3A_515 : vector<16xi1>, vector<16xf32>
      %add3A_517 = arith.addf %add3A_481, %select_n3A_516 : vector<16xf32>
      %get3A_518 = arith.constant 0 : i32
      %get3A_519 = arith.constant 0 : i32
      %get3A_520 = tpu.memref_slice %arg6[%scan3A_112, %get3A_518, %get3A_519] : memref<2x32x1000xf32, #tpu.memory_space<vmem>> -> memref<1x32x1000xf32, #tpu.memory_space<vmem>>
      %get3A_521 = tpu.memref_squeeze %get3A_520 : memref<1x32x1000xf32, #tpu.memory_space<vmem>> -> memref<32x1000xf32, #tpu.memory_space<vmem>>
      %get3A_522 = arith.index_cast %scan3A_152 : i32 to index
      %get3A_523 = arith.constant 304 : index
      %get3A_524 = tpu.vector_load %get3A_521[%get3A_522, %get3A_523] {strides = array<i32>} : memref<32x1000xf32, #tpu.memory_space<vmem>>, vector<1x16xf32>,
      %get3A_525 = vector.shape_cast %get3A_524 : vector<1x16xf32> to vector<16xf32>
      %exp3A_526 = math.exp %get3A_525 : vector<16xf32>
      %add3A_527 = arith.addf %add3A_455, %exp3A_526 : vector<16xf32>
      %add3A_528 = arith.constant 304 : i32
      %add3A_529 = vector.broadcast %add3A_528 : i32 to vector<16xi32>
      %add3A_530 = arith.addi %iota3A, %add3A_529 : vector<16xi32>
      %eq3A_531 = arith.cmpi eq, %add3A_530, %gather3A_167 : vector<16xi32>
      %jit3A_532 = arith.constant 0.000000e+00 : f32
      %broadcast_in_dim3A_533 = vector.broadcast %jit3A_532 : f32 to vector<16xf32>
      %select_n3A_534 = arith.select %eq3A_531, %get3A_525, %broadcast_in_dim3A_533 : vector<16xi1>, vector<16xf32>
      %add3A_535 = arith.addf %add3A_499, %select_n3A_534 : vector<16xf32>
      %get3A_536 = arith.constant 0 : i32
      %get3A_537 = arith.constant 0 : i32
      %get3A_538 = tpu.memref_slice %arg6[%scan3A_112, %get3A_536, %get3A_537] : memref<2x32x1000xf32, #tpu.memory_space<vmem>> -> memref<1x32x1000xf32, #tpu.memory_space<vmem>>
      %get3A_539 = tpu.memref_squeeze %get3A_538 : memref<1x32x1000xf32, #tpu.memory_space<vmem>> -> memref<32x1000xf32, #tpu.memory_space<vmem>>
      %get3A_540 = arith.index_cast %scan3A_152 : i32 to index
      %get3A_541 = arith.constant 320 : index
      %get3A_542 = tpu.vector_load %get3A_539[%get3A_540, %get3A_541] {strides = array<i32>} : memref<32x1000xf32, #tpu.memory_space<vmem>>, vector<1x16xf32>,
      %get3A_543 = vector.shape_cast %get3A_542 : vector<1x16xf32> to vector<16xf32>
      %exp3A_544 = math.exp %get3A_543 : vector<16xf32>
      %add3A_545 = arith.addf %add3A_473, %exp3A_544 : vector<16xf32>
      %add3A_546 = arith.constant 320 : i32
      %add3A_547 = vector.broadcast %add3A_546 : i32 to vector<16xi32>
      %add3A_548 = arith.addi %iota3A, %add3A_547 : vector<16xi32>
      %eq3A_549 = arith.cmpi eq, %add3A_548, %gather3A_167 : vector<16xi32>
      %jit3A_550 = arith.constant 0.000000e+00 : f32
      %broadcast_in_dim3A_551 = vector.broadcast %jit3A_550 : f32 to vector<16xf32>
      %select_n3A_552 = arith.select %eq3A_549, %get3A_543, %broadcast_in_dim3A_551 : vector<16xi1>, vector<16xf32>
      %add3A_553 = arith.addf %add3A_517, %select_n3A_552 : vector<16xf32>
      %get3A_554 = arith.constant 0 : i32
      %get3A_555 = arith.constant 0 : i32
      %get3A_556 = tpu.memref_slice %arg6[%scan3A_112, %get3A_554, %get3A_555] : memref<2x32x1000xf32, #tpu.memory_space<vmem>> -> memref<1x32x1000xf32, #tpu.memory_space<vmem>>
      %get3A_557 = tpu.memref_squeeze %get3A_556 : memref<1x32x1000xf32, #tpu.memory_space<vmem>> -> memref<32x1000xf32, #tpu.memory_space<vmem>>
      %get3A_558 = arith.index_cast %scan3A_152 : i32 to index
      %get3A_559 = arith.constant 336 : index
      %get3A_560 = tpu.vector_load %get3A_557[%get3A_558, %get3A_559] {strides = array<i32>} : memref<32x1000xf32, #tpu.memory_space<vmem>>, vector<1x16xf32>,
      %get3A_561 = vector.shape_cast %get3A_560 : vector<1x16xf32> to vector<16xf32>
      %exp3A_562 = math.exp %get3A_561 : vector<16xf32>
      %add3A_563 = arith.addf %add3A_491, %exp3A_562 : vector<16xf32>
      %add3A_564 = arith.constant 336 : i32
      %add3A_565 = vector.broadcast %add3A_564 : i32 to vector<16xi32>
      %add3A_566 = arith.addi %iota3A, %add3A_565 : vector<16xi32>
      %eq3A_567 = arith.cmpi eq, %add3A_566, %gather3A_167 : vector<16xi32>
      %jit3A_568 = arith.constant 0.000000e+00 : f32
      %broadcast_in_dim3A_569 = vector.broadcast %jit3A_568 : f32 to vector<16xf32>
      %select_n3A_570 = arith.select %eq3A_567, %get3A_561, %broadcast_in_dim3A_569 : vector<16xi1>, vector<16xf32>
      %add3A_571 = arith.addf %add3A_535, %select_n3A_570 : vector<16xf32>
      %get3A_572 = arith.constant 0 : i32
      %get3A_573 = arith.constant 0 : i32
      %get3A_574 = tpu.memref_slice %arg6[%scan3A_112, %get3A_572, %get3A_573] : memref<2x32x1000xf32, #tpu.memory_space<vmem>> -> memref<1x32x1000xf32, #tpu.memory_space<vmem>>
      %get3A_575 = tpu.memref_squeeze %get3A_574 : memref<1x32x1000xf32, #tpu.memory_space<vmem>> -> memref<32x1000xf32, #tpu.memory_space<vmem>>
      %get3A_576 = arith.index_cast %scan3A_152 : i32 to index
      %get3A_577 = arith.constant 352 : index
      %get3A_578 = tpu.vector_load %get3A_575[%get3A_576, %get3A_577] {strides = array<i32>} : memref<32x1000xf32, #tpu.memory_space<vmem>>, vector<1x16xf32>,
      %get3A_579 = vector.shape_cast %get3A_578 : vector<1x16xf32> to vector<16xf32>
      %exp3A_580 = math.exp %get3A_579 : vector<16xf32>
      %add3A_581 = arith.addf %add3A_509, %exp3A_580 : vector<16xf32>
      %add3A_582 = arith.constant 352 : i32
      %add3A_583 = vector.broadcast %add3A_582 : i32 to vector<16xi32>
      %add3A_584 = arith.addi %iota3A, %add3A_583 : vector<16xi32>
      %eq3A_585 = arith.cmpi eq, %add3A_584, %gather3A_167 : vector<16xi32>
      %jit3A_586 = arith.constant 0.000000e+00 : f32
      %broadcast_in_dim3A_587 = vector.broadcast %jit3A_586 : f32 to vector<16xf32>
      %select_n3A_588 = arith.select %eq3A_585, %get3A_579, %broadcast_in_dim3A_587 : vector<16xi1>, vector<16xf32>
      %add3A_589 = arith.addf %add3A_553, %select_n3A_588 : vector<16xf32>
      %get3A_590 = arith.constant 0 : i32
      %get3A_591 = arith.constant 0 : i32
      %get3A_592 = tpu.memref_slice %arg6[%scan3A_112, %get3A_590, %get3A_591] : memref<2x32x1000xf32, #tpu.memory_space<vmem>> -> memref<1x32x1000xf32, #tpu.memory_space<vmem>>
      %get3A_593 = tpu.memref_squeeze %get3A_592 : memref<1x32x1000xf32, #tpu.memory_space<vmem>> -> memref<32x1000xf32, #tpu.memory_space<vmem>>
      %get3A_594 = arith.index_cast %scan3A_152 : i32 to index
      %get3A_595 = arith.constant 368 : index
      %get3A_596 = tpu.vector_load %get3A_593[%get3A_594, %get3A_595] {strides = array<i32>} : memref<32x1000xf32, #tpu.memory_space<vmem>>, vector<1x16xf32>,
      %get3A_597 = vector.shape_cast %get3A_596 : vector<1x16xf32> to vector<16xf32>
      %exp3A_598 = math.exp %get3A_597 : vector<16xf32>
      %add3A_599 = arith.addf %add3A_527, %exp3A_598 : vector<16xf32>
      %add3A_600 = arith.constant 368 : i32
      %add3A_601 = vector.broadcast %add3A_600 : i32 to vector<16xi32>
      %add3A_602 = arith.addi %iota3A, %add3A_601 : vector<16xi32>
      %eq3A_603 = arith.cmpi eq, %add3A_602, %gather3A_167 : vector<16xi32>
      %jit3A_604 = arith.constant 0.000000e+00 : f32
      %broadcast_in_dim3A_605 = vector.broadcast %jit3A_604 : f32 to vector<16xf32>
      %select_n3A_606 = arith.select %eq3A_603, %get3A_597, %broadcast_in_dim3A_605 : vector<16xi1>, vector<16xf32>
      %add3A_607 = arith.addf %add3A_571, %select_n3A_606 : vector<16xf32>
      %get3A_608 = arith.constant 0 : i32
      %get3A_609 = arith.constant 0 : i32
      %get3A_610 = tpu.memref_slice %arg6[%scan3A_112, %get3A_608, %get3A_609] : memref<2x32x1000xf32, #tpu.memory_space<vmem>> -> memref<1x32x1000xf32, #tpu.memory_space<vmem>>
      %get3A_611 = tpu.memref_squeeze %get3A_610 : memref<1x32x1000xf32, #tpu.memory_space<vmem>> -> memref<32x1000xf32, #tpu.memory_space<vmem>>
      %get3A_612 = arith.index_cast %scan3A_152 : i32 to index
      %get3A_613 = arith.constant 384 : index
      %get3A_614 = tpu.vector_load %get3A_611[%get3A_612, %get3A_613] {strides = array<i32>} : memref<32x1000xf32, #tpu.memory_space<vmem>>, vector<1x16xf32>,
      %get3A_615 = vector.shape_cast %get3A_614 : vector<1x16xf32> to vector<16xf32>
      %exp3A_616 = math.exp %get3A_615 : vector<16xf32>
      %add3A_617 = arith.addf %add3A_545, %exp3A_616 : vector<16xf32>
      %add3A_618 = arith.constant 384 : i32
      %add3A_619 = vector.broadcast %add3A_618 : i32 to vector<16xi32>
      %add3A_620 = arith.addi %iota3A, %add3A_619 : vector<16xi32>
      %eq3A_621 = arith.cmpi eq, %add3A_620, %gather3A_167 : vector<16xi32>
      %jit3A_622 = arith.constant 0.000000e+00 : f32
      %broadcast_in_dim3A_623 = vector.broadcast %jit3A_622 : f32 to vector<16xf32>
      %select_n3A_624 = arith.select %eq3A_621, %get3A_615, %broadcast_in_dim3A_623 : vector<16xi1>, vector<16xf32>
      %add3A_625 = arith.addf %add3A_589, %select_n3A_624 : vector<16xf32>
      %get3A_626 = arith.constant 0 : i32
      %get3A_627 = arith.constant 0 : i32
      %get3A_628 = tpu.memref_slice %arg6[%scan3A_112, %get3A_626, %get3A_627] : memref<2x32x1000xf32, #tpu.memory_space<vmem>> -> memref<1x32x1000xf32, #tpu.memory_space<vmem>>
      %get3A_629 = tpu.memref_squeeze %get3A_628 : memref<1x32x1000xf32, #tpu.memory_space<vmem>> -> memref<32x1000xf32, #tpu.memory_space<vmem>>
      %get3A_630 = arith.index_cast %scan3A_152 : i32 to index
      %get3A_631 = arith.constant 400 : index
      %get3A_632 = tpu.vector_load %get3A_629[%get3A_630, %get3A_631] {strides = array<i32>} : memref<32x1000xf32, #tpu.memory_space<vmem>>, vector<1x16xf32>,
      %get3A_633 = vector.shape_cast %get3A_632 : vector<1x16xf32> to vector<16xf32>
      %exp3A_634 = math.exp %get3A_633 : vector<16xf32>
      %add3A_635 = arith.addf %add3A_563, %exp3A_634 : vector<16xf32>
      %add3A_636 = arith.constant 400 : i32
      %add3A_637 = vector.broadcast %add3A_636 : i32 to vector<16xi32>
      %add3A_638 = arith.addi %iota3A, %add3A_637 : vector<16xi32>
      %eq3A_639 = arith.cmpi eq, %add3A_638, %gather3A_167 : vector<16xi32>
      %jit3A_640 = arith.constant 0.000000e+00 : f32
      %broadcast_in_dim3A_641 = vector.broadcast %jit3A_640 : f32 to vector<16xf32>
      %select_n3A_642 = arith.select %eq3A_639, %get3A_633, %broadcast_in_dim3A_641 : vector<16xi1>, vector<16xf32>
      %add3A_643 = arith.addf %add3A_607, %select_n3A_642 : vector<16xf32>
      %get3A_644 = arith.constant 0 : i32
      %get3A_645 = arith.constant 0 : i32
      %get3A_646 = tpu.memref_slice %arg6[%scan3A_112, %get3A_644, %get3A_645] : memref<2x32x1000xf32, #tpu.memory_space<vmem>> -> memref<1x32x1000xf32, #tpu.memory_space<vmem>>
      %get3A_647 = tpu.memref_squeeze %get3A_646 : memref<1x32x1000xf32, #tpu.memory_space<vmem>> -> memref<32x1000xf32, #tpu.memory_space<vmem>>
      %get3A_648 = arith.index_cast %scan3A_152 : i32 to index
      %get3A_649 = arith.constant 416 : index
      %get3A_650 = tpu.vector_load %get3A_647[%get3A_648, %get3A_649] {strides = array<i32>} : memref<32x1000xf32, #tpu.memory_space<vmem>>, vector<1x16xf32>,
      %get3A_651 = vector.shape_cast %get3A_650 : vector<1x16xf32> to vector<16xf32>
      %exp3A_652 = math.exp %get3A_651 : vector<16xf32>
      %add3A_653 = arith.addf %add3A_581, %exp3A_652 : vector<16xf32>
      %add3A_654 = arith.constant 416 : i32
      %add3A_655 = vector.broadcast %add3A_654 : i32 to vector<16xi32>
      %add3A_656 = arith.addi %iota3A, %add3A_655 : vector<16xi32>
      %eq3A_657 = arith.cmpi eq, %add3A_656, %gather3A_167 : vector<16xi32>
      %jit3A_658 = arith.constant 0.000000e+00 : f32
      %broadcast_in_dim3A_659 = vector.broadcast %jit3A_658 : f32 to vector<16xf32>
      %select_n3A_660 = arith.select %eq3A_657, %get3A_651, %broadcast_in_dim3A_659 : vector<16xi1>, vector<16xf32>
      %add3A_661 = arith.addf %add3A_625, %select_n3A_660 : vector<16xf32>
      %get3A_662 = arith.constant 0 : i32
      %get3A_663 = arith.constant 0 : i32
      %get3A_664 = tpu.memref_slice %arg6[%scan3A_112, %get3A_662, %get3A_663] : memref<2x32x1000xf32, #tpu.memory_space<vmem>> -> memref<1x32x1000xf32, #tpu.memory_space<vmem>>
      %get3A_665 = tpu.memref_squeeze %get3A_664 : memref<1x32x1000xf32, #tpu.memory_space<vmem>> -> memref<32x1000xf32, #tpu.memory_space<vmem>>
      %get3A_666 = arith.index_cast %scan3A_152 : i32 to index
      %get3A_667 = arith.constant 432 : index
      %get3A_668 = tpu.vector_load %get3A_665[%get3A_666, %get3A_667] {strides = array<i32>} : memref<32x1000xf32, #tpu.memory_space<vmem>>, vector<1x16xf32>,
      %get3A_669 = vector.shape_cast %get3A_668 : vector<1x16xf32> to vector<16xf32>
      %exp3A_670 = math.exp %get3A_669 : vector<16xf32>
      %add3A_671 = arith.addf %add3A_599, %exp3A_670 : vector<16xf32>
      %add3A_672 = arith.constant 432 : i32
      %add3A_673 = vector.broadcast %add3A_672 : i32 to vector<16xi32>
      %add3A_674 = arith.addi %iota3A, %add3A_673 : vector<16xi32>
      %eq3A_675 = arith.cmpi eq, %add3A_674, %gather3A_167 : vector<16xi32>
      %jit3A_676 = arith.constant 0.000000e+00 : f32
      %broadcast_in_dim3A_677 = vector.broadcast %jit3A_676 : f32 to vector<16xf32>
      %select_n3A_678 = arith.select %eq3A_675, %get3A_669, %broadcast_in_dim3A_677 : vector<16xi1>, vector<16xf32>
      %add3A_679 = arith.addf %add3A_643, %select_n3A_678 : vector<16xf32>
      %get3A_680 = arith.constant 0 : i32
      %get3A_681 = arith.constant 0 : i32
      %get3A_682 = tpu.memref_slice %arg6[%scan3A_112, %get3A_680, %get3A_681] : memref<2x32x1000xf32, #tpu.memory_space<vmem>> -> memref<1x32x1000xf32, #tpu.memory_space<vmem>>
      %get3A_683 = tpu.memref_squeeze %get3A_682 : memref<1x32x1000xf32, #tpu.memory_space<vmem>> -> memref<32x1000xf32, #tpu.memory_space<vmem>>
      %get3A_684 = arith.index_cast %scan3A_152 : i32 to index
      %get3A_685 = arith.constant 448 : index
      %get3A_686 = tpu.vector_load %get3A_683[%get3A_684, %get3A_685] {strides = array<i32>} : memref<32x1000xf32, #tpu.memory_space<vmem>>, vector<1x16xf32>,
      %get3A_687 = vector.shape_cast %get3A_686 : vector<1x16xf32> to vector<16xf32>
      %exp3A_688 = math.exp %get3A_687 : vector<16xf32>
      %add3A_689 = arith.addf %add3A_617, %exp3A_688 : vector<16xf32>
      %add3A_690 = arith.constant 448 : i32
      %add3A_691 = vector.broadcast %add3A_690 : i32 to vector<16xi32>
      %add3A_692 = arith.addi %iota3A, %add3A_691 : vector<16xi32>
      %eq3A_693 = arith.cmpi eq, %add3A_692, %gather3A_167 : vector<16xi32>
      %jit3A_694 = arith.constant 0.000000e+00 : f32
      %broadcast_in_dim3A_695 = vector.broadcast %jit3A_694 : f32 to vector<16xf32>
      %select_n3A_696 = arith.select %eq3A_693, %get3A_687, %broadcast_in_dim3A_695 : vector<16xi1>, vector<16xf32>
      %add3A_697 = arith.addf %add3A_661, %select_n3A_696 : vector<16xf32>
      %get3A_698 = arith.constant 0 : i32
      %get3A_699 = arith.constant 0 : i32
      %get3A_700 = tpu.memref_slice %arg6[%scan3A_112, %get3A_698, %get3A_699] : memref<2x32x1000xf32, #tpu.memory_space<vmem>> -> memref<1x32x1000xf32, #tpu.memory_space<vmem>>
      %get3A_701 = tpu.memref_squeeze %get3A_700 : memref<1x32x1000xf32, #tpu.memory_space<vmem>> -> memref<32x1000xf32, #tpu.memory_space<vmem>>
      %get3A_702 = arith.index_cast %scan3A_152 : i32 to index
      %get3A_703 = arith.constant 464 : index
      %get3A_704 = tpu.vector_load %get3A_701[%get3A_702, %get3A_703] {strides = array<i32>} : memref<32x1000xf32, #tpu.memory_space<vmem>>, vector<1x16xf32>,
      %get3A_705 = vector.shape_cast %get3A_704 : vector<1x16xf32> to vector<16xf32>
      %exp3A_706 = math.exp %get3A_705 : vector<16xf32>
      %add3A_707 = arith.addf %add3A_635, %exp3A_706 : vector<16xf32>
      %add3A_708 = arith.constant 464 : i32
      %add3A_709 = vector.broadcast %add3A_708 : i32 to vector<16xi32>
      %add3A_710 = arith.addi %iota3A, %add3A_709 : vector<16xi32>
      %eq3A_711 = arith.cmpi eq, %add3A_710, %gather3A_167 : vector<16xi32>
      %jit3A_712 = arith.constant 0.000000e+00 : f32
      %broadcast_in_dim3A_713 = vector.broadcast %jit3A_712 : f32 to vector<16xf32>
      %select_n3A_714 = arith.select %eq3A_711, %get3A_705, %broadcast_in_dim3A_713 : vector<16xi1>, vector<16xf32>
      %add3A_715 = arith.addf %add3A_679, %select_n3A_714 : vector<16xf32>
      %get3A_716 = arith.constant 0 : i32
      %get3A_717 = arith.constant 0 : i32
      %get3A_718 = tpu.memref_slice %arg6[%scan3A_112, %get3A_716, %get3A_717] : memref<2x32x1000xf32, #tpu.memory_space<vmem>> -> memref<1x32x1000xf32, #tpu.memory_space<vmem>>
      %get3A_719 = tpu.memref_squeeze %get3A_718 : memref<1x32x1000xf32, #tpu.memory_space<vmem>> -> memref<32x1000xf32, #tpu.memory_space<vmem>>
      %get3A_720 = arith.index_cast %scan3A_152 : i32 to index
      %get3A_721 = arith.constant 480 : index
      %get3A_722 = tpu.vector_load %get3A_719[%get3A_720, %get3A_721] {strides = array<i32>} : memref<32x1000xf32, #tpu.memory_space<vmem>>, vector<1x16xf32>,
      %get3A_723 = vector.shape_cast %get3A_722 : vector<1x16xf32> to vector<16xf32>
      %exp3A_724 = math.exp %get3A_723 : vector<16xf32>
      %add3A_725 = arith.addf %add3A_653, %exp3A_724 : vector<16xf32>
      %add3A_726 = arith.constant 480 : i32
      %add3A_727 = vector.broadcast %add3A_726 : i32 to vector<16xi32>
      %add3A_728 = arith.addi %iota3A, %add3A_727 : vector<16xi32>
      %eq3A_729 = arith.cmpi eq, %add3A_728, %gather3A_167 : vector<16xi32>
      %jit3A_730 = arith.constant 0.000000e+00 : f32
      %broadcast_in_dim3A_731 = vector.broadcast %jit3A_730 : f32 to vector<16xf32>
      %select_n3A_732 = arith.select %eq3A_729, %get3A_723, %broadcast_in_dim3A_731 : vector<16xi1>, vector<16xf32>
      %add3A_733 = arith.addf %add3A_697, %select_n3A_732 : vector<16xf32>
      %get3A_734 = arith.constant 0 : i32
      %get3A_735 = arith.constant 0 : i32
      %get3A_736 = tpu.memref_slice %arg6[%scan3A_112, %get3A_734, %get3A_735] : memref<2x32x1000xf32, #tpu.memory_space<vmem>> -> memref<1x32x1000xf32, #tpu.memory_space<vmem>>
      %get3A_737 = tpu.memref_squeeze %get3A_736 : memref<1x32x1000xf32, #tpu.memory_space<vmem>> -> memref<32x1000xf32, #tpu.memory_space<vmem>>
      %get3A_738 = arith.index_cast %scan3A_152 : i32 to index
      %get3A_739 = arith.constant 496 : index
      %get3A_740 = tpu.vector_load %get3A_737[%get3A_738, %get3A_739] {strides = array<i32>} : memref<32x1000xf32, #tpu.memory_space<vmem>>, vector<1x16xf32>,
      %get3A_741 = vector.shape_cast %get3A_740 : vector<1x16xf32> to vector<16xf32>
      %exp3A_742 = math.exp %get3A_741 : vector<16xf32>
      %add3A_743 = arith.addf %add3A_671, %exp3A_742 : vector<16xf32>
      %add3A_744 = arith.constant 496 : i32
      %add3A_745 = vector.broadcast %add3A_744 : i32 to vector<16xi32>
      %add3A_746 = arith.addi %iota3A, %add3A_745 : vector<16xi32>
      %eq3A_747 = arith.cmpi eq, %add3A_746, %gather3A_167 : vector<16xi32>
      %jit3A_748 = arith.constant 0.000000e+00 : f32
      %broadcast_in_dim3A_749 = vector.broadcast %jit3A_748 : f32 to vector<16xf32>
      %select_n3A_750 = arith.select %eq3A_747, %get3A_741, %broadcast_in_dim3A_749 : vector<16xi1>, vector<16xf32>
      %add3A_751 = arith.addf %add3A_715, %select_n3A_750 : vector<16xf32>
      %get3A_752 = arith.constant 0 : i32
      %get3A_753 = arith.constant 0 : i32
      %get3A_754 = tpu.memref_slice %arg6[%scan3A_112, %get3A_752, %get3A_753] : memref<2x32x1000xf32, #tpu.memory_space<vmem>> -> memref<1x32x1000xf32, #tpu.memory_space<vmem>>
      %get3A_755 = tpu.memref_squeeze %get3A_754 : memref<1x32x1000xf32, #tpu.memory_space<vmem>> -> memref<32x1000xf32, #tpu.memory_space<vmem>>
      %get3A_756 = arith.index_cast %scan3A_152 : i32 to index
      %get3A_757 = arith.constant 512 : index
      %get3A_758 = tpu.vector_load %get3A_755[%get3A_756, %get3A_757] {strides = array<i32>} : memref<32x1000xf32, #tpu.memory_space<vmem>>, vector<1x16xf32>,
      %get3A_759 = vector.shape_cast %get3A_758 : vector<1x16xf32> to vector<16xf32>
      %exp3A_760 = math.exp %get3A_759 : vector<16xf32>
      %add3A_761 = arith.addf %add3A_689, %exp3A_760 : vector<16xf32>
      %add3A_762 = arith.constant 512 : i32
      %add3A_763 = vector.broadcast %add3A_762 : i32 to vector<16xi32>
      %add3A_764 = arith.addi %iota3A, %add3A_763 : vector<16xi32>
      %eq3A_765 = arith.cmpi eq, %add3A_764, %gather3A_167 : vector<16xi32>
      %jit3A_766 = arith.constant 0.000000e+00 : f32
      %broadcast_in_dim3A_767 = vector.broadcast %jit3A_766 : f32 to vector<16xf32>
      %select_n3A_768 = arith.select %eq3A_765, %get3A_759, %broadcast_in_dim3A_767 : vector<16xi1>, vector<16xf32>
      %add3A_769 = arith.addf %add3A_733, %select_n3A_768 : vector<16xf32>
      %get3A_770 = arith.constant 0 : i32
      %get3A_771 = arith.constant 0 : i32
      %get3A_772 = tpu.memref_slice %arg6[%scan3A_112, %get3A_770, %get3A_771] : memref<2x32x1000xf32, #tpu.memory_space<vmem>> -> memref<1x32x1000xf32, #tpu.memory_space<vmem>>
      %get3A_773 = tpu.memref_squeeze %get3A_772 : memref<1x32x1000xf32, #tpu.memory_space<vmem>> -> memref<32x1000xf32, #tpu.memory_space<vmem>>
      %get3A_774 = arith.index_cast %scan3A_152 : i32 to index
      %get3A_775 = arith.constant 528 : index
      %get3A_776 = tpu.vector_load %get3A_773[%get3A_774, %get3A_775] {strides = array<i32>} : memref<32x1000xf32, #tpu.memory_space<vmem>>, vector<1x16xf32>,
      %get3A_777 = vector.shape_cast %get3A_776 : vector<1x16xf32> to vector<16xf32>
      %exp3A_778 = math.exp %get3A_777 : vector<16xf32>
      %add3A_779 = arith.addf %add3A_707, %exp3A_778 : vector<16xf32>
      %add3A_780 = arith.constant 528 : i32
      %add3A_781 = vector.broadcast %add3A_780 : i32 to vector<16xi32>
      %add3A_782 = arith.addi %iota3A, %add3A_781 : vector<16xi32>
      %eq3A_783 = arith.cmpi eq, %add3A_782, %gather3A_167 : vector<16xi32>
      %jit3A_784 = arith.constant 0.000000e+00 : f32
      %broadcast_in_dim3A_785 = vector.broadcast %jit3A_784 : f32 to vector<16xf32>
      %select_n3A_786 = arith.select %eq3A_783, %get3A_777, %broadcast_in_dim3A_785 : vector<16xi1>, vector<16xf32>
      %add3A_787 = arith.addf %add3A_751, %select_n3A_786 : vector<16xf32>
      %get3A_788 = arith.constant 0 : i32
      %get3A_789 = arith.constant 0 : i32
      %get3A_790 = tpu.memref_slice %arg6[%scan3A_112, %get3A_788, %get3A_789] : memref<2x32x1000xf32, #tpu.memory_space<vmem>> -> memref<1x32x1000xf32, #tpu.memory_space<vmem>>
      %get3A_791 = tpu.memref_squeeze %get3A_790 : memref<1x32x1000xf32, #tpu.memory_space<vmem>> -> memref<32x1000xf32, #tpu.memory_space<vmem>>
      %get3A_792 = arith.index_cast %scan3A_152 : i32 to index
      %get3A_793 = arith.constant 544 : index
      %get3A_794 = tpu.vector_load %get3A_791[%get3A_792, %get3A_793] {strides = array<i32>} : memref<32x1000xf32, #tpu.memory_space<vmem>>, vector<1x16xf32>,
      %get3A_795 = vector.shape_cast %get3A_794 : vector<1x16xf32> to vector<16xf32>
      %exp3A_796 = math.exp %get3A_795 : vector<16xf32>
      %add3A_797 = arith.addf %add3A_725, %exp3A_796 : vector<16xf32>
      %add3A_798 = arith.constant 544 : i32
      %add3A_799 = vector.broadcast %add3A_798 : i32 to vector<16xi32>
      %add3A_800 = arith.addi %iota3A, %add3A_799 : vector<16xi32>
      %eq3A_801 = arith.cmpi eq, %add3A_800, %gather3A_167 : vector<16xi32>
      %jit3A_802 = arith.constant 0.000000e+00 : f32
      %broadcast_in_dim3A_803 = vector.broadcast %jit3A_802 : f32 to vector<16xf32>
      %select_n3A_804 = arith.select %eq3A_801, %get3A_795, %broadcast_in_dim3A_803 : vector<16xi1>, vector<16xf32>
      %add3A_805 = arith.addf %add3A_769, %select_n3A_804 : vector<16xf32>
      %get3A_806 = arith.constant 0 : i32
      %get3A_807 = arith.constant 0 : i32
      %get3A_808 = tpu.memref_slice %arg6[%scan3A_112, %get3A_806, %get3A_807] : memref<2x32x1000xf32, #tpu.memory_space<vmem>> -> memref<1x32x1000xf32, #tpu.memory_space<vmem>>
      %get3A_809 = tpu.memref_squeeze %get3A_808 : memref<1x32x1000xf32, #tpu.memory_space<vmem>> -> memref<32x1000xf32, #tpu.memory_space<vmem>>
      %get3A_810 = arith.index_cast %scan3A_152 : i32 to index
      %get3A_811 = arith.constant 560 : index
      %get3A_812 = tpu.vector_load %get3A_809[%get3A_810, %get3A_811] {strides = array<i32>} : memref<32x1000xf32, #tpu.memory_space<vmem>>, vector<1x16xf32>,
      %get3A_813 = vector.shape_cast %get3A_812 : vector<1x16xf32> to vector<16xf32>
      %exp3A_814 = math.exp %get3A_813 : vector<16xf32>
      %add3A_815 = arith.addf %add3A_743, %exp3A_814 : vector<16xf32>
      %add3A_816 = arith.constant 560 : i32
      %add3A_817 = vector.broadcast %add3A_816 : i32 to vector<16xi32>
      %add3A_818 = arith.addi %iota3A, %add3A_817 : vector<16xi32>
      %eq3A_819 = arith.cmpi eq, %add3A_818, %gather3A_167 : vector<16xi32>
      %jit3A_820 = arith.constant 0.000000e+00 : f32
      %broadcast_in_dim3A_821 = vector.broadcast %jit3A_820 : f32 to vector<16xf32>
      %select_n3A_822 = arith.select %eq3A_819, %get3A_813, %broadcast_in_dim3A_821 : vector<16xi1>, vector<16xf32>
      %add3A_823 = arith.addf %add3A_787, %select_n3A_822 : vector<16xf32>
      %get3A_824 = arith.constant 0 : i32
      %get3A_825 = arith.constant 0 : i32
      %get3A_826 = tpu.memref_slice %arg6[%scan3A_112, %get3A_824, %get3A_825] : memref<2x32x1000xf32, #tpu.memory_space<vmem>> -> memref<1x32x1000xf32, #tpu.memory_space<vmem>>
      %get3A_827 = tpu.memref_squeeze %get3A_826 : memref<1x32x1000xf32, #tpu.memory_space<vmem>> -> memref<32x1000xf32, #tpu.memory_space<vmem>>
      %get3A_828 = arith.index_cast %scan3A_152 : i32 to index
      %get3A_829 = arith.constant 576 : index
      %get3A_830 = tpu.vector_load %get3A_827[%get3A_828, %get3A_829] {strides = array<i32>} : memref<32x1000xf32, #tpu.memory_space<vmem>>, vector<1x16xf32>,
      %get3A_831 = vector.shape_cast %get3A_830 : vector<1x16xf32> to vector<16xf32>
      %exp3A_832 = math.exp %get3A_831 : vector<16xf32>
      %add3A_833 = arith.addf %add3A_761, %exp3A_832 : vector<16xf32>
      %add3A_834 = arith.constant 576 : i32
      %add3A_835 = vector.broadcast %add3A_834 : i32 to vector<16xi32>
      %add3A_836 = arith.addi %iota3A, %add3A_835 : vector<16xi32>
      %eq3A_837 = arith.cmpi eq, %add3A_836, %gather3A_167 : vector<16xi32>
      %jit3A_838 = arith.constant 0.000000e+00 : f32
      %broadcast_in_dim3A_839 = vector.broadcast %jit3A_838 : f32 to vector<16xf32>
      %select_n3A_840 = arith.select %eq3A_837, %get3A_831, %broadcast_in_dim3A_839 : vector<16xi1>, vector<16xf32>
      %add3A_841 = arith.addf %add3A_805, %select_n3A_840 : vector<16xf32>
      %get3A_842 = arith.constant 0 : i32
      %get3A_843 = arith.constant 0 : i32
      %get3A_844 = tpu.memref_slice %arg6[%scan3A_112, %get3A_842, %get3A_843] : memref<2x32x1000xf32, #tpu.memory_space<vmem>> -> memref<1x32x1000xf32, #tpu.memory_space<vmem>>
      %get3A_845 = tpu.memref_squeeze %get3A_844 : memref<1x32x1000xf32, #tpu.memory_space<vmem>> -> memref<32x1000xf32, #tpu.memory_space<vmem>>
      %get3A_846 = arith.index_cast %scan3A_152 : i32 to index
      %get3A_847 = arith.constant 592 : index
      %get3A_848 = tpu.vector_load %get3A_845[%get3A_846, %get3A_847] {strides = array<i32>} : memref<32x1000xf32, #tpu.memory_space<vmem>>, vector<1x16xf32>,
      %get3A_849 = vector.shape_cast %get3A_848 : vector<1x16xf32> to vector<16xf32>
      %exp3A_850 = math.exp %get3A_849 : vector<16xf32>
      %add3A_851 = arith.addf %add3A_779, %exp3A_850 : vector<16xf32>
      %add3A_852 = arith.constant 592 : i32
      %add3A_853 = vector.broadcast %add3A_852 : i32 to vector<16xi32>
      %add3A_854 = arith.addi %iota3A, %add3A_853 : vector<16xi32>
      %eq3A_855 = arith.cmpi eq, %add3A_854, %gather3A_167 : vector<16xi32>
      %jit3A_856 = arith.constant 0.000000e+00 : f32
      %broadcast_in_dim3A_857 = vector.broadcast %jit3A_856 : f32 to vector<16xf32>
      %select_n3A_858 = arith.select %eq3A_855, %get3A_849, %broadcast_in_dim3A_857 : vector<16xi1>, vector<16xf32>
      %add3A_859 = arith.addf %add3A_823, %select_n3A_858 : vector<16xf32>
      %get3A_860 = arith.constant 0 : i32
      %get3A_861 = arith.constant 0 : i32
      %get3A_862 = tpu.memref_slice %arg6[%scan3A_112, %get3A_860, %get3A_861] : memref<2x32x1000xf32, #tpu.memory_space<vmem>> -> memref<1x32x1000xf32, #tpu.memory_space<vmem>>
      %get3A_863 = tpu.memref_squeeze %get3A_862 : memref<1x32x1000xf32, #tpu.memory_space<vmem>> -> memref<32x1000xf32, #tpu.memory_space<vmem>>
      %get3A_864 = arith.index_cast %scan3A_152 : i32 to index
      %get3A_865 = arith.constant 608 : index
      %get3A_866 = tpu.vector_load %get3A_863[%get3A_864, %get3A_865] {strides = array<i32>} : memref<32x1000xf32, #tpu.memory_space<vmem>>, vector<1x16xf32>,
      %get3A_867 = vector.shape_cast %get3A_866 : vector<1x16xf32> to vector<16xf32>
      %exp3A_868 = math.exp %get3A_867 : vector<16xf32>
      %add3A_869 = arith.addf %add3A_797, %exp3A_868 : vector<16xf32>
      %add3A_870 = arith.constant 608 : i32
      %add3A_871 = vector.broadcast %add3A_870 : i32 to vector<16xi32>
      %add3A_872 = arith.addi %iota3A, %add3A_871 : vector<16xi32>
      %eq3A_873 = arith.cmpi eq, %add3A_872, %gather3A_167 : vector<16xi32>
      %jit3A_874 = arith.constant 0.000000e+00 : f32
      %broadcast_in_dim3A_875 = vector.broadcast %jit3A_874 : f32 to vector<16xf32>
      %select_n3A_876 = arith.select %eq3A_873, %get3A_867, %broadcast_in_dim3A_875 : vector<16xi1>, vector<16xf32>
      %add3A_877 = arith.addf %add3A_841, %select_n3A_876 : vector<16xf32>
      %get3A_878 = arith.constant 0 : i32
      %get3A_879 = arith.constant 0 : i32
      %get3A_880 = tpu.memref_slice %arg6[%scan3A_112, %get3A_878, %get3A_879] : memref<2x32x1000xf32, #tpu.memory_space<vmem>> -> memref<1x32x1000xf32, #tpu.memory_space<vmem>>
      %get3A_881 = tpu.memref_squeeze %get3A_880 : memref<1x32x1000xf32, #tpu.memory_space<vmem>> -> memref<32x1000xf32, #tpu.memory_space<vmem>>
      %get3A_882 = arith.index_cast %scan3A_152 : i32 to index
      %get3A_883 = arith.constant 624 : index
      %get3A_884 = tpu.vector_load %get3A_881[%get3A_882, %get3A_883] {strides = array<i32>} : memref<32x1000xf32, #tpu.memory_space<vmem>>, vector<1x16xf32>,
      %get3A_885 = vector.shape_cast %get3A_884 : vector<1x16xf32> to vector<16xf32>
      %exp3A_886 = math.exp %get3A_885 : vector<16xf32>
      %add3A_887 = arith.addf %add3A_815, %exp3A_886 : vector<16xf32>
      %add3A_888 = arith.constant 624 : i32
      %add3A_889 = vector.broadcast %add3A_888 : i32 to vector<16xi32>
      %add3A_890 = arith.addi %iota3A, %add3A_889 : vector<16xi32>
      %eq3A_891 = arith.cmpi eq, %add3A_890, %gather3A_167 : vector<16xi32>
      %jit3A_892 = arith.constant 0.000000e+00 : f32
      %broadcast_in_dim3A_893 = vector.broadcast %jit3A_892 : f32 to vector<16xf32>
      %select_n3A_894 = arith.select %eq3A_891, %get3A_885, %broadcast_in_dim3A_893 : vector<16xi1>, vector<16xf32>
      %add3A_895 = arith.addf %add3A_859, %select_n3A_894 : vector<16xf32>
      %get3A_896 = arith.constant 0 : i32
      %get3A_897 = arith.constant 0 : i32
      %get3A_898 = tpu.memref_slice %arg6[%scan3A_112, %get3A_896, %get3A_897] : memref<2x32x1000xf32, #tpu.memory_space<vmem>> -> memref<1x32x1000xf32, #tpu.memory_space<vmem>>
      %get3A_899 = tpu.memref_squeeze %get3A_898 : memref<1x32x1000xf32, #tpu.memory_space<vmem>> -> memref<32x1000xf32, #tpu.memory_space<vmem>>
      %get3A_900 = arith.index_cast %scan3A_152 : i32 to index
      %get3A_901 = arith.constant 640 : index
      %get3A_902 = tpu.vector_load %get3A_899[%get3A_900, %get3A_901] {strides = array<i32>} : memref<32x1000xf32, #tpu.memory_space<vmem>>, vector<1x16xf32>,
      %get3A_903 = vector.shape_cast %get3A_902 : vector<1x16xf32> to vector<16xf32>
      %exp3A_904 = math.exp %get3A_903 : vector<16xf32>
      %add3A_905 = arith.addf %add3A_833, %exp3A_904 : vector<16xf32>
      %add3A_906 = arith.constant 640 : i32
      %add3A_907 = vector.broadcast %add3A_906 : i32 to vector<16xi32>
      %add3A_908 = arith.addi %iota3A, %add3A_907 : vector<16xi32>
      %eq3A_909 = arith.cmpi eq, %add3A_908, %gather3A_167 : vector<16xi32>
      %jit3A_910 = arith.constant 0.000000e+00 : f32
      %broadcast_in_dim3A_911 = vector.broadcast %jit3A_910 : f32 to vector<16xf32>
      %select_n3A_912 = arith.select %eq3A_909, %get3A_903, %broadcast_in_dim3A_911 : vector<16xi1>, vector<16xf32>
      %add3A_913 = arith.addf %add3A_877, %select_n3A_912 : vector<16xf32>
      %get3A_914 = arith.constant 0 : i32
      %get3A_915 = arith.constant 0 : i32
      %get3A_916 = tpu.memref_slice %arg6[%scan3A_112, %get3A_914, %get3A_915] : memref<2x32x1000xf32, #tpu.memory_space<vmem>> -> memref<1x32x1000xf32, #tpu.memory_space<vmem>>
      %get3A_917 = tpu.memref_squeeze %get3A_916 : memref<1x32x1000xf32, #tpu.memory_space<vmem>> -> memref<32x1000xf32, #tpu.memory_space<vmem>>
      %get3A_918 = arith.index_cast %scan3A_152 : i32 to index
      %get3A_919 = arith.constant 656 : index
      %get3A_920 = tpu.vector_load %get3A_917[%get3A_918, %get3A_919] {strides = array<i32>} : memref<32x1000xf32, #tpu.memory_space<vmem>>, vector<1x16xf32>,
      %get3A_921 = vector.shape_cast %get3A_920 : vector<1x16xf32> to vector<16xf32>
      %exp3A_922 = math.exp %get3A_921 : vector<16xf32>
      %add3A_923 = arith.addf %add3A_851, %exp3A_922 : vector<16xf32>
      %add3A_924 = arith.constant 656 : i32
      %add3A_925 = vector.broadcast %add3A_924 : i32 to vector<16xi32>
      %add3A_926 = arith.addi %iota3A, %add3A_925 : vector<16xi32>
      %eq3A_927 = arith.cmpi eq, %add3A_926, %gather3A_167 : vector<16xi32>
      %jit3A_928 = arith.constant 0.000000e+00 : f32
      %broadcast_in_dim3A_929 = vector.broadcast %jit3A_928 : f32 to vector<16xf32>
      %select_n3A_930 = arith.select %eq3A_927, %get3A_921, %broadcast_in_dim3A_929 : vector<16xi1>, vector<16xf32>
      %add3A_931 = arith.addf %add3A_895, %select_n3A_930 : vector<16xf32>
      %get3A_932 = arith.constant 0 : i32
      %get3A_933 = arith.constant 0 : i32
      %get3A_934 = tpu.memref_slice %arg6[%scan3A_112, %get3A_932, %get3A_933] : memref<2x32x1000xf32, #tpu.memory_space<vmem>> -> memref<1x32x1000xf32, #tpu.memory_space<vmem>>
      %get3A_935 = tpu.memref_squeeze %get3A_934 : memref<1x32x1000xf32, #tpu.memory_space<vmem>> -> memref<32x1000xf32, #tpu.memory_space<vmem>>
      %get3A_936 = arith.index_cast %scan3A_152 : i32 to index
      %get3A_937 = arith.constant 672 : index
      %get3A_938 = tpu.vector_load %get3A_935[%get3A_936, %get3A_937] {strides = array<i32>} : memref<32x1000xf32, #tpu.memory_space<vmem>>, vector<1x16xf32>,
      %get3A_939 = vector.shape_cast %get3A_938 : vector<1x16xf32> to vector<16xf32>
      %exp3A_940 = math.exp %get3A_939 : vector<16xf32>
      %add3A_941 = arith.addf %add3A_869, %exp3A_940 : vector<16xf32>
      %add3A_942 = arith.constant 672 : i32
      %add3A_943 = vector.broadcast %add3A_942 : i32 to vector<16xi32>
      %add3A_944 = arith.addi %iota3A, %add3A_943 : vector<16xi32>
      %eq3A_945 = arith.cmpi eq, %add3A_944, %gather3A_167 : vector<16xi32>
      %jit3A_946 = arith.constant 0.000000e+00 : f32
      %broadcast_in_dim3A_947 = vector.broadcast %jit3A_946 : f32 to vector<16xf32>
      %select_n3A_948 = arith.select %eq3A_945, %get3A_939, %broadcast_in_dim3A_947 : vector<16xi1>, vector<16xf32>
      %add3A_949 = arith.addf %add3A_913, %select_n3A_948 : vector<16xf32>
      %get3A_950 = arith.constant 0 : i32
      %get3A_951 = arith.constant 0 : i32
      %get3A_952 = tpu.memref_slice %arg6[%scan3A_112, %get3A_950, %get3A_951] : memref<2x32x1000xf32, #tpu.memory_space<vmem>> -> memref<1x32x1000xf32, #tpu.memory_space<vmem>>
      %get3A_953 = tpu.memref_squeeze %get3A_952 : memref<1x32x1000xf32, #tpu.memory_space<vmem>> -> memref<32x1000xf32, #tpu.memory_space<vmem>>
      %get3A_954 = arith.index_cast %scan3A_152 : i32 to index
      %get3A_955 = arith.constant 688 : index
      %get3A_956 = tpu.vector_load %get3A_953[%get3A_954, %get3A_955] {strides = array<i32>} : memref<32x1000xf32, #tpu.memory_space<vmem>>, vector<1x16xf32>,
      %get3A_957 = vector.shape_cast %get3A_956 : vector<1x16xf32> to vector<16xf32>
      %exp3A_958 = math.exp %get3A_957 : vector<16xf32>
      %add3A_959 = arith.addf %add3A_887, %exp3A_958 : vector<16xf32>
      %add3A_960 = arith.constant 688 : i32
      %add3A_961 = vector.broadcast %add3A_960 : i32 to vector<16xi32>
      %add3A_962 = arith.addi %iota3A, %add3A_961 : vector<16xi32>
      %eq3A_963 = arith.cmpi eq, %add3A_962, %gather3A_167 : vector<16xi32>
      %jit3A_964 = arith.constant 0.000000e+00 : f32
      %broadcast_in_dim3A_965 = vector.broadcast %jit3A_964 : f32 to vector<16xf32>
      %select_n3A_966 = arith.select %eq3A_963, %get3A_957, %broadcast_in_dim3A_965 : vector<16xi1>, vector<16xf32>
      %add3A_967 = arith.addf %add3A_931, %select_n3A_966 : vector<16xf32>
      %get3A_968 = arith.constant 0 : i32
      %get3A_969 = arith.constant 0 : i32
      %get3A_970 = tpu.memref_slice %arg6[%scan3A_112, %get3A_968, %get3A_969] : memref<2x32x1000xf32, #tpu.memory_space<vmem>> -> memref<1x32x1000xf32, #tpu.memory_space<vmem>>
      %get3A_971 = tpu.memref_squeeze %get3A_970 : memref<1x32x1000xf32, #tpu.memory_space<vmem>> -> memref<32x1000xf32, #tpu.memory_space<vmem>>
      %get3A_972 = arith.index_cast %scan3A_152 : i32 to index
      %get3A_973 = arith.constant 704 : index
      %get3A_974 = tpu.vector_load %get3A_971[%get3A_972, %get3A_973] {strides = array<i32>} : memref<32x1000xf32, #tpu.memory_space<vmem>>, vector<1x16xf32>,
      %get3A_975 = vector.shape_cast %get3A_974 : vector<1x16xf32> to vector<16xf32>
      %exp3A_976 = math.exp %get3A_975 : vector<16xf32>
      %add3A_977 = arith.addf %add3A_905, %exp3A_976 : vector<16xf32>
      %add3A_978 = arith.constant 704 : i32
      %add3A_979 = vector.broadcast %add3A_978 : i32 to vector<16xi32>
      %add3A_980 = arith.addi %iota3A, %add3A_979 : vector<16xi32>
      %eq3A_981 = arith.cmpi eq, %add3A_980, %gather3A_167 : vector<16xi32>
      %jit3A_982 = arith.constant 0.000000e+00 : f32
      %broadcast_in_dim3A_983 = vector.broadcast %jit3A_982 : f32 to vector<16xf32>
      %select_n3A_984 = arith.select %eq3A_981, %get3A_975, %broadcast_in_dim3A_983 : vector<16xi1>, vector<16xf32>
      %add3A_985 = arith.addf %add3A_949, %select_n3A_984 : vector<16xf32>
      %get3A_986 = arith.constant 0 : i32
      %get3A_987 = arith.constant 0 : i32
      %get3A_988 = tpu.memref_slice %arg6[%scan3A_112, %get3A_986, %get3A_987] : memref<2x32x1000xf32, #tpu.memory_space<vmem>> -> memref<1x32x1000xf32, #tpu.memory_space<vmem>>
      %get3A_989 = tpu.memref_squeeze %get3A_988 : memref<1x32x1000xf32, #tpu.memory_space<vmem>> -> memref<32x1000xf32, #tpu.memory_space<vmem>>
      %get3A_990 = arith.index_cast %scan3A_152 : i32 to index
      %get3A_991 = arith.constant 720 : index
      %get3A_992 = tpu.vector_load %get3A_989[%get3A_990, %get3A_991] {strides = array<i32>} : memref<32x1000xf32, #tpu.memory_space<vmem>>, vector<1x16xf32>,
      %get3A_993 = vector.shape_cast %get3A_992 : vector<1x16xf32> to vector<16xf32>
      %exp3A_994 = math.exp %get3A_993 : vector<16xf32>
      %add3A_995 = arith.addf %add3A_923, %exp3A_994 : vector<16xf32>
      %add3A_996 = arith.constant 720 : i32
      %add3A_997 = vector.broadcast %add3A_996 : i32 to vector<16xi32>
      %add3A_998 = arith.addi %iota3A, %add3A_997 : vector<16xi32>
      %eq3A_999 = arith.cmpi eq, %add3A_998, %gather3A_167 : vector<16xi32>
      %jit3A_1000 = arith.constant 0.000000e+00 : f32
      %broadcast_in_dim3A_1001 = vector.broadcast %jit3A_1000 : f32 to vector<16xf32>
      %select_n3A_1002 = arith.select %eq3A_999, %get3A_993, %broadcast_in_dim3A_1001 : vector<16xi1>, vector<16xf32>
      %add3A_1003 = arith.addf %add3A_967, %select_n3A_1002 : vector<16xf32>
      %get3A_1004 = arith.constant 0 : i32
      %get3A_1005 = arith.constant 0 : i32
      %get3A_1006 = tpu.memref_slice %arg6[%scan3A_112, %get3A_1004, %get3A_1005] : memref<2x32x1000xf32, #tpu.memory_space<vmem>> -> memref<1x32x1000xf32, #tpu.memory_space<vmem>>
      %get3A_1007 = tpu.memref_squeeze %get3A_1006 : memref<1x32x1000xf32, #tpu.memory_space<vmem>> -> memref<32x1000xf32, #tpu.memory_space<vmem>>
      %get3A_1008 = arith.index_cast %scan3A_152 : i32 to index
      %get3A_1009 = arith.constant 736 : index
      %get3A_1010 = tpu.vector_load %get3A_1007[%get3A_1008, %get3A_1009] {strides = array<i32>} : memref<32x1000xf32, #tpu.memory_space<vmem>>, vector<1x16xf32>,
      %get3A_1011 = vector.shape_cast %get3A_1010 : vector<1x16xf32> to vector<16xf32>
      %exp3A_1012 = math.exp %get3A_1011 : vector<16xf32>
      %add3A_1013 = arith.addf %add3A_941, %exp3A_1012 : vector<16xf32>
      %add3A_1014 = arith.constant 736 : i32
      %add3A_1015 = vector.broadcast %add3A_1014 : i32 to vector<16xi32>
      %add3A_1016 = arith.addi %iota3A, %add3A_1015 : vector<16xi32>
      %eq3A_1017 = arith.cmpi eq, %add3A_1016, %gather3A_167 : vector<16xi32>
      %jit3A_1018 = arith.constant 0.000000e+00 : f32
      %broadcast_in_dim3A_1019 = vector.broadcast %jit3A_1018 : f32 to vector<16xf32>
      %select_n3A_1020 = arith.select %eq3A_1017, %get3A_1011, %broadcast_in_dim3A_1019 : vector<16xi1>, vector<16xf32>
      %add3A_1021 = arith.addf %add3A_985, %select_n3A_1020 : vector<16xf32>
      %get3A_1022 = arith.constant 0 : i32
      %get3A_1023 = arith.constant 0 : i32
      %get3A_1024 = tpu.memref_slice %arg6[%scan3A_112, %get3A_1022, %get3A_1023] : memref<2x32x1000xf32, #tpu.memory_space<vmem>> -> memref<1x32x1000xf32, #tpu.memory_space<vmem>>
      %get3A_1025 = tpu.memref_squeeze %get3A_1024 : memref<1x32x1000xf32, #tpu.memory_space<vmem>> -> memref<32x1000xf32, #tpu.memory_space<vmem>>
      %get3A_1026 = arith.index_cast %scan3A_152 : i32 to index
      %get3A_1027 = arith.constant 752 : index
      %get3A_1028 = tpu.vector_load %get3A_1025[%get3A_1026, %get3A_1027] {strides = array<i32>} : memref<32x1000xf32, #tpu.memory_space<vmem>>, vector<1x16xf32>,
      %get3A_1029 = vector.shape_cast %get3A_1028 : vector<1x16xf32> to vector<16xf32>
      %exp3A_1030 = math.exp %get3A_1029 : vector<16xf32>
      %add3A_1031 = arith.addf %add3A_959, %exp3A_1030 : vector<16xf32>
      %add3A_1032 = arith.constant 752 : i32
      %add3A_1033 = vector.broadcast %add3A_1032 : i32 to vector<16xi32>
      %add3A_1034 = arith.addi %iota3A, %add3A_1033 : vector<16xi32>
      %eq3A_1035 = arith.cmpi eq, %add3A_1034, %gather3A_167 : vector<16xi32>
      %jit3A_1036 = arith.constant 0.000000e+00 : f32
      %broadcast_in_dim3A_1037 = vector.broadcast %jit3A_1036 : f32 to vector<16xf32>
      %select_n3A_1038 = arith.select %eq3A_1035, %get3A_1029, %broadcast_in_dim3A_1037 : vector<16xi1>, vector<16xf32>
      %add3A_1039 = arith.addf %add3A_1003, %select_n3A_1038 : vector<16xf32>
      %get3A_1040 = arith.constant 0 : i32
      %get3A_1041 = arith.constant 0 : i32
      %get3A_1042 = tpu.memref_slice %arg6[%scan3A_112, %get3A_1040, %get3A_1041] : memref<2x32x1000xf32, #tpu.memory_space<vmem>> -> memref<1x32x1000xf32, #tpu.memory_space<vmem>>
      %get3A_1043 = tpu.memref_squeeze %get3A_1042 : memref<1x32x1000xf32, #tpu.memory_space<vmem>> -> memref<32x1000xf32, #tpu.memory_space<vmem>>
      %get3A_1044 = arith.index_cast %scan3A_152 : i32 to index
      %get3A_1045 = arith.constant 768 : index
      %get3A_1046 = tpu.vector_load %get3A_1043[%get3A_1044, %get3A_1045] {strides = array<i32>} : memref<32x1000xf32, #tpu.memory_space<vmem>>, vector<1x16xf32>,
      %get3A_1047 = vector.shape_cast %get3A_1046 : vector<1x16xf32> to vector<16xf32>
      %exp3A_1048 = math.exp %get3A_1047 : vector<16xf32>
      %add3A_1049 = arith.addf %add3A_977, %exp3A_1048 : vector<16xf32>
      %add3A_1050 = arith.constant 768 : i32
      %add3A_1051 = vector.broadcast %add3A_1050 : i32 to vector<16xi32>
      %add3A_1052 = arith.addi %iota3A, %add3A_1051 : vector<16xi32>
      %eq3A_1053 = arith.cmpi eq, %add3A_1052, %gather3A_167 : vector<16xi32>
      %jit3A_1054 = arith.constant 0.000000e+00 : f32
      %broadcast_in_dim3A_1055 = vector.broadcast %jit3A_1054 : f32 to vector<16xf32>
      %select_n3A_1056 = arith.select %eq3A_1053, %get3A_1047, %broadcast_in_dim3A_1055 : vector<16xi1>, vector<16xf32>
      %add3A_1057 = arith.addf %add3A_1021, %select_n3A_1056 : vector<16xf32>
      %get3A_1058 = arith.constant 0 : i32
      %get3A_1059 = arith.constant 0 : i32
      %get3A_1060 = tpu.memref_slice %arg6[%scan3A_112, %get3A_1058, %get3A_1059] : memref<2x32x1000xf32, #tpu.memory_space<vmem>> -> memref<1x32x1000xf32, #tpu.memory_space<vmem>>
      %get3A_1061 = tpu.memref_squeeze %get3A_1060 : memref<1x32x1000xf32, #tpu.memory_space<vmem>> -> memref<32x1000xf32, #tpu.memory_space<vmem>>
      %get3A_1062 = arith.index_cast %scan3A_152 : i32 to index
      %get3A_1063 = arith.constant 784 : index
      %get3A_1064 = tpu.vector_load %get3A_1061[%get3A_1062, %get3A_1063] {strides = array<i32>} : memref<32x1000xf32, #tpu.memory_space<vmem>>, vector<1x16xf32>,
      %get3A_1065 = vector.shape_cast %get3A_1064 : vector<1x16xf32> to vector<16xf32>
      %exp3A_1066 = math.exp %get3A_1065 : vector<16xf32>
      %add3A_1067 = arith.addf %add3A_995, %exp3A_1066 : vector<16xf32>
      %add3A_1068 = arith.constant 784 : i32
      %add3A_1069 = vector.broadcast %add3A_1068 : i32 to vector<16xi32>
      %add3A_1070 = arith.addi %iota3A, %add3A_1069 : vector<16xi32>
      %eq3A_1071 = arith.cmpi eq, %add3A_1070, %gather3A_167 : vector<16xi32>
      %jit3A_1072 = arith.constant 0.000000e+00 : f32
      %broadcast_in_dim3A_1073 = vector.broadcast %jit3A_1072 : f32 to vector<16xf32>
      %select_n3A_1074 = arith.select %eq3A_1071, %get3A_1065, %broadcast_in_dim3A_1073 : vector<16xi1>, vector<16xf32>
      %add3A_1075 = arith.addf %add3A_1039, %select_n3A_1074 : vector<16xf32>
      %get3A_1076 = arith.constant 0 : i32
      %get3A_1077 = arith.constant 0 : i32
      %get3A_1078 = tpu.memref_slice %arg6[%scan3A_112, %get3A_1076, %get3A_1077] : memref<2x32x1000xf32, #tpu.memory_space<vmem>> -> memref<1x32x1000xf32, #tpu.memory_space<vmem>>
      %get3A_1079 = tpu.memref_squeeze %get3A_1078 : memref<1x32x1000xf32, #tpu.memory_space<vmem>> -> memref<32x1000xf32, #tpu.memory_space<vmem>>
      %get3A_1080 = arith.index_cast %scan3A_152 : i32 to index
      %get3A_1081 = arith.constant 800 : index
      %get3A_1082 = tpu.vector_load %get3A_1079[%get3A_1080, %get3A_1081] {strides = array<i32>} : memref<32x1000xf32, #tpu.memory_space<vmem>>, vector<1x16xf32>,
      %get3A_1083 = vector.shape_cast %get3A_1082 : vector<1x16xf32> to vector<16xf32>
      %exp3A_1084 = math.exp %get3A_1083 : vector<16xf32>
      %add3A_1085 = arith.addf %add3A_1013, %exp3A_1084 : vector<16xf32>
      %add3A_1086 = arith.constant 800 : i32
      %add3A_1087 = vector.broadcast %add3A_1086 : i32 to vector<16xi32>
      %add3A_1088 = arith.addi %iota3A, %add3A_1087 : vector<16xi32>
      %eq3A_1089 = arith.cmpi eq, %add3A_1088, %gather3A_167 : vector<16xi32>
      %jit3A_1090 = arith.constant 0.000000e+00 : f32
      %broadcast_in_dim3A_1091 = vector.broadcast %jit3A_1090 : f32 to vector<16xf32>
      %select_n3A_1092 = arith.select %eq3A_1089, %get3A_1083, %broadcast_in_dim3A_1091 : vector<16xi1>, vector<16xf32>
      %add3A_1093 = arith.addf %add3A_1057, %select_n3A_1092 : vector<16xf32>
      %get3A_1094 = arith.constant 0 : i32
      %get3A_1095 = arith.constant 0 : i32
      %get3A_1096 = tpu.memref_slice %arg6[%scan3A_112, %get3A_1094, %get3A_1095] : memref<2x32x1000xf32, #tpu.memory_space<vmem>> -> memref<1x32x1000xf32, #tpu.memory_space<vmem>>
      %get3A_1097 = tpu.memref_squeeze %get3A_1096 : memref<1x32x1000xf32, #tpu.memory_space<vmem>> -> memref<32x1000xf32, #tpu.memory_space<vmem>>
      %get3A_1098 = arith.index_cast %scan3A_152 : i32 to index
      %get3A_1099 = arith.constant 816 : index
      %get3A_1100 = tpu.vector_load %get3A_1097[%get3A_1098, %get3A_1099] {strides = array<i32>} : memref<32x1000xf32, #tpu.memory_space<vmem>>, vector<1x16xf32>,
      %get3A_1101 = vector.shape_cast %get3A_1100 : vector<1x16xf32> to vector<16xf32>
      %exp3A_1102 = math.exp %get3A_1101 : vector<16xf32>
      %add3A_1103 = arith.addf %add3A_1031, %exp3A_1102 : vector<16xf32>
      %add3A_1104 = arith.constant 816 : i32
      %add3A_1105 = vector.broadcast %add3A_1104 : i32 to vector<16xi32>
      %add3A_1106 = arith.addi %iota3A, %add3A_1105 : vector<16xi32>
      %eq3A_1107 = arith.cmpi eq, %add3A_1106, %gather3A_167 : vector<16xi32>
      %jit3A_1108 = arith.constant 0.000000e+00 : f32
      %broadcast_in_dim3A_1109 = vector.broadcast %jit3A_1108 : f32 to vector<16xf32>
      %select_n3A_1110 = arith.select %eq3A_1107, %get3A_1101, %broadcast_in_dim3A_1109 : vector<16xi1>, vector<16xf32>
      %add3A_1111 = arith.addf %add3A_1075, %select_n3A_1110 : vector<16xf32>
      %get3A_1112 = arith.constant 0 : i32
      %get3A_1113 = arith.constant 0 : i32
      %get3A_1114 = tpu.memref_slice %arg6[%scan3A_112, %get3A_1112, %get3A_1113] : memref<2x32x1000xf32, #tpu.memory_space<vmem>> -> memref<1x32x1000xf32, #tpu.memory_space<vmem>>
      %get3A_1115 = tpu.memref_squeeze %get3A_1114 : memref<1x32x1000xf32, #tpu.memory_space<vmem>> -> memref<32x1000xf32, #tpu.memory_space<vmem>>
      %get3A_1116 = arith.index_cast %scan3A_152 : i32 to index
      %get3A_1117 = arith.constant 832 : index
      %get3A_1118 = tpu.vector_load %get3A_1115[%get3A_1116, %get3A_1117] {strides = array<i32>} : memref<32x1000xf32, #tpu.memory_space<vmem>>, vector<1x16xf32>,
      %get3A_1119 = vector.shape_cast %get3A_1118 : vector<1x16xf32> to vector<16xf32>
      %exp3A_1120 = math.exp %get3A_1119 : vector<16xf32>
      %add3A_1121 = arith.addf %add3A_1049, %exp3A_1120 : vector<16xf32>
      %add3A_1122 = arith.constant 832 : i32
      %add3A_1123 = vector.broadcast %add3A_1122 : i32 to vector<16xi32>
      %add3A_1124 = arith.addi %iota3A, %add3A_1123 : vector<16xi32>
      %eq3A_1125 = arith.cmpi eq, %add3A_1124, %gather3A_167 : vector<16xi32>
      %jit3A_1126 = arith.constant 0.000000e+00 : f32
      %broadcast_in_dim3A_1127 = vector.broadcast %jit3A_1126 : f32 to vector<16xf32>
      %select_n3A_1128 = arith.select %eq3A_1125, %get3A_1119, %broadcast_in_dim3A_1127 : vector<16xi1>, vector<16xf32>
      %add3A_1129 = arith.addf %add3A_1093, %select_n3A_1128 : vector<16xf32>
      %get3A_1130 = arith.constant 0 : i32
      %get3A_1131 = arith.constant 0 : i32
      %get3A_1132 = tpu.memref_slice %arg6[%scan3A_112, %get3A_1130, %get3A_1131] : memref<2x32x1000xf32, #tpu.memory_space<vmem>> -> memref<1x32x1000xf32, #tpu.memory_space<vmem>>
      %get3A_1133 = tpu.memref_squeeze %get3A_1132 : memref<1x32x1000xf32, #tpu.memory_space<vmem>> -> memref<32x1000xf32, #tpu.memory_space<vmem>>
      %get3A_1134 = arith.index_cast %scan3A_152 : i32 to index
      %get3A_1135 = arith.constant 848 : index
      %get3A_1136 = tpu.vector_load %get3A_1133[%get3A_1134, %get3A_1135] {strides = array<i32>} : memref<32x1000xf32, #tpu.memory_space<vmem>>, vector<1x16xf32>,
      %get3A_1137 = vector.shape_cast %get3A_1136 : vector<1x16xf32> to vector<16xf32>
      %exp3A_1138 = math.exp %get3A_1137 : vector<16xf32>
      %add3A_1139 = arith.addf %add3A_1067, %exp3A_1138 : vector<16xf32>
      %add3A_1140 = arith.constant 848 : i32
      %add3A_1141 = vector.broadcast %add3A_1140 : i32 to vector<16xi32>
      %add3A_1142 = arith.addi %iota3A, %add3A_1141 : vector<16xi32>
      %eq3A_1143 = arith.cmpi eq, %add3A_1142, %gather3A_167 : vector<16xi32>
      %jit3A_1144 = arith.constant 0.000000e+00 : f32
      %broadcast_in_dim3A_1145 = vector.broadcast %jit3A_1144 : f32 to vector<16xf32>
      %select_n3A_1146 = arith.select %eq3A_1143, %get3A_1137, %broadcast_in_dim3A_1145 : vector<16xi1>, vector<16xf32>
      %add3A_1147 = arith.addf %add3A_1111, %select_n3A_1146 : vector<16xf32>
      %get3A_1148 = arith.constant 0 : i32
      %get3A_1149 = arith.constant 0 : i32
      %get3A_1150 = tpu.memref_slice %arg6[%scan3A_112, %get3A_1148, %get3A_1149] : memref<2x32x1000xf32, #tpu.memory_space<vmem>> -> memref<1x32x1000xf32, #tpu.memory_space<vmem>>
      %get3A_1151 = tpu.memref_squeeze %get3A_1150 : memref<1x32x1000xf32, #tpu.memory_space<vmem>> -> memref<32x1000xf32, #tpu.memory_space<vmem>>
      %get3A_1152 = arith.index_cast %scan3A_152 : i32 to index
      %get3A_1153 = arith.constant 864 : index
      %get3A_1154 = tpu.vector_load %get3A_1151[%get3A_1152, %get3A_1153] {strides = array<i32>} : memref<32x1000xf32, #tpu.memory_space<vmem>>, vector<1x16xf32>,
      %get3A_1155 = vector.shape_cast %get3A_1154 : vector<1x16xf32> to vector<16xf32>
      %exp3A_1156 = math.exp %get3A_1155 : vector<16xf32>
      %add3A_1157 = arith.addf %add3A_1085, %exp3A_1156 : vector<16xf32>
      %add3A_1158 = arith.constant 864 : i32
      %add3A_1159 = vector.broadcast %add3A_1158 : i32 to vector<16xi32>
      %add3A_1160 = arith.addi %iota3A, %add3A_1159 : vector<16xi32>
      %eq3A_1161 = arith.cmpi eq, %add3A_1160, %gather3A_167 : vector<16xi32>
      %jit3A_1162 = arith.constant 0.000000e+00 : f32
      %broadcast_in_dim3A_1163 = vector.broadcast %jit3A_1162 : f32 to vector<16xf32>
      %select_n3A_1164 = arith.select %eq3A_1161, %get3A_1155, %broadcast_in_dim3A_1163 : vector<16xi1>, vector<16xf32>
      %add3A_1165 = arith.addf %add3A_1129, %select_n3A_1164 : vector<16xf32>
      %get3A_1166 = arith.constant 0 : i32
      %get3A_1167 = arith.constant 0 : i32
      %get3A_1168 = tpu.memref_slice %arg6[%scan3A_112, %get3A_1166, %get3A_1167] : memref<2x32x1000xf32, #tpu.memory_space<vmem>> -> memref<1x32x1000xf32, #tpu.memory_space<vmem>>
      %get3A_1169 = tpu.memref_squeeze %get3A_1168 : memref<1x32x1000xf32, #tpu.memory_space<vmem>> -> memref<32x1000xf32, #tpu.memory_space<vmem>>
      %get3A_1170 = arith.index_cast %scan3A_152 : i32 to index
      %get3A_1171 = arith.constant 880 : index
      %get3A_1172 = tpu.vector_load %get3A_1169[%get3A_1170, %get3A_1171] {strides = array<i32>} : memref<32x1000xf32, #tpu.memory_space<vmem>>, vector<1x16xf32>,
      %get3A_1173 = vector.shape_cast %get3A_1172 : vector<1x16xf32> to vector<16xf32>
      %exp3A_1174 = math.exp %get3A_1173 : vector<16xf32>
      %add3A_1175 = arith.addf %add3A_1103, %exp3A_1174 : vector<16xf32>
      %add3A_1176 = arith.constant 880 : i32
      %add3A_1177 = vector.broadcast %add3A_1176 : i32 to vector<16xi32>
      %add3A_1178 = arith.addi %iota3A, %add3A_1177 : vector<16xi32>
      %eq3A_1179 = arith.cmpi eq, %add3A_1178, %gather3A_167 : vector<16xi32>
      %jit3A_1180 = arith.constant 0.000000e+00 : f32
      %broadcast_in_dim3A_1181 = vector.broadcast %jit3A_1180 : f32 to vector<16xf32>
      %select_n3A_1182 = arith.select %eq3A_1179, %get3A_1173, %broadcast_in_dim3A_1181 : vector<16xi1>, vector<16xf32>
      %add3A_1183 = arith.addf %add3A_1147, %select_n3A_1182 : vector<16xf32>
      %get3A_1184 = arith.constant 0 : i32
      %get3A_1185 = arith.constant 0 : i32
      %get3A_1186 = tpu.memref_slice %arg6[%scan3A_112, %get3A_1184, %get3A_1185] : memref<2x32x1000xf32, #tpu.memory_space<vmem>> -> memref<1x32x1000xf32, #tpu.memory_space<vmem>>
      %get3A_1187 = tpu.memref_squeeze %get3A_1186 : memref<1x32x1000xf32, #tpu.memory_space<vmem>> -> memref<32x1000xf32, #tpu.memory_space<vmem>>
      %get3A_1188 = arith.index_cast %scan3A_152 : i32 to index
      %get3A_1189 = arith.constant 896 : index
      %get3A_1190 = tpu.vector_load %get3A_1187[%get3A_1188, %get3A_1189] {strides = array<i32>} : memref<32x1000xf32, #tpu.memory_space<vmem>>, vector<1x16xf32>,
      %get3A_1191 = vector.shape_cast %get3A_1190 : vector<1x16xf32> to vector<16xf32>
      %exp3A_1192 = math.exp %get3A_1191 : vector<16xf32>
      %add3A_1193 = arith.addf %add3A_1121, %exp3A_1192 : vector<16xf32>
      %add3A_1194 = arith.constant 896 : i32
      %add3A_1195 = vector.broadcast %add3A_1194 : i32 to vector<16xi32>
      %add3A_1196 = arith.addi %iota3A, %add3A_1195 : vector<16xi32>
      %eq3A_1197 = arith.cmpi eq, %add3A_1196, %gather3A_167 : vector<16xi32>
      %jit3A_1198 = arith.constant 0.000000e+00 : f32
      %broadcast_in_dim3A_1199 = vector.broadcast %jit3A_1198 : f32 to vector<16xf32>
      %select_n3A_1200 = arith.select %eq3A_1197, %get3A_1191, %broadcast_in_dim3A_1199 : vector<16xi1>, vector<16xf32>
      %add3A_1201 = arith.addf %add3A_1165, %select_n3A_1200 : vector<16xf32>
      %get3A_1202 = arith.constant 0 : i32
      %get3A_1203 = arith.constant 0 : i32
      %get3A_1204 = tpu.memref_slice %arg6[%scan3A_112, %get3A_1202, %get3A_1203] : memref<2x32x1000xf32, #tpu.memory_space<vmem>> -> memref<1x32x1000xf32, #tpu.memory_space<vmem>>
      %get3A_1205 = tpu.memref_squeeze %get3A_1204 : memref<1x32x1000xf32, #tpu.memory_space<vmem>> -> memref<32x1000xf32, #tpu.memory_space<vmem>>
      %get3A_1206 = arith.index_cast %scan3A_152 : i32 to index
      %get3A_1207 = arith.constant 912 : index
      %get3A_1208 = tpu.vector_load %get3A_1205[%get3A_1206, %get3A_1207] {strides = array<i32>} : memref<32x1000xf32, #tpu.memory_space<vmem>>, vector<1x16xf32>,
      %get3A_1209 = vector.shape_cast %get3A_1208 : vector<1x16xf32> to vector<16xf32>
      %exp3A_1210 = math.exp %get3A_1209 : vector<16xf32>
      %add3A_1211 = arith.addf %add3A_1139, %exp3A_1210 : vector<16xf32>
      %add3A_1212 = arith.constant 912 : i32
      %add3A_1213 = vector.broadcast %add3A_1212 : i32 to vector<16xi32>
      %add3A_1214 = arith.addi %iota3A, %add3A_1213 : vector<16xi32>
      %eq3A_1215 = arith.cmpi eq, %add3A_1214, %gather3A_167 : vector<16xi32>
      %jit3A_1216 = arith.constant 0.000000e+00 : f32
      %broadcast_in_dim3A_1217 = vector.broadcast %jit3A_1216 : f32 to vector<16xf32>
      %select_n3A_1218 = arith.select %eq3A_1215, %get3A_1209, %broadcast_in_dim3A_1217 : vector<16xi1>, vector<16xf32>
      %add3A_1219 = arith.addf %add3A_1183, %select_n3A_1218 : vector<16xf32>
      %get3A_1220 = arith.constant 0 : i32
      %get3A_1221 = arith.constant 0 : i32
      %get3A_1222 = tpu.memref_slice %arg6[%scan3A_112, %get3A_1220, %get3A_1221] : memref<2x32x1000xf32, #tpu.memory_space<vmem>> -> memref<1x32x1000xf32, #tpu.memory_space<vmem>>
      %get3A_1223 = tpu.memref_squeeze %get3A_1222 : memref<1x32x1000xf32, #tpu.memory_space<vmem>> -> memref<32x1000xf32, #tpu.memory_space<vmem>>
      %get3A_1224 = arith.index_cast %scan3A_152 : i32 to index
      %get3A_1225 = arith.constant 928 : index
      %get3A_1226 = tpu.vector_load %get3A_1223[%get3A_1224, %get3A_1225] {strides = array<i32>} : memref<32x1000xf32, #tpu.memory_space<vmem>>, vector<1x16xf32>,
      %get3A_1227 = vector.shape_cast %get3A_1226 : vector<1x16xf32> to vector<16xf32>
      %exp3A_1228 = math.exp %get3A_1227 : vector<16xf32>
      %add3A_1229 = arith.addf %add3A_1157, %exp3A_1228 : vector<16xf32>
      %add3A_1230 = arith.constant 928 : i32
      %add3A_1231 = vector.broadcast %add3A_1230 : i32 to vector<16xi32>
      %add3A_1232 = arith.addi %iota3A, %add3A_1231 : vector<16xi32>
      %eq3A_1233 = arith.cmpi eq, %add3A_1232, %gather3A_167 : vector<16xi32>
      %jit3A_1234 = arith.constant 0.000000e+00 : f32
      %broadcast_in_dim3A_1235 = vector.broadcast %jit3A_1234 : f32 to vector<16xf32>
      %select_n3A_1236 = arith.select %eq3A_1233, %get3A_1227, %broadcast_in_dim3A_1235 : vector<16xi1>, vector<16xf32>
      %add3A_1237 = arith.addf %add3A_1201, %select_n3A_1236 : vector<16xf32>
      %get3A_1238 = arith.constant 0 : i32
      %get3A_1239 = arith.constant 0 : i32
      %get3A_1240 = tpu.memref_slice %arg6[%scan3A_112, %get3A_1238, %get3A_1239] : memref<2x32x1000xf32, #tpu.memory_space<vmem>> -> memref<1x32x1000xf32, #tpu.memory_space<vmem>>
      %get3A_1241 = tpu.memref_squeeze %get3A_1240 : memref<1x32x1000xf32, #tpu.memory_space<vmem>> -> memref<32x1000xf32, #tpu.memory_space<vmem>>
      %get3A_1242 = arith.index_cast %scan3A_152 : i32 to index
      %get3A_1243 = arith.constant 944 : index
      %get3A_1244 = tpu.vector_load %get3A_1241[%get3A_1242, %get3A_1243] {strides = array<i32>} : memref<32x1000xf32, #tpu.memory_space<vmem>>, vector<1x16xf32>,
      %get3A_1245 = vector.shape_cast %get3A_1244 : vector<1x16xf32> to vector<16xf32>
      %exp3A_1246 = math.exp %get3A_1245 : vector<16xf32>
      %add3A_1247 = arith.addf %add3A_1175, %exp3A_1246 : vector<16xf32>
      %add3A_1248 = arith.constant 944 : i32
      %add3A_1249 = vector.broadcast %add3A_1248 : i32 to vector<16xi32>
      %add3A_1250 = arith.addi %iota3A, %add3A_1249 : vector<16xi32>
      %eq3A_1251 = arith.cmpi eq, %add3A_1250, %gather3A_167 : vector<16xi32>
      %jit3A_1252 = arith.constant 0.000000e+00 : f32
      %broadcast_in_dim3A_1253 = vector.broadcast %jit3A_1252 : f32 to vector<16xf32>
      %select_n3A_1254 = arith.select %eq3A_1251, %get3A_1245, %broadcast_in_dim3A_1253 : vector<16xi1>, vector<16xf32>
      %add3A_1255 = arith.addf %add3A_1219, %select_n3A_1254 : vector<16xf32>
      %get3A_1256 = arith.constant 0 : i32
      %get3A_1257 = arith.constant 0 : i32
      %get3A_1258 = tpu.memref_slice %arg6[%scan3A_112, %get3A_1256, %get3A_1257] : memref<2x32x1000xf32, #tpu.memory_space<vmem>> -> memref<1x32x1000xf32, #tpu.memory_space<vmem>>
      %get3A_1259 = tpu.memref_squeeze %get3A_1258 : memref<1x32x1000xf32, #tpu.memory_space<vmem>> -> memref<32x1000xf32, #tpu.memory_space<vmem>>
      %get3A_1260 = arith.index_cast %scan3A_152 : i32 to index
      %get3A_1261 = arith.constant 960 : index
      %get3A_1262 = tpu.vector_load %get3A_1259[%get3A_1260, %get3A_1261] {strides = array<i32>} : memref<32x1000xf32, #tpu.memory_space<vmem>>, vector<1x16xf32>,
      %get3A_1263 = vector.shape_cast %get3A_1262 : vector<1x16xf32> to vector<16xf32>
      %exp3A_1264 = math.exp %get3A_1263 : vector<16xf32>
      %add3A_1265 = arith.addf %add3A_1193, %exp3A_1264 : vector<16xf32>
      %add3A_1266 = arith.constant 960 : i32
      %add3A_1267 = vector.broadcast %add3A_1266 : i32 to vector<16xi32>
      %add3A_1268 = arith.addi %iota3A, %add3A_1267 : vector<16xi32>
      %eq3A_1269 = arith.cmpi eq, %add3A_1268, %gather3A_167 : vector<16xi32>
      %jit3A_1270 = arith.constant 0.000000e+00 : f32
      %broadcast_in_dim3A_1271 = vector.broadcast %jit3A_1270 : f32 to vector<16xf32>
      %select_n3A_1272 = arith.select %eq3A_1269, %get3A_1263, %broadcast_in_dim3A_1271 : vector<16xi1>, vector<16xf32>
      %add3A_1273 = arith.addf %add3A_1237, %select_n3A_1272 : vector<16xf32>
      %get3A_1274 = arith.constant 0 : i32
      %get3A_1275 = arith.constant 0 : i32
      %get3A_1276 = tpu.memref_slice %arg6[%scan3A_112, %get3A_1274, %get3A_1275] : memref<2x32x1000xf32, #tpu.memory_space<vmem>> -> memref<1x32x1000xf32, #tpu.memory_space<vmem>>
      %get3A_1277 = tpu.memref_squeeze %get3A_1276 : memref<1x32x1000xf32, #tpu.memory_space<vmem>> -> memref<32x1000xf32, #tpu.memory_space<vmem>>
      %get3A_1278 = arith.index_cast %scan3A_152 : i32 to index
      %get3A_1279 = arith.constant 976 : index
      %get3A_1280 = tpu.vector_load %get3A_1277[%get3A_1278, %get3A_1279] {strides = array<i32>} : memref<32x1000xf32, #tpu.memory_space<vmem>>, vector<1x16xf32>,
      %get3A_1281 = vector.shape_cast %get3A_1280 : vector<1x16xf32> to vector<16xf32>
      %exp3A_1282 = math.exp %get3A_1281 : vector<16xf32>
      %add3A_1283 = arith.addf %add3A_1211, %exp3A_1282 : vector<16xf32>
      %add3A_1284 = arith.constant 976 : i32
      %add3A_1285 = vector.broadcast %add3A_1284 : i32 to vector<16xi32>
      %add3A_1286 = arith.addi %iota3A, %add3A_1285 : vector<16xi32>
      %eq3A_1287 = arith.cmpi eq, %add3A_1286, %gather3A_167 : vector<16xi32>
      %jit3A_1288 = arith.constant 0.000000e+00 : f32
      %broadcast_in_dim3A_1289 = vector.broadcast %jit3A_1288 : f32 to vector<16xf32>
      %select_n3A_1290 = arith.select %eq3A_1287, %get3A_1281, %broadcast_in_dim3A_1289 : vector<16xi1>, vector<16xf32>
      %add3A_1291 = arith.addf %add3A_1255, %select_n3A_1290 : vector<16xf32>
      %get3A_1292 = arith.constant 0 : i32
      %get3A_1293 = arith.constant 0 : i32
      %get3A_1294 = tpu.memref_slice %arg6[%scan3A_112, %get3A_1292, %get3A_1293] : memref<2x32x1000xf32, #tpu.memory_space<vmem>> -> memref<1x32x1000xf32, #tpu.memory_space<vmem>>
      %get3A_1295 = tpu.memref_squeeze %get3A_1294 : memref<1x32x1000xf32, #tpu.memory_space<vmem>> -> memref<32x1000xf32, #tpu.memory_space<vmem>>
      %get3A_1296 = arith.index_cast %scan3A_152 : i32 to index
      %get3A_1297 = arith.constant 984 : index
      %get3A_1298 = tpu.vector_load %get3A_1295[%get3A_1296, %get3A_1297] {strides = array<i32>} : memref<32x1000xf32, #tpu.memory_space<vmem>>, vector<1x16xf32>,
      %get3A_1299 = vector.shape_cast %get3A_1298 : vector<1x16xf32> to vector<16xf32>
      %ge3A = arith.constant 8 : i32
      %ge3A_1300 = vector.broadcast %ge3A : i32 to vector<16xi32>
      %ge3A_1301 = arith.cmpi sge, %iota3A, %ge3A_1300 : vector<16xi32>
      %exp3A_1302 = math.exp %get3A_1299 : vector<16xf32>
      %jit3A_1303 = arith.constant 0.000000e+00 : f32
      %broadcast_in_dim3A_1304 = vector.broadcast %jit3A_1303 : f32 to vector<16xf32>
      %select_n3A_1305 = arith.select %ge3A_1301, %exp3A_1302, %broadcast_in_dim3A_1304 : vector<16xi1>, vector<16xf32>
      %add3A_1306 = arith.addf %add3A_1229, %select_n3A_1305 : vector<16xf32>
      %add3A_1307 = arith.constant 984 : i32
      %add3A_1308 = vector.broadcast %add3A_1307 : i32 to vector<16xi32>
      %add3A_1309 = arith.addi %iota3A, %add3A_1308 : vector<16xi32>
      %eq3A_1310 = arith.cmpi eq, %add3A_1309, %gather3A_167 : vector<16xi32>
      %and3A = arith.andi %ge3A_1301, %eq3A_1310 : vector<16xi1>
      %jit3A_1311 = arith.constant 0.000000e+00 : f32
      %broadcast_in_dim3A_1312 = vector.broadcast %jit3A_1311 : f32 to vector<16xf32>
      %select_n3A_1313 = arith.select %and3A, %get3A_1299, %broadcast_in_dim3A_1312 : vector<16xi1>, vector<16xf32>
      %add3A_1314 = arith.addf %add3A_1273, %select_n3A_1313 : vector<16xf32>
      %add3A_1315 = arith.addf %add3A_1265, %add3A_1283 : vector<16xf32>
      %add3A_1316 = arith.addf %add3A_1306, %add3A_1247 : vector<16xf32>
      %add3A_1317 = arith.addf %add3A_1315, %add3A_1316 : vector<16xf32>
      %add3A_1318 = arith.addf %add3A_1314, %add3A_1291 : vector<16xf32>
      %xor3A = arith.constant 8 : i32
      %xor3A_1319 = vector.broadcast %xor3A : i32 to vector<16xi32>
      %xor3A_1320 = arith.xori %iota3A, %xor3A_1319 : vector<16xi32>
      %broadcast_in_dim3A_1321 = vector.shape_cast %xor3A_1320 : vector<16xi32> to vector<16x1xi32>
      %gather3A_1322 = vector.shape_cast %broadcast_in_dim3A_1321 : vector<16x1xi32> to vector<16xi32>
      %gather3A_1323 = tpu.dynamic_gather %add3A_1317[%gather3A_1322] in [0] : vector<16xf32>, vector<16xi32> -> vector<16xf32>
      %add3A_1324 = arith.addf %add3A_1317, %gather3A_1323 : vector<16xf32>
      %xor3A_1325 = arith.constant 8 : i32
      %xor3A_1326 = vector.broadcast %xor3A_1325 : i32 to vector<16xi32>
      %xor3A_1327 = arith.xori %iota3A, %xor3A_1326 : vector<16xi32>
      %broadcast_in_dim3A_1328 = vector.shape_cast %xor3A_1327 : vector<16xi32> to vector<16x1xi32>
      %gather3A_1329 = vector.shape_cast %broadcast_in_dim3A_1328 : vector<16x1xi32> to vector<16xi32>
      %gather3A_1330 = tpu.dynamic_gather %add3A_1318[%gather3A_1329] in [0] : vector<16xf32>, vector<16xi32> -> vector<16xf32>
      %add3A_1331 = arith.addf %add3A_1318, %gather3A_1330 : vector<16xf32>
      %xor3A_1332 = arith.constant 4 : i32
      %xor3A_1333 = vector.broadcast %xor3A_1332 : i32 to vector<16xi32>
      %xor3A_1334 = arith.xori %iota3A, %xor3A_1333 : vector<16xi32>
      %broadcast_in_dim3A_1335 = vector.shape_cast %xor3A_1334 : vector<16xi32> to vector<16x1xi32>
      %gather3A_1336 = vector.shape_cast %broadcast_in_dim3A_1335 : vector<16x1xi32> to vector<16xi32>
      %gather3A_1337 = tpu.dynamic_gather %add3A_1324[%gather3A_1336] in [0] : vector<16xf32>, vector<16xi32> -> vector<16xf32>
      %add3A_1338 = arith.addf %add3A_1324, %gather3A_1337 : vector<16xf32>
      %xor3A_1339 = arith.constant 4 : i32
      %xor3A_1340 = vector.broadcast %xor3A_1339 : i32 to vector<16xi32>
      %xor3A_1341 = arith.xori %iota3A, %xor3A_1340 : vector<16xi32>
      %broadcast_in_dim3A_1342 = vector.shape_cast %xor3A_1341 : vector<16xi32> to vector<16x1xi32>
      %gather3A_1343 = vector.shape_cast %broadcast_in_dim3A_1342 : vector<16x1xi32> to vector<16xi32>
      %gather3A_1344 = tpu.dynamic_gather %add3A_1331[%gather3A_1343] in [0] : vector<16xf32>, vector<16xi32> -> vector<16xf32>
      %add3A_1345 = arith.addf %add3A_1331, %gather3A_1344 : vector<16xf32>
      %xor3A_1346 = arith.constant 2 : i32
      %xor3A_1347 = vector.broadcast %xor3A_1346 : i32 to vector<16xi32>
      %xor3A_1348 = arith.xori %iota3A, %xor3A_1347 : vector<16xi32>
      %broadcast_in_dim3A_1349 = vector.shape_cast %xor3A_1348 : vector<16xi32> to vector<16x1xi32>
      %gather3A_1350 = vector.shape_cast %broadcast_in_dim3A_1349 : vector<16x1xi32> to vector<16xi32>
      %gather3A_1351 = tpu.dynamic_gather %add3A_1338[%gather3A_1350] in [0] : vector<16xf32>, vector<16xi32> -> vector<16xf32>
      %add3A_1352 = arith.addf %add3A_1338, %gather3A_1351 : vector<16xf32>
      %xor3A_1353 = arith.constant 2 : i32
      %xor3A_1354 = vector.broadcast %xor3A_1353 : i32 to vector<16xi32>
      %xor3A_1355 = arith.xori %iota3A, %xor3A_1354 : vector<16xi32>
      %broadcast_in_dim3A_1356 = vector.shape_cast %xor3A_1355 : vector<16xi32> to vector<16x1xi32>
      %gather3A_1357 = vector.shape_cast %broadcast_in_dim3A_1356 : vector<16x1xi32> to vector<16xi32>
      %gather3A_1358 = tpu.dynamic_gather %add3A_1345[%gather3A_1357] in [0] : vector<16xf32>, vector<16xi32> -> vector<16xf32>
      %add3A_1359 = arith.addf %add3A_1345, %gather3A_1358 : vector<16xf32>
      %xor3A_1360 = arith.constant 1 : i32
      %xor3A_1361 = vector.broadcast %xor3A_1360 : i32 to vector<16xi32>
      %xor3A_1362 = arith.xori %iota3A, %xor3A_1361 : vector<16xi32>
      %broadcast_in_dim3A_1363 = vector.shape_cast %xor3A_1362 : vector<16xi32> to vector<16x1xi32>
      %gather3A_1364 = vector.shape_cast %broadcast_in_dim3A_1363 : vector<16x1xi32> to vector<16xi32>
      %gather3A_1365 = tpu.dynamic_gather %add3A_1352[%gather3A_1364] in [0] : vector<16xf32>, vector<16xi32> -> vector<16xf32>
      %add3A_1366 = arith.addf %add3A_1352, %gather3A_1365 : vector<16xf32>
      %xor3A_1367 = arith.constant 1 : i32
      %xor3A_1368 = vector.broadcast %xor3A_1367 : i32 to vector<16xi32>
      %xor3A_1369 = arith.xori %iota3A, %xor3A_1368 : vector<16xi32>
      %broadcast_in_dim3A_1370 = vector.shape_cast %xor3A_1369 : vector<16xi32> to vector<16x1xi32>
      %gather3A_1371 = vector.shape_cast %broadcast_in_dim3A_1370 : vector<16x1xi32> to vector<16xi32>
      %gather3A_1372 = tpu.dynamic_gather %add3A_1359[%gather3A_1371] in [0] : vector<16xf32>, vector<16xi32> -> vector<16xf32>
      %add3A_1373 = arith.addf %add3A_1359, %gather3A_1372 : vector<16xf32>
      %eq3A_1374 = vector.broadcast %rem3A_155 : i32 to vector<16xi32>
      %eq3A_1375 = arith.cmpi eq, %iota3A, %eq3A_1374 : vector<16xi32>
      %select_n3A_1376 = arith.select %eq3A_1375, %add3A_1366, %scan3A_153 : vector<16xi1>, vector<16xf32>
      %select_n3A_1377 = arith.select %eq3A_1375, %add3A_1373, %scan3A_154 : vector<16xi1>, vector<16xf32>
      %eq3A_1378 = arith.constant 15 : i32
      %eq3A_1379 = arith.cmpi eq, %rem3A_155, %eq3A_1378 : i32
      %convert_element_type3A_1380 = arith.extui %eq3A_1379 : i1 to i32
      %cond3A_1381 = arith.constant 0 : i32
      %cond3A_1382 = arith.cmpi ne, %convert_element_type3A_1380, %cond3A_1381 : i32
      scf.if %cond3A_1382 {
        %mul3A_1383 = arith.constant 32 : i32
        %mul3A_1384 = arith.muli %add3A_90, %mul3A_1383 : i32
        %add3A_1385 = arith.addi %mul3A_1384, %scan3A_152 : i32
        %sub3A_1386 = arith.constant 15 : i32
        %sub3A_1387 = arith.subi %add3A_1385, %sub3A_1386 : i32
        %swap3A = arith.index_cast %sub3A_1387 : i32 to index
        %swap3A_1388 = tpu.vector_load %arg8[%swap3A] {strides = array<i32>} : memref<64xf32, #tpu.memory_space<vmem>>, vector<16xf32>,
        %swap3A_1389 = vector.shape_cast %swap3A_1388 : vector<16xf32> to vector<16xf32>
        %swap3A_1390 = vector.shape_cast %select_n3A_1376 : vector<16xf32> to vector<16xf32>
        tpu.vector_store %arg8[%swap3A], %swap3A_1390 {strides = array<i32>} : memref<64xf32, #tpu.memory_space<vmem>>, vector<16xf32>,
        %mul3A_1391 = arith.constant 32 : i32
        %mul3A_1392 = arith.muli %add3A_90, %mul3A_1391 : i32
        %add3A_1393 = arith.addi %mul3A_1392, %scan3A_152 : i32
        %sub3A_1394 = arith.constant 15 : i32
        %sub3A_1395 = arith.subi %add3A_1393, %sub3A_1394 : i32
        %swap3A_1396 = arith.index_cast %sub3A_1395 : i32 to index
        %swap3A_1397 = tpu.vector_load %arg9[%swap3A_1396] {strides = array<i32>} : memref<64xf32, #tpu.memory_space<vmem>>, vector<16xf32>,
        %swap3A_1398 = vector.shape_cast %swap3A_1397 : vector<16xf32> to vector<16xf32>
        %swap3A_1399 = vector.shape_cast %select_n3A_1377 : vector<16xf32> to vector<16xf32>
        tpu.vector_store %arg9[%swap3A_1396], %swap3A_1399 {strides = array<i32>} : memref<64xf32, #tpu.memory_space<vmem>>, vector<16xf32>,
      } else {
      }
      scf.yield %select_n3A_1376, %select_n3A_1377 : vector<16xf32>, vector<16xf32>
    }
    %scan3A_118 = arith.constant 32 : i32
    %add3A_119 = arith.constant 2 : i32
    %add3A_120 = arith.addi %add3A_90, %add3A_119 : i32
    %lt3A_121 = arith.constant 2 : i32
    %lt3A_122 = arith.cmpi slt, %add3A_120, %lt3A_121 : i32
    %convert_element_type3A_123 = arith.extui %lt3A_122 : i1 to i32
    %cond3A_124 = arith.constant 0 : i32
    %cond3A_125 = arith.cmpi ne, %convert_element_type3A_123, %cond3A_124 : i32
    scf.if %cond3A_125 {
      %add3A_152 = arith.constant 2 : i32
      %add3A_153 = arith.addi %add3A_90, %add3A_152 : i32
      %mul3A_154 = arith.constant 32 : i32
      %mul3A_155 = arith.muli %add3A_153, %mul3A_154 : i32
      %add3A_156 = arith.addi %add3A_4, %mul3A_155 : i32
      %dma_start3A_157 = arith.constant 1 : i32
      %dma_start3A_158 = arith.constant 1 : i32
      %dma_start3A_159 = arith.constant 0 : i32
      %dma_start3A_160 = arith.constant 0 : i32
      %dma_start3A_161 = tpu.memref_slice %arg6[%dma_start3A_157, %dma_start3A_159, %dma_start3A_160] : memref<2x32x1000xf32, #tpu.memory_space<vmem>> -> memref<1x32x1000xf32, #tpu.memory_space<vmem>>
      %dma_start3A_162 = tpu.memref_squeeze %dma_start3A_161 : memref<1x32x1000xf32, #tpu.memory_space<vmem>> -> memref<32x1000xf32, #tpu.memory_space<vmem>>
      %dma_start3A_163 = arith.constant 0 : i32
      %dma_start3A_164 = tpu.memref_slice %arg2[%add3A_156, %dma_start3A_163] : memref<16384x1000xf32, #tpu.memory_space<hbm>> -> memref<32x1000xf32, #tpu.memory_space<hbm>>
      %dma_start3A_165 = tpu.memref_slice %arg10[%dma_start3A_158] : memref<2x!tpu.dma_semaphore, #tpu.memory_space<semaphore_mem>> -> memref<1x!tpu.dma_semaphore, #tpu.memory_space<semaphore_mem>>
      %dma_start3A_166 = tpu.memref_squeeze %dma_start3A_165 : memref<1x!tpu.dma_semaphore, #tpu.memory_space<semaphore_mem>> -> memref<!tpu.dma_semaphore, #tpu.memory_space<semaphore_mem>>
      %dma_start3A_167 = arith.constant 0 : i32
      %dma_start3A_168 = arith.constant 0 : i32
      %dma_start3A_169 = tpu.memref_slice %arg6[%dma_start3A_157, %dma_start3A_167, %dma_start3A_168] : memref<2x32x1000xf32, #tpu.memory_space<vmem>> -> memref<1x32x1000xf32, #tpu.memory_space<vmem>>
      %dma_start3A_170 = tpu.memref_squeeze %dma_start3A_169 : memref<1x32x1000xf32, #tpu.memory_space<vmem>> -> memref<32x1000xf32, #tpu.memory_space<vmem>>
      %dma_start3A_171 = arith.constant 0 : i32
      %dma_start3A_172 = tpu.memref_slice %arg2[%add3A_156, %dma_start3A_171] : memref<16384x1000xf32, #tpu.memory_space<hbm>> -> memref<32x1000xf32, #tpu.memory_space<hbm>>
      tpu.enqueue_dma source(%dma_start3A_172 : memref<32x1000xf32, #tpu.memory_space<hbm>>) target(%dma_start3A_170 : memref<32x1000xf32, #tpu.memory_space<vmem>>) target_semaphore(%dma_start3A_166 : memref<!tpu.dma_semaphore, #tpu.memory_space<semaphore_mem>>)
    } else {
    }
    %scan3A_126 = arith.constant 0 : i32
    %scan3A_127 = arith.constant 1 : i32
    %dma_start3A_128 = arith.constant 0 : i32
    %dma_start3A_129 = tpu.memref_slice %arg4[%add3A, %dma_start3A_128] : memref<32x64xf32, #tpu.memory_space<hbm>> -> memref<1x64xf32, #tpu.memory_space<hbm>>
    %dma_start3A_130 = tpu.memref_squeeze %dma_start3A_129 : memref<1x64xf32, #tpu.memory_space<hbm>> -> memref<64xf32, #tpu.memory_space<hbm>>
    %dma_start3A_131 = arith.constant 0 : i32
    %dma_start3A_132 = tpu.memref_slice %arg4[%add3A, %dma_start3A_131] : memref<32x64xf32, #tpu.memory_space<hbm>> -> memref<1x64xf32, #tpu.memory_space<hbm>>
    %dma_start3A_133 = tpu.memref_squeeze %dma_start3A_132 : memref<1x64xf32, #tpu.memory_space<hbm>> -> memref<64xf32, #tpu.memory_space<hbm>>
    tpu.enqueue_dma source(%arg8 : memref<64xf32, #tpu.memory_space<vmem>>) target(%dma_start3A_133 : memref<64xf32, #tpu.memory_space<hbm>>) target_semaphore(%arg12 : memref<!tpu.dma_semaphore, #tpu.memory_space<semaphore_mem>>)
    %dma_wait3A_134 = arith.constant 0 : i32
    %dma_wait3A_135 = tpu.memref_slice %arg4[%add3A, %dma_wait3A_134] : memref<32x64xf32, #tpu.memory_space<hbm>> -> memref<1x64xf32, #tpu.memory_space<hbm>>
    %dma_wait3A_136 = tpu.memref_squeeze %dma_wait3A_135 : memref<1x64xf32, #tpu.memory_space<hbm>> -> memref<64xf32, #tpu.memory_space<hbm>>
    %dma_wait3A_137 = arith.constant 0 : i32
    %dma_wait3A_138 = tpu.memref_slice %arg4[%add3A, %dma_wait3A_137] : memref<32x64xf32, #tpu.memory_space<hbm>> -> memref<1x64xf32, #tpu.memory_space<hbm>>
    %dma_wait3A_139 = tpu.memref_squeeze %dma_wait3A_138 : memref<1x64xf32, #tpu.memory_space<hbm>> -> memref<64xf32, #tpu.memory_space<hbm>>
    tpu.wait_dma2 semaphore(%arg12 : memref<!tpu.dma_semaphore, #tpu.memory_space<semaphore_mem>>) src(%arg8 : memref<64xf32, #tpu.memory_space<vmem>>) dst(%dma_wait3A_139 : memref<64xf32, #tpu.memory_space<hbm>>)
    %dma_start3A_140 = arith.constant 0 : i32
    %dma_start3A_141 = tpu.memref_slice %arg5[%add3A, %dma_start3A_140] : memref<32x64xf32, #tpu.memory_space<hbm>> -> memref<1x64xf32, #tpu.memory_space<hbm>>
    %dma_start3A_142 = tpu.memref_squeeze %dma_start3A_141 : memref<1x64xf32, #tpu.memory_space<hbm>> -> memref<64xf32, #tpu.memory_space<hbm>>
    %dma_start3A_143 = arith.constant 0 : i32
    %dma_start3A_144 = tpu.memref_slice %arg5[%add3A, %dma_start3A_143] : memref<32x64xf32, #tpu.memory_space<hbm>> -> memref<1x64xf32, #tpu.memory_space<hbm>>
    %dma_start3A_145 = tpu.memref_squeeze %dma_start3A_144 : memref<1x64xf32, #tpu.memory_space<hbm>> -> memref<64xf32, #tpu.memory_space<hbm>>
    tpu.enqueue_dma source(%arg9 : memref<64xf32, #tpu.memory_space<vmem>>) target(%dma_start3A_145 : memref<64xf32, #tpu.memory_space<hbm>>) target_semaphore(%arg12 : memref<!tpu.dma_semaphore, #tpu.memory_space<semaphore_mem>>)
    %dma_wait3A_146 = arith.constant 0 : i32
    %dma_wait3A_147 = tpu.memref_slice %arg5[%add3A, %dma_wait3A_146] : memref<32x64xf32, #tpu.memory_space<hbm>> -> memref<1x64xf32, #tpu.memory_space<hbm>>
    %dma_wait3A_148 = tpu.memref_squeeze %dma_wait3A_147 : memref<1x64xf32, #tpu.memory_space<hbm>> -> memref<64xf32, #tpu.memory_space<hbm>>
    %dma_wait3A_149 = arith.constant 0 : i32
    %dma_wait3A_150 = tpu.memref_slice %arg5[%add3A, %dma_wait3A_149] : memref<32x64xf32, #tpu.memory_space<hbm>> -> memref<1x64xf32, #tpu.memory_space<hbm>>
    %dma_wait3A_151 = tpu.memref_squeeze %dma_wait3A_150 : memref<1x64xf32, #tpu.memory_space<hbm>> -> memref<64xf32, #tpu.memory_space<hbm>>
    tpu.wait_dma2 semaphore(%arg12 : memref<!tpu.dma_semaphore, #tpu.memory_space<semaphore_mem>>) src(%arg9 : memref<64xf32, #tpu.memory_space<vmem>>) dst(%dma_wait3A_151 : memref<64xf32, #tpu.memory_space<hbm>>)
    return
  }
}

module attributes {stable_mosaic.version = 14 : i64} {
  func.func @_tc_loss_body(%arg0: i32, %arg1: memref<1024x1000xf32, #tpu.memory_space<vmem>>, %arg2: memref<1024x1xi32, #tpu.memory_space<vmem>>, %arg3: memref<1x1x1024xf32, #tpu.memory_space<vmem>>) attributes {dimension_semantics = [#tpu.dimension_semantics<arbitrary>], iteration_bounds = array<i64: 14>, scalar_prefetch = 0 : i64, scratch_operands = 0 : i64, tpu.core_type = #tpu.core_type<tc>, window_params = [{transform_indices = @transform_0, window_bounds = array<i64: 1024, 1000>}, {transform_indices = @transform_1, window_bounds = array<i64: 1024, 1>}, {transform_indices = @transform_2, window_bounds = array<i64: 1, 1, 1024>}]} {
    %get3A = arith.constant 0 : index
    %get3A_0 = arith.constant 0 : index
    %get3A_1 = vector.load %arg1[%get3A, %get3A_0] : memref<1024x1000xf32, #tpu.memory_space<vmem>>, vector<1024x1000xf32>
    %iota3A = tpu.iota {dimensions = array<i32: 1>} : vector<1024x1000xi32>
    %lt3A = arith.constant 1000 : i32
    %lt3A_2 = vector.broadcast %lt3A : i32 to vector<1024x1000xi32>
    %lt3A_3 = arith.cmpi slt, %iota3A, %lt3A_2 : vector<1024x1000xi32>
    %exp3A = math.exp %get3A_1 : vector<1024x1000xf32>
    %jit3A = arith.constant 0.000000e+00 : f32
    %broadcast_in_dim3A = vector.broadcast %jit3A : f32 to vector<1024x1000xf32>
    %select_n3A = arith.select %lt3A_3, %exp3A, %broadcast_in_dim3A : vector<1024x1000xi1>, vector<1024x1000xf32>
    %reduce_sum3A = arith.constant dense<0.000000e+00> : vector<1024xf32>
    %reduce_sum3A_4 = vector.multi_reduction <add>, %select_n3A, %reduce_sum3A [1] : vector<1024x1000xf32> to vector<1024xf32>
    %broadcast_in_dim3A_5 = vector.shape_cast %reduce_sum3A_4 : vector<1024xf32> to vector<1024x1xf32>
    %get3A_6 = arith.constant 0 : index
    %get3A_7 = arith.constant 0 : index
    %get3A_8 = vector.load %arg2[%get3A_6, %get3A_7] : memref<1024x1xi32, #tpu.memory_space<vmem>>, vector<1024x1xi32>
    %eq3A = vector.broadcast %get3A_8 : vector<1024x1xi32> to vector<1024x1000xi32>
    %eq3A_9 = arith.cmpi eq, %iota3A, %eq3A : vector<1024x1000xi32>
    %jit3A_10 = arith.constant 0.000000e+00 : f32
    %broadcast_in_dim3A_11 = vector.broadcast %jit3A_10 : f32 to vector<1024x1000xf32>
    %select_n3A_12 = arith.select %eq3A_9, %get3A_1, %broadcast_in_dim3A_11 : vector<1024x1000xi1>, vector<1024x1000xf32>
    %reduce_sum3A_13 = arith.constant dense<0.000000e+00> : vector<1024xf32>
    %reduce_sum3A_14 = vector.multi_reduction <add>, %select_n3A_12, %reduce_sum3A_13 [1] : vector<1024x1000xf32> to vector<1024xf32>
    %broadcast_in_dim3A_15 = vector.shape_cast %reduce_sum3A_14 : vector<1024xf32> to vector<1024x1xf32>
    %log3A = math.log %broadcast_in_dim3A_5 : vector<1024x1xf32>
    %sub3A = arith.subf %log3A, %broadcast_in_dim3A_15 : vector<1024x1xf32>
    %transpose3A = tpu.transpose %sub3A, [1, 0] : vector<1024x1xf32> -> vector<1x1024xf32>
    %broadcast_in_dim3A_16 = vector.shape_cast %transpose3A : vector<1x1024xf32> to vector<1x1x1024xf32>
    %swap3A = arith.constant 0 : index
    %swap3A_17 = arith.constant 0 : index
    %swap3A_18 = arith.constant 0 : index
    %swap3A_19 = vector.load %arg3[%swap3A, %swap3A_17, %swap3A_18] : memref<1x1x1024xf32, #tpu.memory_space<vmem>>, vector<1x1x1024xf32>
    tpu.vector_store %arg3[%swap3A, %swap3A_17, %swap3A_18], %broadcast_in_dim3A_16 {strides = array<i32>} : memref<1x1x1024xf32, #tpu.memory_space<vmem>>, vector<1x1x1024xf32>,
    return
  }
  func.func @transform_0(%arg0: i32) -> (i32, i32) {
    %c0_i32 = arith.constant 0 : i32
    %c0_i32_0 = arith.constant 0 : i32
    return %arg0, %c0_i32 : i32, i32
  }
  func.func @transform_1(%arg0: i32) -> (i32, i32) {
    %c0_i32 = arith.constant 0 : i32
    %c0_i32_0 = arith.constant 0 : i32
    return %arg0, %c0_i32 : i32, i32
  }
  func.func @transform_2(%arg0: i32) -> (i32, i32, i32) {
    %c0_i32 = arith.constant 0 : i32
    %c0_i32_0 = arith.constant 0 : i32
    %c0_i32_1 = arith.constant 0 : i32
    return %arg0, %c0_i32, %c0_i32_0 : i32, i32, i32
  }
}

module attributes {stable_mosaic.version = 14 : i64} {
  func.func @_finish_body(%arg0: memref<14x1x1024xf32, #tpu.memory_space<vmem>>, %arg1: memref<32x64xf32, #tpu.memory_space<vmem>>, %arg2: memref<32x64xf32, #tpu.memory_space<vmem>>, %arg3: memref<1x1xf32, #tpu.memory_space<vmem>>) attributes {dimension_semantics = [], scalar_prefetch = 0 : i64, scratch_operands = 0 : i64, tpu.core_type = #tpu.core_type<tc>} {
    %get3A = arith.constant 0 : index
    %get3A_0 = arith.constant 0 : index
    %get3A_1 = arith.constant 0 : index
    %get3A_2 = vector.load %arg0[%get3A, %get3A_0, %get3A_1] : memref<14x1x1024xf32, #tpu.memory_space<vmem>>, vector<14x1x1024xf32>
    %squeeze3A = vector.shape_cast %get3A_2 : vector<14x1x1024xf32> to vector<14x1024xf32>
    %get3A_3 = arith.constant 0 : index
    %get3A_4 = arith.constant 0 : index
    %get3A_5 = vector.load %arg1[%get3A_3, %get3A_4] : memref<32x64xf32, #tpu.memory_space<vmem>>, vector<32x64xf32>
    %log3A = math.log %get3A_5 : vector<32x64xf32>
    %get3A_6 = arith.constant 0 : index
    %get3A_7 = arith.constant 0 : index
    %get3A_8 = vector.load %arg2[%get3A_6, %get3A_7] : memref<32x64xf32, #tpu.memory_space<vmem>>, vector<32x64xf32>
    %sub3A = arith.subf %log3A, %get3A_8 : vector<32x64xf32>
    %bitcast_convert_type3A = tpu.bitcast %squeeze3A : vector<14x1024xf32> -> vector<14x1024xi32>
    %bitcast_convert_type3A_9 = tpu.bitcast %sub3A : vector<32x64xf32> -> vector<32x64xi32>
    %scan3A = arith.constant 0 : i32
    %scan3A_10 = arith.constant 0 : i32
    %scan3A_11 = arith.constant 31 : i32
    %scan3A_12 = arith.addi %scan3A_10, %scan3A_11 : i32
    %scan3A_13 = arith.constant 1 : i32
    %scan3A_14 = scf.for %scan3A_51 = %scan3A_10 to %scan3A_12 step %scan3A_13 iter_args(%scan3A_52 = %scan3A) -> (i32)  : i32 {
      %sub3A_53 = arith.constant 30 : i32
      %sub3A_54 = arith.subi %sub3A_53, %scan3A_51 : i32
      %shift_left3A = arith.constant 1 : i32
      %shift_left3A_55 = arith.shli %shift_left3A, %sub3A_54 : i32
      %or3A = arith.ori %scan3A_52, %shift_left3A_55 : i32
      %ge3A = vector.broadcast %or3A : i32 to vector<14x1024xi32>
      %ge3A_56 = arith.cmpi sge, %bitcast_convert_type3A, %ge3A : vector<14x1024xi32>
      %convert_element_type3A_57 = arith.extui %ge3A_56 : vector<14x1024xi1> to vector<14x1024xi32>
      %reduce_sum3A_58 = vector.shape_cast %convert_element_type3A_57 : vector<14x1024xi32> to vector<1x14x1024xi32>
      %reduce_sum3A_59 = arith.constant dense<0> : vector<1xi32>
      %reduce_sum3A_60 = vector.multi_reduction <add>, %reduce_sum3A_58, %reduce_sum3A_59 [1, 2] : vector<1x14x1024xi32> to vector<1xi32>
      %reduce_sum3A_61 = vector.shape_cast %reduce_sum3A_60 : vector<1xi32> to vector<1x1x1xi32>
      %reduce_sum3A_62 = vector.extract %reduce_sum3A_61[0, 0, 0] : i32 from vector<1x1x1xi32>
      %ge3A_63 = vector.broadcast %or3A : i32 to vector<32x64xi32>
      %ge3A_64 = arith.cmpi sge, %bitcast_convert_type3A_9, %ge3A_63 : vector<32x64xi32>
      %convert_element_type3A_65 = arith.extui %ge3A_64 : vector<32x64xi1> to vector<32x64xi32>
      %reduce_sum3A_66 = vector.shape_cast %convert_element_type3A_65 : vector<32x64xi32> to vector<1x32x64xi32>
      %reduce_sum3A_67 = arith.constant dense<0> : vector<1xi32>
      %reduce_sum3A_68 = vector.multi_reduction <add>, %reduce_sum3A_66, %reduce_sum3A_67 [1, 2] : vector<1x32x64xi32> to vector<1xi32>
      %reduce_sum3A_69 = vector.shape_cast %reduce_sum3A_68 : vector<1xi32> to vector<1x1x1xi32>
      %reduce_sum3A_70 = vector.extract %reduce_sum3A_69[0, 0, 0] : i32 from vector<1x1x1xi32>
      %add3A_71 = arith.addi %reduce_sum3A_62, %reduce_sum3A_70 : i32
      %ge3A_72 = arith.constant 11468 : i32
      %ge3A_73 = arith.cmpi sge, %add3A_71, %ge3A_72 : i32
      %select_n3A_74 = arith.select %ge3A_73, %or3A, %scan3A_52 : i32
      scf.yield %select_n3A_74 : i32
    }
    %scan3A_15 = arith.constant 31 : i32
    %bitcast_convert_type3A_16 = arith.bitcast %scan3A_14 : i32 to f32
    %gt3A = vector.broadcast %scan3A_14 : i32 to vector<14x1024xi32>
    %gt3A_17 = arith.cmpi sgt, %bitcast_convert_type3A, %gt3A : vector<14x1024xi32>
    %gt3A_18 = vector.broadcast %scan3A_14 : i32 to vector<32x64xi32>
    %gt3A_19 = arith.cmpi sgt, %bitcast_convert_type3A_9, %gt3A_18 : vector<32x64xi32>
    %convert_element_type3A = arith.extui %gt3A_17 : vector<14x1024xi1> to vector<14x1024xi32>
    %reduce_sum3A = vector.shape_cast %convert_element_type3A : vector<14x1024xi32> to vector<1x14x1024xi32>
    %reduce_sum3A_20 = arith.constant dense<0> : vector<1xi32>
    %reduce_sum3A_21 = vector.multi_reduction <add>, %reduce_sum3A, %reduce_sum3A_20 [1, 2] : vector<1x14x1024xi32> to vector<1xi32>
    %reduce_sum3A_22 = vector.shape_cast %reduce_sum3A_21 : vector<1xi32> to vector<1x1x1xi32>
    %reduce_sum3A_23 = vector.extract %reduce_sum3A_22[0, 0, 0] : i32 from vector<1x1x1xi32>
    %convert_element_type3A_24 = arith.extui %gt3A_19 : vector<32x64xi1> to vector<32x64xi32>
    %reduce_sum3A_25 = vector.shape_cast %convert_element_type3A_24 : vector<32x64xi32> to vector<1x32x64xi32>
    %reduce_sum3A_26 = arith.constant dense<0> : vector<1xi32>
    %reduce_sum3A_27 = vector.multi_reduction <add>, %reduce_sum3A_25, %reduce_sum3A_26 [1, 2] : vector<1x32x64xi32> to vector<1xi32>
    %reduce_sum3A_28 = vector.shape_cast %reduce_sum3A_27 : vector<1xi32> to vector<1x1x1xi32>
    %reduce_sum3A_29 = vector.extract %reduce_sum3A_28[0, 0, 0] : i32 from vector<1x1x1xi32>
    %add3A = arith.addi %reduce_sum3A_23, %reduce_sum3A_29 : i32
    %jit3A = arith.constant 0.000000e+00 : f32
    %broadcast_in_dim3A = vector.broadcast %jit3A : f32 to vector<14x1024xf32>
    %select_n3A = arith.select %gt3A_17, %squeeze3A, %broadcast_in_dim3A : vector<14x1024xi1>, vector<14x1024xf32>
    %reduce_sum3A_30 = vector.shape_cast %select_n3A : vector<14x1024xf32> to vector<1x14x1024xf32>
    %reduce_sum3A_31 = arith.constant dense<0.000000e+00> : vector<1xf32>
    %reduce_sum3A_32 = vector.multi_reduction <add>, %reduce_sum3A_30, %reduce_sum3A_31 [1, 2] : vector<1x14x1024xf32> to vector<1xf32>
    %reduce_sum3A_33 = vector.shape_cast %reduce_sum3A_32 : vector<1xf32> to vector<1x1x1xf32>
    %reduce_sum3A_34 = vector.extract %reduce_sum3A_33[0, 0, 0] : f32 from vector<1x1x1xf32>
    %jit3A_35 = arith.constant 0.000000e+00 : f32
    %broadcast_in_dim3A_36 = vector.broadcast %jit3A_35 : f32 to vector<32x64xf32>
    %select_n3A_37 = arith.select %gt3A_19, %sub3A, %broadcast_in_dim3A_36 : vector<32x64xi1>, vector<32x64xf32>
    %reduce_sum3A_38 = vector.shape_cast %select_n3A_37 : vector<32x64xf32> to vector<1x32x64xf32>
    %reduce_sum3A_39 = arith.constant dense<0.000000e+00> : vector<1xf32>
    %reduce_sum3A_40 = vector.multi_reduction <add>, %reduce_sum3A_38, %reduce_sum3A_39 [1, 2] : vector<1x32x64xf32> to vector<1xf32>
    %reduce_sum3A_41 = vector.shape_cast %reduce_sum3A_40 : vector<1xf32> to vector<1x1x1xf32>
    %reduce_sum3A_42 = vector.extract %reduce_sum3A_41[0, 0, 0] : f32 from vector<1x1x1xf32>
    %add3A_43 = arith.addf %reduce_sum3A_34, %reduce_sum3A_42 : f32
    %sub3A_44 = arith.constant 11468 : i32
    %sub3A_45 = arith.subi %sub3A_44, %add3A : i32
    %convert_element_type3A_46 = arith.sitofp %sub3A_45 : i32 to f32
    %mul3A = arith.mulf %convert_element_type3A_46, %bitcast_convert_type3A_16 : f32
    %add3A_47 = arith.addf %add3A_43, %mul3A : f32
    %broadcast_in_dim3A_48 = vector.broadcast %add3A_47 : f32 to vector<1x1xf32>
    %swap3A = arith.constant 0 : index
    %swap3A_49 = arith.constant 0 : index
    %swap3A_50 = vector.load %arg3[%swap3A, %swap3A_49] : memref<1x1xf32, #tpu.memory_space<vmem>>, vector<1x1xf32>
    tpu.vector_store %arg3[%swap3A, %swap3A_49], %broadcast_in_dim3A_48 {strides = array<i32>} : memref<1x1xf32, #tpu.memory_space<vmem>>, vector<1x1xf32>,
    return
  }
}

</mosaic_0001>

<sc_bundles>
// kernel: kernel.5.cloned.1.call-start
scs
__scs_entry_jumppad:
0x0: {  	(pc) =	sbr.rel $0x88, $3  }
0x1: {  	(tag) =	ssettag $0x0;
	lr =	simm.s32 $0x1  }
0x2: {  	[smem:$0x3F9F] =	sst lr;
	_ =	strace $0xD0000000  }
0x3: {  	_ = 	snop  }
0x4: {  	_ = 	snop  }
0x5: {  	_ = 	snop  }
0x6: {  	_ = 	snop  }
0x7: {  	_ = 	snop  }
__scs_overlays_trampoline_lowered:
0x8: {  	[smem:$0x3FAE] =	sst s0  }
0x9: {  	[smem:$0x3FAF] =	sst s1  }
0xa: {  	[smem:$0x3FB0] =	sst s2  }
0xb: {  	[smem:$0x3FB1] =	sst s3  }
0xc: {  	[smem:$0x3FB2] =	sst s4  }
0xd: {  	[smem:$0x3FB3] =	sst s5  }
0xe: {  	[smem:$0x3FB4] =	sst s6  }
0xf: {  	[smem:$0x3FB5] =	sst s7  }
0x10: {  	[smem:$0x3FB6] =	sst s8  }
0x11: {  	[smem:$0x3FB7] =	sst s9;
	s0 =	simm.s32 @!p0 $0x0  }
0x12: {  	s1 =	sld [smem:$0x3F9D];
	s0 =	simm.s32 @p0 $0x1  }
0x13: {  	[smem:$0x3FB8] =	sst s0;
	s0 =	simm.s32 @!p1 $0x0  }
0x14: {  	s2 =	sld [smem:$0x3F9C];
	s0 =	simm.s32 @p1 $0x1  }
0x15: {  	[smem:$0x3FB9] =	sst s0;
	s0 =	simm.s32 @!p2 $0x0  }
0x16: {  	s3 =	sld [smem:$0x3FDB];
	s0 =	simm.s32 @p2 $0x1  }
0x17: {  	s4 =	simm.s32 $0x1BF5;
	[smem:$0x3FBB] =	sst s0  }
0x18: {  	s0 =	sld [smem:$0x3F9E];
	_ =	swait.ge [sflag:s4], $0x0  }
0x19: {  	s7 =	sld [smem:$0x3F9F]  }
0x1a: {  	s8 =	sadd.s32 $0xFFFFE003, lr  }
0x1b: {  	s9 =	sadd.s32 $0xFFFFFEF7, lr;
	s5 =	simm.s32 $0xFFFFFFFF;
	p2 =	slt.u32 s8, $0xFFFFF086  }
0x1c: {  	p1 =	slt.u32 s9, $0xF7A;
	s5 =	simm.s32 @!p2 $0x0  }
0x1d: {  	s5 =	simm.s32 @p1 $0x1;
	p0 =	seq.s32 s7, s2  }
0x1e: {  	s7 =	smul.u32 @!p0 $0xF7A, s2;
	p2 =	seq.s32 @!p0 s5, $0x0  }
0x1f: {  	s9 =	smul.u32 $0xF7A, s1;
	s8 =	simm.s32 @!p0 $0x1BF5;
	p2 =	por !p2, p0  }
0x20: {  	[sflag:s8] =	ssyncset.s32 @!p0 $0xFFFFF086;
	s6 =	sadd.s32 @!p0 s3, s7;
	s7 =	simm.s32 @!p0 $0x108  }
0x21: {  	s3 =	sadd.s32 s3, s9;
	s6 =	sadd.s32 @!p0 $0x88, s6;
	s7 =	simm.s32 @p2 $0x1082  }
0x22: {  	[simem:s7], [sflag:s8] =	dma.local @!p0 [hbm:s6], $0xF7A  }
0x23: {  	s9 =	sor.u32 $0xD0000000, s2;
	s6 =	simm.s32 $0x108;
	_ =	swait.ge @!p0 [sflag:s8], $0x0  }
0x24: {  	s3 =	sadd.s32 $0x88, s3;
	s6 =	simm.s32 @!p1 $0x1082;
	[sflag:s4] =	ssyncset.s32 $0xFFFFF086  }
0x25: {  	[simem:s6], [sflag:s4] =	dma.local [hbm:s3], $0xF7A  }
0x26: {  	[smem:$0x3F9F] =	sst s1;
	(tag) =	ssettag s2;
	_ =	strace s9  }
0x27: {  	s1 =	sld [smem:$0x3FAF]  }
0x28: {  	s2 =	sld [smem:$0x3FB0]  }
0x29: {  	s4 =	sld [smem:$0x3FB2]  }
0x2a: {  	p0 =	seq.s32 s5, $0x0;
	s5 =	sld [smem:$0x3FB3]  }
0x2b: {  	s6 =	sld [smem:$0x3FB4]  }
0x2c: {  	s7 =	sld [smem:$0x3FB5]  }
0x2d: {  	s3 =	simm.s32 $0x108;
	s8 =	sld [smem:$0x3FB6]  }
0x2e: {  	s3 =	simm.s32 @!p0 $0x1082;
	s9 =	sld [smem:$0x3FB7]  }
0x2f: {  	lr =	sadd.s32 s0, s3;
	s0 =	sld [smem:$0x3FAE]  }
0x30: {  	s3 =	sld [smem:$0x3FB1]  }
0x31: {  	[smem:$0x3FBA] =	sst s10  }
0x32: {  	s10 =	sld [smem:$0x3FB8];
	_ =	sdelay $0x3  }
0x33: {  	p0 =	seq.s32 s10, $0x1;
	s10 =	sld [smem:$0x3FBA];
	_ =	sdelay $0x3  }
0x34: {  	[smem:$0x3FBA] =	sst s10  }
0x35: {  	s10 =	sld [smem:$0x3FB9];
	_ =	sdelay $0x3  }
0x36: {  	p1 =	seq.s32 s10, $0x1;
	s10 =	sld [smem:$0x3FBA];
	_ =	sdelay $0x3  }
0x37: {  	[smem:$0x3FBA] =	sst s10  }
0x38: {  	s10 =	sld [smem:$0x3FBB]  }
0x39: {  	_ = 	snop;
	(pc) =	sbr.ind lr, $3  }
0x3a: {  	_ = 	snop  }
0x3b: {  	_ = 	snop  }
0x3c: {  	p2 =	seq.s32 s10, $0x1;
	s10 =	sld [smem:$0x3FBA]  }
0x3d: {  	_ =	shalt  }
0x3e: {  	_ =	shalt  }
0x3f: {  	_ =	shalt  }
0x40: {  	_ =	shalt  }
0x41: {  	_ =	shalt  }
0x42: {  	_ =	shalt  }
0x43: {  	_ =	shalt  }
0x44: {  	_ =	shalt  }
0x45: {  	_ =	shalt  }
0x46: {  	_ =	shalt  }
0x47: {  	_ =	shalt  }
0x48: {  	_ =	shalt  }
0x49: {  	_ =	shalt  }
0x4a: {  	_ =	shalt  }
0x4b: {  	_ =	shalt  }
0x4c: {  	_ =	shalt  }
0x4d: {  	_ =	shalt  }
0x4e: {  	_ =	shalt  }
0x4f: {  	_ =	shalt  }
0x50: {  	_ =	shalt  }
0x51: {  	_ =	shalt  }
0x52: {  	_ =	shalt  }
0x53: {  	_ =	shalt  }
0x54: {  	_ =	shalt  }
0x55: {  	_ =	shalt  }
0x56: {  	_ =	shalt  }
0x57: {  	_ =	shalt  }
0x58: {  	_ =	shalt  }
0x59: {  	_ =	shalt  }
0x5a: {  	_ =	shalt  }
0x5b: {  	_ =	shalt  }
0x5c: {  	_ =	shalt  }
0x5d: {  	_ =	shalt  }
0x5e: {  	_ =	shalt  }
0x5f: {  	_ =	shalt  }
0x60: {  	_ =	shalt  }
0x61: {  	_ =	shalt  }
0x62: {  	_ =	shalt  }
0x63: {  	_ =	shalt  }
0x64: {  	_ =	shalt  }
0x65: {  	_ =	shalt  }
0x66: {  	_ =	shalt  }
0x67: {  	_ =	shalt  }
0x68: {  	_ =	shalt  }
0x69: {  	_ =	shalt  }
0x6a: {  	_ =	shalt  }
0x6b: {  	_ =	shalt  }
0x6c: {  	_ =	shalt  }
0x6d: {  	_ =	shalt  }
0x6e: {  	_ =	shalt  }
0x6f: {  	_ =	shalt  }
0x70: {  	_ =	shalt  }
0x71: {  	_ =	shalt  }
0x72: {  	_ =	shalt  }
0x73: {  	_ =	shalt  }
0x74: {  	_ =	shalt  }
0x75: {  	_ =	shalt  }
0x76: {  	_ =	shalt  }
0x77: {  	_ =	shalt  }
0x78: {  	_ =	shalt  }
0x79: {  	_ =	shalt  }
0x7a: {  	_ =	shalt  }
0x7b: {  	_ =	shalt  }
0x7c: {  	_ =	shalt  }
0x7d: {  	_ =	shalt  }
0x7e: {  	_ =	shalt  }
0x7f: {  	_ =	shalt  }
0x80: {  	_ =	shalt  }
0x81: {  	_ =	shalt  }
0x82: {  	_ =	shalt  }
0x83: {  	_ =	shalt  }
0x84: {  	_ =	shalt  }
0x85: {  	_ =	shalt  }
0x86: {  	_ =	shalt  }
0x87: {  	_ =	shalt  }
.Lfunc_end0:
.L_simem_size_0:
called_computation_lowered:
.L_overlay_start_0:
0x88: {  	s2 =	sld [smem:$0x3FD9]  }
0x89: {  	s3 =	sld [smem:$0x3FFE];
	_ =	sdelay $0x1  }
0x8a: {  	s1 =	srdreg.scid  }
0x8b: {  	s0 =	sand.u32 $0x1, s1  }
0x8c: {  	s17 =	sshll.u32 s0, $0xA;
	s2 =	sadd.s32 s3, s2  }
0x8d: {  	s2 =	sadd.s32 s2, s17  }
0x8e: {  	[smem:$0x3FC6] =	sst s2  }
0x8f: {  	_ = 	snop  }
0x90: {  	s2 =	sld [smem:$0x3FC8];
	(tm) =	ssettm $0x1  }
0x91: {  	s18 =	sld [smem:$0x3FFB];
	_ =	sdelay $0x3  }
0x92: {  	_ =	strace s18  }
0x93: {  	s3 =	sld [smem:$0x3FFC];
	_ =	sdelay $0x3  }
0x94: {  	_ =	strace s3  }
0x95: {  	s3 =	sld [smem:$0x3FFD];
	_ =	sdelay $0x3  }
0x96: {  	_ =	strace s3  }
0x97: {  	_ =	strace $0x8FFFFFFF  }
0x98: {  	s19 =	sld [smem:$0x3FDB];
	_ =	sdelay $0x1  }
0x99: {  	s4 =	simm.s32 $_scs_section_size  }
0x9a: {  	s5 =	simm.s32 $_size__tile_overlayer_lowered;
	s6 =	simm.s32 $_tile_overlayer_lowered  }
0x9b: {  	s22 =	simm.s32 $0x1BFF;
	s21 =	sshll.u32 s6, $0x1;
	s3 =	sadd.s32 s4, s19  }
0x9c: {  	s7 =	simm.s32 $0x0;
	s20 =	sshll.u32 s5, $0x1;
	s5 =	sadd.s32 s21, s3  }
0x9d: {  	[timem:s7], [sflag:s22] =	dma.local [hbm:s5], s20  }
0x9e: {  	_ =	swait.ge [sflag:s22], s20  }
0x9f: {  	s4 =	ssub.s32 $0x0, s20;
	[sflag:s22] =	ssyncset.done $0x0  }
0xa0: {  	[sflag:s22] =	ssyncadd.s32 s4;
	_ =	sdelay $0x1  }
0xa1: {  	s23 =	simm.s32 $0x1B8B  }
0xa2: {  	_ =	swait.ge [sflag:s23], $0x1  }
0xa3: {  	[sflag:s23] =	ssyncset.done $0x0  }
0xa4: {  	s25 =	simm.s32 $0x1B8E;
	s24 =	sld [smem:$0x3FFE];
	[sflag:s23] =	ssyncadd.s32 $0xFFFFFFFF  }
0xa5: {  	s26 =	simm.s32 $execute0_lowered;
	[smem:$0x3FD2] =	sst s25  }
0xa6: {  	s5 =	sshll.u32 s26, $0x1;
	_ =	strace $0x80000046;
	[dreg:$0x1] =	wrdreg $0xFFFFFFFF  }
0xa7: {  	s28 =	simm.s32 $_size_execute0_lowered;
	s3 =	sadd.s32 s3, s5;
	[dreg:$0x0] =	wrdreg $0x0  }
0xa8: {  	s5 =	sshll.u32 s28, $0x1;
	[dreg:$0x2] =	wrdreg s3  }
0xa9: {  	[dreg:$0x3] =	wrdreg s5  }
0xaa: {  	[dreg:$0x4] =	wrdreg $0xC0  }
0xab: {  	_ =	task [dreg:s7], $0x5FFFF  }
0xac: {  	[dreg:$0x1] =	wrdreg $0xFFFFFFFF  }
0xad: {  	[dreg:$0x0] =	wrdreg $0x60  }
0xae: {  	[dreg:$0x2] =	wrdreg s24  }
0xaf: {  	[dreg:$0x3] =	wrdreg s2  }
0xb0: {  	[dreg:$0x4] =	wrdreg $0x9  }
0xb1: {  	_ =	task.clear_ibuf [dreg:s7], $0x5FFFF;
	_ =	strace $0x90000046  }
0xb2: {  	s29 =	simm.s32 $0x9;
	_ =	strace $0x80000048  }
0xb3: {  	_ =	swait.ge [sflag:s29], $0x1  }
0xb4: {  	[sflag:s29] =	ssyncadd.s32 $0xFFFFFFFF  }
0xb5: {  	_ =	strace $0x90000048  }
0xb6: {  	_ =	sfence  }
0xb7: {  	s30 =	sld [smem:$0x0];
	_ =	sdelay $0x2  }
0xb8: {  	s31 =	sshll.u32 s1, $0xD;
	s1 =	sshrl.u32 s1, $0x2  }
0xb9: {  	s3 =	sand.u32 $0x4000, s31;
	s1 =	sadd.s32 s1, s30  }
0xba: {  	s0 =	sor.u32 s3, s0;
	s1 =	sshll.u32 s1, $0x11  }
0xbb: {  	s0 =	sor.u32 s1, s0  }
0xbc: {  	s0 =	sadd.s32 $0x8F2B, s0  }
0xbd: {  	[sflag:s0] =	ssyncadd.remote.s32 $0x1  }
0xbe: {  	_ =	sfence.sel $0xFFFF  }
0xbf: {  	[dreg:$0x0] =	wrdreg $0xFFFFFFFF;
	(pc) =	sbr.abs _section_cstart, $3  }
0xc0: {  	[dreg:$0x1] =	wrdreg $0xFFFFFFFF  }
0xc1: {  	_ =	task.clear_ibuf [dreg:s7], $0x2FFFF;
	_ =	strace $0x9FFFFFFF  }
0xc2: {  	(tm) =	ssettm $0x7FFFFFFF  }
0xc3: {  	_ =	shalt  }
tec
execute0_lowered:
.L_overlay_start_1:
0x0: {  	(tag) =	ssettag $0x1  }
0x1: {  	v6 =	vlaneseq.u32  }
0x2: {  	v0 =	vor.u32 $0x10, v6  }
0x3: {  	v56 =	vor.u32 $0x20, v6;
	[tilespmem:$0x1FBF0] =	vst v0  }
0x4: {  	v57 =	vor.u32 $0x30, v6;
	[tilespmem:$0x1FC00] =	vst v56  }
0x5: {  	v58 =	vor.u32 $0x40, v6;
	[tilespmem:$0x1FC10] =	vst v57  }
0x6: {  	v59 =	vor.u32 $0x50, v6;
	[tilespmem:$0x1FC20] =	vst v58  }
0x7: {  	v60 =	vor.u32 $0x60, v6;
	[tilespmem:$0x1FC30] =	vst v59  }
0x8: {  	v61 =	vor.u32 $0x70, v6;
	[tilespmem:$0x1FC40] =	vst v60  }
0x9: {  	v62 =	vor.u32 $0x80, v6;
	[tilespmem:$0x1FC50] =	vst v61  }
0xa: {  	v63 =	vor.u32 $0x90, v6;
	[tilespmem:$0x1FC60] =	vst v62  }
0xb: {  	v4 =	vor.u32 $0xA0, v6;
	[tilespmem:$0x1FC70] =	vst v63  }
0xc: {  	v5 =	vor.u32 $0xB0, v6;
	[tilespmem:$0x1FC80] =	vst v4  }
0xd: {  	v7 =	vor.u32 $0xC0, v6;
	[tilespmem:$0x1FC90] =	vst v5  }
0xe: {  	v8 =	vor.u32 $0xD0, v6;
	[tilespmem:$0x1FCA0] =	vst v7  }
0xf: {  	v9 =	vor.u32 $0xE0, v6;
	[tilespmem:$0x1FCB0] =	vst v8  }
0x10: {  	v10 =	vor.u32 $0xF0, v6;
	[tilespmem:$0x1FCC0] =	vst v9  }
0x11: {  	v11 =	vor.u32 $0x100, v6;
	[tilespmem:$0x1FCD0] =	vst v10  }
0x12: {  	v12 =	vor.u32 $0x110, v6;
	[tilespmem:$0x1FCE0] =	vst v11  }
0x13: {  	v13 =	vor.u32 $0x120, v6;
	[tilespmem:$0x1FCF0] =	vst v12  }
0x14: {  	v14 =	vor.u32 $0x130, v6;
	[tilespmem:$0x1FD00] =	vst v13  }
0x15: {  	v15 =	vor.u32 $0x140, v6;
	[tilespmem:$0x1FD10] =	vst v14  }
0x16: {  	v16 =	vor.u32 $0x150, v6;
	[tilespmem:$0x1FD20] =	vst v15  }
0x17: {  	v17 =	vor.u32 $0x160, v6;
	[tilespmem:$0x1FD30] =	vst v16  }
0x18: {  	v18 =	vor.u32 $0x170, v6;
	[tilespmem:$0x1FD40] =	vst v17  }
0x19: {  	v19 =	vor.u32 $0x180, v6;
	[tilespmem:$0x1FD50] =	vst v18  }
0x1a: {  	v20 =	vor.u32 $0x190, v6;
	[tilespmem:$0x1FD60] =	vst v19  }
0x1b: {  	v21 =	vor.u32 $0x1A0, v6;
	[tilespmem:$0x1FD70] =	vst v20  }
0x1c: {  	v22 =	vor.u32 $0x1B0, v6;
	[tilespmem:$0x1FD80] =	vst v21  }
0x1d: {  	v23 =	vor.u32 $0x1C0, v6;
	[tilespmem:$0x1FD90] =	vst v22  }
0x1e: {  	v24 =	vor.u32 $0x1D0, v6;
	[tilespmem:$0x1FDA0] =	vst v23  }
0x1f: {  	v25 =	vor.u32 $0x1E0, v6;
	[tilespmem:$0x1FDB0] =	vst v24  }
0x20: {  	v26 =	vor.u32 $0x1F0, v6;
	[tilespmem:$0x1FDC0] =	vst v25  }
0x21: {  	v27 =	vor.u32 $0x200, v6;
	[tilespmem:$0x1FDD0] =	vst v26  }
0x22: {  	v28 =	vor.u32 $0x210, v6;
	[tilespmem:$0x1FDE0] =	vst v27  }
0x23: {  	v29 =	vor.u32 $0x220, v6;
	[tilespmem:$0x1FDF0] =	vst v28  }
0x24: {  	v30 =	vor.u32 $0x230, v6;
	[tilespmem:$0x1FE00] =	vst v29  }
0x25: {  	v31 =	vor.u32 $0x240, v6;
	[tilespmem:$0x1FE10] =	vst v30  }
0x26: {  	v32 =	vor.u32 $0x250, v6;
	[tilespmem:$0x1FE20] =	vst v31  }
0x27: {  	v33 =	vor.u32 $0x260, v6;
	[tilespmem:$0x1FE30] =	vst v32  }
0x28: {  	v34 =	vor.u32 $0x270, v6;
	[tilespmem:$0x1FE40] =	vst v33  }
0x29: {  	v35 =	vor.u32 $0x280, v6;
	[tilespmem:$0x1FE50] =	vst v34  }
0x2a: {  	v36 =	vor.u32 $0x290, v6;
	[tilespmem:$0x1FE60] =	vst v35  }
0x2b: {  	v37 =	vor.u32 $0x2A0, v6;
	[tilespmem:$0x1FE70] =	vst v36  }
0x2c: {  	v38 =	vor.u32 $0x2B0, v6;
	[tilespmem:$0x1FE80] =	vst v37  }
0x2d: {  	v39 =	vor.u32 $0x2C0, v6;
	[tilespmem:$0x1FE90] =	vst v38  }
0x2e: {  	v40 =	vor.u32 $0x2D0, v6;
	[tilespmem:$0x1FEA0] =	vst v39  }
0x2f: {  	v41 =	vor.u32 $0x2E0, v6;
	[tilespmem:$0x1FEB0] =	vst v40  }
0x30: {  	v1 =	vor.u32 $0x2F0, v6;
	[tilespmem:$0x1FEC0] =	vst v41  }
0x31: {  	v2 =	vor.u32 $0x300, v6;
	[tilespmem:$0x1FED0] =	vst v1  }
0x32: {  	v42 =	vimm.s32 $0xFEDCBA98;
	v43 =	vimm.s32 $0x76543210;
	v44 =	vor.u32 $0x310, v6;
	[tilespmem:$0x1FEE0] =	vst v2  }
0x33: {  	v48 =	vimm.s32 $0xBA98FEDC;
	v45 =	vor.u32 $0x320, v6;
	v0 =	vunpack.c.l.s4.s8 v42;
	[tilespmem:$0x1FEF0] =	vst v44  }
0x34: {  	v52 =	vimm.s32 $0x32107654;
	v46 =	vor.u32 $0x330, v6;
	v1 =	vunpack.c.l.s4.s8 v43;
	[tilespmem:$0x1FF00] =	vst v45  }
0x35: {  	v53 =	vimm.s32 $0xDCFE98BA;
	v47 =	vor.u32 $0x340, v6;
	[tilespmem:$0x1FF10] =	vst v46;
	v0 =	vunpack.c.0.s8.s32 v0  }
0x36: {  	s3 =	rddreg [dreg:$0x0];
	v54 =	vimm.s32 $0x54761032;
	v3 =	vor.u32 $0x350, v6;
	[tilespmem:$0x1FF20] =	vst v47;
	v1 =	vunpack.c.0.s8.s32 v1  }
0x37: {  	s4 =	rddreg [dreg:$0x1];
	v49 =	vor.u32 $0x360, v6;
	v50 =	vor.u32 $0x370, v6;
	[tilespmem:$0x1FF30] =	vst v3;
	v0 =	vand.u32 $0xF, v0  }
0x38: {  	s0 =	rddreg [dreg:$0x2];
	s2 =	simm.s32 $0x0;
	s5 =	srdreg.scid;
	v2 =	vunpack.c.l.s4.s8 v48;
	[tilespmem:$0x1FF40] =	vst v49;
	v3 =	vunpack.c.l.s4.s8 v54;
	v0 =	vcombine.low v0, v1  }
0x39: {  	s1 =	stileid.u32;
	s11 =	simm.s32 $0x3;
	s12 =	simm.s32 $0x1;
	[tilespmem:$0x1FF50] =	vst v50;
	v4 =	vimm.s32 $0xEFCDAB89;
	v5 =	vimm.s32 $0x67452301;
	v7 =	vor.u32 $0x380, v6  }
0x3a: {  	s13 =	simm.s32 $0x2;
	s14 =	simm.s32 $0x10080;
	[smem:$0x7FF] =	sst s2;
	v57 =	vor.u32 $0x390, v6;
	v51 =	vunpack.c.0.s8.s32 v2;
	v2 =	vunpack.c.l.s4.s8 v53;
	[tilespmem:$0x1FF60] =	vst v0  }
0x3b: {  	s15 =	simm.s32 $0x4;
	s16 =	simm.s32 $0x10100;
	v58 =	vor.u32 $0x3A0, v6;
	v4 =	vunpack.c.l.s4.s8 v4;
	v1 =	vunpack.c.l.s4.s8 v52;
	_ =	strace $0x80000047;
	[tilespmem:$0x1FF70] =	vst v7  }
0x3c: {  	s17 =	simm.s32 $0x0;
	s5 =	sand.u32 $0x1, s5;
	s6 =	sshll.u32 s1, $0x1;
	v5 =	vunpack.c.l.s4.s8 v5;
	v3 =	vunpack.c.0.s8.s32 v3;
	v2 =	vunpack.c.0.s8.s32 v2;
	[tilespmem:$0x1FF80] =	vst v57  }
0x3d: {  	s7 =	sadd.s32 $0xE00, s3;
	s6 =	sor.u32 s5, s6;
	s5 =	ssub.s32 $0x2, s5;
	v59 =	vor.u32 $0x3B0, v6;
	v62 =	vor.u32 $0x3C0, v6;
	v1 =	vunpack.c.0.s8.s32 v1;
	[tilespmem:$0x1FF90] =	vst v58  }
0x3e: {  	s8 =	sshll.u32 s6, $0x4;
	s28 =	sshrl.u32 s5, $0x1;
	s9 =	sshll.u32 s6, $0x6;
	v55 =	vunpack.c.0.s8.s32 v4;
	v56 =	vunpack.c.0.s8.s32 v5;
	v2 =	vcombine.low v3, v2;
	[tilespmem:$0x1FFA0] =	vst v59  }
0x3f: {  	v63 =	vor.u32 $0x3D0, v6;
	s30 =	sshll.u32 s6, $0xD;
	s8 =	sadd.s32 s8, s3;
	s29 =	sor.u32 $0x3800, s9;
	[tilespmem:$0x1FFE0] =	vst v62;
	v0 =	vcombine.low v1, v51  }
0x40: {  	s10 =	ssub.s32 s5, s28;
	s5 =	sadd.s32 s30, s7;
	s31 =	sshrl.u32 s29, $0x3;
	v60 =	vand.u32 $0xF, v2;
	[tilespmem:$0x1FFF0] =	vst v63;
	v1 =	vcombine.low v56, v55  }
0x41: {  	s9 =	sshll.u32 s29, $0x7;
	s5 =	sadd.s32 $0x1C1000, s5;
	s6 =	sadd.s32 $0x200E00, s8;
	[tilespmem:$0x1FFC0] =	vst v60;
	v0 =	vand.u32 $0xF, v0  }
0x42: {  	s3 =	sadd.s32 s4, s31;
	s4 =	sadd.s32 s7, s9;
	s7 =	sadd.s32 $0x201000, s8;
	v61 =	vand.u32 $0xF, v1;
	[tilespmem:$0x1FFB0] =	vst v0  }
0x43: {  	vm0 =	vmmov $0xff;
	vm1 =	vcmask $0x3F20;
	s8 =	smax.u32 s10, $0x1;
	s9 =	simm.s32 $0x10000;
	s10 =	simm.s32 $0x8000;
	[tilespmem:$0x1FFD0] =	vst v61  }
.LBB2_1:
0x44: {  	[tilespmem:s9], [sflag:$0x3] =	stream.linear.gather [hbm4b:s3+s2], $0x40, $0x38;
	[tilespmem:$0x10180] =	vst v63  }
0x45: {  	_ = 	snop  }
0x46: {  	[tilespmem:s2], [sflag:$0x1] =	stream.linear.gather [hbm4b:s4+s2], $0x8000, $0x38;
	[tilespmem:$0x10180] =	vst v63  }
0x47: {  	_ = 	snop  }
0x48: {  	[tilespmem:s10], [sflag:$0x2] =	stream.linear.gather [hbm4b:s5+s2], $0x8000, $0x38;
	[tilespmem:$0x10180] =	vst v63  }
0x49: {  	_ =	swait.ge [sflag:s11], $0x40  }
0x4a: {  	[sflag:s11] =	ssyncset.done $0x0  }
0x4b: {  	s18 =	sand.u32 $0x7, s2;
	[sflag:s11] =	ssyncadd.s32 $0xFFFFFFC0  }
0x4c: {  	s18 =	sshll.u32 s18, $0x7;
	_ =	swait.ge [sflag:s12], $0x8000  }
0x4d: {  	s18 =	sadd.s32 $0x0, s18;
	[sflag:s12] =	ssyncset.done $0x0  }
0x4e: {  	s19 =	sor.u32 $0x1C30, s18;
	[sflag:s12] =	ssyncadd.s32 $0xFFFF8000  }
0x4f: {  	s29 =	sor.u32 $0x1C10, s18;
	v0 =	vld [tilespmem:s19+$0x0]  }
0x50: {  	s20 =	sand.u32 $0x6000, s2;
	s21 =	sand.u32 $0x380, s2;
	s22 =	sor.u32 $0x1C20, s18;
	v1 =	vld [tilespmem:s29+$0x0]  }
0x51: {  	s30 =	sor.u32 s21, s20;
	v2 =	vld [tilespmem:s22+$0x0]  }
0x52: {  	s31 =	sor.u32 $0x1C60, s18;
	v4 =	vld [tilespmem:s30+$0x1870]  }
0x53: {  	v19 =	vld.msk [tilespmem:s31+$0x0], $0xff  }
0x54: {  	v3 =	vld [tilespmem:s30+$0x1860];
	[tilespmem:$0x1FA20] =	vst v0;
	v0 =	vmul.f32 $1.442695020e+00, v0  }
0x55: {  	v5 =	vld [tilespmem:s30+$0x1830];
	[tilespmem:$0x1FA00] =	vst v1;
	v1 =	vmul.f32 $1.442695020e+00, v1  }
0x56: {  	v6 =	vld [tilespmem:s30+$0x1820];
	[tilespmem:$0x1FA10] =	vst v2;
	v2 =	vmul.f32 $1.442695020e+00, v2;
	(erf) = vpow2.f32 v0  }
0x57: {  	v7 =	vld [tilespmem:s30+$0x1470];
	v0 =	vmul.f32 $1.442695020e+00, v4;
	(erf) = vpow2.f32 v1  }
0x58: {  	v48 =	vld [tilespmem:s30+$0x1460];
	v1 =	vmul.f32 $1.442695020e+00, v19;
	(erf) = vpow2.f32 v2  }
0x59: {  	v8 =	vld [tilespmem:s30+$0x1430];
	(erf) = vpow2.f32 v0;
	v0 =	vmul.f32 $1.442695020e+00, v3  }
0x5a: {  	[tilespmem:$0x1F9E0] =	vst v3;
	v2 =	vmul.f32 $1.442695020e+00, v5;
	v3 =	vld [tilespmem:s30+$0x1420];
	(erf) = vpow2.f32 v1  }
0x5b: {  	v49 =	vld [tilespmem:s30+$0x1070];
	(erf) = vpow2.f32 v0;
	v0 =	vmul.f32 $1.442695020e+00, v6  }
0x5c: {  	v1 =	vmul.f32 $1.442695020e+00, v7;
	(erf) = vpow2.f32 v2;
	v2 =	vld [tilespmem:s30+$0x1060]  }
0x5d: {  	v50 =	vld [tilespmem:s30+$0x1030];
	(erf) = vpow2.f32 v0;
	v0 =	vmul.f32 $1.442695020e+00, v48  }
0x5e: {  	v51 =	vld [tilespmem:s30+$0x1020];
	(erf) = vpow2.f32 v1;
	v1 =	vmul.f32 $1.442695020e+00, v8  }
0x5f: {  	v53 =	vld [tilespmem:s30+$0xC70];
	v52 =	vpop (erf);
	(erf) = vpow2.f32 v0;
	v0 =	vmul.f32 $1.442695020e+00, v3  }
0x60: {  	v40 =	vld [tilespmem:s30+$0xC60];
	[tilespmem:$0x1F980] =	vst v3;
	v3 =	vpop (erf);
	(erf) = vpow2.f32 v1;
	v1 =	vmul.f32 $1.442695020e+00, v49  }
0x61: {  	v37 =	vld [tilespmem:s30+$0xC30];
	[tilespmem:$0x1F920] =	vst v3;
	v3 =	vpop (erf);
	(erf) = vpow2.f32 v0;
	v0 =	vmul.f32 $1.442695020e+00, v2  }
0x62: {  	v31 =	vld [tilespmem:s30+$0xC20];
	[tilespmem:$0x1F960] =	vst v2;
	v2 =	vpop (erf);
	(erf) = vpow2.f32 v1;
	v1 =	vmul.f32 $1.442695020e+00, v50  }
0x63: {  	v28 =	vld [tilespmem:s30+$0x870];
	[tilespmem:$0x1F8E0] =	vst v2;
	v2 =	vpop (erf);
	(erf) = vpow2.f32 v0;
	v0 =	vmul.f32 $1.442695020e+00, v51  }
0x64: {  	v23 =	vld [tilespmem:s30+$0x860];
	v11 =	vpop (erf);
	(erf) = vpow2.f32 v1;
	v1 =	vmul.f32 $1.442695020e+00, v53  }
0x65: {  	v15 =	vld [tilespmem:s30+$0x420];
	v62 =	vpop (erf);
	(erf) = vpow2.f32 v0;
	v0 =	vmul.f32 $1.442695020e+00, v40  }
0x66: {  	v24 =	vld [tilespmem:s30+$0x830];
	[tilespmem:$0x1F9F0] =	vst v4;
	v29 =	vpop (erf);
	(erf) = vpow2.f32 v1;
	v1 =	vmul.f32 $1.442695020e+00, v37  }
0x67: {  	v25 =	vld [tilespmem:s30+$0x820];
	[tilespmem:$0x1F9D0] =	vst v5;
	v22 =	vpop (erf);
	(erf) = vpow2.f32 v0;
	v0 =	vmul.f32 $1.442695020e+00, v31  }
0x68: {  	v26 =	vld [tilespmem:s30+$0x470];
	[tilespmem:$0x1F9C0] =	vst v6;
	v21 =	vpop (erf);
	(erf) = vpow2.f32 v1  }
0x69: {  	v27 =	vld [tilespmem:s30+$0x460];
	[tilespmem:$0x1F9B0] =	vst v7;
	v1 =	vmul.f32 $1.442695020e+00, v28;
	v20 =	vpop (erf);
	(erf) = vpow2.f32 v0  }
0x6a: {  	v16 =	vld [tilespmem:s30+$0x430];
	[tilespmem:$0x1F9A0] =	vst v48;
	v54 =	vmul.f32 $1.442695020e+00, v15;
	v0 =	vmul.f32 $1.442695020e+00, v23;
	v18 =	vpop (erf)  }
0x6b: {  	v30 =	vld [tilespmem:s30+$0x70];
	[tilespmem:$0x1F990] =	vst v8;
	(erf) = vpow2.f32 v1;
	v1 =	vmul.f32 $1.442695020e+00, v24;
	v17 =	vpop (erf)  }
0x6c: {  	v33 =	vld [tilespmem:s30+$0x60];
	[tilespmem:$0x1F8F0] =	vst v2;
	v2 =	vmul.f32 $1.442695020e+00, v25;
	(erf) = vpow2.f32 v0;
	v12 =	vpop (erf)  }
0x6d: {  	v60 =	vld [tilespmem:s30+$0x20];
	[tilespmem:$0x1F970] =	vst v49;
	v0 =	vmul.f32 $1.442695020e+00, v26;
	(erf) = vpow2.f32 v1;
	v10 =	vpop (erf)  }
0x6e: {  	[tilespmem:$0x1F950] =	vst v50;
	v1 =	vmul.f32 $1.442695020e+00, v27;
	(erf) = vpow2.f32 v2;
	v34 =	vpop (erf)  }
0x6f: {  	[tilespmem:$0x1F900] =	vst v3;
	v3 =	vmul.f32 $1.442695020e+00, v16;
	(erf) = vpow2.f32 v0;
	v47 =	vpop (erf)  }
0x70: {  	v61 =	vld [tilespmem:s30+$0x30];
	[tilespmem:$0x1F940] =	vst v51;
	v32 =	vmul.f32 $1.442695020e+00, v30;
	(erf) = vpow2.f32 v1;
	v7 =	vpop (erf)  }
0x71: {  	v9 =	vld [tilespmem:s30+$0x10];
	[tilespmem:$0x1F930] =	vst v53;
	v35 =	vmul.f32 $1.442695020e+00, v33;
	(erf) = vpow2.f32 v3;
	v46 =	vpop (erf)  }
0x72: {  	v55 =	vmul.f32 $1.442695020e+00, v60;
	v6 =	vld [tilespmem:s30+$0x0];
	[tilespmem:$0x1F910] =	vst v52;
	(erf) = vpow2.f32 v54;
	v48 =	vpop (erf)  }
0x73: {  	v13 =	vld [tilespmem:s30+$0x50];
	(erf) = vpow2.f32 v32  }
0x74: {  	v8 =	vld [tilespmem:s30+$0x40];
	v32 =	vpop (erf);
	(erf) = vpow2.f32 v35  }
0x75: {  	v63 =	vmul.f32 $1.442695020e+00, v61;
	v54 =	vld [tilespmem:s30+$0x400];
	(erf) = vpow2.f32 v55;
	v38 =	vpop (erf)  }
0x76: {  	v36 =	vmul.f32 $1.442695020e+00, v9;
	v58 =	vld [tilespmem:s30+$0x410];
	v55 =	vpop (erf)  }
0x77: {  	v39 =	vmul.f32 $1.442695020e+00, v6;
	(erf) = vpow2.f32 v63;
	v35 =	vpop (erf)  }
0x78: {  	v53 =	vld [tilespmem:s30+$0x450];
	(erf) = vpow2.f32 v36;
	v43 =	vpop (erf)  }
0x79: {  	v4 =	vmul.f32 $1.442695020e+00, v13;
	v63 =	vld [tilespmem:s30+$0x440];
	(erf) = vpow2.f32 v39;
	v49 =	vpop (erf)  }
0x7a: {  	v45 =	vld [tilespmem:s30+$0x810];
	v5 =	vmul.f32 $1.442695020e+00, v8;
	v51 =	vmul.f32 $1.442695020e+00, v54;
	v50 =	vpop (erf)  }
0x7b: {  	v59 =	vld [tilespmem:s30+$0x800];
	(erf) = vpow2.f32 v4;
	v14 =	vmul.f32 $1.442695020e+00, v58;
	v56 =	vpop (erf)  }
0x7c: {  	v44 =	vld [tilespmem:s30+$0x850];
	(erf) = vpow2.f32 v5;
	v3 =	vpop (erf)  }
0x7d: {  	v52 =	vmul.f32 $1.442695020e+00, v53;
	(erf) = vpow2.f32 v14;
	v42 =	vpop (erf)  }
0x7e: {  	v57 =	vld [tilespmem:s30+$0x840];
	v14 =	vmul.f32 $1.442695020e+00, v63;
	(erf) = vpow2.f32 v51;
	v51 =	vpop (erf)  }
0x7f: {  	v41 =	vld [tilespmem:s30+$0xC10];
	v4 =	vmul.f32 $1.442695020e+00, v45;
	(erf) = vpow2.f32 v52;
	v5 =	vadd.f32 $0.0e+00, v51  }
0x80: {  	v52 =	vld [tilespmem:s30+$0xC00];
	(erf) = vpow2.f32 v14;
	v14 =	vmul.f32 $1.442695020e+00, v59  }
0x81: {  	v0 =	vpop (erf);
	(erf) = vpow2.f32 v4;
	v4 =	vmul.f32 $1.442695020e+00, v44  }
0x82: {  	v51 =	vld [tilespmem:s30+$0xC40];
	v1 =	vadd.f32 $0.0e+00, v0;
	(erf) = vpow2.f32 v14  }
0x83: {  	v2 =	vmul.f32 $1.442695020e+00, v57;
	v39 =	vadd.f32 v42, v5;
	v42 =	vld [tilespmem:s30+$0xC50];
	(erf) = vpow2.f32 v4;
	v5 =	vpop (erf)  }
0x84: {  	v4 =	vadd.f32 $0.0e+00, v5;
	v14 =	vpop (erf);
	v5 =	vadd.f32 v3, v1;
	v1 =	vmul.f32 $1.442695020e+00, v41  }
0x85: {  	v36 =	vld [tilespmem:s30+$0x1010];
	v3 =	vadd.f32 $0.0e+00, v14;
	v0 =	vpop (erf);
	(erf) = vpow2.f32 v2;
	v2 =	vmul.f32 $1.442695020e+00, v52  }
0x86: {  	v39 =	vadd.f32 v56, v39;
	v0 =	vadd.f32 v0, v4;
	v14 =	vpop (erf);
	(erf) = vpow2.f32 v1  }
0x87: {  	v56 =	vld [tilespmem:s30+$0x1000];
	v1 =	vadd.f32 v14, v3;
	v3 =	vadd.f32 v50, v5;
	(erf) = vpow2.f32 v2  }
0x88: {  	v14 =	vld [tilespmem:s30+$0x1050];
	v2 =	vmul.f32 $1.442695020e+00, v42;
	v5 =	vadd.f32 v49, v39;
	v39 =	vmul.f32 $1.442695020e+00, v51  }
0x89: {  	v50 =	vpop (erf)  }
0x8a: {  	v49 =	vld [tilespmem:s30+$0x1040];
	v0 =	vadd.f32 v50, v0;
	v4 =	vpop (erf);
	(erf) = vpow2.f32 v2;
	v2 =	vmul.f32 $1.442695020e+00, v36  }
0x8b: {  	v1 =	vadd.f32 v4, v1;
	v50 =	vpop (erf);
	(erf) = vpow2.f32 v39  }
0x8c: {  	v3 =	vadd.f32 v43, v3;
	v43 =	vld [tilespmem:s30+$0x1410];
	v0 =	vadd.f32 v50, v0;
	(erf) = vpow2.f32 v2;
	v39 =	vpop (erf)  }
0x8d: {  	v50 =	vld [tilespmem:s30+$0x1400];
	v2 =	vmul.f32 $1.442695020e+00, v56;
	v1 =	vadd.f32 v39, v1;
	v39 =	vmul.f32 $1.442695020e+00, v14  }
0x8e: {  	v5 =	vadd.f32 v35, v5  }
0x8f: {  	v35 =	vld [tilespmem:s30+$0x1450];
	v3 =	vadd.f32 v55, v3;
	v4 =	vpop (erf);
	(erf) = vpow2.f32 v2;
	v2 =	vmul.f32 $1.442695020e+00, v49  }
0x90: {  	v5 =	vadd.f32 v38, v5;
	v0 =	vadd.f32 v4, v0;
	v55 =	vpop (erf);
	(erf) = vpow2.f32 v39  }
0x91: {  	v38 =	vld [tilespmem:s30+$0x1810];
	v4 =	vadd.f32 v32, v3;
	v1 =	vadd.f32 v55, v1;
	(erf) = vpow2.f32 v2;
	v39 =	vpop (erf)  }
0x92: {  	v55 =	vld [tilespmem:s30+$0x1440];
	v2 =	vmul.f32 $1.442695020e+00, v43;
	v3 =	vadd.f32 v39, v0;
	v39 =	vmul.f32 $1.442695020e+00, v50;
	_ =	sdelay $0x1  }
0x93: {  	v5 =	vadd.f32 v48, v5;
	v48 =	vld [tilespmem:s30+$0x1800];
	v32 =	vpop (erf);
	(erf) = vpow2.f32 v2;
	v2 =	vmul.f32 $1.442695020e+00, v35  }
0x94: {  	v1 =	vadd.f32 v32, v1;
	v0 =	vpop (erf);
	(erf) = vpow2.f32 v39  }
0x95: {  	v4 =	vadd.f32 v46, v4;
	v46 =	vld [tilespmem:s30+$0x1840];
	(erf) = vpow2.f32 v2;
	v39 =	vpop (erf)  }
0x96: {  	v32 =	vld [tilespmem:s30+$0x1850];
	v2 =	vmul.f32 $1.442695020e+00, v55;
	v1 =	vadd.f32 v39, v1;
	v39 =	vmul.f32 $1.442695020e+00, v38;
	_ =	sdelay $0x1  }
0x97: {  	v0 =	vadd.f32 v0, v3;
	(erf) = vpow2.f32 v2;
	v2 =	vmul.f32 $1.442695020e+00, v48  }
0x98: {  	s20 =	sor.u32 $0x1C00, s18;
	v4 =	vadd.f32 v47, v4;
	v47 =	vpop (erf);
	(erf) = vpow2.f32 v39  }
0x99: {  	v0 =	vadd.f32 v47, v0;
	v47 =	vld [tilespmem:s20+$0x0];
	v39 =	vpop (erf);
	(erf) = vpow2.f32 v2;
	v2 =	vmul.f32 $1.442695020e+00, v46  }
0x9a: {  	v3 =	vadd.f32 v7, v5;
	v5 =	vmul.f32 $1.442695020e+00, v32  }
0x9b: {  	v1 =	vadd.f32 v39, v1;
	v39 =	vpop (erf)  }
0x9c: {  	v4 =	vadd.f32 v10, v4;
	(erf) = vpow2.f32 v5;
	v0 =	vadd.f32 v39, v0;
	v10 =	vpop (erf)  }
0x9d: {  	(erf) = vpow2.f32 v2;
	v2 =	vpop (erf)  }
0x9e: {  	v0 =	vadd.f32 v2, v0;
	v2 =	vmul.f32 $1.442695020e+00, v47  }
0x9f: {  	v1 =	vadd.f32 v10, v1  }
0xa0: {  	s21 =	sor.u32 $0x1C50, s18;
	v3 =	vadd.f32 v34, v3;
	v39 =	vpop (erf)  }
0xa1: {  	s18 =	sor.u32 $0x1C40, s18;
	v34 =	vld [tilespmem:s21+$0x0];
	v4 =	vadd.f32 v17, v4;
	v1 =	vadd.f32 v39, v1;
	v17 =	vpop (erf)  }
0xa2: {  	v3 =	vadd.f32 v12, v3;
	v12 =	vld [tilespmem:s18+$0x0];
	(erf) = vpow2.f32 v2;
	v0 =	vadd.f32 v17, v0;
	v2 =	vpop (erf)  }
0xa3: {  	v1 =	vadd.f32 v2, v1;
	v2 =	vpop (erf)  }
0xa4: {  	v0 =	vadd.f32 v2, v0;
	v2 =	vpop (erf)  }
0xa5: {  	v3 =	vadd.f32 v18, v3;
	v1 =	vadd.f32 v2, v1;
	v2 =	vpop (erf)  }
0xa6: {  	v10 =	vmul.f32 $1.442695020e+00, v34;
	v0 =	vadd.f32 v2, v0;
	v2 =	vpop (erf)  }
0xa7: {  	v3 =	vadd.f32 v21, v3;
	v1 =	vadd.f32 v2, v1;
	v2 =	vmul.f32 $1.442695020e+00, v12  }
0xa8: {  	v4 =	vadd.f32 v20, v4;
	(erf) = vpow2.f32 v10;
	v39 =	vpop (erf)  }
0xa9: {  	v3 =	vadd.f32 v29, v3;
	v29 =	vpop (erf);
	(erf) = vpow2.f32 v2;
	v2 =	vld [tilespmem:$0x1F900]  }
0xaa: {  	v4 =	vadd.f32 v22, v4;
	_ =	sdelay $0x1  }
0xab: {  	v4 =	vadd.f32 v62, v4;
	v62 =	vld [tilespmem:$0x1F8E0];
	v3 =	vadd.f32 v11, v3;
	_ =	sdelay $0x1  }
0xac: {  	v2 =	vadd.f32 v2, v3;
	v3 =	vld [tilespmem:$0x1F910];
	_ =	sdelay $0x1  }
0xad: {  	v11 =	vld [tilespmem:$0x1FF60]  }
0xae: {  	v4 =	vadd.f32 v62, v4;
	v17 =	vld [tilespmem:$0x1F8F0];
	_ =	sdelay $0x1  }
0xaf: {  	v4 =	vadd.f32 v3, v4;
	v3 =	vld [tilespmem:$0x1F920];
	_ =	sdelay $0x2  }
0xb0: {  	s22 =	sand.u32 $0x10, s2;
	v7 =	vperm.xlane v17, v11;
	v0 =	vadd.f32 v39, v0  }
0xb1: {  	v5 =	vld [tilespmem:s22+$0x10000]  }
0xb2: {  	v0 =	vadd.f32 v3, v0;
	v3 =	vsel vm0, $0x0, v7;
	_ =	sdelay $0x1  }
0xb3: {  	s23 =	sand.u32 $0xF, s2;
	v62 =	vperm.xlane v34, v11;
	v1 =	vadd.f32 v29, v1  }
0xb4: {  	v39 =	vperm.xlane v19, v11;
	v7 =	vmov s23;
	v2 =	vadd.f32 v3, v2;
	v3 =	vpop (erf)  }
0xb5: {  	v10 =	vperm.xlane v5, v7;
	v1 =	vadd.f32 v3, v1;
	v3 =	vpop (erf)  }
0xb6: {  	v29 =	vlaneseq.u32;
	v3 =	vadd.f32 v3, v0;
	v0 =	vsel vm0, v62, v39;
	v39 =	vld [tilespmem:$0x1FC00]  }
0xb7: {  	vm2 =	veq.s32 v10, v29;
	v29 =	vld [tilespmem:$0x1FBF0];
	_ =	sdelay $0x2  }
0xb8: {  	v6 =	vadd.f32 $0.0e+00, v6;
	v5 =	vadd.f32 $0.0e+00, v9;
	v9 =	vld [tilespmem:$0x1FC30]  }
0xb9: {  	vm3 =	veq.s32 v10, v39;
	v39 =	vld [tilespmem:$0x1FC10]  }
0xba: {  	v6 =	vnsel vm2, $0x0, v6;
	vm2 =	veq.s32 v10, v29;
	v29 =	vld [tilespmem:$0x1FC40]  }
0xbb: {  	v62 =	vnsel vm3, $0x0, v60;
	v60 =	vld [tilespmem:$0x1FC20];
	_ =	sdelay $0x2  }
0xbc: {  	v5 =	vnsel vm2, $0x0, v5;
	vm2 =	veq.s32 v10, v9;
	vm3 =	veq.s32 v10, v39  }
0xbd: {  	v6 =	vadd.f32 v62, v6;
	v61 =	vnsel vm3, $0x0, v61;
	vm3 =	veq.s32 v10, v29;
	v29 =	vld [tilespmem:$0x1FC60]  }
0xbe: {  	v39 =	vpop (erf);
	vm4 =	veq.s32 v10, v60;
	v60 =	vnsel vm2, $0x0, v13;
	v13 =	vld [tilespmem:$0x1FC50];
	v62 =	vadd.f32 v61, v5  }
0xbf: {  	v1 =	vadd.f32 v39, v1;
	v39 =	vld [tilespmem:$0x1FC70]  }
0xc0: {  	v2 =	vadd.f32 v2, v4;
	v4 =	vadd.f32 v60, v62;
	v62 =	vld [tilespmem:$0x1FFF0]  }
0xc1: {  	v8 =	vnsel vm4, $0x0, v8  }
0xc2: {  	v5 =	vadd.f32 v8, v6;
	vm13 =	veq.s32 v10, v29  }
0xc3: {  	v61 =	vnsel vm3, $0x0, v33;
	vm3 =	veq.s32 v10, v13;
	v33 =	vnsel vm13, $0x0, v54;
	v54 =	vld [tilespmem:$0x1FC80]  }
0xc4: {  	v5 =	vadd.f32 v61, v5;
	v30 =	vnsel vm3, $0x0, v30;
	vm3 =	veq.s32 v10, v39;
	v39 =	vld [tilespmem:$0x1FCC0]  }
0xc5: {  	vm2 =	veq.s32 v10, v62;
	v62 =	vld [tilespmem:$0x1FC90]  }
0xc6: {  	v4 =	vadd.f32 v30, v4;
	v5 =	vadd.f32 v33, v5;
	v33 =	vld [tilespmem:$0x1FCB0]  }
0xc7: {  	v60 =	vnsel vm3, $0x0, v58;
	v58 =	vld [tilespmem:$0x1FCD0]  }
0xc8: {  	v4 =	vadd.f32 v60, v4;
	v60 =	vld [tilespmem:$0x1FCE0];
	vm14 =	veq.s32 v10, v54  }
0xc9: {  	v61 =	vnsel vm14, $0x0, v15;
	v15 =	vld [tilespmem:$0x1FCA0]  }
0xca: {  	vm8 =	veq.s32 v10, v39;
	v39 =	vld [tilespmem:$0x1FD40];
	vm3 =	veq.s32 v10, v62  }
0xcb: {  	v54 =	vnsel vm8, $0x0, v27;
	v27 =	vld [tilespmem:$0x1FD20];
	v29 =	vnsel vm3, $0x0, v16  }
0xcc: {  	v5 =	vadd.f32 v61, v5;
	vm3 =	veq.s32 v10, v33;
	v33 =	vld [tilespmem:$0x1FD30];
	v4 =	vadd.f32 v29, v4  }
0xcd: {  	vm9 =	veq.s32 v10, v60;
	v60 =	vld [tilespmem:$0x1FD70];
	v53 =	vnsel vm3, $0x0, v53;
	vm3 =	veq.s32 v10, v58  }
0xce: {  	v61 =	vnsel vm3, $0x0, v26;
	v26 =	vld [tilespmem:$0x1FD10];
	vm15 =	veq.s32 v10, v15;
	v4 =	vadd.f32 v53, v4  }
0xcf: {  	v30 =	vnsel vm15, $0x0, v63;
	v63 =	vld [tilespmem:$0x1FCF0]  }
0xd0: {  	v4 =	vadd.f32 v61, v4;
	v61 =	vld [tilespmem:$0x1FD80]  }
0xd1: {  	v15 =	vld [tilespmem:$0x1FD00]  }
0xd2: {  	vm11 =	veq.s32 v10, v27;
	v27 =	vld [tilespmem:$0x1FDB0];
	v5 =	vadd.f32 v30, v5  }
0xd3: {  	v30 =	vnsel vm11, $0x0, v57;
	v57 =	vld [tilespmem:$0x1FD60]  }
0xd4: {  	v5 =	vadd.f32 v54, v5;
	v54 =	vld [tilespmem:$0x1FD50];
	vm3 =	veq.s32 v10, v63  }
0xd5: {  	v16 =	vnsel vm3, $0x0, v45;
	vm14 =	veq.s32 v10, v61;
	v61 =	vld [tilespmem:$0x1F970]  }
0xd6: {  	vm3 =	veq.s32 v10, v26;
	v4 =	vadd.f32 v16, v4;
	v16 =	vld [tilespmem:$0x1FD90]  }
0xd7: {  	v29 =	vnsel vm3, $0x0, v24;
	v24 =	vld [tilespmem:$0x1FDA0]  }
0xd8: {  	v63 =	vnsel vm14, $0x0, v31;
	v31 =	vld [tilespmem:$0x1FDD0]  }
0xd9: {  	vm13 =	veq.s32 v10, v57;
	vm3 =	veq.s32 v10, v33;
	v33 =	vld [tilespmem:$0x1FDE0]  }
0xda: {  	v62 =	vnsel vm9, $0x0, v59;
	v59 =	vnsel vm13, $0x0, v52;
	v52 =	vld [tilespmem:$0x1F950]  }
0xdb: {  	v45 =	vnsel vm3, $0x0, v44;
	v44 =	vld [tilespmem:$0x1F940]  }
0xdc: {  	vm3 =	veq.s32 v10, v54;
	v54 =	vld [tilespmem:$0x1FE30]  }
0xdd: {  	vm10 =	veq.s32 v10, v15;
	v58 =	vnsel vm3, $0x0, v28;
	v28 =	vld [tilespmem:$0x1FDC0]  }
0xde: {  	v5 =	vadd.f32 v62, v5;
	v4 =	vadd.f32 v29, v4;
	vm3 =	veq.s32 v10, v60;
	v60 =	vld [tilespmem:$0x1FE60]  }
0xdf: {  	v25 =	vnsel vm10, $0x0, v25;
	v62 =	vnsel vm3, $0x0, v41;
	v41 =	vld [tilespmem:$0x1FE00]  }
0xe0: {  	v5 =	vadd.f32 v25, v5;
	v4 =	vadd.f32 v45, v4;
	v45 =	vld [tilespmem:$0x1FE10]  }
0xe1: {  	vm12 =	veq.s32 v10, v39;
	vm3 =	veq.s32 v10, v16;
	v16 =	vld [tilespmem:$0x1FE80]  }
0xe2: {  	v5 =	vadd.f32 v30, v5;
	vm15 =	veq.s32 v10, v24;
	v25 =	vnsel vm3, $0x0, v37;
	v37 =	vld [tilespmem:$0x1F930]  }
0xe3: {  	v53 =	vnsel vm12, $0x0, v23;
	vm9 =	veq.s32 v10, v33;
	v26 =	vnsel vm15, $0x0, v51;
	v51 =	vld [tilespmem:$0x1FE20]  }
0xe4: {  	v5 =	vadd.f32 v53, v5;
	v39 =	vnsel vm9, $0x0, v56;
	v56 =	vld [tilespmem:$0x1FE40]  }
0xe5: {  	v4 =	vadd.f32 v58, v4;
	v58 =	vld [tilespmem:$0x1F960]  }
0xe6: {  	v5 =	vadd.f32 v59, v5;
	v59 =	vld [tilespmem:$0x1FE50]  }
0xe7: {  	vm3 =	veq.s32 v10, v27;
	v27 =	vld [tilespmem:$0x1FEA0]  }
0xe8: {  	vm8 =	veq.s32 v10, v28;
	v28 =	vld [tilespmem:$0x1F990];
	v4 =	vadd.f32 v62, v4  }
0xe9: {  	v5 =	vadd.f32 v63, v5;
	v30 =	vnsel vm8, $0x0, v40;
	v40 =	vld [tilespmem:$0x1FDF0]  }
0xea: {  	v29 =	vnsel vm3, $0x0, v42;
	vm3 =	veq.s32 v10, v31;
	v31 =	vld [tilespmem:$0x1FEC0];
	v4 =	vadd.f32 v25, v4  }
0xeb: {  	vm13 =	veq.s32 v10, v60;
	v60 =	vld [tilespmem:$0x1FF90];
	v5 =	vadd.f32 v26, v5  }
0xec: {  	vm10 =	veq.s32 v10, v41;
	v62 =	vnsel vm13, $0x0, v50;
	v63 =	vld [tilespmem:$0x1FE70];
	v4 =	vadd.f32 v29, v4  }
0xed: {  	v41 =	vld [tilespmem:$0x1FEF0];
	v8 =	vnsel vm10, $0x0, v44;
	v6 =	vnsel vm3, $0x0, v37;
	v5 =	vadd.f32 v30, v5  }
0xee: {  	v44 =	vld [tilespmem:$0x1F9C0];
	vm14 =	veq.s32 v10, v16;
	vm3 =	veq.s32 v10, v40;
	v4 =	vadd.f32 v6, v4  }
0xef: {  	v25 =	vld [tilespmem:$0x1F980];
	vm11 =	veq.s32 v10, v51;
	v5 =	vadd.f32 v39, v5;
	v42 =	vnsel vm3, $0x0, v36  }
0xf0: {  	v26 =	vld [tilespmem:$0x1FE90];
	vm12 =	veq.s32 v10, v56;
	vm3 =	veq.s32 v10, v45;
	v4 =	vadd.f32 v42, v4  }
0xf1: {  	v30 =	vld [tilespmem:$0x1FEB0];
	v6 =	vnsel vm3, $0x0, v52;
	vm3 =	veq.s32 v10, v54;
	v5 =	vadd.f32 v8, v5  }
0xf2: {  	v16 =	vld [tilespmem:$0x1FFE0];
	v53 =	vnsel vm11, $0x0, v49;
	v57 =	vnsel vm3, $0x0, v14;
	v4 =	vadd.f32 v6, v4  }
0xf3: {  	v37 =	vld [tilespmem:$0x1FEE0];
	v8 =	vnsel vm12, $0x0, v58;
	vm3 =	veq.s32 v10, v59;
	v5 =	vadd.f32 v53, v5  }
0xf4: {  	v51 =	vld [tilespmem:$0x1FF30];
	v6 =	vnsel vm3, $0x0, v61;
	vm3 =	veq.s32 v10, v63;
	v4 =	vadd.f32 v57, v4  }
0xf5: {  	v56 =	vld [tilespmem:$0x1FF70];
	v24 =	vnsel vm3, $0x0, v43;
	vm3 =	veq.s32 v10, v26;
	v5 =	vadd.f32 v8, v5  }
0xf6: {  	v36 =	vld [tilespmem:$0x1FED0];
	v4 =	vadd.f32 v6, v4;
	v6 =	vnsel vm3, $0x0, v28;
	vm3 =	veq.s32 v10, v30  }
0xf7: {  	v5 =	vadd.f32 v62, v5;
	v33 =	vnsel vm3, $0x0, v35;
	v35 =	vld [tilespmem:$0x1F9A0]  }
0xf8: {  	v39 =	vld [tilespmem:$0x1F9B0];
	v8 =	vnsel vm14, $0x0, v25  }
0xf9: {  	vm15 =	veq.s32 v10, v27;
	v42 =	vld [tilespmem:$0x1FF00];
	v4 =	vadd.f32 v24, v4;
	v5 =	vadd.f32 v8, v5  }
0xfa: {  	v29 =	vnsel vm15, $0x0, v55;
	vm8 =	veq.s32 v10, v31;
	v49 =	vld [tilespmem:$0x1F9D0];
	vm9 =	veq.s32 v10, v37  }
0xfb: {  	v40 =	vnsel vm9, $0x0, v48;
	v48 =	vld [tilespmem:$0x1FF20];
	v4 =	vadd.f32 v6, v4;
	v5 =	vadd.f32 v29, v5  }
0xfc: {  	v17 =	vlaneseq.u32;
	v45 =	vld [tilespmem:$0x1FF10];
	v8 =	vnsel vm8, $0x0, v35  }
0xfd: {  	v52 =	vld [tilespmem:$0x1FF40];
	vm3 =	veq.s32 v10, v36;
	v4 =	vadd.f32 v33, v4;
	v5 =	vadd.f32 v8, v5  }
0xfe: {  	v9 =	vadd.s32 $0x3D8, v17;
	v55 =	vld [tilespmem:$0x1FF50];
	vm10 =	veq.s32 v10, v42;
	v6 =	vnsel vm3, $0x0, v39  }
0xff: {  	v54 =	vld [tilespmem:$0x1F9E0];
	vm3 =	veq.s32 v10, v41;
	v4 =	vadd.f32 v6, v4;
	v5 =	vadd.f32 v40, v5  }
0x100: {  	v59 =	vld [tilespmem:$0x1FF80];
	vm11 =	veq.s32 v10, v48;
	v43 =	vnsel vm3, $0x0, v38;
	v8 =	vnsel vm10, $0x0, v44  }
0x101: {  	v57 =	vld [tilespmem:$0x1F9F0];
	vm3 =	veq.s32 v10, v45;
	v4 =	vadd.f32 v43, v4;
	v5 =	vadd.f32 v8, v5  }
0x102: {  	v61 =	vld [tilespmem:$0x1FA00];
	vm12 =	veq.s32 v10, v52;
	v50 =	vnsel vm11, $0x0, v46;
	v6 =	vnsel vm3, $0x0, v49  }
0x103: {  	v62 =	vld [tilespmem:$0x1FA10];
	vm3 =	veq.s32 v10, v51;
	v4 =	vadd.f32 v6, v4;
	v5 =	vadd.f32 v50, v5  }
0x104: {  	vm13 =	veq.s32 v10, v56;
	v63 =	vld [tilespmem:$0x1FFA0];
	v53 =	vnsel vm3, $0x0, v32;
	v8 =	vnsel vm12, $0x0, v54  }
0x105: {  	v24 =	vld [tilespmem:$0x1FA20];
	vm3 =	veq.s32 v10, v55;
	v4 =	vadd.f32 v53, v4;
	v5 =	vadd.f32 v8, v5  }
0x106: {  	v58 =	vnsel vm13, $0x0, v47;
	vm14 =	veq.s32 v10, v60;
	v6 =	vnsel vm3, $0x0, v57  }
0x107: {  	vm3 =	veq.s32 v10, v59;
	v4 =	vadd.f32 v6, v4;
	v5 =	vadd.f32 v58, v5  }
0x108: {  	vm15 =	veq.s32 v10, v16;
	v8 =	vnsel vm14, $0x0, v62;
	v6 =	vnsel vm3, $0x0, v61  }
0x109: {  	vm3 =	veq.s32 v10, v63;
	v4 =	vadd.f32 v6, v4;
	v5 =	vadd.f32 v8, v5  }
0x10a: {  	v25 =	vnsel vm15, $0x0, v12;
	v6 =	vnsel vm3, $0x0, v24;
	vm3 =	veq.s32 v10, v9  }
0x10b: {  	vm3 =	vmand vm3, vm1;
	v4 =	vadd.f32 v6, v4;
	v5 =	vadd.f32 v25, v5  }
0x10c: {  	v1 =	vadd.f32 v3, v1;
	v26 =	vnsel vm2, $0x0, v34;
	v0 =	vnsel vm3, $0x0, v0  }
0x10d: {  	v3 =	vadd.f32 v26, v4;
	v0 =	vadd.f32 v0, v5  }
0x10e: {  	v1 =	vadd.f32 v2, v1  }
0x10f: {  	v18 =	vld [tilespmem:$0x1FFB0];
	v0 =	vadd.f32 v0, v3  }
0x110: {  	v2 =	vperm.xlane v1, v11  }
0x111: {  	v3 =	vperm.xlane v0, v11  }
0x112: {  	v1 =	vadd.f32 v1, v2  }
0x113: {  	v21 =	vld [tilespmem:$0x1FFC0];
	v0 =	vadd.f32 v0, v3  }
0x114: {  	v2 =	vperm.xlane v1, v18  }
0x115: {  	v3 =	vperm.xlane v0, v18  }
0x116: {  	v1 =	vadd.f32 v1, v2  }
0x117: {  	v22 =	vld [tilespmem:$0x1FFD0];
	v0 =	vadd.f32 v3, v0  }
0x118: {  	v2 =	vperm.xlane v1, v21  }
0x119: {  	v3 =	vperm.xlane v0, v21  }
0x11a: {  	v1 =	vadd.f32 v1, v2  }
0x11b: {  	v0 =	vadd.f32 v3, v0  }
0x11c: {  	v2 =	vperm.xlane v1, v22  }
0x11d: {  	v3 =	vperm.xlane v0, v22  }
0x11e: {  	s22 =	simm.s32 $0x1;
	v17 =	vlaneseq.u32;
	v1 =	vadd.f32 v1, v2  }
0x11f: {  	s24 =	sand.u32 $0x7, s22;
	v2 =	vimm.f32 $0.0e+00;
	vm2 =	veq.s32 v7, v17;
	v0 =	vadd.f32 v3, v0  }
0x120: {  	p0 =	sne.s32 s23, $0xF;
	s19 =	simm.s32 $0x10071;
	s20 =	sshll.u32 s24, $0x7;
	v1 =	vsel vm2, v1, v2  }
0x121: {  	s18 =	simm.s32 $0x100F1;
	s23 =	sadd.s32 $0x400, s20;
	[tilespmem:s19+$0x0] =	vst @!p0 v1;
	v0 =	vsel vm2, v0, v2  }
0x122: {  	s25 =	sor.u32 $0x1C30, s23;
	[tilespmem:s18+$0x0] =	vst @!p0 v0  }
0x123: {  	s21 =	simm.s32 $0x80;
	s20 =	simm.s32 $0x400;
	s24 =	sor.u32 $0x1C10, s23;
	[tilespmem:$0x1FA40] =	vst v0;
	v0 =	vld [tilespmem:s25+$0x0]  }
0x124: {  	s26 =	sand.u32 $0x380, s21;
	s28 =	sor.u32 $0x1C20, s23;
	[tilespmem:$0x1FA30] =	vst v1;
	s25 =	sand.u32 $0x6000, s20;
	v1 =	vld [tilespmem:s24+$0x0]  }
0x125: {  	v3 =	vld [tilespmem:s28+$0x0];
	s26 =	sor.u32 s26, s25  }
0x126: {  	s28 =	sor.u32 $0x1C60, s23;
	v27 =	vld [tilespmem:s26+$0x1870]  }
0x127: {  	v20 =	vld.msk [tilespmem:s28+$0x0], $0xff  }
0x128: {  	v28 =	vld [tilespmem:s26+$0x1860];
	[tilespmem:$0x1FBD0] =	vst v0;
	v0 =	vmul.f32 $1.442695020e+00, v0  }
0x129: {  	v29 =	vld [tilespmem:s26+$0x1830];
	[tilespmem:$0x1FBB0] =	vst v1;
	v1 =	vmul.f32 $1.442695020e+00, v1  }
0x12a: {  	v30 =	vld [tilespmem:s26+$0x1820];
	v2 =	vmul.f32 $1.442695020e+00, v3;
	(erf) = vpow2.f32 v0  }
0x12b: {  	[tilespmem:$0x1FBC0] =	vst v3;
	v3 =	vld [tilespmem:s26+$0x1470];
	v0 =	vmul.f32 $1.442695020e+00, v27;
	(erf) = vpow2.f32 v1  }
0x12c: {  	v31 =	vld [tilespmem:s26+$0x1460];
	v1 =	vmul.f32 $1.442695020e+00, v20;
	(erf) = vpow2.f32 v2  }
0x12d: {  	v32 =	vld [tilespmem:s26+$0x1430];
	(erf) = vpow2.f32 v0;
	v0 =	vmul.f32 $1.442695020e+00, v28  }
0x12e: {  	v33 =	vld [tilespmem:s26+$0x1420];
	v2 =	vmul.f32 $1.442695020e+00, v29;
	(erf) = vpow2.f32 v1  }
0x12f: {  	v34 =	vld [tilespmem:s26+$0x1070];
	(erf) = vpow2.f32 v0;
	v0 =	vmul.f32 $1.442695020e+00, v30  }
0x130: {  	[tilespmem:$0x1FBA0] =	vst v27;
	v1 =	vmul.f32 $1.442695020e+00, v3;
	(erf) = vpow2.f32 v2;
	v2 =	vld [tilespmem:s26+$0x1060]  }
0x131: {  	[tilespmem:$0x1FB60] =	vst v3;
	v3 =	vld [tilespmem:s26+$0x1030];
	(erf) = vpow2.f32 v0;
	v0 =	vmul.f32 $1.442695020e+00, v31  }
0x132: {  	v35 =	vld [tilespmem:s26+$0x1020];
	[tilespmem:$0x1FB90] =	vst v28;
	(erf) = vpow2.f32 v1;
	v1 =	vmul.f32 $1.442695020e+00, v32  }
0x133: {  	v37 =	vld [tilespmem:s26+$0xC70];
	[tilespmem:$0x1FB80] =	vst v29;
	v36 =	vpop (erf);
	(erf) = vpow2.f32 v0;
	v0 =	vmul.f32 $1.442695020e+00, v33  }
0x134: {  	v39 =	vld [tilespmem:s26+$0xC60];
	[tilespmem:$0x1FB40] =	vst v32;
	v38 =	vpop (erf);
	(erf) = vpow2.f32 v1;
	v1 =	vmul.f32 $1.442695020e+00, v34  }
0x135: {  	[tilespmem:$0x1FB10] =	vst v2;
	v40 =	vpop (erf);
	(erf) = vpow2.f32 v0;
	v0 =	vmul.f32 $1.442695020e+00, v2;
	v2 =	vld [tilespmem:s26+$0xC30]  }
0x136: {  	v48 =	vld [tilespmem:s26+$0xC20];
	[tilespmem:$0x1FB20] =	vst v34;
	v41 =	vpop (erf);
	(erf) = vpow2.f32 v1;
	v1 =	vmul.f32 $1.442695020e+00, v3  }
0x137: {  	[tilespmem:$0x1FB00] =	vst v3;
	v34 =	vld [tilespmem:s26+$0x870];
	v3 =	vpop (erf);
	(erf) = vpow2.f32 v0;
	v0 =	vmul.f32 $1.442695020e+00, v35  }
0x138: {  	v32 =	vld [tilespmem:s26+$0x860];
	[tilespmem:$0x1FA80] =	vst v3;
	v3 =	vpop (erf);
	(erf) = vpow2.f32 v1;
	v1 =	vmul.f32 $1.442695020e+00, v37  }
0x139: {  	v27 =	vld [tilespmem:s26+$0x830];
	[tilespmem:$0x1FA60] =	vst v3;
	v3 =	vpop (erf);
	(erf) = vpow2.f32 v0;
	v0 =	vmul.f32 $1.442695020e+00, v39  }
0x13a: {  	[tilespmem:$0x1FB70] =	vst v30;
	v28 =	vld [tilespmem:s26+$0x820];
	v63 =	vpop (erf);
	(erf) = vpow2.f32 v1;
	v1 =	vmul.f32 $1.442695020e+00, v2  }
0x13b: {  	[tilespmem:$0x1FAE0] =	vst v37;
	v29 =	vld [tilespmem:s26+$0x470];
	v37 =	vpop (erf);
	(erf) = vpow2.f32 v0;
	v0 =	vmul.f32 $1.442695020e+00, v48  }
0x13c: {  	[tilespmem:$0x1FB50] =	vst v31;
	v30 =	vld [tilespmem:s26+$0x460];
	v31 =	vpop (erf);
	(erf) = vpow2.f32 v1;
	v1 =	vmul.f32 $1.442695020e+00, v34  }
0x13d: {  	v24 =	vld [tilespmem:s26+$0x430];
	v26 =	vpop (erf);
	(erf) = vpow2.f32 v0;
	v0 =	vmul.f32 $1.442695020e+00, v32  }
0x13e: {  	v23 =	vld [tilespmem:s26+$0x420];
	[tilespmem:$0x1FB30] =	vst v33;
	v25 =	vpop (erf);
	(erf) = vpow2.f32 v1;
	v1 =	vmul.f32 $1.442695020e+00, v27  }
0x13f: {  	v33 =	vld [tilespmem:s26+$0x70];
	[tilespmem:$0x1FA50] =	vst v3;
	v3 =	vmul.f32 $1.442695020e+00, v28;
	v19 =	vpop (erf);
	(erf) = vpow2.f32 v0  }
0x140: {  	[tilespmem:$0x1FAF0] =	vst v35;
	v35 =	vld [tilespmem:s26+$0x60];
	v0 =	vmul.f32 $1.442695020e+00, v29;
	v17 =	vpop (erf);
	(erf) = vpow2.f32 v1  }
0x141: {  	v59 =	vld [tilespmem:s26+$0x20];
	v1 =	vmul.f32 $1.442695020e+00, v30;
	v12 =	vpop (erf);
	(erf) = vpow2.f32 v3  }
0x142: {  	v61 =	vld [tilespmem:s26+$0x30];
	[tilespmem:$0x1FAA0] =	vst v36;
	v3 =	vmul.f32 $1.442695020e+00, v24;
	v36 =	vpop (erf);
	(erf) = vpow2.f32 v0  }
0x143: {  	v14 =	vld [tilespmem:s26+$0x10];
	v42 =	vmul.f32 $1.442695020e+00, v23;
	v50 =	vpop (erf);
	(erf) = vpow2.f32 v1  }
0x144: {  	[tilespmem:$0x1FBE0] =	vst v9;
	v9 =	vld [tilespmem:s26+$0x0];
	v43 =	vmul.f32 $1.442695020e+00, v33;
	v10 =	vpop (erf);
	(erf) = vpow2.f32 v3  }
0x145: {  	v15 =	vld [tilespmem:s26+$0x50];
	v44 =	vmul.f32 $1.442695020e+00, v35;
	v47 =	vpop (erf);
	(erf) = vpow2.f32 v42  }
0x146: {  	v13 =	vld [tilespmem:s26+$0x40];
	v45 =	vmul.f32 $1.442695020e+00, v59;
	[tilespmem:$0x1FAB0] =	vst v38;
	v38 =	vpop (erf);
	(erf) = vpow2.f32 v43  }
0x147: {  	v16 =	vld [tilespmem:s26+$0x410];
	v46 =	vmul.f32 $1.442695020e+00, v61;
	[tilespmem:$0x1FA70] =	vst v41;
	v41 =	vpop (erf);
	(erf) = vpow2.f32 v44  }
0x148: {  	v8 =	vld [tilespmem:s26+$0x400];
	v49 =	vmul.f32 $1.442695020e+00, v14;
	(erf) = vpow2.f32 v45;
	v51 =	vpop (erf)  }
0x149: {  	v56 =	vld [tilespmem:s26+$0x450];
	v60 =	vmul.f32 $1.442695020e+00, v9;
	v57 =	vpop (erf);
	(erf) = vpow2.f32 v46  }
0x14a: {  	v7 =	vld [tilespmem:s26+$0x440];
	v62 =	vmul.f32 $1.442695020e+00, v15;
	v53 =	vpop (erf);
	(erf) = vpow2.f32 v49  }
0x14b: {  	v5 =	vmul.f32 $1.442695020e+00, v13;
	v49 =	vld [tilespmem:s26+$0x810];
	v45 =	vpop (erf);
	(erf) = vpow2.f32 v60  }
0x14c: {  	v6 =	vmul.f32 $1.442695020e+00, v16;
	v52 =	vpop (erf);
	(erf) = vpow2.f32 v62;
	v62 =	vld [tilespmem:s26+$0x800]  }
0x14d: {  	v54 =	vmul.f32 $1.442695020e+00, v8;
	v46 =	vld [tilespmem:s26+$0x850];
	v42 =	vpop (erf);
	(erf) = vpow2.f32 v5  }
0x14e: {  	v55 =	vmul.f32 $1.442695020e+00, v56;
	v60 =	vld [tilespmem:s26+$0x840];
	v58 =	vpop (erf);
	(erf) = vpow2.f32 v6  }
0x14f: {  	v5 =	vmul.f32 $1.442695020e+00, v7;
	v3 =	vpop (erf);
	(erf) = vpow2.f32 v54  }
0x150: {  	[tilespmem:$0x1FAD0] =	vst v39;
	v43 =	vld [tilespmem:s26+$0xC10];
	v39 =	vmul.f32 $1.442695020e+00, v49;
	v44 =	vpop (erf);
	(erf) = vpow2.f32 v55  }
0x151: {  	v55 =	vld [tilespmem:s26+$0xC00];
	v6 =	vpop (erf);
	(erf) = vpow2.f32 v5;
	v5 =	vmul.f32 $1.442695020e+00, v62  }
0x152: {  	v4 =	vadd.f32 $0.0e+00, v6;
	(erf) = vpow2.f32 v39;
	v39 =	vmul.f32 $1.442695020e+00, v46;
	v0 =	vpop (erf)  }
0x153: {  	[tilespmem:$0x1FAC0] =	vst v2;
	v2 =	vmul.f32 $1.442695020e+00, v60;
	(erf) = vpow2.f32 v5;
	v1 =	vadd.f32 $0.0e+00, v0;
	v6 =	vpop (erf)  }
0x154: {  	v5 =	vadd.f32 v44, v4;
	v44 =	vld [tilespmem:s26+$0xC50];
	(erf) = vpow2.f32 v39;
	v39 =	vadd.f32 $0.0e+00, v6  }
0x155: {  	[tilespmem:$0x1FA90] =	vst v40;
	v54 =	vld [tilespmem:s26+$0xC40];
	v40 =	vpop (erf);
	v4 =	vadd.f32 v3, v1;
	v1 =	vmul.f32 $1.442695020e+00, v43  }
0x156: {  	v3 =	vadd.f32 $0.0e+00, v40;
	v40 =	vld [tilespmem:s26+$0x1010];
	(erf) = vpow2.f32 v2;
	v2 =	vmul.f32 $1.442695020e+00, v55  }
0x157: {  	v0 =	vpop (erf);
	(erf) = vpow2.f32 v1  }
0x158: {  	v0 =	vadd.f32 v0, v39;
	v5 =	vadd.f32 v58, v5;
	v58 =	vld [tilespmem:s26+$0x1000];
	v39 =	vpop (erf);
	(erf) = vpow2.f32 v2  }
0x159: {  	v1 =	vadd.f32 v39, v3;
	v3 =	vadd.f32 v42, v4;
	v42 =	vld [tilespmem:s26+$0x1050];
	v2 =	vmul.f32 $1.442695020e+00, v44;
	v39 =	vpop (erf)  }
0x15a: {  	v4 =	vadd.f32 v52, v5;
	v52 =	vld [tilespmem:s26+$0x1040];
	v5 =	vmul.f32 $1.442695020e+00, v54;
	v0 =	vadd.f32 v39, v0;
	v6 =	vpop (erf)  }
0x15b: {  	(erf) = vpow2.f32 v2;
	v1 =	vadd.f32 v6, v1;
	v2 =	vmul.f32 $1.442695020e+00, v40  }
0x15c: {  	v6 =	vpop (erf);
	v3 =	vadd.f32 v45, v3;
	v45 =	vld [tilespmem:s26+$0x1410];
	v4 =	vadd.f32 v53, v4;
	(erf) = vpow2.f32 v5  }
0x15d: {  	v53 =	vld [tilespmem:s26+$0x1400];
	v0 =	vadd.f32 v6, v0;
	v39 =	vpop (erf);
	(erf) = vpow2.f32 v2;
	v2 =	vmul.f32 $1.442695020e+00, v58  }
0x15e: {  	v1 =	vadd.f32 v39, v1;
	v3 =	vadd.f32 v57, v3;
	v6 =	vpop (erf);
	v5 =	vmul.f32 $1.442695020e+00, v42  }
0x15f: {  	v39 =	vld [tilespmem:s26+$0x1450];
	v0 =	vadd.f32 v6, v0;
	(erf) = vpow2.f32 v2;
	v2 =	vmul.f32 $1.442695020e+00, v52  }
0x160: {  	v4 =	vadd.f32 v51, v4;
	v57 =	vpop (erf);
	v6 =	vadd.f32 v41, v3;
	v41 =	vld [tilespmem:s26+$0x1810];
	(erf) = vpow2.f32 v5  }
0x161: {  	v1 =	vadd.f32 v57, v1;
	v57 =	vld [tilespmem:s26+$0x1440];
	v51 =	vpop (erf);
	(erf) = vpow2.f32 v2;
	v2 =	vmul.f32 $1.442695020e+00, v45  }
0x162: {  	v4 =	vadd.f32 v38, v4;
	v3 =	vadd.f32 v51, v0;
	v5 =	vmul.f32 $1.442695020e+00, v53;
	v38 =	vpop (erf)  }
0x163: {  	v51 =	vld [tilespmem:s26+$0x1800];
	v1 =	vadd.f32 v38, v1;
	v6 =	vadd.f32 v47, v6;
	v0 =	vpop (erf);
	(erf) = vpow2.f32 v2  }
0x164: {  	v2 =	vmul.f32 $1.442695020e+00, v39;
	v0 =	vadd.f32 v0, v3;
	v3 =	vadd.f32 v10, v4;
	v10 =	vpop (erf)  }
0x165: {  	v47 =	vld [tilespmem:s26+$0x1840];
	(erf) = vpow2.f32 v5;
	v1 =	vadd.f32 v10, v1;
	v10 =	vmul.f32 $1.442695020e+00, v41  }
0x166: {  	v38 =	vld [tilespmem:s26+$0x1850];
	(erf) = vpow2.f32 v2;
	v2 =	vmul.f32 $1.442695020e+00, v57;
	_ =	sdelay $0x1  }
0x167: {  	v4 =	vadd.f32 v50, v6;
	v50 =	vpop (erf);
	(erf) = vpow2.f32 v2;
	v2 =	vmul.f32 $1.442695020e+00, v51  }
0x168: {  	s29 =	sor.u32 $0x1C00, s23;
	v0 =	vadd.f32 v50, v0;
	(erf) = vpow2.f32 v10;
	v10 =	vpop (erf)  }
0x169: {  	v50 =	vld [tilespmem:s29+$0x0];
	v1 =	vadd.f32 v10, v1;
	(erf) = vpow2.f32 v2;
	v2 =	vmul.f32 $1.442695020e+00, v47;
	v10 =	vpop (erf)  }
0x16a: {  	v4 =	vadd.f32 v12, v4;
	v5 =	vmul.f32 $1.442695020e+00, v38;
	v12 =	vpop (erf)  }
0x16b: {  	v1 =	vadd.f32 v12, v1  }
0x16c: {  	v3 =	vadd.f32 v36, v3;
	v0 =	vadd.f32 v10, v0;
	(erf) = vpow2.f32 v5  }
0x16d: {  	s30 =	sor.u32 $0x1C50, s23;
	(erf) = vpow2.f32 v2;
	v2 =	vpop (erf)  }
0x16e: {  	v36 =	vld [tilespmem:s30+$0x0];
	v3 =	vadd.f32 v17, v3;
	v0 =	vadd.f32 v2, v0;
	v2 =	vmul.f32 $1.442695020e+00, v50;
	v17 =	vpop (erf)  }
0x16f: {  	s23 =	sor.u32 $0x1C40, s23;
	v4 =	vadd.f32 v19, v4;
	v5 =	vadd.f32 v17, v1;
	v1 =	vpop (erf)  }
0x170: {  	v3 =	vadd.f32 v25, v3;
	v0 =	vadd.f32 v1, v0;
	v1 =	vld [tilespmem:s23+$0x0]  }
0x171: {  	v4 =	vadd.f32 v26, v4;
	v17 =	vld [tilespmem:$0x1FA60]  }
0x172: {  	v3 =	vadd.f32 v31, v3;
	(erf) = vpow2.f32 v2;
	v2 =	vpop (erf)  }
0x173: {  	v25 =	vmul.f32 $1.442695020e+00, v36;
	v10 =	vld [tilespmem:$0x1FA50];
	v4 =	vadd.f32 v37, v4;
	v2 =	vadd.f32 v2, v5;
	v31 =	vpop (erf)  }
0x174: {  	v3 =	vadd.f32 v63, v3;
	v0 =	vadd.f32 v31, v0;
	v37 =	vpop (erf);
	v31 =	vld [tilespmem:$0x1FA70]  }
0x175: {  	(erf) = vpow2.f32 v25;
	v2 =	vadd.f32 v37, v2;
	v63 =	vpop (erf);
	v25 =	vmul.f32 $1.442695020e+00, v1;
	v37 =	vld [tilespmem:$0x1FA80]  }
0x176: {  	v3 =	vadd.f32 v17, v3;
	v17 =	vld [tilespmem:$0x1FA90];
	v12 =	vpop (erf)  }
0x177: {  	s31 =	sand.u32 $0x10, s22;
	v0 =	vadd.f32 v63, v0;
	v2 =	vadd.f32 v12, v2;
	v26 =	vpop (erf);
	(erf) = vpow2.f32 v25;
	v25 =	vld [tilespmem:$0x1FAA0]  }
0x178: {  	v6 =	vld [tilespmem:s31+$0x10000];
	v4 =	vadd.f32 v10, v4;
	v63 =	vpop (erf)  }
0x179: {  	v0 =	vadd.f32 v26, v0;
	v26 =	vld [tilespmem:$0x1FAB0];
	v2 =	vadd.f32 v63, v2;
	v63 =	vperm.xlane v36, v11  }
0x17a: {  	v4 =	vadd.f32 v31, v4;
	v10 =	vperm.xlane v37, v11;
	v37 =	vperm.xlane v20, v11;
	_ =	sdelay $0x1  }
0x17b: {  	s24 =	sand.u32 $0xF, s22;
	v3 =	vadd.f32 v17, v3;
	v5 =	vadd.f32 v25, v4;
	v4 =	vsel vm0, v63, v37;
	v37 =	vld [tilespmem:$0x1FC00]  }
0x17c: {  	v20 =	vmov s24;
	v31 =	vsel vm0, $0x0, v10  }
0x17d: {  	v12 =	vperm.xlane v6, v20;
	v25 =	vpop (erf);
	v0 =	vadd.f32 v26, v0;
	v19 =	vadd.f32 v31, v3  }
0x17e: {  	v2 =	vadd.f32 v25, v2;
	v26 =	vadd.f32 $0.0e+00, v9;
	v31 =	vlaneseq.u32;
	v25 =	vld [tilespmem:$0x1FBF0]  }
0x17f: {  	vm2 =	veq.s32 v12, v31;
	v31 =	vld [tilespmem:$0x1FC20]  }
0x180: {  	v3 =	vpop (erf);
	v63 =	vnsel vm2, $0x0, v26;
	v26 =	vld [tilespmem:$0x1FC10];
	vm3 =	veq.s32 v12, v37  }
0x181: {  	v14 =	vadd.f32 $0.0e+00, v14;
	v3 =	vadd.f32 v3, v0;
	v17 =	vnsel vm3, $0x0, v59;
	v59 =	vld [tilespmem:$0x1FC30]  }
0x182: {  	v0 =	vadd.f32 v19, v5;
	v5 =	vadd.f32 v17, v63;
	v63 =	vld [tilespmem:$0x1FC40]  }
0x183: {  	vm2 =	veq.s32 v12, v25;
	v25 =	vld [tilespmem:$0x1FC70]  }
0x184: {  	v6 =	vnsel vm2, $0x0, v14;
	v14 =	vld [tilespmem:$0x1FC50]  }
0x185: {  	vm2 =	veq.s32 v12, v31;
	v17 =	vld [tilespmem:$0x1FC60];
	vm3 =	veq.s32 v12, v26  }
0x186: {  	v31 =	vld [tilespmem:$0x1FC80];
	v37 =	vnsel vm2, $0x0, v13;
	v9 =	vnsel vm3, $0x0, v61;
	vm2 =	veq.s32 v12, v59  }
0x187: {  	v6 =	vadd.f32 v9, v6;
	v59 =	vld [tilespmem:$0x1FCA0];
	v61 =	vnsel vm2, $0x0, v15;
	vm2 =	veq.s32 v12, v63  }
0x188: {  	v5 =	vadd.f32 v37, v5;
	v13 =	vnsel vm2, $0x0, v35;
	v35 =	vld [tilespmem:$0x1FC90]  }
0x189: {  	v6 =	vadd.f32 v61, v6;
	v61 =	vld [tilespmem:$0x1FCB0]  }
0x18a: {  	vm2 =	veq.s32 v12, v14;
	v5 =	vadd.f32 v13, v5;
	v13 =	vld [tilespmem:$0x1FCC0]  }
0x18b: {  	v15 =	vnsel vm2, $0x0, v33;
	vm2 =	veq.s32 v12, v17;
	v17 =	vld [tilespmem:$0x1FCE0]  }
0x18c: {  	v6 =	vadd.f32 v15, v6;
	v8 =	vnsel vm2, $0x0, v8;
	vm2 =	veq.s32 v12, v25;
	v15 =	vld [tilespmem:$0x1FCD0]  }
0x18d: {  	v25 =	vld [tilespmem:$0x1FCF0];
	v5 =	vadd.f32 v8, v5;
	v26 =	vnsel vm2, $0x0, v16;
	vm2 =	veq.s32 v12, v31  }
0x18e: {  	v31 =	vld [tilespmem:$0x1FD10];
	v6 =	vadd.f32 v26, v6;
	v33 =	vnsel vm2, $0x0, v23;
	vm2 =	veq.s32 v12, v35  }
0x18f: {  	v5 =	vadd.f32 v33, v5;
	v35 =	vld [tilespmem:$0x1FD20];
	v37 =	vnsel vm2, $0x0, v24;
	vm2 =	veq.s32 v12, v59  }
0x190: {  	v59 =	vld [tilespmem:$0x1FD40];
	v6 =	vadd.f32 v37, v6;
	v7 =	vnsel vm2, $0x0, v7;
	vm2 =	veq.s32 v12, v61  }
0x191: {  	v61 =	vld [tilespmem:$0x1FD50];
	v5 =	vadd.f32 v7, v5;
	v63 =	vnsel vm2, $0x0, v56;
	vm2 =	veq.s32 v12, v13  }
0x192: {  	v6 =	vadd.f32 v63, v6;
	v14 =	vnsel vm2, $0x0, v30;
	vm2 =	veq.s32 v12, v15;
	v63 =	vld [tilespmem:$0x1FD60]  }
0x193: {  	v16 =	vnsel vm2, $0x0, v29;
	v29 =	vld [tilespmem:$0x1FD00]  }
0x194: {  	v5 =	vadd.f32 v14, v5;
	v14 =	vld [tilespmem:$0x1FD70]  }
0x195: {  	vm2 =	veq.s32 v12, v17;
	v6 =	vadd.f32 v16, v6;
	v16 =	vld [tilespmem:$0x1FD80]  }
0x196: {  	v24 =	vnsel vm2, $0x0, v62;
	vm2 =	veq.s32 v12, v25;
	v25 =	vld [tilespmem:$0x1FAC0]  }
0x197: {  	v26 =	vnsel vm2, $0x0, v49;
	v49 =	vld [tilespmem:$0x1FD30]  }
0x198: {  	v5 =	vadd.f32 v24, v5;
	v24 =	vld [tilespmem:$0x1FD90]  }
0x199: {  	v6 =	vadd.f32 v26, v6;
	v26 =	vld [tilespmem:$0x1FDA0];
	vm2 =	veq.s32 v12, v29  }
0x19a: {  	v30 =	vnsel vm2, $0x0, v28;
	v28 =	vld [tilespmem:$0x1FDB0]  }
0x19b: {  	vm2 =	veq.s32 v12, v31;
	v31 =	vld [tilespmem:$0x1FAD0]  }
0x19c: {  	v5 =	vadd.f32 v30, v5;
	v33 =	vnsel vm2, $0x0, v27;
	v30 =	vld [tilespmem:$0x1FDC0]  }
0x19d: {  	vm2 =	veq.s32 v12, v35;
	v6 =	vadd.f32 v33, v6;
	v33 =	vld [tilespmem:$0x1FAE0]  }
0x19e: {  	v37 =	vnsel vm2, $0x0, v60;
	vm2 =	veq.s32 v12, v49;
	v49 =	vld [tilespmem:$0x1FE20]  }
0x19f: {  	v5 =	vadd.f32 v37, v5;
	v37 =	vld [tilespmem:$0x1FDF0]  }
0x1a0: {  	v56 =	vnsel vm2, $0x0, v46;
	v46 =	vld [tilespmem:$0x1FE10]  }
0x1a1: {  	vm2 =	veq.s32 v12, v59;
	v59 =	vld [tilespmem:$0x1FB10]  }
0x1a2: {  	v60 =	vnsel vm2, $0x0, v32;
	v32 =	vld [tilespmem:$0x1FDD0]  }
0x1a3: {  	vm2 =	veq.s32 v12, v61;
	v61 =	vld [tilespmem:$0x1FB20]  }
0x1a4: {  	v5 =	vadd.f32 v60, v5;
	v62 =	vnsel vm2, $0x0, v34;
	vm2 =	veq.s32 v12, v63;
	v34 =	vld [tilespmem:$0x1FDE0]  }
0x1a5: {  	v6 =	vadd.f32 v56, v6;
	v60 =	vld [tilespmem:$0x1FE50];
	v13 =	vnsel vm2, $0x0, v55;
	vm2 =	veq.s32 v12, v14  }
0x1a6: {  	v55 =	vld [tilespmem:$0x1FE30];
	v5 =	vadd.f32 v13, v5;
	v15 =	vnsel vm2, $0x0, v43;
	vm2 =	veq.s32 v12, v16  }
0x1a7: {  	v6 =	vadd.f32 v62, v6;
	v62 =	vld [tilespmem:$0x1FE60];
	v17 =	vnsel vm2, $0x0, v48;
	vm2 =	veq.s32 v12, v24  }
0x1a8: {  	v43 =	vld [tilespmem:$0x1FE00];
	v5 =	vadd.f32 v17, v5;
	v7 =	vnsel vm2, $0x0, v25;
	vm2 =	veq.s32 v12, v26  }
0x1a9: {  	v13 =	vld [tilespmem:$0x1FE70];
	v6 =	vadd.f32 v15, v6;
	v27 =	vnsel vm2, $0x0, v54;
	vm2 =	veq.s32 v12, v28  }
0x1aa: {  	v5 =	vadd.f32 v27, v5;
	v29 =	vnsel vm2, $0x0, v44;
	vm2 =	veq.s32 v12, v30;
	v44 =	vld [tilespmem:$0x1FAF0]  }
0x1ab: {  	v48 =	vld [tilespmem:$0x1FB00];
	v6 =	vadd.f32 v7, v6;
	v7 =	vnsel vm2, $0x0, v31;
	vm2 =	veq.s32 v12, v32  }
0x1ac: {  	v16 =	vld [tilespmem:$0x1FB30];
	v5 =	vadd.f32 v7, v5;
	v7 =	vnsel vm2, $0x0, v33;
	vm2 =	veq.s32 v12, v34  }
0x1ad: {  	v6 =	vadd.f32 v29, v6;
	v35 =	vnsel vm2, $0x0, v58;
	vm2 =	veq.s32 v12, v37;
	v58 =	vld [tilespmem:$0x1FE40]  }
0x1ae: {  	v15 =	vld [tilespmem:$0x1FE80];
	v5 =	vadd.f32 v35, v5;
	v40 =	vnsel vm2, $0x0, v40;
	vm2 =	veq.s32 v12, v43  }
0x1af: {  	v24 =	vld [tilespmem:$0x1FB40];
	v6 =	vadd.f32 v7, v6;
	v7 =	vnsel vm2, $0x0, v44;
	vm2 =	veq.s32 v12, v46  }
0x1b0: {  	v17 =	vld [tilespmem:$0x1FE90];
	v5 =	vadd.f32 v7, v5;
	v7 =	vnsel vm2, $0x0, v48;
	vm2 =	veq.s32 v12, v49  }
0x1b1: {  	v25 =	vld [tilespmem:$0x1FEA0];
	v6 =	vadd.f32 v40, v6;
	v54 =	vnsel vm2, $0x0, v52;
	vm2 =	veq.s32 v12, v55  }
0x1b2: {  	v27 =	vld [tilespmem:$0x1FEB0];
	v5 =	vadd.f32 v54, v5;
	v56 =	vnsel vm2, $0x0, v42;
	vm2 =	veq.s32 v12, v58  }
0x1b3: {  	v30 =	vld [tilespmem:$0x1FB50];
	v6 =	vadd.f32 v7, v6;
	v7 =	vnsel vm2, $0x0, v59;
	vm2 =	veq.s32 v12, v60  }
0x1b4: {  	v29 =	vld [tilespmem:$0x1FEC0];
	v5 =	vadd.f32 v7, v5;
	v7 =	vnsel vm2, $0x0, v61;
	vm2 =	veq.s32 v12, v62  }
0x1b5: {  	v31 =	vld [tilespmem:$0x1FED0];
	v6 =	vadd.f32 v56, v6;
	v63 =	vnsel vm2, $0x0, v53;
	vm2 =	veq.s32 v12, v13  }
0x1b6: {  	v32 =	vld [tilespmem:$0x1FB60];
	v5 =	vadd.f32 v63, v5;
	v14 =	vnsel vm2, $0x0, v45;
	vm2 =	veq.s32 v12, v15  }
0x1b7: {  	v33 =	vld [tilespmem:$0x1FEE0];
	v6 =	vadd.f32 v7, v6;
	v7 =	vnsel vm2, $0x0, v16;
	vm2 =	veq.s32 v12, v17  }
0x1b8: {  	v35 =	vld [tilespmem:$0x1FEF0];
	v5 =	vadd.f32 v7, v5;
	v7 =	vnsel vm2, $0x0, v24;
	vm2 =	veq.s32 v12, v25  }
0x1b9: {  	v43 =	vld [tilespmem:$0x1FF20];
	v6 =	vadd.f32 v14, v6;
	v26 =	vnsel vm2, $0x0, v57;
	vm2 =	veq.s32 v12, v27  }
0x1ba: {  	v40 =	vld [tilespmem:$0x1FB70];
	v5 =	vadd.f32 v26, v5;
	v28 =	vnsel vm2, $0x0, v39;
	vm2 =	veq.s32 v12, v29  }
0x1bb: {  	v48 =	vld [tilespmem:$0x1FB90];
	v6 =	vadd.f32 v7, v6;
	v7 =	vnsel vm2, $0x0, v30;
	vm2 =	veq.s32 v12, v31  }
0x1bc: {  	v49 =	vld [tilespmem:$0x1FF50];
	v5 =	vadd.f32 v7, v5;
	v7 =	vnsel vm2, $0x0, v32;
	vm2 =	veq.s32 v12, v33  }
0x1bd: {  	v39 =	vld [tilespmem:$0x1FF00];
	v34 =	vnsel vm2, $0x0, v51;
	vm2 =	veq.s32 v12, v35  }
0x1be: {  	v37 =	vnsel vm2, $0x0, v41;
	v41 =	vld [tilespmem:$0x1FF10]  }
0x1bf: {  	v42 =	vld [tilespmem:$0x1FB80]  }
0x1c0: {  	v52 =	vld [tilespmem:$0x1FF70]  }
0x1c1: {  	v54 =	vld [tilespmem:$0x1FF80];
	v6 =	vadd.f32 v28, v6  }
0x1c2: {  	v58 =	vld [tilespmem:$0x1FBC0];
	v5 =	vadd.f32 v34, v5;
	vm2 =	veq.s32 v12, v39  }
0x1c3: {  	v60 =	vld [tilespmem:$0x1FFE0];
	v6 =	vadd.f32 v7, v6;
	v7 =	vnsel vm2, $0x0, v40;
	vm2 =	veq.s32 v12, v41  }
0x1c4: {  	v45 =	vld [tilespmem:$0x1FF30];
	v5 =	vadd.f32 v7, v5;
	v7 =	vnsel vm2, $0x0, v42;
	vm2 =	veq.s32 v12, v43  }
0x1c5: {  	v55 =	vpop (erf);
	v44 =	vnsel vm2, $0x0, v47;
	v47 =	vld [tilespmem:$0x1FF40]  }
0x1c6: {  	v2 =	vadd.f32 v55, v2;
	v56 =	vld [tilespmem:$0x1FBB0]  }
0x1c7: {  	v51 =	vld [tilespmem:$0x1FBA0];
	v6 =	vadd.f32 v37, v6  }
0x1c8: {  	v59 =	vld [tilespmem:$0x1FFA0];
	v2 =	vadd.f32 v3, v2  }
0x1c9: {  	vm3 =	veq.s32 v12, v60;
	v57 =	vld [tilespmem:$0x1FF90];
	v6 =	vadd.f32 v7, v6;
	vm2 =	veq.s32 v12, v45  }
0x1ca: {  	v61 =	vld [tilespmem:$0x1FBD0];
	v5 =	vadd.f32 v44, v5;
	v46 =	vnsel vm2, $0x0, v38;
	vm2 =	veq.s32 v12, v47  }
0x1cb: {  	v62 =	vld [tilespmem:$0x1FFF0];
	v6 =	vadd.f32 v46, v6;
	v7 =	vnsel vm2, $0x0, v48;
	vm2 =	veq.s32 v12, v49  }
0x1cc: {  	v63 =	vld [tilespmem:$0x1FBE0];
	v5 =	vadd.f32 v7, v5;
	v7 =	vnsel vm2, $0x0, v51;
	vm2 =	veq.s32 v12, v52  }
0x1cd: {  	v6 =	vadd.f32 v7, v6;
	v53 =	vnsel vm2, $0x0, v50;
	vm2 =	veq.s32 v12, v54  }
0x1ce: {  	v5 =	vadd.f32 v53, v5;
	v8 =	vnsel vm2, $0x0, v56;
	vm2 =	veq.s32 v12, v57  }
0x1cf: {  	v6 =	vadd.f32 v8, v6;
	v7 =	vnsel vm2, $0x0, v58;
	vm2 =	veq.s32 v12, v59  }
0x1d0: {  	v1 =	vnsel vm3, $0x0, v1;
	v5 =	vadd.f32 v7, v5;
	v7 =	vnsel vm2, $0x0, v61  }
0x1d1: {  	vm3 =	veq.s32 v12, v63;
	vm2 =	veq.s32 v12, v62;
	v6 =	vadd.f32 v7, v6  }
0x1d2: {  	v3 =	vnsel vm2, $0x0, v36;
	vm2 =	vmand vm3, vm1;
	v1 =	vadd.f32 v1, v5  }
0x1d3: {  	v0 =	vadd.f32 v0, v2;
	v4 =	vnsel vm2, $0x0, v4  }
0x1d4: {  	v3 =	vadd.f32 v3, v6;
	v1 =	vadd.f32 v4, v1;
	_ =	sdelay $0x1  }
0x1d5: {  	v2 =	vperm.xlane v0, v11;
	v1 =	vadd.f32 v1, v3;
	_ =	sdelay $0x1  }
0x1d6: {  	v0 =	vadd.f32 v0, v2;
	v2 =	vperm.xlane v1, v11;
	_ =	sdelay $0x1  }
0x1d7: {  	v1 =	vadd.f32 v1, v2;
	v2 =	vperm.xlane v0, v18;
	_ =	sdelay $0x1  }
0x1d8: {  	v0 =	vadd.f32 v0, v2;
	v2 =	vperm.xlane v1, v18;
	_ =	sdelay $0x1  }
0x1d9: {  	v1 =	vadd.f32 v2, v1;
	v2 =	vperm.xlane v0, v21;
	_ =	sdelay $0x1  }
0x1da: {  	v2 =	vadd.f32 v0, v2;
	v0 =	vperm.xlane v1, v21;
	_ =	sdelay $0x1  }
0x1db: {  	v0 =	vadd.f32 v0, v1;
	v1 =	vperm.xlane v2, v22;
	_ =	sdelay $0x1  }
0x1dc: {  	s22 =	simm.s32 $0x2;
	s23 =	simm.s32 $0x2;
	v1 =	vadd.f32 v2, v1;
	v2 =	vperm.xlane v0, v22  }
.LBB2_2:
0x1dd: {  	_ = 	snop  }
0x1de: {  	v0 =	vadd.f32 v2, v0;
	v2 =	vlaneseq.u32  }
0x1df: {  	vm2 =	veq.s32 v20, v2;
	v2 =	vld [tilespmem:$0x1FA30];
	_ =	sdelay $0x4  }
0x1e0: {  	v2 =	vsel vm2, v1, v2;
	v1 =	vld [tilespmem:$0x1FA40];
	_ =	sdelay $0x2  }
0x1e1: {  	s25 =	sand.u32 $0x7, s22;
	s19 =	sadd.s32 $0x1, s19  }
0x1e2: {  	p0 =	sne.s32 s24, $0xF;
	s20 =	sadd.s32 $0x400, s20;
	s25 =	sshll.u32 s25, $0x7  }
0x1e3: {  	s18 =	sadd.s32 $0x1, s18;
	s24 =	sadd.s32 s25, s20;
	[tilespmem:s19+$0x0] =	vst @!p0 v2;
	v1 =	vsel vm2, v0, v1  }
0x1e4: {  	s25 =	sor.u32 $0x1C30, s24;
	[tilespmem:s18+$0x0] =	vst @!p0 v1  }
0x1e5: {  	s29 =	sor.u32 $0x1C40, s24;
	v0 =	vld [tilespmem:s25+$0x0]  }
0x1e6: {  	s21 =	sadd.s32 $0x80, s21;
	s26 =	sor.u32 $0x1C10, s24;
	v3 =	vld [tilespmem:s29+$0x0]  }
0x1e7: {  	s30 =	sand.u32 $0x6000, s20;
	s28 =	sand.u32 $0x380, s21;
	s31 =	sor.u32 $0x1C20, s24;
	[tilespmem:$0x1FA40] =	vst v1;
	v1 =	vld [tilespmem:s26+$0x0]  }
0x1e8: {  	[tilespmem:$0x1FA30] =	vst v2;
	s25 =	sor.u32 s28, s30;
	v2 =	vld [tilespmem:s31+$0x0]  }
0x1e9: {  	s29 =	sor.u32 $0x1C00, s24;
	v5 =	vld [tilespmem:s25+$0x1870]  }
0x1ea: {  	s30 =	sor.u32 $0x1C60, s24;
	v6 =	vld [tilespmem:s29+$0x0]  }
0x1eb: {  	v17 =	vld.msk [tilespmem:s30+$0x0], $0xff  }
0x1ec: {  	v7 =	vld [tilespmem:s25+$0x1850]  }
0x1ed: {  	v8 =	vld [tilespmem:s25+$0x1860]  }
0x1ee: {  	v4 =	vld [tilespmem:s25+$0x1830];
	[tilespmem:$0x1F8C0] =	vst v0  }
0x1ef: {  	v11 =	vld [tilespmem:s25+$0x1820];
	[tilespmem:$0x1F8D0] =	vst v3  }
0x1f0: {  	v12 =	vld [tilespmem:s25+$0x1470];
	[tilespmem:$0x1F8A0] =	vst v1  }
0x1f1: {  	v9 =	vld [tilespmem:s25+$0x1840];
	[tilespmem:$0x1F8B0] =	vst v2  }
0x1f2: {  	v10 =	vld [tilespmem:s25+$0x1810];
	[tilespmem:$0x1F880] =	vst v5  }
0x1f3: {  	v13 =	vld [tilespmem:s25+$0x1800];
	v0 =	vmul.f32 $1.442695020e+00, v0;
	v1 =	vmul.f32 $1.442695020e+00, v1;
	[tilespmem:$0x1F890] =	vst v6  }
0x1f4: {  	v14 =	vld [tilespmem:s25+$0x1450];
	v2 =	vmul.f32 $1.442695020e+00, v2;
	[tilespmem:$0x1F830] =	vst v11;
	v11 =	vmul.f32 $1.442695020e+00, v11  }
0x1f5: {  	v15 =	vld [tilespmem:s25+$0x1460];
	[tilespmem:$0x1F800] =	vst v12;
	v12 =	vmul.f32 $1.442695020e+00, v12;
	(erf) = vpow2.f32 v0  }
0x1f6: {  	v16 =	vld [tilespmem:s25+$0x1430];
	[tilespmem:$0x1F680] =	vst v17;
	(erf) = vpow2.f32 v1;
	v1 =	vmul.f32 $1.442695020e+00, v3  }
0x1f7: {  	v39 =	vld [tilespmem:s25+$0x1440];
	[tilespmem:$0x1F860] =	vst v7;
	v0 =	vmul.f32 $1.442695020e+00, v5;
	(erf) = vpow2.f32 v2  }
0x1f8: {  	v40 =	vld [tilespmem:s25+$0x1420];
	v2 =	vmul.f32 $1.442695020e+00, v6;
	[tilespmem:$0x1F5F0] =	vst v1;
	v1 =	vmul.f32 $1.442695020e+00, v17  }
0x1f9: {  	v41 =	vld [tilespmem:s25+$0x1070];
	[tilespmem:$0x1F840] =	vst v4;
	(erf) = vpow2.f32 v0;
	v0 =	vmul.f32 $1.442695020e+00, v8  }
0x1fa: {  	v3 =	vld [tilespmem:s25+$0x1410];
	[tilespmem:$0x1F5E0] =	vst v2;
	v2 =	vmul.f32 $1.442695020e+00, v4;
	(erf) = vpow2.f32 v1  }
0x1fb: {  	v42 =	vld [tilespmem:s25+$0x1400];
	[tilespmem:$0x1F7F0] =	vst v15;
	v51 =	vmul.f32 $1.442695020e+00, v9;
	(erf) = vpow2.f32 v0  }
0x1fc: {  	v55 =	vld [tilespmem:s25+$0x1010];
	[tilespmem:$0x1F7C0] =	vst v16;
	v1 =	vmul.f32 $1.442695020e+00, v7;
	(erf) = vpow2.f32 v2  }
0x1fd: {  	v24 =	vld [tilespmem:s25+$0x1000];
	[tilespmem:$0x1F7D0] =	vst v39;
	v53 =	vmul.f32 $1.442695020e+00, v10;
	(erf) = vpow2.f32 v11  }
0x1fe: {  	[tilespmem:$0x1F780] =	vst v41;
	v15 =	vmul.f32 $1.442695020e+00, v15;
	v61 =	vmul.f32 $1.442695020e+00, v13;
	v2 =	vld [tilespmem:s25+$0x1060]  }
0x1ff: {  	v52 =	vld [tilespmem:s25+$0x1030];
	v49 =	vmul.f32 $1.442695020e+00, v14;
	v57 =	vmul.f32 $1.442695020e+00, v39;
	[tilespmem:$0x1F7A0] =	vst v3;
	v0 =	vpop (erf)  }
0x200: {  	v54 =	vld [tilespmem:s25+$0x1040];
	v45 =	vmul.f32 $1.442695020e+00, v42;
	[tilespmem:$0x1F5C0] =	vst v1;
	(erf) = vpow2.f32 v12;
	v1 =	vpop (erf)  }
0x201: {  	v63 =	vld [tilespmem:s25+$0x1020];
	[tilespmem:$0x1F670] =	vst v1;
	v1 =	vmul.f32 $1.442695020e+00, v16;
	v62 =	vpop (erf);
	(erf) = vpow2.f32 v15  }
0x202: {  	v28 =	vld [tilespmem:s25+$0xC40];
	v38 =	vmul.f32 $1.442695020e+00, v55;
	v17 =	vmul.f32 $1.442695020e+00, v40;
	[tilespmem:$0x1F660] =	vst v0;
	v0 =	vpop (erf)  }
0x203: {  	v35 =	vmul.f32 $1.442695020e+00, v24;
	v16 =	vld [tilespmem:s25+$0xC70];
	[tilespmem:$0x1F770] =	vst v2;
	(erf) = vpow2.f32 v1;
	v25 =	vpop (erf)  }
0x204: {  	v29 =	vld [tilespmem:s25+$0xC10];
	v6 =	vmul.f32 $1.442695020e+00, v41;
	[tilespmem:$0x1F630] =	vst v0;
	(erf) = vpow2.f32 v17;
	v0 =	vpop (erf)  }
0x205: {  	v47 =	vmul.f32 $1.442695020e+00, v3;
	v3 =	vld [tilespmem:s25+$0xC60];
	v27 =	vmul.f32 $1.442695020e+00, v2;
	[tilespmem:$0x1F620] =	vst v0;
	v1 =	vpop (erf)  }
0x206: {  	v2 =	vld [tilespmem:s25+$0xC30];
	(erf) = vpow2.f32 v6;
	[tilespmem:$0x1F610] =	vst v1;
	v1 =	vmul.f32 $1.442695020e+00, v52;
	v0 =	vpop (erf)  }
0x207: {  	v30 =	vld [tilespmem:s25+$0xC20];
	(erf) = vpow2.f32 v27;
	[tilespmem:$0x1F600] =	vst v0;
	v0 =	vmul.f32 $1.442695020e+00, v63  }
0x208: {  	v31 =	vld [tilespmem:s25+$0x870];
	[tilespmem:$0x1F750] =	vst v54;
	(erf) = vpow2.f32 v1;
	v1 =	vmul.f32 $1.442695020e+00, v16  }
0x209: {  	v50 =	vld [tilespmem:s25+$0x820];
	[tilespmem:$0x1F5B0] =	vst v61;
	v41 =	vmul.f32 $1.442695020e+00, v54;
	v61 =	vpop (erf);
	(erf) = vpow2.f32 v0  }
0x20a: {  	v59 =	vld [tilespmem:s25+$0x860];
	[tilespmem:$0x1F720] =	vst v55;
	v54 =	vpop (erf);
	v0 =	vmul.f32 $1.442695020e+00, v3;
	(erf) = vpow2.f32 v1  }
0x20b: {  	v23 =	vmul.f32 $1.442695020e+00, v28;
	[tilespmem:$0x1F5A0] =	vst v53;
	v53 =	vld [tilespmem:s25+$0x830];
	v1 =	vmul.f32 $1.442695020e+00, v2  }
0x20c: {  	v20 =	vmul.f32 $1.442695020e+00, v29;
	v55 =	vld [tilespmem:s25+$0x430];
	[tilespmem:$0x1F5D0] =	vst v51;
	v51 =	vpop (erf);
	(erf) = vpow2.f32 v0  }
0x20d: {  	v48 =	vld [tilespmem:s25+$0x470];
	[tilespmem:$0x1F7B0] =	vst v40;
	v0 =	vmul.f32 $1.442695020e+00, v30;
	v46 =	vpop (erf);
	(erf) = vpow2.f32 v1  }
0x20e: {  	[tilespmem:$0x1F740] =	vst v52;
	v34 =	vmul.f32 $1.442695020e+00, v50;
	v52 =	vld [tilespmem:s25+$0x460];
	v1 =	vmul.f32 $1.442695020e+00, v31  }
0x20f: {  	[tilespmem:$0x1F710] =	vst v24;
	v24 =	vld [tilespmem:s25+$0x10];
	v44 =	vpop (erf);
	(erf) = vpow2.f32 v0;
	v0 =	vmul.f32 $1.442695020e+00, v59  }
0x210: {  	v58 =	vld [tilespmem:s25+$0x420];
	[tilespmem:$0x1F790] =	vst v42;
	v42 =	vpop (erf);
	(erf) = vpow2.f32 v1;
	v1 =	vmul.f32 $1.442695020e+00, v53  }
0x211: {  	[tilespmem:$0x1F6A0] =	vst v29;
	v40 =	vld [tilespmem:s25+$0x70];
	v56 =	vmul.f32 $1.442695020e+00, v55;
	v39 =	vpop (erf);
	(erf) = vpow2.f32 v0  }
0x212: {  	[tilespmem:$0x1F650] =	vst v62;
	v62 =	vld [tilespmem:s25+$0x60];
	v0 =	vmul.f32 $1.442695020e+00, v48;
	v36 =	vpop (erf);
	(erf) = vpow2.f32 v1  }
0x213: {  	[tilespmem:$0x1F690] =	vst v31;
	v37 =	vmul.f32 $1.442695020e+00, v52;
	v31 =	vld [tilespmem:s25+$0x20];
	v29 =	vpop (erf);
	(erf) = vpow2.f32 v34  }
0x214: {  	[tilespmem:$0x1F7E0] =	vst v14;
	v19 =	vmul.f32 $1.442695020e+00, v24;
	v34 =	vld [tilespmem:s25+$0x30];
	(erf) = vpow2.f32 v0  }
0x215: {  	v32 =	vld [tilespmem:s25+$0x410];
	[tilespmem:$0x1F730] =	vst v63;
	v63 =	vmul.f32 $1.442695020e+00, v58;
	v22 =	vpop (erf);
	(erf) = vpow2.f32 v37  }
0x216: {  	v4 =	vmul.f32 $1.442695020e+00, v40;
	[tilespmem:$0x1F640] =	vst v25;
	v25 =	vld [tilespmem:s25+$0x0];
	v21 =	vpop (erf);
	(erf) = vpow2.f32 v56  }
0x217: {  	[tilespmem:$0x1F6B0] =	vst v30;
	v5 =	vmul.f32 $1.442695020e+00, v62;
	v30 =	vld [tilespmem:s25+$0x50];
	(erf) = vpow2.f32 v63  }
0x218: {  	[tilespmem:$0x1F6D0] =	vst v28;
	v27 =	vld [tilespmem:s25+$0x40];
	v6 =	vmul.f32 $1.442695020e+00, v31;
	v18 =	vpop (erf);
	(erf) = vpow2.f32 v4  }
0x219: {  	v28 =	vld [tilespmem:s25+$0x400];
	[tilespmem:$0x1F700] =	vst v16;
	v16 =	vpop (erf);
	v7 =	vmul.f32 $1.442695020e+00, v34;
	(erf) = vpow2.f32 v5  }
0x21a: {  	[tilespmem:$0x1F6F0] =	vst v3;
	v15 =	vld [tilespmem:s25+$0x440];
	v3 =	vmul.f32 $1.442695020e+00, v32;
	(erf) = vpow2.f32 v6;
	v14 =	vpop (erf)  }
0x21b: {  	[tilespmem:$0x1F810] =	vst v13;
	v37 =	vld [tilespmem:s25+$0x450];
	v63 =	vmul.f32 $1.442695020e+00, v25;
	(erf) = vpow2.f32 v7;
	v13 =	vpop (erf)  }
0x21c: {  	v33 =	vld [tilespmem:s25+$0x800];
	v0 =	vmul.f32 $1.442695020e+00, v30;
	(erf) = vpow2.f32 v19;
	v12 =	vpop (erf)  }
0x21d: {  	[tilespmem:$0x1F820] =	vst v10;
	v56 =	vld [tilespmem:s25+$0x810];
	v19 =	vmul.f32 $1.442695020e+00, v27;
	(erf) = vpow2.f32 v63;
	v11 =	vpop (erf)  }
0x21e: {  	[tilespmem:$0x1F6C0] =	vst v2;
	v2 =	vmul.f32 $1.442695020e+00, v28;
	v63 =	vld [tilespmem:s25+$0x850];
	(erf) = vpow2.f32 v0;
	v10 =	vpop (erf)  }
0x21f: {  	v26 =	vld [tilespmem:s25+$0xC50];
	[tilespmem:$0x1F850] =	vst v9;
	v1 =	vmul.f32 $1.442695020e+00, v15;
	(erf) = vpow2.f32 v19;
	v9 =	vpop (erf)  }
0x220: {  	[tilespmem:$0x1F870] =	vst v8;
	v4 =	vmul.f32 $1.442695020e+00, v37;
	v19 =	vld [tilespmem:s25+$0x840];
	(erf) = vpow2.f32 v3;
	v8 =	vpop (erf)  }
0x221: {  	v60 =	vld [tilespmem:s25+$0xC00];
	v3 =	vmul.f32 $1.442695020e+00, v33;
	v7 =	vpop (erf);
	(erf) = vpow2.f32 v2  }
0x222: {  	v2 =	vmul.f32 $1.442695020e+00, v56;
	v6 =	vpop (erf);
	(erf) = vpow2.f32 v4  }
0x223: {  	v4 =	vmul.f32 $1.442695020e+00, v63;
	v0 =	vpop (erf);
	(erf) = vpow2.f32 v1  }
0x224: {  	[tilespmem:$0x1F6E0] =	vst v26;
	v26 =	vmul.f32 $1.442695020e+00, v26;
	v1 =	vadd.f32 $0.0e+00, v0;
	v0 =	vpop (erf);
	(erf) = vpow2.f32 v2  }
0x225: {  	v5 =	vmul.f32 $1.442695020e+00, v19;
	v2 =	vadd.f32 $0.0e+00, v0;
	v0 =	vpop (erf);
	(erf) = vpow2.f32 v3  }
0x226: {  	v17 =	vmul.f32 $1.442695020e+00, v60;
	v1 =	vadd.f32 v6, v1;
	v3 =	vpop (erf);
	(erf) = vpow2.f32 v4  }
0x227: {  	v0 =	vadd.f32 $0.0e+00, v0;
	v3 =	vadd.f32 $0.0e+00, v3;
	v4 =	vpop (erf);
	(erf) = vpow2.f32 v5  }
0x228: {  	v43 =	vld [tilespmem:s25+$0x1050];
	v2 =	vadd.f32 v7, v2;
	v1 =	vadd.f32 v8, v1;
	v8 =	vpop (erf);
	(erf) = vpow2.f32 v20  }
0x229: {  	v0 =	vadd.f32 v4, v0;
	v3 =	vadd.f32 v8, v3;
	v8 =	vpop (erf);
	(erf) = vpow2.f32 v17  }
0x22a: {  	v2 =	vadd.f32 v9, v2;
	v9 =	vpop (erf);
	(erf) = vpow2.f32 v26  }
0x22b: {  	v0 =	vadd.f32 v8, v0;
	v1 =	vadd.f32 v10, v1;
	v10 =	vpop (erf);
	(erf) = vpow2.f32 v23  }
0x22c: {  	v3 =	vadd.f32 v9, v3;
	v2 =	vadd.f32 v11, v2;
	v11 =	vpop (erf);
	(erf) = vpow2.f32 v38;
	v38 =	vld [tilespmem:$0x1F5A0]  }
0x22d: {  	[tilespmem:$0x1F760] =	vst v43;
	v43 =	vmul.f32 $1.442695020e+00, v43;
	v0 =	vadd.f32 v10, v0;
	v10 =	vld [tilespmem:$0x1F5F0]  }
0x22e: {  	v1 =	vadd.f32 v12, v1;
	v3 =	vadd.f32 v11, v3;
	v12 =	vpop (erf);
	(erf) = vpow2.f32 v35;
	v11 =	vld [tilespmem:$0x1F600]  }
0x22f: {  	v2 =	vadd.f32 v13, v2;
	v13 =	vpop (erf);
	(erf) = vpow2.f32 v43;
	v43 =	vld [tilespmem:$0x1F5C0]  }
0x230: {  	v0 =	vadd.f32 v12, v0;
	v1 =	vadd.f32 v14, v1;
	v14 =	vpop (erf);
	(erf) = vpow2.f32 v41;
	v41 =	vld [tilespmem:$0x1F5B0]  }
0x231: {  	v3 =	vadd.f32 v13, v3;
	v2 =	vadd.f32 v16, v2;
	v13 =	vld [tilespmem:$0x1F610];
	v16 =	vpop (erf);
	(erf) = vpow2.f32 v47  }
0x232: {  	s31 =	sand.u32 $0x10, s23;
	v0 =	vadd.f32 v14, v0;
	v17 =	vpop (erf);
	(erf) = vpow2.f32 v45;
	v45 =	vld [tilespmem:$0x1F5D0]  }
0x233: {  	s24 =	sor.u32 $0x1C50, s24;
	v1 =	vadd.f32 v18, v1;
	v3 =	vadd.f32 v16, v3;
	v16 =	vld [tilespmem:s31+$0x10000]  }
0x234: {  	v2 =	vadd.f32 v21, v2;
	v0 =	vadd.f32 v17, v0;
	v26 =	vpop (erf);
	(erf) = vpow2.f32 v49;
	v49 =	vld [tilespmem:s24+$0x0]  }
0x235: {  	v1 =	vadd.f32 v22, v1;
	s24 =	sand.u32 $0xF, s23;
	v17 =	vld [tilespmem:$0x1F620];
	v3 =	vadd.f32 v26, v3  }
0x236: {  	v2 =	vadd.f32 v29, v2;
	v35 =	vpop (erf);
	(erf) = vpow2.f32 v57;
	v57 =	vld [tilespmem:$0x1F5E0];
	v20 =	vmov s24  }
0x237: {  	v29 =	vld [tilespmem:$0x1F630];
	v0 =	vadd.f32 v35, v0;
	v1 =	vadd.f32 v36, v1;
	v36 =	vpop (erf);
	(erf) = vpow2.f32 v38  }
0x238: {  	v35 =	vld [tilespmem:$0x1F640];
	v3 =	vadd.f32 v36, v3;
	v2 =	vadd.f32 v39, v2;
	v39 =	vpop (erf);
	(erf) = vpow2.f32 v41  }
0x239: {  	v38 =	vld [tilespmem:$0x1F650];
	v0 =	vadd.f32 v39, v0;
	v1 =	vadd.f32 v42, v1;
	v42 =	vpop (erf);
	(erf) = vpow2.f32 v43  }
0x23a: {  	v43 =	vld [tilespmem:$0x1F660];
	v7 =	vperm.xlane v16, v20;
	v3 =	vadd.f32 v42, v3;
	v2 =	vadd.f32 v44, v2;
	v44 =	vpop (erf)  }
0x23b: {  	v16 =	vld [tilespmem:$0x1FBF0];
	(erf) = vpow2.f32 v45;
	v1 =	vadd.f32 v46, v1;
	v46 =	vmul.f32 $1.442695020e+00, v49;
	v47 =	vpop (erf)  }
0x23c: {  	v45 =	vld [tilespmem:$0x1F670];
	v2 =	vadd.f32 v51, v2;
	v51 =	vpop (erf);
	(erf) = vpow2.f32 v57  }
0x23d: {  	v0 =	vadd.f32 v44, v0;
	v3 =	vadd.f32 v47, v3;
	v8 =	vpop (erf);
	(erf) = vpow2.f32 v46;
	v46 =	vld [tilespmem:$0x1F680]  }
0x23e: {  	v1 =	vadd.f32 v54, v1;
	v54 =	vadd.f32 $0.0e+00, v24;
	v24 =	vld [tilespmem:$0x1FC10]  }
0x23f: {  	v0 =	vadd.f32 v51, v0;
	v3 =	vadd.f32 v8, v3;
	v9 =	vpop (erf);
	(erf) = vpow2.f32 v10;
	v10 =	vld [tilespmem:$0x1FF60]  }
0x240: {  	v2 =	vadd.f32 v61, v2;
	v61 =	vadd.f32 $0.0e+00, v25;
	v25 =	vld [tilespmem:$0x1FC20]  }
0x241: {  	v0 =	vadd.f32 v9, v0;
	v12 =	vpop (erf);
	v9 =	vld [tilespmem:$0x1FFF0]  }
0x242: {  	v3 =	vadd.f32 v12, v3;
	v12 =	vld [tilespmem:$0x1FC00]  }
0x243: {  	v1 =	vadd.f32 v11, v1;
	v11 =	vlaneseq.u32;
	v2 =	vadd.f32 v13, v2;
	v13 =	vld [tilespmem:$0x1FC30]  }
0x244: {  	v14 =	vpop (erf);
	vm3 =	veq.s32 v7, v11;
	v11 =	vld [tilespmem:$0x1FE60]  }
0x245: {  	v0 =	vadd.f32 v14, v0;
	v14 =	vnsel vm3, $0x0, v61;
	vm3 =	veq.s32 v7, v16;
	v16 =	vld [tilespmem:$0x1FD10]  }
0x246: {  	v26 =	vpop (erf);
	v2 =	vadd.f32 v29, v2;
	vm12 =	veq.s32 v7, v24;
	v29 =	vld [tilespmem:$0x1FC40]  }
0x247: {  	v3 =	vadd.f32 v26, v3;
	v26 =	vnsel vm12, $0x0, v34;
	v34 =	vld [tilespmem:$0x1FC50]  }
0x248: {  	v4 =	vperm.xlane v35, v10;
	v35 =	vld [tilespmem:$0x1FC60]  }
0x249: {  	v1 =	vadd.f32 v17, v1;
	v5 =	vnsel vm3, $0x0, v54;
	v44 =	vadd.f32 v43, v2;
	v43 =	vld [tilespmem:$0x1FC90]  }
0x24a: {  	v5 =	vadd.f32 v26, v5;
	v26 =	vld [tilespmem:$0x1FD30]  }
0x24b: {  	v39 =	vadd.f32 v38, v1;
	v41 =	vperm.xlane v49, v10;
	vm4 =	veq.s32 v7, v12;
	v12 =	vld [tilespmem:$0x1FCF0]  }
0x24c: {  	v36 =	vpop (erf);
	v47 =	vperm.xlane v46, v10;
	v2 =	vsel vm0, $0x0, v4;
	vm5 =	veq.s32 v7, v13;
	v13 =	vld [tilespmem:$0x1FD00]  }
0x24d: {  	v0 =	vadd.f32 v36, v0;
	v42 =	vpop (erf);
	v51 =	vadd.f32 v2, v39;
	v39 =	vld [tilespmem:$0x1FC70]  }
0x24e: {  	v3 =	vadd.f32 v42, v3;
	v2 =	vsel vm0, v41, v47;
	v17 =	vnsel vm4, $0x0, v31;
	v47 =	vld [tilespmem:$0x1FCB0]  }
0x24f: {  	v0 =	vadd.f32 v45, v0;
	v1 =	vpop (erf);
	v30 =	vnsel vm5, $0x0, v30;
	v4 =	vadd.f32 v17, v14;
	v17 =	vld [tilespmem:$0x1FD20]  }
0x250: {  	v3 =	vadd.f32 v1, v3;
	v1 =	vpop (erf);
	v5 =	vadd.f32 v30, v5;
	v30 =	vld [tilespmem:$0x1FD50]  }
0x251: {  	v1 =	vadd.f32 v1, v0;
	v0 =	vadd.f32 v51, v44;
	v44 =	vld [tilespmem:$0x1FCA0]  }
0x252: {  	v57 =	vpop (erf);
	v51 =	vld [tilespmem:$0x1FCC0]  }
0x253: {  	vm3 =	veq.s32 v7, v29;
	v3 =	vadd.f32 v57, v3;
	v57 =	vld [tilespmem:$0x1FCD0]  }
0x254: {  	v31 =	vnsel vm3, $0x0, v62;
	vm3 =	veq.s32 v7, v34;
	v34 =	vld [tilespmem:$0x1FD70]  }
0x255: {  	vm6 =	veq.s32 v7, v25;
	vm13 =	veq.s32 v7, v35;
	v35 =	vld [tilespmem:$0x1FD80]  }
0x256: {  	v27 =	vnsel vm6, $0x0, v27;
	v36 =	vnsel vm3, $0x0, v40;
	v40 =	vld [tilespmem:$0x1FC80]  }
0x257: {  	v4 =	vadd.f32 v27, v4;
	v27 =	vld [tilespmem:$0x1FD40]  }
0x258: {  	v5 =	vadd.f32 v36, v5;
	v36 =	vld [tilespmem:$0x1F6A0]  }
0x259: {  	vm10 =	veq.s32 v7, v13;
	v13 =	vld [tilespmem:$0x1F790]  }
0x25a: {  	v4 =	vadd.f32 v31, v4;
	v31 =	vld [tilespmem:$0x1FD60]  }
0x25b: {  	vm3 =	veq.s32 v7, v39;
	v39 =	vld [tilespmem:$0x1FDA0]  }
0x25c: {  	v41 =	vnsel vm3, $0x0, v32;
	v32 =	vld [tilespmem:$0x1F690]  }
0x25d: {  	vm3 =	veq.s32 v7, v43;
	v43 =	vld [tilespmem:$0x1FDC0]  }
0x25e: {  	v38 =	vnsel vm13, $0x0, v28;
	vm11 =	veq.s32 v7, v17;
	v17 =	vld [tilespmem:$0x1F7B0]  }
0x25f: {  	v4 =	vadd.f32 v38, v4;
	v38 =	vld [tilespmem:$0x1FD90]  }
0x260: {  	v5 =	vadd.f32 v41, v5;
	v41 =	vld [tilespmem:$0x1F6D0]  }
0x261: {  	vm15 =	veq.s32 v7, v44;
	v44 =	vld [tilespmem:$0x1F6E0]  }
0x262: {  	v45 =	vnsel vm3, $0x0, v55;
	vm3 =	veq.s32 v7, v47;
	v47 =	vld [tilespmem:$0x1FDE0]  }
0x263: {  	vm8 =	veq.s32 v7, v51;
	v51 =	vld [tilespmem:$0x1FDF0]  }
0x264: {  	v54 =	vnsel vm3, $0x0, v37;
	v37 =	vld [tilespmem:$0x1F6B0]  }
0x265: {  	vm14 =	veq.s32 v7, v40;
	v40 =	vld [tilespmem:$0x1F6C0]  }
0x266: {  	v46 =	vnsel vm15, $0x0, v15;
	v15 =	vnsel vm10, $0x0, v50;
	v50 =	vld [tilespmem:$0x1F710]  }
0x267: {  	v55 =	vnsel vm8, $0x0, v52;
	v52 =	vld [tilespmem:$0x1FE00]  }
0x268: {  	vm3 =	veq.s32 v7, v57;
	v57 =	vld [tilespmem:$0x1F740]  }
0x269: {  	vm12 =	veq.s32 v7, v27;
	v27 =	vld [tilespmem:$0x1F7D0]  }
0x26a: {  	v42 =	vnsel vm14, $0x0, v58;
	v58 =	vld [tilespmem:$0x1FCE0]  }
0x26b: {  	v5 =	vadd.f32 v45, v5;
	v45 =	vld [tilespmem:$0x1F6F0]  }
0x26c: {  	v61 =	vnsel vm3, $0x0, v48;
	v48 =	vld [tilespmem:$0x1F700]  }
0x26d: {  	v29 =	vnsel vm12, $0x0, v59;
	v59 =	vld [tilespmem:$0x1FE30]  }
0x26e: {  	vm3 =	veq.s32 v7, v12;
	v12 =	vld [tilespmem:$0x1F780]  }
0x26f: {  	vm14 =	veq.s32 v7, v35;
	v35 =	vld [tilespmem:$0x1F810]  }
0x270: {  	v4 =	vadd.f32 v42, v4;
	v42 =	vld [tilespmem:$0x1FDB0]  }
0x271: {  	v14 =	vnsel vm3, $0x0, v56;
	v56 =	vld [tilespmem:$0x1FE20]  }
0x272: {  	vm3 =	veq.s32 v7, v16;
	v16 =	vld [tilespmem:$0x1F7A0]  }
0x273: {  	vm13 =	veq.s32 v7, v31;
	v31 =	vld [tilespmem:$0x1F7F0]  }
0x274: {  	vm15 =	veq.s32 v7, v39;
	v39 =	vld [tilespmem:$0x1F830]  }
0x275: {  	v24 =	vnsel vm3, $0x0, v53;
	v53 =	vld [tilespmem:$0x1F720]  }
0x276: {  	v5 =	vadd.f32 v54, v5;
	v54 =	vld [tilespmem:$0x1F730];
	v4 =	vadd.f32 v46, v4  }
0x277: {  	vm3 =	veq.s32 v7, v26;
	v26 =	vld [tilespmem:$0x1F7C0]  }
0x278: {  	vm8 =	veq.s32 v7, v43;
	v43 =	vld [tilespmem:$0x1F850];
	v4 =	vadd.f32 v55, v4;
	vm9 =	veq.s32 v7, v58  }
0x279: {  	v46 =	vld [tilespmem:$0x1FDD0];
	v62 =	vnsel vm9, $0x0, v33  }
0x27a: {  	v28 =	vnsel vm3, $0x0, v63;
	v63 =	vld [tilespmem:$0x1FE50];
	v5 =	vadd.f32 v61, v5;
	v4 =	vadd.f32 v62, v4  }
0x27b: {  	vm3 =	veq.s32 v7, v30;
	v30 =	vld [tilespmem:$0x1F7E0]  }
0x27c: {  	v61 =	vld [tilespmem:$0x1F760];
	v5 =	vadd.f32 v14, v5;
	v4 =	vadd.f32 v15, v4  }
0x27d: {  	v25 =	vnsel vm11, $0x0, v19;
	v6 =	vnsel vm3, $0x0, v32;
	v32 =	vld [tilespmem:$0x1FED0]  }
0x27e: {  	vm3 =	veq.s32 v7, v34;
	v34 =	vld [tilespmem:$0x1F800];
	v5 =	vadd.f32 v24, v5;
	v4 =	vadd.f32 v25, v4  }
0x27f: {  	v8 =	vnsel vm14, $0x0, v37;
	v37 =	vld [tilespmem:$0x1FF00]  }
0x280: {  	vm10 =	veq.s32 v7, v52;
	v52 =	vld [tilespmem:$0x1F890];
	v5 =	vadd.f32 v28, v5;
	v4 =	vadd.f32 v29, v4  }
0x281: {  	v55 =	vld [tilespmem:$0x1FE10];
	v33 =	vnsel vm13, $0x0, v60  }
0x282: {  	v58 =	vld [tilespmem:$0x1F750];
	v5 =	vadd.f32 v6, v5;
	v4 =	vadd.f32 v33, v4  }
0x283: {  	vm9 =	veq.s32 v7, v47;
	v60 =	vld [tilespmem:$0x1FE40];
	v6 =	vnsel vm3, $0x0, v36  }
0x284: {  	v14 =	vld [tilespmem:$0x1FE70];
	vm3 =	veq.s32 v7, v38;
	v5 =	vadd.f32 v6, v5;
	v4 =	vadd.f32 v8, v4  }
0x285: {  	vm11 =	veq.s32 v7, v56;
	v47 =	vld [tilespmem:$0x1F870];
	v6 =	vnsel vm3, $0x0, v40;
	v8 =	vnsel vm15, $0x0, v41  }
0x286: {  	v56 =	vld [tilespmem:$0x1F8B0];
	vm3 =	veq.s32 v7, v42;
	v5 =	vadd.f32 v6, v5;
	v4 =	vadd.f32 v8, v4  }
0x287: {  	v62 =	vld [tilespmem:$0x1F770];
	v6 =	vnsel vm3, $0x0, v44;
	v8 =	vnsel vm8, $0x0, v45  }
0x288: {  	v24 =	vld [tilespmem:$0x1FE90];
	vm3 =	veq.s32 v7, v46;
	v5 =	vadd.f32 v6, v5;
	v4 =	vadd.f32 v8, v4  }
0x289: {  	v15 =	vld [tilespmem:$0x1FE80];
	v6 =	vnsel vm3, $0x0, v48;
	v8 =	vnsel vm9, $0x0, v50  }
0x28a: {  	v28 =	vld [tilespmem:$0x1FEB0];
	vm3 =	veq.s32 v7, v51;
	v5 =	vadd.f32 v6, v5;
	v4 =	vadd.f32 v8, v4  }
0x28b: {  	vm12 =	veq.s32 v7, v60;
	v25 =	vld [tilespmem:$0x1FEA0];
	v6 =	vnsel vm3, $0x0, v53;
	v8 =	vnsel vm10, $0x0, v54  }
0x28c: {  	v60 =	vld [tilespmem:$0x1F8D0];
	vm3 =	veq.s32 v7, v55;
	v5 =	vadd.f32 v6, v5;
	v4 =	vadd.f32 v8, v4  }
0x28d: {  	vm2 =	veq.s32 v7, v9;
	v36 =	vld [tilespmem:$0x1FEF0];
	v6 =	vnsel vm3, $0x0, v57;
	v8 =	vnsel vm11, $0x0, v58  }
0x28e: {  	v38 =	vld [tilespmem:$0x1F820];
	vm3 =	veq.s32 v7, v59;
	v5 =	vadd.f32 v6, v5;
	v4 =	vadd.f32 v8, v4  }
0x28f: {  	vm13 =	veq.s32 v7, v11;
	v29 =	vld [tilespmem:$0x1FEC0];
	v6 =	vnsel vm3, $0x0, v61;
	v8 =	vnsel vm12, $0x0, v62  }
0x290: {  	v40 =	vld [tilespmem:$0x1FF10];
	vm3 =	veq.s32 v7, v63;
	v5 =	vadd.f32 v6, v5;
	v4 =	vadd.f32 v8, v4  }
0x291: {  	vm14 =	veq.s32 v7, v15;
	v42 =	vld [tilespmem:$0x1F840];
	v6 =	vnsel vm3, $0x0, v12;
	v8 =	vnsel vm13, $0x0, v13  }
0x292: {  	v33 =	vld [tilespmem:$0x1FEE0];
	vm3 =	veq.s32 v7, v14;
	v5 =	vadd.f32 v6, v5;
	v4 =	vadd.f32 v8, v4  }
0x293: {  	v44 =	vld [tilespmem:$0x1FF30];
	vm15 =	veq.s32 v7, v25;
	v6 =	vnsel vm3, $0x0, v16;
	v8 =	vnsel vm14, $0x0, v17  }
0x294: {  	v46 =	vld [tilespmem:$0x1F860];
	vm3 =	veq.s32 v7, v24;
	v5 =	vadd.f32 v6, v5;
	v4 =	vadd.f32 v8, v4  }
0x295: {  	v41 =	vld [tilespmem:$0x1FF20];
	vm8 =	veq.s32 v7, v29;
	v6 =	vnsel vm3, $0x0, v26;
	v8 =	vnsel vm15, $0x0, v27  }
0x296: {  	v48 =	vld [tilespmem:$0x1FF50];
	vm3 =	veq.s32 v7, v28;
	v5 =	vadd.f32 v6, v5;
	v4 =	vadd.f32 v8, v4  }
0x297: {  	v51 =	vld [tilespmem:$0x1F880];
	vm9 =	veq.s32 v7, v33;
	v6 =	vnsel vm3, $0x0, v30;
	v8 =	vnsel vm8, $0x0, v31  }
0x298: {  	v45 =	vld [tilespmem:$0x1FF40];
	vm3 =	veq.s32 v7, v32;
	v5 =	vadd.f32 v6, v5;
	v4 =	vadd.f32 v8, v4  }
0x299: {  	v53 =	vld [tilespmem:$0x1FF80];
	vm10 =	veq.s32 v7, v37;
	v6 =	vnsel vm3, $0x0, v34;
	v8 =	vnsel vm9, $0x0, v35  }
0x29a: {  	v50 =	vld [tilespmem:$0x1FF70];
	vm3 =	veq.s32 v7, v36;
	v5 =	vadd.f32 v6, v5;
	v4 =	vadd.f32 v8, v4  }
0x29b: {  	v55 =	vld [tilespmem:$0x1F8A0];
	vm11 =	veq.s32 v7, v41;
	v6 =	vnsel vm3, $0x0, v38;
	v8 =	vnsel vm10, $0x0, v39  }
0x29c: {  	v54 =	vld [tilespmem:$0x1FF90];
	vm3 =	veq.s32 v7, v40;
	v5 =	vadd.f32 v6, v5;
	v4 =	vadd.f32 v8, v4  }
0x29d: {  	v57 =	vld [tilespmem:$0x1FFA0];
	vm12 =	veq.s32 v7, v45;
	v6 =	vnsel vm3, $0x0, v42;
	v8 =	vnsel vm11, $0x0, v43  }
0x29e: {  	v58 =	vld [tilespmem:$0x1FFE0];
	vm3 =	veq.s32 v7, v44;
	v5 =	vadd.f32 v6, v5;
	v4 =	vadd.f32 v8, v4  }
0x29f: {  	v59 =	vld [tilespmem:$0x1F8C0];
	vm13 =	veq.s32 v7, v50;
	v6 =	vnsel vm3, $0x0, v46;
	v8 =	vnsel vm12, $0x0, v47  }
0x2a0: {  	v61 =	vld [tilespmem:$0x1FBE0];
	vm3 =	veq.s32 v7, v48;
	v5 =	vadd.f32 v6, v5;
	v4 =	vadd.f32 v8, v4  }
0x2a1: {  	vm14 =	veq.s32 v7, v54;
	v6 =	vnsel vm3, $0x0, v51;
	v8 =	vnsel vm13, $0x0, v52  }
0x2a2: {  	vm3 =	veq.s32 v7, v53;
	v5 =	vadd.f32 v6, v5;
	v4 =	vadd.f32 v8, v4  }
0x2a3: {  	vm15 =	veq.s32 v7, v58;
	v6 =	vnsel vm3, $0x0, v55;
	v8 =	vnsel vm14, $0x0, v56  }
0x2a4: {  	vm3 =	veq.s32 v7, v57;
	v5 =	vadd.f32 v6, v5;
	v4 =	vadd.f32 v8, v4  }
0x2a5: {  	v6 =	vnsel vm3, $0x0, v59;
	vm3 =	veq.s32 v7, v61;
	v8 =	vnsel vm15, $0x0, v60  }
0x2a6: {  	vm3 =	vmand vm3, vm1;
	v5 =	vadd.f32 v6, v5;
	v4 =	vadd.f32 v8, v4  }
0x2a7: {  	v1 =	vadd.f32 v1, v3;
	v62 =	vnsel vm2, $0x0, v49;
	v2 =	vnsel vm3, $0x0, v2  }
0x2a8: {  	v3 =	vadd.f32 v62, v5;
	v2 =	vadd.f32 v2, v4;
	_ =	sdelay $0x1  }
0x2a9: {  	v0 =	vadd.f32 v0, v1;
	v1 =	vadd.f32 v2, v3;
	_ =	sdelay $0x1  }
0x2aa: {  	v3 =	vperm.xlane v1, v10;
	_ =	sdelay $0x1  }
0x2ab: {  	v1 =	vadd.f32 v1, v3;
	v3 =	vld [tilespmem:$0x1FFB0]  }
0x2ac: {  	v2 =	vperm.xlane v0, v10;
	_ =	sdelay $0x1  }
0x2ad: {  	v0 =	vadd.f32 v0, v2;
	_ =	sdelay $0x1  }
0x2ae: {  	v2 =	vperm.xlane v0, v3;
	v3 =	vperm.xlane v1, v3;
	_ =	sdelay $0x1  }
0x2af: {  	v1 =	vadd.f32 v3, v1;
	v3 =	vld [tilespmem:$0x1FFC0];
	_ =	sdelay $0x2  }
0x2b0: {  	v0 =	vadd.f32 v0, v2;
	_ =	sdelay $0x1  }
0x2b1: {  	v2 =	vperm.xlane v0, v3;
	_ =	sdelay $0x1  }
0x2b2: {  	v63 =	vadd.f32 v0, v2;
	v2 =	vld [tilespmem:$0x1FFD0]  }
0x2b3: {  	s23 =	sadd.s32 $0x1, s23  }
0x2b4: {  	p0 =	sne.s32 s23, $0x20  }
.Ltmp0:
0x2b5: {  	v3 =	vperm.xlane v1, v3;
	(pc) =	sbr.rel @p0 .LBB2_2-.Ltmp0, $3  }
0x2b6: {  	_ = 	snop  }
0x2b7: {  	v0 =	vadd.f32 v3, v1;
	v1 =	vperm.xlane v63, v2;
	_ =	sdelay $0x1  }
0x2b8: {  	s22 =	sadd.s32 $0x1, s22;
	v2 =	vperm.xlane v0, v2;
	v1 =	vadd.f32 v63, v1  }
0x2b9: {  	_ = 	snop  }
0x2ba: {  	v0 =	vadd.f32 v2, v0;
	v2 =	vlaneseq.u32  }
0x2bb: {  	vm2 =	veq.s32 v20, v2;
	v2 =	vld [tilespmem:$0x1FA30];
	_ =	sdelay $0x4  }
0x2bc: {  	v1 =	vsel vm2, v1, v2;
	v2 =	vld [tilespmem:$0x1FA40];
	_ =	sdelay $0x3  }
0x2bd: {  	s19 =	sadd.s32 $0x1, s19;
	p0 =	sne.s32 s24, $0xF  }
0x2be: {  	s29 =	simm.s32 $0x0;
	[tilespmem:s19+$0x0] =	vst @!p0 v1;
	s19 =	sadd.s32 $0x1, s18;
	v0 =	vsel vm2, v0, v2  }
0x2bf: {  	s30 =	sand.u32 $0x7, s29;
	[tilespmem:s19+$0x0] =	vst @!p0 v0  }
0x2c0: {  	s19 =	sshll.u32 s30, $0x7;
	_ =	swait.ge [sflag:s13], $0x8000  }
0x2c1: {  	s19 =	sadd.s32 $0x0, s19;
	[sflag:s13] =	ssyncset.done $0x0  }
0x2c2: {  	s20 =	sor.u32 $0x1C30, s19;
	[sflag:s13] =	ssyncadd.s32 $0xFFFF8000  }
0x2c3: {  	s31 =	sor.u32 $0x1C10, s19;
	v0 =	vld [tilespmem:s20+$0x8000]  }
0x2c4: {  	s21 =	sand.u32 $0x6000, s29;
	s22 =	sand.u32 $0x380, s29;
	s23 =	sor.u32 $0x1C20, s19;
	v1 =	vld [tilespmem:s31+$0x8000]  }
0x2c5: {  	s22 =	sor.u32 s22, s21;
	v2 =	vld [tilespmem:s23+$0x8000]  }
0x2c6: {  	s24 =	sor.u32 $0x1C60, s19;
	v4 =	vld [tilespmem:s22+$0x9870]  }
0x2c7: {  	v26 =	vld.msk [tilespmem:s24+$0x8000], $0xff  }
0x2c8: {  	v3 =	vld [tilespmem:s22+$0x9860];
	[tilespmem:$0x1F3E0] =	vst v0;
	v0 =	vmul.f32 $1.442695020e+00, v0  }
0x2c9: {  	v5 =	vld [tilespmem:s22+$0x9830];
	[tilespmem:$0x1F3C0] =	vst v1;
	v1 =	vmul.f32 $1.442695020e+00, v1  }
0x2ca: {  	v6 =	vld [tilespmem:s22+$0x9820];
	[tilespmem:$0x1F3D0] =	vst v2;
	v2 =	vmul.f32 $1.442695020e+00, v2;
	(erf) = vpow2.f32 v0  }
0x2cb: {  	v7 =	vld [tilespmem:s22+$0x9470];
	v0 =	vmul.f32 $1.442695020e+00, v4;
	(erf) = vpow2.f32 v1  }
0x2cc: {  	v52 =	vld [tilespmem:s22+$0x9460];
	v1 =	vmul.f32 $1.442695020e+00, v26;
	(erf) = vpow2.f32 v2  }
0x2cd: {  	v8 =	vld [tilespmem:s22+$0x9430];
	(erf) = vpow2.f32 v0;
	v0 =	vmul.f32 $1.442695020e+00, v3  }
0x2ce: {  	[tilespmem:$0x1F3A0] =	vst v3;
	v2 =	vmul.f32 $1.442695020e+00, v5;
	v3 =	vld [tilespmem:s22+$0x9420];
	(erf) = vpow2.f32 v1  }
0x2cf: {  	v53 =	vld [tilespmem:s22+$0x9070];
	(erf) = vpow2.f32 v0;
	v0 =	vmul.f32 $1.442695020e+00, v6  }
0x2d0: {  	v1 =	vmul.f32 $1.442695020e+00, v7;
	(erf) = vpow2.f32 v2;
	v2 =	vld [tilespmem:s22+$0x9060]  }
0x2d1: {  	v54 =	vld [tilespmem:s22+$0x9030];
	(erf) = vpow2.f32 v0;
	v0 =	vmul.f32 $1.442695020e+00, v52  }
0x2d2: {  	v55 =	vld [tilespmem:s22+$0x9020];
	(erf) = vpow2.f32 v1;
	v1 =	vmul.f32 $1.442695020e+00, v8  }
0x2d3: {  	v40 =	vld [tilespmem:s22+$0x8C70];
	v56 =	vpop (erf);
	(erf) = vpow2.f32 v0;
	v0 =	vmul.f32 $1.442695020e+00, v3  }
0x2d4: {  	v35 =	vld [tilespmem:s22+$0x8C60];
	[tilespmem:$0x1F340] =	vst v3;
	v3 =	vpop (erf);
	(erf) = vpow2.f32 v1;
	v1 =	vmul.f32 $1.442695020e+00, v53  }
0x2d5: {  	v31 =	vld [tilespmem:s22+$0x8C30];
	[tilespmem:$0x1F2F0] =	vst v3;
	v3 =	vpop (erf);
	(erf) = vpow2.f32 v0;
	v0 =	vmul.f32 $1.442695020e+00, v2  }
0x2d6: {  	v29 =	vld [tilespmem:s22+$0x8C20];
	[tilespmem:$0x1F320] =	vst v2;
	v2 =	vpop (erf);
	(erf) = vpow2.f32 v1;
	v1 =	vmul.f32 $1.442695020e+00, v54  }
0x2d7: {  	v22 =	vld [tilespmem:s22+$0x8870];
	[tilespmem:$0x1F2B0] =	vst v2;
	v2 =	vpop (erf);
	(erf) = vpow2.f32 v0;
	v0 =	vmul.f32 $1.442695020e+00, v55  }
0x2d8: {  	v23 =	vld [tilespmem:s22+$0x8860];
	v11 =	vpop (erf);
	(erf) = vpow2.f32 v1;
	v1 =	vmul.f32 $1.442695020e+00, v40  }
0x2d9: {  	v24 =	vld [tilespmem:s22+$0x8830];
	v63 =	vpop (erf);
	(erf) = vpow2.f32 v0;
	v0 =	vmul.f32 $1.442695020e+00, v35  }
0x2da: {  	v25 =	vld [tilespmem:s22+$0x8820];
	[tilespmem:$0x1F3B0] =	vst v4;
	v21 =	vpop (erf);
	(erf) = vpow2.f32 v1;
	v1 =	vmul.f32 $1.442695020e+00, v31  }
0x2db: {  	v27 =	vld [tilespmem:s22+$0x8470];
	[tilespmem:$0x1F390] =	vst v5;
	v20 =	vpop (erf);
	(erf) = vpow2.f32 v0;
	v0 =	vmul.f32 $1.442695020e+00, v29  }
0x2dc: {  	v28 =	vld [tilespmem:s22+$0x8460];
	[tilespmem:$0x1F380] =	vst v6;
	v19 =	vpop (erf);
	(erf) = vpow2.f32 v1;
	v1 =	vmul.f32 $1.442695020e+00, v22  }
0x2dd: {  	v15 =	vld [tilespmem:s22+$0x8430];
	[tilespmem:$0x1F370] =	vst v7;
	v18 =	vpop (erf);
	(erf) = vpow2.f32 v0;
	v0 =	vmul.f32 $1.442695020e+00, v23  }
0x2de: {  	v14 =	vld [tilespmem:s22+$0x8420];
	[tilespmem:$0x1F360] =	vst v52;
	v17 =	vpop (erf);
	(erf) = vpow2.f32 v1;
	v1 =	vmul.f32 $1.442695020e+00, v24  }
0x2df: {  	v30 =	vld [tilespmem:s22+$0x8070];
	[tilespmem:$0x1F2C0] =	vst v2;
	v2 =	vmul.f32 $1.442695020e+00, v25;
	v16 =	vpop (erf);
	(erf) = vpow2.f32 v0  }
0x2e0: {  	v32 =	vld [tilespmem:s22+$0x8060];
	[tilespmem:$0x1F300] =	vst v55;
	v0 =	vmul.f32 $1.442695020e+00, v27;
	v55 =	vpop (erf);
	(erf) = vpow2.f32 v1  }
0x2e1: {  	v58 =	vld [tilespmem:s22+$0x8020];
	[tilespmem:$0x1F350] =	vst v8;
	v1 =	vmul.f32 $1.442695020e+00, v28;
	v12 =	vpop (erf);
	(erf) = vpow2.f32 v2  }
0x2e2: {  	v60 =	vld [tilespmem:s22+$0x8030];
	[tilespmem:$0x1F2D0] =	vst v3;
	v3 =	vmul.f32 $1.442695020e+00, v15;
	v36 =	vpop (erf);
	(erf) = vpow2.f32 v0  }
0x2e3: {  	[tilespmem:$0x1F330] =	vst v53;
	v57 =	vmul.f32 $1.442695020e+00, v14;
	v46 =	vpop (erf);
	(erf) = vpow2.f32 v1  }
0x2e4: {  	v51 =	vld [tilespmem:s22+$0x8050];
	[tilespmem:$0x1F310] =	vst v54;
	v49 =	vpop (erf);
	(erf) = vpow2.f32 v3  }
0x2e5: {  	v8 =	vld [tilespmem:s22+$0x8010];
	[tilespmem:$0x1F2E0] =	vst v56;
	v1 =	vmul.f32 $1.442695020e+00, v30;
	v42 =	vpop (erf);
	(erf) = vpow2.f32 v57  }
0x2e6: {  	v59 =	vmul.f32 $1.442695020e+00, v58;
	v7 =	vld [tilespmem:s22+$0x8000];
	v3 =	vmul.f32 $1.442695020e+00, v32;
	v47 =	vpop (erf)  }
0x2e7: {  	v33 =	vmul.f32 $1.442695020e+00, v60;
	(erf) = vpow2.f32 v1;
	v9 =	vld [tilespmem:s22+$0x8040]  }
0x2e8: {  	v37 =	vpop (erf);
	v61 =	vld [tilespmem:s22+$0x8410];
	(erf) = vpow2.f32 v3  }
0x2e9: {  	v10 =	vld [tilespmem:s22+$0x8400];
	v56 =	vpop (erf);
	(erf) = vpow2.f32 v59  }
0x2ea: {  	v62 =	vmul.f32 $1.442695020e+00, v8;
	v6 =	vpop (erf)  }
0x2eb: {  	v34 =	vmul.f32 $1.442695020e+00, v7;
	(erf) = vpow2.f32 v33;
	v33 =	vpop (erf)  }
0x2ec: {  	v38 =	vmul.f32 $1.442695020e+00, v51;
	(erf) = vpow2.f32 v62;
	v43 =	vpop (erf)  }
0x2ed: {  	v54 =	vld [tilespmem:s22+$0x8450];
	(erf) = vpow2.f32 v34;
	v48 =	vpop (erf);
	v41 =	vmul.f32 $1.442695020e+00, v61  }
0x2ee: {  	v13 =	vld [tilespmem:s22+$0x8440];
	v5 =	vmul.f32 $1.442695020e+00, v9;
	v52 =	vmul.f32 $1.442695020e+00, v10;
	v50 =	vpop (erf)  }
0x2ef: {  	v45 =	vld [tilespmem:s22+$0x8810];
	(erf) = vpow2.f32 v38;
	v57 =	vpop (erf)  }
0x2f0: {  	v62 =	vld [tilespmem:s22+$0x8800];
	(erf) = vpow2.f32 v5;
	v3 =	vpop (erf)  }
0x2f1: {  	v44 =	vld [tilespmem:s22+$0x8850];
	(erf) = vpow2.f32 v41;
	v41 =	vpop (erf)  }
0x2f2: {  	v53 =	vmul.f32 $1.442695020e+00, v54;
	(erf) = vpow2.f32 v52;
	v52 =	vpop (erf)  }
0x2f3: {  	v5 =	vmul.f32 $1.442695020e+00, v13;
	v4 =	vadd.f32 $0.0e+00, v52  }
0x2f4: {  	v59 =	vld [tilespmem:s22+$0x8840];
	v38 =	vmul.f32 $1.442695020e+00, v45;
	(erf) = vpow2.f32 v53  }
0x2f5: {  	v39 =	vld [tilespmem:s22+$0x8C10];
	(erf) = vpow2.f32 v5;
	v5 =	vmul.f32 $1.442695020e+00, v62  }
0x2f6: {  	v53 =	vld [tilespmem:s22+$0x8C00];
	(erf) = vpow2.f32 v38;
	v38 =	vmul.f32 $1.442695020e+00, v44;
	v0 =	vpop (erf)  }
0x2f7: {  	(erf) = vpow2.f32 v5;
	v5 =	vadd.f32 v41, v4;
	v4 =	vpop (erf)  }
0x2f8: {  	v1 =	vadd.f32 $0.0e+00, v0;
	v41 =	vld [tilespmem:s22+$0x8C50];
	(erf) = vpow2.f32 v38;
	v38 =	vadd.f32 $0.0e+00, v4  }
0x2f9: {  	v2 =	vmul.f32 $1.442695020e+00, v59;
	v52 =	vld [tilespmem:s22+$0x8C40];
	v34 =	vpop (erf)  }
0x2fa: {  	v4 =	vadd.f32 v3, v1;
	v1 =	vmul.f32 $1.442695020e+00, v39;
	v3 =	vadd.f32 $0.0e+00, v34;
	v34 =	vld [tilespmem:s22+$0x9010]  }
0x2fb: {  	v0 =	vpop (erf);
	(erf) = vpow2.f32 v2;
	v2 =	vmul.f32 $1.442695020e+00, v53  }
0x2fc: {  	v5 =	vadd.f32 v57, v5;
	v57 =	vld [tilespmem:s22+$0x9000];
	v0 =	vadd.f32 v0, v38;
	(erf) = vpow2.f32 v1;
	v38 =	vpop (erf)  }
0x2fd: {  	(erf) = vpow2.f32 v2;
	v2 =	vmul.f32 $1.442695020e+00, v41;
	v1 =	vadd.f32 v38, v3;
	v38 =	vld [tilespmem:s22+$0x9050]  }
0x2fe: {  	v3 =	vadd.f32 v50, v4;
	v50 =	vpop (erf);
	v4 =	vadd.f32 v48, v5;
	v5 =	vmul.f32 $1.442695020e+00, v52  }
0x2ff: {  	v48 =	vld [tilespmem:s22+$0x9040];
	(erf) = vpow2.f32 v2;
	v0 =	vadd.f32 v50, v0;
	v50 =	vpop (erf);
	v2 =	vmul.f32 $1.442695020e+00, v34  }
0x300: {  	v1 =	vadd.f32 v50, v1;
	(erf) = vpow2.f32 v5  }
0x301: {  	v50 =	vpop (erf);
	v3 =	vadd.f32 v43, v3;
	v43 =	vld [tilespmem:s22+$0x9410];
	v4 =	vadd.f32 v33, v4;
	(erf) = vpow2.f32 v2  }
0x302: {  	v0 =	vadd.f32 v50, v0;
	v50 =	vld [tilespmem:s22+$0x9400];
	v2 =	vmul.f32 $1.442695020e+00, v57;
	v33 =	vpop (erf);
	v5 =	vmul.f32 $1.442695020e+00, v38  }
0x303: {  	v1 =	vadd.f32 v33, v1;
	v3 =	vadd.f32 v6, v3  }
0x304: {  	v33 =	vld [tilespmem:s22+$0x9450];
	v6 =	vpop (erf);
	v4 =	vadd.f32 v56, v4;
	(erf) = vpow2.f32 v2;
	v2 =	vmul.f32 $1.442695020e+00, v48  }
0x305: {  	v0 =	vadd.f32 v6, v0;
	v6 =	vpop (erf);
	v3 =	vadd.f32 v37, v3;
	(erf) = vpow2.f32 v5  }
0x306: {  	v56 =	vld [tilespmem:s22+$0x9440];
	v4 =	vadd.f32 v47, v4;
	(erf) = vpow2.f32 v2;
	v2 =	vmul.f32 $1.442695020e+00, v43;
	v5 =	vpop (erf)  }
0x307: {  	v37 =	vld [tilespmem:s22+$0x9810];
	v3 =	vadd.f32 v42, v3;
	v0 =	vadd.f32 v5, v0;
	v5 =	vmul.f32 $1.442695020e+00, v50  }
0x308: {  	v1 =	vadd.f32 v6, v1;
	v47 =	vld [tilespmem:s22+$0x9800];
	v4 =	vadd.f32 v49, v4  }
0x309: {  	v6 =	vpop (erf);
	(erf) = vpow2.f32 v2;
	v2 =	vmul.f32 $1.442695020e+00, v33;
	v3 =	vadd.f32 v46, v3  }
0x30a: {  	v42 =	vld [tilespmem:s22+$0x9850];
	v4 =	vadd.f32 v36, v4;
	v1 =	vadd.f32 v6, v1;
	v6 =	vpop (erf);
	(erf) = vpow2.f32 v5  }
0x30b: {  	s26 =	sor.u32 $0x1C50, s19;
	v49 =	vld [tilespmem:s22+$0x9840];
	v0 =	vadd.f32 v6, v0;
	(erf) = vpow2.f32 v2;
	v2 =	vmul.f32 $1.442695020e+00, v56;
	v5 =	vpop (erf)  }
0x30c: {  	s25 =	sor.u32 $0x1C00, s19;
	v36 =	vld [tilespmem:s26+$0x8000];
	v3 =	vadd.f32 v12, v3;
	v1 =	vadd.f32 v5, v1;
	v5 =	vmul.f32 $1.442695020e+00, v37;
	v46 =	vpop (erf)  }
0x30d: {  	s19 =	sor.u32 $0x1C40, s19;
	(erf) = vpow2.f32 v2;
	v2 =	vmul.f32 $1.442695020e+00, v47;
	v0 =	vadd.f32 v46, v0;
	v46 =	vld [tilespmem:s25+$0x8000];
	v6 =	vpop (erf)  }
0x30e: {  	v4 =	vadd.f32 v55, v4;
	v55 =	vld [tilespmem:s19+$0x8000];
	(erf) = vpow2.f32 v5;
	v1 =	vadd.f32 v6, v1;
	v12 =	vpop (erf)  }
0x30f: {  	(erf) = vpow2.f32 v2;
	v2 =	vmul.f32 $1.442695020e+00, v42;
	v0 =	vadd.f32 v12, v0;
	v12 =	vpop (erf)  }
0x310: {  	v5 =	vmul.f32 $1.442695020e+00, v49;
	v1 =	vadd.f32 v12, v1  }
0x311: {  	v12 =	vmul.f32 $1.442695020e+00, v36;
	(erf) = vpow2.f32 v2;
	v2 =	vadd.f32 v16, v3;
	v3 =	vpop (erf)  }
0x312: {  	v0 =	vadd.f32 v3, v0;
	v3 =	vmul.f32 $1.442695020e+00, v46  }
0x313: {  	v4 =	vadd.f32 v17, v4;
	v17 =	vmul.f32 $1.442695020e+00, v55;
	(erf) = vpow2.f32 v5;
	v16 =	vpop (erf)  }
0x314: {  	v1 =	vadd.f32 v16, v1;
	v16 =	vpop (erf);
	v2 =	vadd.f32 v18, v2;
	(erf) = vpow2.f32 v3  }
0x315: {  	v0 =	vadd.f32 v16, v0;
	v3 =	vadd.f32 v19, v4;
	(erf) = vpow2.f32 v12;
	v12 =	vpop (erf)  }
0x316: {  	v2 =	vadd.f32 v20, v2;
	v1 =	vadd.f32 v12, v1;
	v16 =	vpop (erf)  }
0x317: {  	(erf) = vpow2.f32 v17;
	v3 =	vadd.f32 v21, v3;
	v17 =	vpop (erf)  }
0x318: {  	v2 =	vadd.f32 v63, v2;
	v1 =	vadd.f32 v17, v1;
	v63 =	vpop (erf)  }
0x319: {  	v0 =	vadd.f32 v16, v0;
	v16 =	vld [tilespmem:$0x1F2C0];
	v3 =	vadd.f32 v11, v3;
	v11 =	vpop (erf)  }
0x31a: {  	v1 =	vadd.f32 v11, v1;
	v11 =	vld [tilespmem:$0x1FF60];
	_ =	sdelay $0x2  }
0x31b: {  	v12 =	vld [tilespmem:$0x1F2B0];
	_ =	sdelay $0x1  }
0x31c: {  	v4 =	vperm.xlane v16, v11;
	v16 =	vld [tilespmem:$0x1F2E0]  }
0x31d: {  	v0 =	vadd.f32 v63, v0;
	v63 =	vld [tilespmem:$0x1F2D0];
	_ =	sdelay $0x1  }
0x31e: {  	v2 =	vadd.f32 v12, v2  }
0x31f: {  	s28 =	simm.s32 $0x20  }
0x320: {  	s19 =	sand.u32 $0x7FFFFFF0, s28;
	v17 =	vpop (erf);
	v6 =	vadd.f32 v16, v2;
	v2 =	vsel vm0, $0x0, v4  }
0x321: {  	v5 =	vld [tilespmem:s19+$0x10000];
	v0 =	vadd.f32 v17, v0;
	v12 =	vpop (erf);
	v3 =	vadd.f32 v63, v3  }
0x322: {  	v17 =	vld [tilespmem:$0x1F2F0];
	v1 =	vadd.f32 v12, v1;
	v26 =	vperm.xlane v26, v11;
	v18 =	vperm.xlane v36, v11  }
0x323: {  	v63 =	vadd.f32 v2, v3;
	v2 =	vpop (erf)  }
0x324: {  	v19 =	vadd.f32 v2, v1;
	v2 =	vsel vm0, v18, v26;
	v26 =	vld [tilespmem:$0x1FC00]  }
0x325: {  	s18 =	sand.u32 $0xF, s29  }
0x326: {  	v4 =	vmov s18  }
0x327: {  	v0 =	vadd.f32 v17, v0;
	v12 =	vperm.xlane v5, v4  }
0x328: {  	v17 =	vld [tilespmem:$0x1FBF0];
	v16 =	vlaneseq.u32;
	v1 =	vadd.f32 v63, v6;
	v63 =	vadd.f32 $0.0e+00, v7  }
0x329: {  	vm2 =	veq.s32 v12, v16;
	vm3 =	veq.s32 v12, v26;
	v26 =	vld [tilespmem:$0x1FC10]  }
0x32a: {  	v5 =	vnsel vm2, $0x0, v63;
	v63 =	vnsel vm3, $0x0, v58;
	v58 =	vld [tilespmem:$0x1FC20]  }
0x32b: {  	v5 =	vadd.f32 v63, v5;
	v63 =	vld [tilespmem:$0x1FC30];
	_ =	sdelay $0x1  }
0x32c: {  	v6 =	vadd.f32 $0.0e+00, v8  }
0x32d: {  	vm2 =	veq.s32 v12, v17;
	vm3 =	veq.s32 v12, v26;
	v26 =	vld [tilespmem:$0x1FC40]  }
0x32e: {  	v6 =	vnsel vm2, $0x0, v6;
	vm4 =	veq.s32 v12, v58;
	v60 =	vnsel vm3, $0x0, v60  }
0x32f: {  	v6 =	vadd.f32 v60, v6;
	vm2 =	veq.s32 v12, v63;
	v17 =	vnsel vm4, $0x0, v9;
	v60 =	vld [tilespmem:$0x1FFF0]  }
0x330: {  	v5 =	vadd.f32 v17, v5;
	v58 =	vnsel vm2, $0x0, v51;
	v17 =	vld [tilespmem:$0x1FC50]  }
0x331: {  	v6 =	vadd.f32 v58, v6;
	v58 =	vld [tilespmem:$0x1FC70]  }
0x332: {  	vm3 =	veq.s32 v12, v26;
	v26 =	vld [tilespmem:$0x1FC60]  }
0x333: {  	v9 =	vld [tilespmem:$0x1FF90]  }
0x334: {  	vm2 =	veq.s32 v12, v60;
	v60 =	vld [tilespmem:$0x1FC80]  }
0x335: {  	v63 =	vnsel vm3, $0x0, v32;
	vm3 =	veq.s32 v12, v17;
	v17 =	vld [tilespmem:$0x1FC90]  }
0x336: {  	v32 =	vnsel vm3, $0x0, v30;
	vm3 =	veq.s32 v12, v58;
	v58 =	vld [tilespmem:$0x1FCC0]  }
0x337: {  	v5 =	vadd.f32 v63, v5;
	vm13 =	veq.s32 v12, v26;
	v26 =	vld [tilespmem:$0x1FCA0]  }
0x338: {  	v6 =	vadd.f32 v32, v6;
	v51 =	vnsel vm13, $0x0, v10;
	v10 =	vld [tilespmem:$0x1F3C0]  }
0x339: {  	v63 =	vnsel vm3, $0x0, v61;
	v5 =	vadd.f32 v51, v5;
	v51 =	vld [tilespmem:$0x1FCB0]  }
0x33a: {  	v6 =	vadd.f32 v63, v6;
	v63 =	vld [tilespmem:$0x1FCD0]  }
0x33b: {  	vm3 =	veq.s32 v12, v17;
	v17 =	vld [tilespmem:$0x1FCF0]  }
0x33c: {  	vm14 =	veq.s32 v12, v60;
	vm8 =	veq.s32 v12, v58;
	v58 =	vld [tilespmem:$0x1FD40]  }
0x33d: {  	v14 =	vnsel vm14, $0x0, v14;
	v30 =	vnsel vm3, $0x0, v15;
	vm15 =	veq.s32 v12, v26;
	v26 =	vld [tilespmem:$0x1FD00]  }
0x33e: {  	v5 =	vadd.f32 v14, v5;
	v6 =	vadd.f32 v30, v6;
	v30 =	vld [tilespmem:$0x1FD10]  }
0x33f: {  	v32 =	vnsel vm15, $0x0, v13;
	v13 =	vld [tilespmem:$0x1FCE0]  }
0x340: {  	vm3 =	veq.s32 v12, v51;
	v5 =	vadd.f32 v32, v5;
	v32 =	vld [tilespmem:$0x1FD20]  }
0x341: {  	v61 =	vnsel vm8, $0x0, v28;
	v60 =	vnsel vm3, $0x0, v54;
	v54 =	vld [tilespmem:$0x1FD30]  }
0x342: {  	v5 =	vadd.f32 v61, v5;
	v61 =	vld [tilespmem:$0x1FD50]  }
0x343: {  	vm3 =	veq.s32 v12, v63;
	v6 =	vadd.f32 v60, v6;
	vm12 =	veq.s32 v12, v58;
	v58 =	vld [tilespmem:$0x1F310]  }
0x344: {  	v14 =	vnsel vm3, $0x0, v27;
	vm3 =	veq.s32 v12, v17;
	vm10 =	veq.s32 v12, v26;
	v26 =	vld [tilespmem:$0x1FDA0]  }
0x345: {  	v27 =	vnsel vm3, $0x0, v45;
	vm3 =	veq.s32 v12, v30;
	v30 =	vld [tilespmem:$0x1FDC0]  }
0x346: {  	v6 =	vadd.f32 v14, v6;
	v14 =	vld [tilespmem:$0x1FD70]  }
0x347: {  	vm9 =	veq.s32 v12, v13;
	v28 =	vnsel vm10, $0x0, v25;
	v25 =	vld [tilespmem:$0x1FD90]  }
0x348: {  	v15 =	vnsel vm9, $0x0, v62;
	v62 =	vld [tilespmem:$0x1FD60]  }
0x349: {  	v45 =	vnsel vm3, $0x0, v24;
	v5 =	vadd.f32 v15, v5;
	v15 =	vld [tilespmem:$0x1FD80]  }
0x34a: {  	vm11 =	veq.s32 v12, v32;
	v6 =	vadd.f32 v27, v6;
	vm3 =	veq.s32 v12, v54;
	v54 =	vld [tilespmem:$0x1FE10]  }
0x34b: {  	v51 =	vnsel vm11, $0x0, v59;
	v59 =	vnsel vm3, $0x0, v44;
	vm3 =	veq.s32 v12, v61;
	v61 =	vld [tilespmem:$0x1FE40]  }
0x34c: {  	v6 =	vadd.f32 v45, v6;
	v45 =	vld [tilespmem:$0x1FDF0]  }
0x34d: {  	vm8 =	veq.s32 v12, v30;
	v30 =	vld [tilespmem:$0x1F350]  }
0x34e: {  	v32 =	vnsel vm8, $0x0, v35;
	v35 =	vld [tilespmem:$0x1FDD0]  }
0x34f: {  	v5 =	vadd.f32 v28, v5;
	v63 =	vnsel vm3, $0x0, v22;
	vm3 =	veq.s32 v12, v14;
	v14 =	vld [tilespmem:$0x1FE60]  }
0x350: {  	v17 =	vnsel vm3, $0x0, v39;
	v39 =	vld [tilespmem:$0x1FDE0]  }
0x351: {  	v5 =	vadd.f32 v51, v5;
	v51 =	vld [tilespmem:$0x1FE00]  }
0x352: {  	vm13 =	veq.s32 v12, v62;
	vm3 =	veq.s32 v12, v25;
	v25 =	vld [tilespmem:$0x1FE80]  }
0x353: {  	v13 =	vnsel vm13, $0x0, v53;
	v53 =	vld [tilespmem:$0x1F300]  }
0x354: {  	v60 =	vnsel vm12, $0x0, v23;
	vm14 =	veq.s32 v12, v15;
	v15 =	vld [tilespmem:$0x1F330]  }
0x355: {  	v6 =	vadd.f32 v59, v6;
	v5 =	vadd.f32 v60, v5;
	v24 =	vnsel vm14, $0x0, v29;
	v29 =	vld [tilespmem:$0x1FDB0]  }
0x356: {  	v60 =	vld [tilespmem:$0x1FE30]  }
0x357: {  	v6 =	vadd.f32 v63, v6;
	v63 =	vld [tilespmem:$0x1F320];
	v5 =	vadd.f32 v13, v5  }
0x358: {  	vm15 =	veq.s32 v12, v26;
	vm12 =	veq.s32 v12, v61;
	v61 =	vld [tilespmem:$0x1F3B0]  }
0x359: {  	v28 =	vnsel vm15, $0x0, v52;
	v6 =	vadd.f32 v17, v6;
	v13 =	vld [tilespmem:$0x1FE50];
	v5 =	vadd.f32 v24, v5  }
0x35a: {  	v27 =	vnsel vm3, $0x0, v31;
	vm13 =	veq.s32 v12, v14;
	v14 =	vld [tilespmem:$0x1FFA0];
	vm9 =	veq.s32 v12, v39  }
0x35b: {  	v39 =	vld [tilespmem:$0x1FED0];
	v6 =	vadd.f32 v27, v6;
	vm3 =	veq.s32 v12, v29;
	v5 =	vadd.f32 v28, v5  }
0x35c: {  	v17 =	vnsel vm13, $0x0, v50;
	v44 =	vnsel vm9, $0x0, v57;
	v57 =	vld [tilespmem:$0x1FE20];
	v31 =	vnsel vm3, $0x0, v41  }
0x35d: {  	v50 =	vld [tilespmem:$0x1FF10];
	vm3 =	veq.s32 v12, v35;
	v6 =	vadd.f32 v31, v6;
	v5 =	vadd.f32 v32, v5  }
0x35e: {  	vm10 =	veq.s32 v12, v51;
	v51 =	vld [tilespmem:$0x1FF20];
	v41 =	vnsel vm3, $0x0, v40  }
0x35f: {  	v24 =	vld [tilespmem:$0x1FE70];
	vm3 =	veq.s32 v12, v45;
	v6 =	vadd.f32 v41, v6;
	v5 =	vadd.f32 v44, v5  }
0x360: {  	v8 =	vnsel vm10, $0x0, v53;
	v27 =	vld [tilespmem:$0x1F340];
	v52 =	vnsel vm3, $0x0, v34;
	vm3 =	veq.s32 v12, v54  }
0x361: {  	v29 =	vld [tilespmem:$0x1FEA0];
	vm11 =	veq.s32 v12, v57;
	v6 =	vadd.f32 v52, v6;
	v5 =	vadd.f32 v8, v5  }
0x362: {  	v28 =	vld [tilespmem:$0x1FE90];
	v7 =	vnsel vm3, $0x0, v58;
	v59 =	vnsel vm11, $0x0, v48  }
0x363: {  	v3 =	vpop (erf);
	v40 =	vld [tilespmem:$0x1FEE0];
	vm3 =	veq.s32 v12, v60;
	v6 =	vadd.f32 v7, v6;
	v5 =	vadd.f32 v59, v5  }
0x364: {  	v3 =	vadd.f32 v3, v0;
	v45 =	vld [tilespmem:$0x1FF00];
	v62 =	vnsel vm3, $0x0, v38;
	v8 =	vnsel vm12, $0x0, v63  }
0x365: {  	v0 =	vpop (erf);
	v34 =	vld [tilespmem:$0x1FEC0];
	vm3 =	veq.s32 v12, v13;
	v6 =	vadd.f32 v62, v6;
	v5 =	vadd.f32 v8, v5  }
0x366: {  	v0 =	vadd.f32 v0, v19;
	vm14 =	veq.s32 v12, v25;
	v32 =	vld [tilespmem:$0x1FEB0];
	v7 =	vnsel vm3, $0x0, v15  }
0x367: {  	v38 =	vld [tilespmem:$0x1F360];
	vm3 =	veq.s32 v12, v24;
	v6 =	vadd.f32 v7, v6;
	v5 =	vadd.f32 v17, v5  }
0x368: {  	v54 =	vld [tilespmem:$0x1FF30];
	vm15 =	veq.s32 v12, v29;
	v26 =	vnsel vm3, $0x0, v43;
	v8 =	vnsel vm14, $0x0, v27  }
0x369: {  	v41 =	vld [tilespmem:$0x1F370];
	vm3 =	veq.s32 v12, v28;
	v6 =	vadd.f32 v26, v6;
	v5 =	vadd.f32 v8, v5  }
0x36a: {  	v44 =	vld [tilespmem:$0x1FEF0];
	v31 =	vnsel vm15, $0x0, v56;
	vm8 =	veq.s32 v12, v34;
	v7 =	vnsel vm3, $0x0, v30  }
0x36b: {  	v48 =	vld [tilespmem:$0x1F380];
	vm3 =	veq.s32 v12, v32;
	v6 =	vadd.f32 v7, v6;
	v5 =	vadd.f32 v31, v5  }
0x36c: {  	v52 =	vld [tilespmem:$0x1F390];
	vm9 =	veq.s32 v12, v40;
	v35 =	vnsel vm3, $0x0, v33;
	v8 =	vnsel vm8, $0x0, v38  }
0x36d: {  	v56 =	vld [tilespmem:$0x1FF40];
	vm3 =	veq.s32 v12, v39;
	v6 =	vadd.f32 v35, v6;
	v5 =	vadd.f32 v8, v5  }
0x36e: {  	v58 =	vld [tilespmem:$0x1F3A0];
	vm10 =	veq.s32 v12, v45;
	v43 =	vnsel vm9, $0x0, v47;
	v7 =	vnsel vm3, $0x0, v41  }
0x36f: {  	v60 =	vld [tilespmem:$0x1FF70];
	vm3 =	veq.s32 v12, v44;
	v6 =	vadd.f32 v7, v6;
	v5 =	vadd.f32 v43, v5  }
0x370: {  	vm11 =	veq.s32 v12, v51;
	v59 =	vld [tilespmem:$0x1FF50];
	v47 =	vnsel vm3, $0x0, v37;
	v8 =	vnsel vm10, $0x0, v48  }
0x371: {  	v13 =	vld [tilespmem:$0x1F3D0];
	vm3 =	veq.s32 v12, v50;
	v6 =	vadd.f32 v47, v6;
	v5 =	vadd.f32 v8, v5  }
0x372: {  	v53 =	vnsel vm11, $0x0, v49;
	v63 =	vld [tilespmem:$0x1FF80];
	vm12 =	veq.s32 v12, v56;
	v7 =	vnsel vm3, $0x0, v52  }
0x373: {  	v15 =	vld [tilespmem:$0x1FFE0];
	vm3 =	veq.s32 v12, v54;
	v6 =	vadd.f32 v7, v6;
	v5 =	vadd.f32 v53, v5  }
0x374: {  	v25 =	vld [tilespmem:$0x1FBE0];
	vm13 =	veq.s32 v12, v60;
	v57 =	vnsel vm3, $0x0, v42;
	v8 =	vnsel vm12, $0x0, v58  }
0x375: {  	v17 =	vld [tilespmem:$0x1F3E0];
	vm3 =	veq.s32 v12, v59;
	v6 =	vadd.f32 v57, v6;
	v5 =	vadd.f32 v8, v5  }
0x376: {  	v62 =	vnsel vm13, $0x0, v46;
	vm14 =	veq.s32 v12, v9;
	v7 =	vnsel vm3, $0x0, v61  }
0x377: {  	vm3 =	veq.s32 v12, v63;
	v6 =	vadd.f32 v7, v6;
	v5 =	vadd.f32 v62, v5  }
0x378: {  	vm15 =	veq.s32 v12, v15;
	v8 =	vnsel vm14, $0x0, v13;
	v7 =	vnsel vm3, $0x0, v10  }
0x379: {  	vm3 =	veq.s32 v12, v14;
	v6 =	vadd.f32 v7, v6;
	v5 =	vadd.f32 v8, v5  }
0x37a: {  	v24 =	vnsel vm15, $0x0, v55;
	v7 =	vnsel vm3, $0x0, v17;
	vm3 =	veq.s32 v12, v25  }
0x37b: {  	vm3 =	vmand vm3, vm1;
	v6 =	vadd.f32 v7, v6;
	v5 =	vadd.f32 v24, v5  }
0x37c: {  	v0 =	vadd.f32 v3, v0;
	v26 =	vnsel vm2, $0x0, v36;
	v2 =	vnsel vm3, $0x0, v2  }
0x37d: {  	v3 =	vadd.f32 v26, v6;
	v2 =	vadd.f32 v2, v5  }
0x37e: {  	v0 =	vadd.f32 v1, v0  }
0x37f: {  	v22 =	vld [tilespmem:$0x1FFB0];
	v1 =	vadd.f32 v2, v3  }
0x380: {  	v2 =	vperm.xlane v0, v11  }
0x381: {  	v3 =	vperm.xlane v1, v11  }
0x382: {  	v0 =	vadd.f32 v0, v2  }
0x383: {  	v24 =	vld [tilespmem:$0x1FFC0];
	v1 =	vadd.f32 v1, v3  }
0x384: {  	v2 =	vperm.xlane v0, v22  }
0x385: {  	v3 =	vperm.xlane v1, v22  }
0x386: {  	v0 =	vadd.f32 v0, v2  }
0x387: {  	v26 =	vld [tilespmem:$0x1FFD0];
	v1 =	vadd.f32 v3, v1  }
0x388: {  	v2 =	vperm.xlane v0, v24  }
0x389: {  	v3 =	vperm.xlane v1, v24  }
0x38a: {  	v0 =	vadd.f32 v0, v2  }
0x38b: {  	v1 =	vadd.f32 v3, v1  }
0x38c: {  	v2 =	vperm.xlane v0, v26  }
0x38d: {  	v3 =	vperm.xlane v1, v26  }
0x38e: {  	s22 =	simm.s32 $0x1;
	v0 =	vadd.f32 v0, v2  }
0x38f: {  	s29 =	sand.u32 $0x7, s22;
	vm2 =	veq.s32 v4, v16;
	v2 =	vimm.f32 $0.0e+00;
	v1 =	vadd.f32 v3, v1  }
0x390: {  	p0 =	sne.s32 s18, $0xF;
	s20 =	sshll.u32 s29, $0x7;
	s19 =	simm.s32 $0x10091;
	v0 =	vsel vm2, v0, v2  }
0x391: {  	s23 =	sadd.s32 $0x400, s20;
	s18 =	simm.s32 $0x10111;
	[tilespmem:s19+$0x0] =	vst @!p0 v0;
	v1 =	vsel vm2, v1, v2  }
0x392: {  	s30 =	sor.u32 $0x1C30, s23;
	[tilespmem:s18+$0x0] =	vst @!p0 v1  }
0x393: {  	s21 =	simm.s32 $0x80;
	s20 =	simm.s32 $0x400;
	s31 =	sor.u32 $0x1C10, s23;
	[tilespmem:$0x1F3F0] =	vst v0;
	v0 =	vld [tilespmem:s30+$0x8000]  }
0x394: {  	s26 =	sand.u32 $0x380, s21;
	s28 =	sor.u32 $0x1C20, s23;
	s25 =	sand.u32 $0x6000, s20;
	[tilespmem:$0x1F400] =	vst v1;
	v1 =	vld [tilespmem:s31+$0x8000]  }
0x395: {  	s26 =	sor.u32 s26, s25;
	v3 =	vld [tilespmem:s28+$0x8000]  }
0x396: {  	v27 =	vld [tilespmem:s26+$0x9870];
	s28 =	sor.u32 $0x1C60, s23  }
0x397: {  	v23 =	vld.msk [tilespmem:s28+$0x8000], $0xff  }
0x398: {  	v28 =	vld [tilespmem:s26+$0x9860];
	[tilespmem:$0x1F590] =	vst v0;
	v0 =	vmul.f32 $1.442695020e+00, v0  }
0x399: {  	v29 =	vld [tilespmem:s26+$0x9830];
	[tilespmem:$0x1F570] =	vst v1;
	v1 =	vmul.f32 $1.442695020e+00, v1  }
0x39a: {  	v30 =	vld [tilespmem:s26+$0x9820];
	v2 =	vmul.f32 $1.442695020e+00, v3;
	(erf) = vpow2.f32 v0  }
0x39b: {  	[tilespmem:$0x1F580] =	vst v3;
	v3 =	vld [tilespmem:s26+$0x9470];
	v0 =	vmul.f32 $1.442695020e+00, v27;
	(erf) = vpow2.f32 v1  }
0x39c: {  	v31 =	vld [tilespmem:s26+$0x9460];
	v1 =	vmul.f32 $1.442695020e+00, v23;
	(erf) = vpow2.f32 v2  }
0x39d: {  	v32 =	vld [tilespmem:s26+$0x9430];
	(erf) = vpow2.f32 v0;
	v0 =	vmul.f32 $1.442695020e+00, v28  }
0x39e: {  	v33 =	vld [tilespmem:s26+$0x9420];
	v2 =	vmul.f32 $1.442695020e+00, v29;
	(erf) = vpow2.f32 v1  }
0x39f: {  	v34 =	vld [tilespmem:s26+$0x9070];
	(erf) = vpow2.f32 v0;
	v0 =	vmul.f32 $1.442695020e+00, v30  }
0x3a0: {  	[tilespmem:$0x1F560] =	vst v27;
	v1 =	vmul.f32 $1.442695020e+00, v3;
	(erf) = vpow2.f32 v2;
	v2 =	vld [tilespmem:s26+$0x9060]  }
0x3a1: {  	[tilespmem:$0x1F520] =	vst v3;
	v3 =	vld [tilespmem:s26+$0x9030];
	(erf) = vpow2.f32 v0;
	v0 =	vmul.f32 $1.442695020e+00, v31  }
0x3a2: {  	v35 =	vld [tilespmem:s26+$0x9020];
	[tilespmem:$0x1F550] =	vst v28;
	(erf) = vpow2.f32 v1;
	v1 =	vmul.f32 $1.442695020e+00, v32  }
0x3a3: {  	v37 =	vld [tilespmem:s26+$0x8C70];
	[tilespmem:$0x1F540] =	vst v29;
	v36 =	vpop (erf);
	(erf) = vpow2.f32 v0;
	v0 =	vmul.f32 $1.442695020e+00, v33  }
0x3a4: {  	v39 =	vld [tilespmem:s26+$0x8C60];
	[tilespmem:$0x1F500] =	vst v32;
	v38 =	vpop (erf);
	(erf) = vpow2.f32 v1;
	v1 =	vmul.f32 $1.442695020e+00, v34  }
0x3a5: {  	[tilespmem:$0x1F4D0] =	vst v2;
	v40 =	vpop (erf);
	(erf) = vpow2.f32 v0;
	v0 =	vmul.f32 $1.442695020e+00, v2;
	v2 =	vld [tilespmem:s26+$0x8C30]  }
0x3a6: {  	v63 =	vld [tilespmem:s26+$0x8C20];
	[tilespmem:$0x1F4E0] =	vst v34;
	v41 =	vpop (erf);
	(erf) = vpow2.f32 v1;
	v1 =	vmul.f32 $1.442695020e+00, v3  }
0x3a7: {  	[tilespmem:$0x1F4C0] =	vst v3;
	v34 =	vld [tilespmem:s26+$0x8870];
	v3 =	vpop (erf);
	(erf) = vpow2.f32 v0;
	v0 =	vmul.f32 $1.442695020e+00, v35  }
0x3a8: {  	v32 =	vld [tilespmem:s26+$0x8860];
	[tilespmem:$0x1F440] =	vst v3;
	v3 =	vpop (erf);
	(erf) = vpow2.f32 v1;
	v1 =	vmul.f32 $1.442695020e+00, v37  }
0x3a9: {  	v27 =	vld [tilespmem:s26+$0x8830];
	[tilespmem:$0x1F420] =	vst v3;
	v3 =	vpop (erf);
	(erf) = vpow2.f32 v0;
	v0 =	vmul.f32 $1.442695020e+00, v39  }
0x3aa: {  	[tilespmem:$0x1F530] =	vst v30;
	v28 =	vld [tilespmem:s26+$0x8820];
	v48 =	vpop (erf);
	(erf) = vpow2.f32 v1;
	v1 =	vmul.f32 $1.442695020e+00, v2  }
0x3ab: {  	[tilespmem:$0x1F4A0] =	vst v37;
	v29 =	vld [tilespmem:s26+$0x8470];
	v37 =	vpop (erf);
	(erf) = vpow2.f32 v0;
	v0 =	vmul.f32 $1.442695020e+00, v63  }
0x3ac: {  	[tilespmem:$0x1F510] =	vst v31;
	v30 =	vld [tilespmem:s26+$0x8460];
	v31 =	vpop (erf);
	(erf) = vpow2.f32 v1;
	v1 =	vmul.f32 $1.442695020e+00, v34  }
0x3ad: {  	v21 =	vld [tilespmem:s26+$0x8430];
	v20 =	vpop (erf);
	(erf) = vpow2.f32 v0;
	v0 =	vmul.f32 $1.442695020e+00, v32  }
0x3ae: {  	v18 =	vld [tilespmem:s26+$0x8420];
	[tilespmem:$0x1F4F0] =	vst v33;
	v25 =	vpop (erf);
	(erf) = vpow2.f32 v1;
	v1 =	vmul.f32 $1.442695020e+00, v27  }
0x3af: {  	v33 =	vld [tilespmem:s26+$0x8070];
	[tilespmem:$0x1F410] =	vst v3;
	v3 =	vmul.f32 $1.442695020e+00, v28;
	v19 =	vpop (erf);
	(erf) = vpow2.f32 v0  }
0x3b0: {  	[tilespmem:$0x1F4B0] =	vst v35;
	v35 =	vld [tilespmem:s26+$0x8060];
	v0 =	vmul.f32 $1.442695020e+00, v29;
	v17 =	vpop (erf);
	(erf) = vpow2.f32 v1  }
0x3b1: {  	v59 =	vld [tilespmem:s26+$0x8020];
	v1 =	vmul.f32 $1.442695020e+00, v30;
	v12 =	vpop (erf);
	(erf) = vpow2.f32 v3  }
0x3b2: {  	v61 =	vld [tilespmem:s26+$0x8030];
	[tilespmem:$0x1F460] =	vst v36;
	v3 =	vmul.f32 $1.442695020e+00, v21;
	v36 =	vpop (erf);
	(erf) = vpow2.f32 v0  }
0x3b3: {  	v14 =	vld [tilespmem:s26+$0x8010];
	v42 =	vmul.f32 $1.442695020e+00, v18;
	v50 =	vpop (erf);
	(erf) = vpow2.f32 v1  }
0x3b4: {  	v9 =	vld [tilespmem:s26+$0x8000];
	v43 =	vmul.f32 $1.442695020e+00, v33;
	v10 =	vpop (erf);
	(erf) = vpow2.f32 v3  }
0x3b5: {  	v15 =	vld [tilespmem:s26+$0x8050];
	v44 =	vmul.f32 $1.442695020e+00, v35;
	v47 =	vpop (erf);
	(erf) = vpow2.f32 v42  }
0x3b6: {  	v13 =	vld [tilespmem:s26+$0x8040];
	v45 =	vmul.f32 $1.442695020e+00, v59;
	[tilespmem:$0x1F470] =	vst v38;
	v38 =	vpop (erf);
	(erf) = vpow2.f32 v43  }
0x3b7: {  	v16 =	vld [tilespmem:s26+$0x8410];
	v46 =	vmul.f32 $1.442695020e+00, v61;
	[tilespmem:$0x1F430] =	vst v41;
	v41 =	vpop (erf);
	(erf) = vpow2.f32 v44  }
0x3b8: {  	v8 =	vld [tilespmem:s26+$0x8400];
	v49 =	vmul.f32 $1.442695020e+00, v14;
	(erf) = vpow2.f32 v45;
	v51 =	vpop (erf)  }
0x3b9: {  	v56 =	vld [tilespmem:s26+$0x8450];
	v60 =	vmul.f32 $1.442695020e+00, v9;
	v57 =	vpop (erf);
	(erf) = vpow2.f32 v46  }
0x3ba: {  	v7 =	vld [tilespmem:s26+$0x8440];
	v62 =	vmul.f32 $1.442695020e+00, v15;
	v53 =	vpop (erf);
	(erf) = vpow2.f32 v49  }
0x3bb: {  	v5 =	vmul.f32 $1.442695020e+00, v13;
	v49 =	vld [tilespmem:s26+$0x8810];
	v45 =	vpop (erf);
	(erf) = vpow2.f32 v60  }
0x3bc: {  	v6 =	vmul.f32 $1.442695020e+00, v16;
	v52 =	vpop (erf);
	(erf) = vpow2.f32 v62;
	v62 =	vld [tilespmem:s26+$0x8800]  }
0x3bd: {  	v54 =	vmul.f32 $1.442695020e+00, v8;
	v46 =	vld [tilespmem:s26+$0x8850];
	v42 =	vpop (erf);
	(erf) = vpow2.f32 v5  }
0x3be: {  	v55 =	vmul.f32 $1.442695020e+00, v56;
	v60 =	vld [tilespmem:s26+$0x8840];
	v58 =	vpop (erf);
	(erf) = vpow2.f32 v6  }
0x3bf: {  	v5 =	vmul.f32 $1.442695020e+00, v7;
	v3 =	vpop (erf);
	(erf) = vpow2.f32 v54  }
0x3c0: {  	[tilespmem:$0x1F490] =	vst v39;
	v43 =	vld [tilespmem:s26+$0x8C10];
	v39 =	vmul.f32 $1.442695020e+00, v49;
	v44 =	vpop (erf);
	(erf) = vpow2.f32 v55  }
0x3c1: {  	v55 =	vld [tilespmem:s26+$0x8C00];
	v6 =	vpop (erf);
	(erf) = vpow2.f32 v5;
	v5 =	vmul.f32 $1.442695020e+00, v62  }
0x3c2: {  	v4 =	vadd.f32 $0.0e+00, v6;
	(erf) = vpow2.f32 v39;
	v39 =	vmul.f32 $1.442695020e+00, v46;
	v0 =	vpop (erf)  }
0x3c3: {  	[tilespmem:$0x1F480] =	vst v2;
	v2 =	vmul.f32 $1.442695020e+00, v60;
	(erf) = vpow2.f32 v5;
	v1 =	vadd.f32 $0.0e+00, v0;
	v6 =	vpop (erf)  }
0x3c4: {  	v5 =	vadd.f32 v44, v4;
	v44 =	vld [tilespmem:s26+$0x8C50];
	(erf) = vpow2.f32 v39;
	v39 =	vadd.f32 $0.0e+00, v6  }
0x3c5: {  	[tilespmem:$0x1F450] =	vst v40;
	v54 =	vld [tilespmem:s26+$0x8C40];
	v40 =	vpop (erf);
	v4 =	vadd.f32 v3, v1;
	v1 =	vmul.f32 $1.442695020e+00, v43  }
0x3c6: {  	v3 =	vadd.f32 $0.0e+00, v40;
	v40 =	vld [tilespmem:s26+$0x9010];
	(erf) = vpow2.f32 v2;
	v2 =	vmul.f32 $1.442695020e+00, v55  }
0x3c7: {  	v0 =	vpop (erf);
	(erf) = vpow2.f32 v1  }
0x3c8: {  	v0 =	vadd.f32 v0, v39;
	v5 =	vadd.f32 v58, v5;
	v58 =	vld [tilespmem:s26+$0x9000];
	v39 =	vpop (erf);
	(erf) = vpow2.f32 v2  }
0x3c9: {  	v1 =	vadd.f32 v39, v3;
	v3 =	vadd.f32 v42, v4;
	v42 =	vld [tilespmem:s26+$0x9050];
	v2 =	vmul.f32 $1.442695020e+00, v44;
	v39 =	vpop (erf)  }
0x3ca: {  	v4 =	vadd.f32 v52, v5;
	v52 =	vld [tilespmem:s26+$0x9040];
	v5 =	vmul.f32 $1.442695020e+00, v54;
	v0 =	vadd.f32 v39, v0;
	v6 =	vpop (erf)  }
0x3cb: {  	(erf) = vpow2.f32 v2;
	v1 =	vadd.f32 v6, v1;
	v2 =	vmul.f32 $1.442695020e+00, v40  }
0x3cc: {  	v6 =	vpop (erf);
	v3 =	vadd.f32 v45, v3;
	v45 =	vld [tilespmem:s26+$0x9410];
	v4 =	vadd.f32 v53, v4;
	(erf) = vpow2.f32 v5  }
0x3cd: {  	v53 =	vld [tilespmem:s26+$0x9400];
	v0 =	vadd.f32 v6, v0;
	v39 =	vpop (erf);
	(erf) = vpow2.f32 v2;
	v2 =	vmul.f32 $1.442695020e+00, v58  }
0x3ce: {  	v1 =	vadd.f32 v39, v1;
	v3 =	vadd.f32 v57, v3;
	v6 =	vpop (erf);
	v5 =	vmul.f32 $1.442695020e+00, v42  }
0x3cf: {  	v39 =	vld [tilespmem:s26+$0x9450];
	v0 =	vadd.f32 v6, v0;
	(erf) = vpow2.f32 v2;
	v2 =	vmul.f32 $1.442695020e+00, v52  }
0x3d0: {  	v4 =	vadd.f32 v51, v4;
	v57 =	vpop (erf);
	v6 =	vadd.f32 v41, v3;
	v41 =	vld [tilespmem:s26+$0x9810];
	(erf) = vpow2.f32 v5  }
0x3d1: {  	v1 =	vadd.f32 v57, v1;
	v57 =	vld [tilespmem:s26+$0x9440];
	v51 =	vpop (erf);
	(erf) = vpow2.f32 v2;
	v2 =	vmul.f32 $1.442695020e+00, v45  }
0x3d2: {  	v4 =	vadd.f32 v38, v4;
	v3 =	vadd.f32 v51, v0;
	v5 =	vmul.f32 $1.442695020e+00, v53;
	v38 =	vpop (erf)  }
0x3d3: {  	v51 =	vld [tilespmem:s26+$0x9800];
	v1 =	vadd.f32 v38, v1;
	v6 =	vadd.f32 v47, v6;
	v0 =	vpop (erf);
	(erf) = vpow2.f32 v2  }
0x3d4: {  	v2 =	vmul.f32 $1.442695020e+00, v39;
	v0 =	vadd.f32 v0, v3;
	v3 =	vadd.f32 v10, v4;
	v10 =	vpop (erf)  }
0x3d5: {  	v47 =	vld [tilespmem:s26+$0x9840];
	(erf) = vpow2.f32 v5;
	v1 =	vadd.f32 v10, v1;
	v10 =	vmul.f32 $1.442695020e+00, v41  }
0x3d6: {  	v38 =	vld [tilespmem:s26+$0x9850];
	(erf) = vpow2.f32 v2;
	v2 =	vmul.f32 $1.442695020e+00, v57;
	_ =	sdelay $0x1  }
0x3d7: {  	(erf) = vpow2.f32 v2;
	v2 =	vmul.f32 $1.442695020e+00, v51  }
0x3d8: {  	s29 =	sor.u32 $0x1C00, s23;
	v4 =	vadd.f32 v50, v6;
	v50 =	vpop (erf);
	(erf) = vpow2.f32 v10  }
0x3d9: {  	v0 =	vadd.f32 v50, v0;
	v50 =	vld [tilespmem:s29+$0x8000];
	v10 =	vpop (erf);
	(erf) = vpow2.f32 v2;
	v2 =	vmul.f32 $1.442695020e+00, v47  }
0x3da: {  	v5 =	vmul.f32 $1.442695020e+00, v38;
	v1 =	vadd.f32 v10, v1;
	v10 =	vpop (erf)  }
0x3db: {  	v4 =	vadd.f32 v12, v4;
	v12 =	vpop (erf)  }
0x3dc: {  	s30 =	sor.u32 $0x1C50, s23;
	v0 =	vadd.f32 v10, v0;
	(erf) = vpow2.f32 v5;
	v1 =	vadd.f32 v12, v1  }
0x3dd: {  	v3 =	vadd.f32 v36, v3;
	v36 =	vld [tilespmem:s30+$0x8000];
	(erf) = vpow2.f32 v2;
	v2 =	vpop (erf)  }
0x3de: {  	v0 =	vadd.f32 v2, v0;
	v2 =	vmul.f32 $1.442695020e+00, v50  }
0x3df: {  	v3 =	vadd.f32 v17, v3;
	v17 =	vpop (erf)  }
0x3e0: {  	s23 =	sor.u32 $0x1C40, s23;
	v5 =	vadd.f32 v17, v1;
	v1 =	vpop (erf)  }
0x3e1: {  	v4 =	vadd.f32 v19, v4;
	v0 =	vadd.f32 v1, v0;
	v1 =	vld [tilespmem:s23+$0x8000]  }
0x3e2: {  	v3 =	vadd.f32 v25, v3;
	v25 =	vmul.f32 $1.442695020e+00, v36;
	(erf) = vpow2.f32 v2;
	v2 =	vpop (erf)  }
0x3e3: {  	v2 =	vadd.f32 v2, v5;
	v10 =	vpop (erf)  }
0x3e4: {  	v4 =	vadd.f32 v20, v4;
	v3 =	vadd.f32 v31, v3;
	(erf) = vpow2.f32 v25;
	v25 =	vld [tilespmem:$0x1F410];
	v12 =	vpop (erf)  }
0x3e5: {  	v2 =	vadd.f32 v12, v2;
	v17 =	vpop (erf)  }
0x3e6: {  	v4 =	vadd.f32 v37, v4;
	v37 =	vld [tilespmem:$0x1F420];
	v3 =	vadd.f32 v48, v3;
	v48 =	vmul.f32 $1.442695020e+00, v1;
	v31 =	vpop (erf)  }
0x3e7: {  	v2 =	vadd.f32 v31, v2;
	v31 =	vld [tilespmem:$0x1F440]  }
0x3e8: {  	(erf) = vpow2.f32 v48;
	v48 =	vld [tilespmem:$0x1F450]  }
0x3e9: {  	v4 =	vadd.f32 v25, v4;
	v25 =	vld [tilespmem:$0x1F430]  }
0x3ea: {  	s31 =	simm.s32 $0x21;
	v0 =	vadd.f32 v10, v0  }
0x3eb: {  	s23 =	sand.u32 $0x7FFFFFF0, s31;
	v3 =	vadd.f32 v37, v3  }
0x3ec: {  	v6 =	vld [tilespmem:s23+$0x10000];
	v0 =	vadd.f32 v17, v0;
	v10 =	vperm.xlane v31, v11  }
0x3ed: {  	v12 =	vld [tilespmem:$0x1F460];
	v17 =	vpop (erf);
	v3 =	vadd.f32 v48, v3  }
0x3ee: {  	v0 =	vadd.f32 v17, v0;
	v17 =	vld [tilespmem:$0x1F470];
	v4 =	vadd.f32 v25, v4;
	v25 =	vsel vm0, $0x0, v10  }
0x3ef: {  	s24 =	sand.u32 $0xF, s22;
	v19 =	vadd.f32 v25, v3;
	v25 =	vld [tilespmem:$0x1FC00]  }
0x3f0: {  	v20 =	vmov s24;
	v37 =	vpop (erf)  }
0x3f1: {  	v2 =	vadd.f32 v37, v2;
	v37 =	vperm.xlane v36, v11;
	v31 =	vperm.xlane v23, v11  }
0x3f2: {  	v5 =	vadd.f32 v12, v4;
	v12 =	vperm.xlane v6, v20  }
0x3f3: {  	v0 =	vadd.f32 v17, v0;
	v17 =	vlaneseq.u32;
	v4 =	vsel vm0, v37, v31  }
0x3f4: {  	v48 =	vpop (erf);
	v10 =	vadd.f32 $0.0e+00, v9;
	v37 =	vadd.f32 $0.0e+00, v14;
	v14 =	vld [tilespmem:$0x1FC10];
	vm3 =	veq.s32 v12, v25  }
0x3f5: {  	v2 =	vadd.f32 v48, v2;
	v3 =	vpop (erf);
	vm2 =	veq.s32 v12, v17;
	v48 =	vnsel vm3, $0x0, v59;
	v59 =	vld [tilespmem:$0x1FBF0]  }
0x3f6: {  	v17 =	vld [tilespmem:$0x1FC20];
	v3 =	vadd.f32 v3, v0;
	v31 =	vnsel vm2, $0x0, v10  }
0x3f7: {  	v0 =	vadd.f32 v19, v5;
	v5 =	vadd.f32 v48, v31;
	v31 =	vld [tilespmem:$0x1FC30];
	_ =	sdelay $0x2  }
0x3f8: {  	vm3 =	veq.s32 v12, v14;
	v48 =	vld [tilespmem:$0x1FC40];
	vm2 =	veq.s32 v12, v59  }
0x3f9: {  	v9 =	vnsel vm3, $0x0, v61;
	v61 =	vld [tilespmem:$0x1FC50];
	v6 =	vnsel vm2, $0x0, v37;
	vm2 =	veq.s32 v12, v17  }
0x3fa: {  	v14 =	vld [tilespmem:$0x1FC60];
	v25 =	vnsel vm2, $0x0, v13;
	vm2 =	veq.s32 v12, v31  }
0x3fb: {  	v37 =	vnsel vm2, $0x0, v15;
	v15 =	vld [tilespmem:$0x1FC70]  }
0x3fc: {  	v17 =	vld [tilespmem:$0x1FC80]  }
0x3fd: {  	v6 =	vadd.f32 v9, v6;
	v31 =	vld [tilespmem:$0x1FC90];
	vm2 =	veq.s32 v12, v48  }
0x3fe: {  	v59 =	vnsel vm2, $0x0, v35;
	vm2 =	veq.s32 v12, v61;
	v35 =	vld [tilespmem:$0x1FCA0]  }
0x3ff: {  	v6 =	vadd.f32 v37, v6;
	v37 =	vld [tilespmem:$0x1FCB0];
	v13 =	vnsel vm2, $0x0, v33;
	vm2 =	veq.s32 v12, v14  }
0x400: {  	v8 =	vnsel vm2, $0x0, v8;
	vm2 =	veq.s32 v12, v15  }
0x401: {  	v16 =	vnsel vm2, $0x0, v16;
	vm2 =	veq.s32 v12, v17  }
0x402: {  	v5 =	vadd.f32 v25, v5;
	v25 =	vnsel vm2, $0x0, v18;
	vm2 =	veq.s32 v12, v31  }
0x403: {  	v33 =	vnsel vm2, $0x0, v21;
	vm2 =	veq.s32 v12, v35  }
0x404: {  	v7 =	vnsel vm2, $0x0, v7;
	vm2 =	veq.s32 v12, v37  }
0x405: {  	v48 =	vnsel vm2, $0x0, v56;
	v56 =	vld [tilespmem:$0x1FCC0]  }
0x406: {  	v61 =	vld [tilespmem:$0x1FCD0]  }
0x407: {  	v5 =	vadd.f32 v59, v5  }
0x408: {  	v6 =	vadd.f32 v13, v6  }
0x409: {  	v14 =	vld [tilespmem:$0x1FCE0];
	v5 =	vadd.f32 v8, v5  }
0x40a: {  	v6 =	vadd.f32 v16, v6;
	v16 =	vld [tilespmem:$0x1FCF0];
	vm2 =	veq.s32 v12, v56  }
0x40b: {  	v5 =	vadd.f32 v25, v5;
	v25 =	vld [tilespmem:$0x1FD00];
	v59 =	vnsel vm2, $0x0, v30;
	vm2 =	veq.s32 v12, v61  }
0x40c: {  	v13 =	vnsel vm2, $0x0, v29;
	v29 =	vld [tilespmem:$0x1FD10]  }
0x40d: {  	v31 =	vld [tilespmem:$0x1FD20]  }
0x40e: {  	v35 =	vld [tilespmem:$0x1FD30];
	vm2 =	veq.s32 v12, v14  }
0x40f: {  	v6 =	vadd.f32 v33, v6;
	v15 =	vnsel vm2, $0x0, v62;
	vm2 =	veq.s32 v12, v16  }
0x410: {  	v5 =	vadd.f32 v7, v5;
	v17 =	vnsel vm2, $0x0, v49;
	vm2 =	veq.s32 v12, v25  }
0x411: {  	v6 =	vadd.f32 v48, v6;
	v61 =	vld [tilespmem:$0x1FD70];
	v28 =	vnsel vm2, $0x0, v28;
	vm2 =	veq.s32 v12, v29  }
0x412: {  	v5 =	vadd.f32 v59, v5;
	v59 =	vld [tilespmem:$0x1FD60];
	v30 =	vnsel vm2, $0x0, v27;
	vm2 =	veq.s32 v12, v31  }
0x413: {  	v6 =	vadd.f32 v13, v6;
	v13 =	vld [tilespmem:$0x1FD80];
	v33 =	vnsel vm2, $0x0, v60;
	vm2 =	veq.s32 v12, v35  }
0x414: {  	v37 =	vnsel vm2, $0x0, v46;
	v46 =	vld [tilespmem:$0x1FD40]  }
0x415: {  	v5 =	vadd.f32 v15, v5;
	v49 =	vld [tilespmem:$0x1FD50]  }
0x416: {  	v16 =	vld [tilespmem:$0x1F480]  }
0x417: {  	v15 =	vld [tilespmem:$0x1FD90];
	v5 =	vadd.f32 v28, v5  }
0x418: {  	v6 =	vadd.f32 v17, v6;
	v17 =	vld [tilespmem:$0x1FDA0]  }
0x419: {  	v29 =	vld [tilespmem:$0x1FDC0];
	v5 =	vadd.f32 v33, v5;
	vm2 =	veq.s32 v12, v46  }
0x41a: {  	v27 =	vld [tilespmem:$0x1FDB0];
	v6 =	vadd.f32 v30, v6;
	v48 =	vnsel vm2, $0x0, v32;
	vm2 =	veq.s32 v12, v49  }
0x41b: {  	v31 =	vld [tilespmem:$0x1FDD0];
	v5 =	vadd.f32 v48, v5;
	v56 =	vnsel vm2, $0x0, v34;
	vm2 =	veq.s32 v12, v59  }
0x41c: {  	v30 =	vld [tilespmem:$0x1F490];
	v6 =	vadd.f32 v37, v6;
	v60 =	vnsel vm2, $0x0, v55;
	vm2 =	veq.s32 v12, v61  }
0x41d: {  	v33 =	vld [tilespmem:$0x1FDE0];
	v5 =	vadd.f32 v60, v5;
	v62 =	vnsel vm2, $0x0, v43;
	vm2 =	veq.s32 v12, v13  }
0x41e: {  	v32 =	vld [tilespmem:$0x1F4A0];
	v6 =	vadd.f32 v56, v6;
	v14 =	vnsel vm2, $0x0, v63;
	vm2 =	veq.s32 v12, v15  }
0x41f: {  	v35 =	vld [tilespmem:$0x1FDF0];
	v5 =	vadd.f32 v14, v5;
	v7 =	vnsel vm2, $0x0, v16;
	vm2 =	veq.s32 v12, v17  }
0x420: {  	v6 =	vadd.f32 v62, v6;
	v25 =	vnsel vm2, $0x0, v54;
	vm2 =	veq.s32 v12, v27  }
0x421: {  	v5 =	vadd.f32 v25, v5;
	v28 =	vnsel vm2, $0x0, v44;
	vm2 =	veq.s32 v12, v29  }
0x422: {  	v46 =	vld [tilespmem:$0x1F4C0];
	v6 =	vadd.f32 v7, v6;
	v7 =	vnsel vm2, $0x0, v30;
	vm2 =	veq.s32 v12, v31  }
0x423: {  	v48 =	vld [tilespmem:$0x1FE20];
	v5 =	vadd.f32 v7, v5;
	v7 =	vnsel vm2, $0x0, v32;
	vm2 =	veq.s32 v12, v33  }
0x424: {  	v43 =	vld [tilespmem:$0x1F4B0];
	v34 =	vnsel vm2, $0x0, v58;
	vm2 =	veq.s32 v12, v35  }
0x425: {  	v37 =	vnsel vm2, $0x0, v40;
	v40 =	vld [tilespmem:$0x1FE00]  }
0x426: {  	v44 =	vld [tilespmem:$0x1FE10]  }
0x427: {  	v59 =	vld [tilespmem:$0x1F4E0]  }
0x428: {  	v55 =	vld [tilespmem:$0x1FE40]  }
0x429: {  	v56 =	vld [tilespmem:$0x1F4D0];
	v6 =	vadd.f32 v28, v6  }
0x42a: {  	v60 =	vld [tilespmem:$0x1FE60];
	v5 =	vadd.f32 v34, v5;
	vm2 =	veq.s32 v12, v40  }
0x42b: {  	v13 =	vld [tilespmem:$0x1FE80];
	v6 =	vadd.f32 v7, v6;
	v7 =	vnsel vm2, $0x0, v43;
	vm2 =	veq.s32 v12, v44  }
0x42c: {  	v62 =	vld [tilespmem:$0x1FE70];
	v5 =	vadd.f32 v7, v5;
	v7 =	vnsel vm2, $0x0, v46;
	vm2 =	veq.s32 v12, v48  }
0x42d: {  	v49 =	vnsel vm2, $0x0, v52;
	v52 =	vld [tilespmem:$0x1FE30]  }
0x42e: {  	v15 =	vld [tilespmem:$0x1FE90]  }
0x42f: {  	v58 =	vld [tilespmem:$0x1FE50]  }
0x430: {  	v14 =	vld [tilespmem:$0x1F4F0]  }
0x431: {  	v16 =	vld [tilespmem:$0x1F500]  }
0x432: {  	v17 =	vld [tilespmem:$0x1FEA0];
	v6 =	vadd.f32 v37, v6;
	vm2 =	veq.s32 v12, v52  }
0x433: {  	v27 =	vld [tilespmem:$0x1FEB0];
	v5 =	vadd.f32 v49, v5;
	v54 =	vnsel vm2, $0x0, v42;
	vm2 =	veq.s32 v12, v55  }
0x434: {  	v29 =	vld [tilespmem:$0x1FEC0];
	v6 =	vadd.f32 v7, v6;
	v7 =	vnsel vm2, $0x0, v56;
	vm2 =	veq.s32 v12, v58  }
0x435: {  	v30 =	vld [tilespmem:$0x1F510];
	v5 =	vadd.f32 v7, v5;
	v7 =	vnsel vm2, $0x0, v59;
	vm2 =	veq.s32 v12, v60  }
0x436: {  	v31 =	vld [tilespmem:$0x1FED0];
	v6 =	vadd.f32 v54, v6;
	v61 =	vnsel vm2, $0x0, v53;
	vm2 =	veq.s32 v12, v62  }
0x437: {  	v32 =	vld [tilespmem:$0x1F520];
	v5 =	vadd.f32 v61, v5;
	v63 =	vnsel vm2, $0x0, v45;
	vm2 =	veq.s32 v12, v13  }
0x438: {  	v33 =	vld [tilespmem:$0x1FEE0];
	v6 =	vadd.f32 v7, v6;
	v7 =	vnsel vm2, $0x0, v14;
	vm2 =	veq.s32 v12, v15  }
0x439: {  	v35 =	vld [tilespmem:$0x1FEF0];
	v5 =	vadd.f32 v7, v5;
	v7 =	vnsel vm2, $0x0, v16;
	vm2 =	veq.s32 v12, v17  }
0x43a: {  	v40 =	vld [tilespmem:$0x1F530];
	v6 =	vadd.f32 v63, v6;
	v25 =	vnsel vm2, $0x0, v57;
	vm2 =	veq.s32 v12, v27  }
0x43b: {  	v43 =	vld [tilespmem:$0x1FF20];
	v5 =	vadd.f32 v25, v5;
	v28 =	vnsel vm2, $0x0, v39;
	vm2 =	veq.s32 v12, v29  }
0x43c: {  	v48 =	vld [tilespmem:$0x1F550];
	v6 =	vadd.f32 v7, v6;
	v7 =	vnsel vm2, $0x0, v30;
	vm2 =	veq.s32 v12, v31  }
0x43d: {  	v49 =	vld [tilespmem:$0x1FF50];
	v5 =	vadd.f32 v7, v5;
	v7 =	vnsel vm2, $0x0, v32;
	vm2 =	veq.s32 v12, v33  }
0x43e: {  	v39 =	vld [tilespmem:$0x1FF00];
	v34 =	vnsel vm2, $0x0, v51;
	vm2 =	veq.s32 v12, v35  }
0x43f: {  	v37 =	vnsel vm2, $0x0, v41;
	v41 =	vld [tilespmem:$0x1FF10]  }
0x440: {  	v42 =	vld [tilespmem:$0x1F540]  }
0x441: {  	v52 =	vld [tilespmem:$0x1FF70]  }
0x442: {  	v54 =	vld [tilespmem:$0x1FF80];
	v6 =	vadd.f32 v28, v6  }
0x443: {  	v56 =	vld [tilespmem:$0x1F570];
	v5 =	vadd.f32 v34, v5;
	vm2 =	veq.s32 v12, v39  }
0x444: {  	v60 =	vld [tilespmem:$0x1FFE0];
	v6 =	vadd.f32 v7, v6;
	v7 =	vnsel vm2, $0x0, v40;
	vm2 =	veq.s32 v12, v41  }
0x445: {  	v45 =	vld [tilespmem:$0x1FF30];
	v5 =	vadd.f32 v7, v5;
	v7 =	vnsel vm2, $0x0, v42;
	vm2 =	veq.s32 v12, v43  }
0x446: {  	v55 =	vpop (erf);
	v44 =	vnsel vm2, $0x0, v47;
	v47 =	vld [tilespmem:$0x1FF40]  }
0x447: {  	v2 =	vadd.f32 v55, v2;
	v58 =	vld [tilespmem:$0x1F580]  }
0x448: {  	v51 =	vld [tilespmem:$0x1F560];
	v6 =	vadd.f32 v37, v6  }
0x449: {  	v59 =	vld [tilespmem:$0x1FFA0];
	v2 =	vadd.f32 v3, v2  }
0x44a: {  	v57 =	vld [tilespmem:$0x1FF90];
	vm3 =	veq.s32 v12, v60;
	v6 =	vadd.f32 v7, v6;
	vm2 =	veq.s32 v12, v45  }
0x44b: {  	v62 =	vld [tilespmem:$0x1FFF0];
	v5 =	vadd.f32 v44, v5;
	v46 =	vnsel vm2, $0x0, v38;
	vm2 =	veq.s32 v12, v47  }
0x44c: {  	v61 =	vld [tilespmem:$0x1F590];
	v6 =	vadd.f32 v46, v6;
	v7 =	vnsel vm2, $0x0, v48;
	vm2 =	veq.s32 v12, v49  }
0x44d: {  	v63 =	vld [tilespmem:$0x1FBE0];
	v5 =	vadd.f32 v7, v5;
	v7 =	vnsel vm2, $0x0, v51;
	vm2 =	veq.s32 v12, v52  }
0x44e: {  	v6 =	vadd.f32 v7, v6;
	v53 =	vnsel vm2, $0x0, v50;
	vm2 =	veq.s32 v12, v54  }
0x44f: {  	v5 =	vadd.f32 v53, v5;
	v8 =	vnsel vm2, $0x0, v56;
	vm2 =	veq.s32 v12, v57  }
0x450: {  	v6 =	vadd.f32 v8, v6;
	v7 =	vnsel vm2, $0x0, v58;
	vm2 =	veq.s32 v12, v59  }
0x451: {  	v1 =	vnsel vm3, $0x0, v1;
	v5 =	vadd.f32 v7, v5;
	v7 =	vnsel vm2, $0x0, v61  }
0x452: {  	vm3 =	veq.s32 v12, v63;
	vm2 =	veq.s32 v12, v62;
	v6 =	vadd.f32 v7, v6  }
0x453: {  	v3 =	vnsel vm2, $0x0, v36;
	vm2 =	vmand vm3, vm1;
	v1 =	vadd.f32 v1, v5  }
0x454: {  	v0 =	vadd.f32 v0, v2;
	v4 =	vnsel vm2, $0x0, v4  }
0x455: {  	v3 =	vadd.f32 v3, v6;
	v1 =	vadd.f32 v4, v1;
	_ =	sdelay $0x1  }
0x456: {  	v2 =	vperm.xlane v0, v11;
	v1 =	vadd.f32 v1, v3;
	_ =	sdelay $0x1  }
0x457: {  	v0 =	vadd.f32 v0, v2;
	v2 =	vperm.xlane v1, v11;
	_ =	sdelay $0x1  }
0x458: {  	v1 =	vadd.f32 v1, v2;
	v2 =	vperm.xlane v0, v22;
	_ =	sdelay $0x1  }
0x459: {  	v0 =	vadd.f32 v0, v2;
	v2 =	vperm.xlane v1, v22;
	_ =	sdelay $0x1  }
0x45a: {  	v1 =	vadd.f32 v2, v1;
	v2 =	vperm.xlane v0, v24;
	_ =	sdelay $0x1  }
0x45b: {  	v2 =	vadd.f32 v0, v2;
	v0 =	vperm.xlane v1, v24;
	_ =	sdelay $0x1  }
0x45c: {  	v0 =	vadd.f32 v0, v1;
	v1 =	vperm.xlane v2, v26;
	_ =	sdelay $0x1  }
0x45d: {  	s22 =	simm.s32 $0x2;
	s23 =	simm.s32 $0x2;
	v1 =	vadd.f32 v2, v1;
	v2 =	vperm.xlane v0, v26  }
.LBB2_4:
0x45e: {  	_ = 	snop  }
0x45f: {  	v0 =	vadd.f32 v2, v0;
	v2 =	vlaneseq.u32  }
0x460: {  	vm2 =	veq.s32 v20, v2;
	v2 =	vld [tilespmem:$0x1F3F0];
	_ =	sdelay $0x4  }
0x461: {  	v2 =	vsel vm2, v1, v2;
	v1 =	vld [tilespmem:$0x1F400];
	_ =	sdelay $0x2  }
0x462: {  	s25 =	sand.u32 $0x7, s22;
	s19 =	sadd.s32 $0x1, s19  }
0x463: {  	p0 =	sne.s32 s24, $0xF;
	s20 =	sadd.s32 $0x400, s20;
	s25 =	sshll.u32 s25, $0x7  }
0x464: {  	s18 =	sadd.s32 $0x1, s18;
	s24 =	sadd.s32 s25, s20;
	[tilespmem:s19+$0x0] =	vst @!p0 v2;
	v1 =	vsel vm2, v0, v1  }
0x465: {  	s25 =	sor.u32 $0x1C30, s24;
	[tilespmem:s18+$0x0] =	vst @!p0 v1  }
0x466: {  	s29 =	sor.u32 $0x1C40, s24;
	v0 =	vld [tilespmem:s25+$0x8000]  }
0x467: {  	s21 =	sadd.s32 $0x80, s21;
	s26 =	sor.u32 $0x1C10, s24;
	v3 =	vld [tilespmem:s29+$0x8000]  }
0x468: {  	s30 =	sand.u32 $0x6000, s20;
	s28 =	sand.u32 $0x380, s21;
	s31 =	sor.u32 $0x1C20, s24;
	[tilespmem:$0x1F400] =	vst v1;
	v1 =	vld [tilespmem:s26+$0x8000]  }
0x469: {  	[tilespmem:$0x1F3F0] =	vst v2;
	s25 =	sor.u32 s28, s30;
	v2 =	vld [tilespmem:s31+$0x8000]  }
0x46a: {  	s29 =	sor.u32 $0x1C00, s24;
	v5 =	vld [tilespmem:s25+$0x9870]  }
0x46b: {  	s30 =	sor.u32 $0x1C60, s24;
	v6 =	vld [tilespmem:s29+$0x8000]  }
0x46c: {  	v17 =	vld.msk [tilespmem:s30+$0x8000], $0xff  }
0x46d: {  	v7 =	vld [tilespmem:s25+$0x9850]  }
0x46e: {  	v8 =	vld [tilespmem:s25+$0x9860]  }
0x46f: {  	v9 =	vld [tilespmem:s25+$0x9840];
	[tilespmem:$0x1F290] =	vst v0  }
0x470: {  	v11 =	vld [tilespmem:s25+$0x9820];
	[tilespmem:$0x1F2A0] =	vst v3  }
0x471: {  	v12 =	vld [tilespmem:s25+$0x9470];
	[tilespmem:$0x1F270] =	vst v1  }
0x472: {  	v15 =	vld [tilespmem:s25+$0x9460];
	[tilespmem:$0x1F280] =	vst v2  }
0x473: {  	v13 =	vld [tilespmem:s25+$0x9800];
	[tilespmem:$0x1F260] =	vst v6  }
0x474: {  	v10 =	vld [tilespmem:s25+$0x9810];
	[tilespmem:$0x1F240] =	vst v8  }
0x475: {  	v16 =	vld [tilespmem:s25+$0x9430];
	v0 =	vmul.f32 $1.442695020e+00, v0;
	v1 =	vmul.f32 $1.442695020e+00, v1;
	[tilespmem:$0x1F200] =	vst v11  }
0x476: {  	v4 =	vld [tilespmem:s25+$0x9830];
	v2 =	vmul.f32 $1.442695020e+00, v2;
	[tilespmem:$0x1F1D0] =	vst v12;
	v11 =	vmul.f32 $1.442695020e+00, v11  }
0x477: {  	v58 =	vld [tilespmem:s25+$0x9440];
	[tilespmem:$0x1F1C0] =	vst v15;
	v12 =	vmul.f32 $1.442695020e+00, v12;
	v15 =	vmul.f32 $1.442695020e+00, v15  }
0x478: {  	v14 =	vld [tilespmem:s25+$0x9450];
	[tilespmem:$0x1F220] =	vst v9;
	v63 =	vmul.f32 $1.442695020e+00, v13;
	(erf) = vpow2.f32 v0  }
0x479: {  	v61 =	vld [tilespmem:s25+$0x9400];
	[tilespmem:$0x1F1F0] =	vst v10;
	(erf) = vpow2.f32 v1;
	v1 =	vmul.f32 $1.442695020e+00, v3  }
0x47a: {  	v25 =	vld [tilespmem:s25+$0x9000];
	[tilespmem:$0x1F190] =	vst v16;
	v0 =	vmul.f32 $1.442695020e+00, v5;
	(erf) = vpow2.f32 v2  }
0x47b: {  	v59 =	vld [tilespmem:s25+$0x9420];
	v2 =	vmul.f32 $1.442695020e+00, v6;
	[tilespmem:$0x1EFC0] =	vst v1;
	v1 =	vmul.f32 $1.442695020e+00, v17  }
0x47c: {  	[tilespmem:$0x1F1A0] =	vst v58;
	v3 =	vld [tilespmem:s25+$0x9410];
	(erf) = vpow2.f32 v0;
	v0 =	vmul.f32 $1.442695020e+00, v8  }
0x47d: {  	v62 =	vld [tilespmem:s25+$0x9050];
	[tilespmem:$0x1EFB0] =	vst v2;
	v2 =	vmul.f32 $1.442695020e+00, v4;
	(erf) = vpow2.f32 v1  }
0x47e: {  	v60 =	vld [tilespmem:s25+$0x9070];
	[tilespmem:$0x1F160] =	vst v61;
	v8 =	vmul.f32 $1.442695020e+00, v9;
	(erf) = vpow2.f32 v0  }
0x47f: {  	v27 =	vld [tilespmem:s25+$0x8C50];
	[tilespmem:$0x1F0E0] =	vst v25;
	v1 =	vmul.f32 $1.442695020e+00, v7;
	(erf) = vpow2.f32 v2  }
0x480: {  	v29 =	vld [tilespmem:s25+$0x8C40];
	v49 =	vmul.f32 $1.442695020e+00, v14;
	[tilespmem:$0x1EFA0] =	vst v8;
	(erf) = vpow2.f32 v11  }
0x481: {  	v24 =	vmul.f32 $1.442695020e+00, v59;
	v57 =	vmul.f32 $1.442695020e+00, v58;
	[tilespmem:$0x1F170] =	vst v3;
	v2 =	vld [tilespmem:s25+$0x9060]  }
0x482: {  	v30 =	vld [tilespmem:s25+$0x8C10];
	v45 =	vmul.f32 $1.442695020e+00, v61;
	v43 =	vmul.f32 $1.442695020e+00, v62;
	[tilespmem:$0x1EF90] =	vst v1;
	v0 =	vpop (erf)  }
0x483: {  	v31 =	vld [tilespmem:s25+$0x8C20];
	v35 =	vmul.f32 $1.442695020e+00, v25;
	(erf) = vpow2.f32 v12;
	[tilespmem:$0x1F030] =	vst v0;
	v1 =	vpop (erf)  }
0x484: {  	v8 =	vld [tilespmem:s25+$0x9030];
	[tilespmem:$0x1F040] =	vst v1;
	v1 =	vmul.f32 $1.442695020e+00, v16;
	v11 =	vpop (erf);
	(erf) = vpow2.f32 v15  }
0x485: {  	v25 =	vmul.f32 $1.442695020e+00, v27;
	v22 =	vmul.f32 $1.442695020e+00, v29;
	[tilespmem:$0x1F020] =	vst v11;
	v11 =	vld [tilespmem:s25+$0x9020];
	v0 =	vpop (erf)  }
0x486: {  	v6 =	vmul.f32 $1.442695020e+00, v60;
	v16 =	vld [tilespmem:s25+$0x8C70];
	[tilespmem:$0x1F140] =	vst v2;
	(erf) = vpow2.f32 v1;
	v26 =	vpop (erf)  }
0x487: {  	v58 =	vld [tilespmem:s25+$0x8420];
	v9 =	vmul.f32 $1.442695020e+00, v10;
	[tilespmem:$0x1F000] =	vst v0;
	(erf) = vpow2.f32 v24;
	v0 =	vpop (erf)  }
0x488: {  	v47 =	vmul.f32 $1.442695020e+00, v3;
	v3 =	vld [tilespmem:s25+$0x8C60];
	v28 =	vmul.f32 $1.442695020e+00, v2;
	[tilespmem:$0x1EFF0] =	vst v0;
	v1 =	vpop (erf)  }
0x489: {  	v2 =	vld [tilespmem:s25+$0x8C30];
	(erf) = vpow2.f32 v6;
	[tilespmem:$0x1EFE0] =	vst v1;
	v1 =	vmul.f32 $1.442695020e+00, v8;
	v0 =	vpop (erf)  }
0x48a: {  	v10 =	vld [tilespmem:s25+$0x9010];
	(erf) = vpow2.f32 v28;
	[tilespmem:$0x1EFD0] =	vst v0;
	v0 =	vmul.f32 $1.442695020e+00, v11  }
0x48b: {  	[tilespmem:$0x1EF70] =	vst v9;
	v9 =	vld [tilespmem:s25+$0x9040];
	(erf) = vpow2.f32 v1;
	v1 =	vmul.f32 $1.442695020e+00, v16  }
0x48c: {  	v19 =	vmul.f32 $1.442695020e+00, v30;
	[tilespmem:$0x1F110] =	vst v8;
	v8 =	vld [tilespmem:s25+$0x8870];
	v61 =	vpop (erf);
	(erf) = vpow2.f32 v0  }
0x48d: {  	[tilespmem:$0x1F180] =	vst v59;
	v59 =	vld [tilespmem:s25+$0x8860];
	v55 =	vpop (erf);
	v0 =	vmul.f32 $1.442695020e+00, v3;
	(erf) = vpow2.f32 v1  }
0x48e: {  	v53 =	vld [tilespmem:s25+$0x8830];
	[tilespmem:$0x1F210] =	vst v4;
	v4 =	vmul.f32 $1.442695020e+00, v58;
	v1 =	vmul.f32 $1.442695020e+00, v2  }
0x48f: {  	v50 =	vld [tilespmem:s25+$0x8820];
	[tilespmem:$0x1F250] =	vst v5;
	v38 =	vmul.f32 $1.442695020e+00, v10;
	v51 =	vpop (erf);
	(erf) = vpow2.f32 v0  }
0x490: {  	v48 =	vld [tilespmem:s25+$0x8470];
	[tilespmem:$0x1F050] =	vst v17;
	v0 =	vmul.f32 $1.442695020e+00, v31;
	v46 =	vpop (erf);
	(erf) = vpow2.f32 v1  }
0x491: {  	v52 =	vld [tilespmem:s25+$0x8460];
	[tilespmem:$0x1F230] =	vst v7;
	v41 =	vmul.f32 $1.442695020e+00, v9;
	v1 =	vmul.f32 $1.442695020e+00, v8  }
0x492: {  	v54 =	vld [tilespmem:s25+$0x8430];
	[tilespmem:$0x1F1B0] =	vst v14;
	v44 =	vpop (erf);
	(erf) = vpow2.f32 v0;
	v0 =	vmul.f32 $1.442695020e+00, v59  }
0x493: {  	[tilespmem:$0x1F130] =	vst v62;
	v62 =	vld [tilespmem:s25+$0x8060];
	v42 =	vpop (erf);
	(erf) = vpow2.f32 v1;
	v1 =	vmul.f32 $1.442695020e+00, v53  }
0x494: {  	v40 =	vld [tilespmem:s25+$0x8070];
	[tilespmem:$0x1F120] =	vst v9;
	v9 =	vmul.f32 $1.442695020e+00, v50;
	v39 =	vpop (erf);
	(erf) = vpow2.f32 v0  }
0x495: {  	v23 =	vld [tilespmem:s25+$0x8010];
	[tilespmem:$0x1F080] =	vst v31;
	v0 =	vmul.f32 $1.442695020e+00, v48;
	v36 =	vpop (erf);
	(erf) = vpow2.f32 v1  }
0x496: {  	[tilespmem:$0x1F0F0] =	vst v10;
	v10 =	vmul.f32 $1.442695020e+00, v52;
	v31 =	vld [tilespmem:s25+$0x8020];
	v28 =	vpop (erf);
	(erf) = vpow2.f32 v9  }
0x497: {  	v34 =	vld [tilespmem:s25+$0x8030];
	[tilespmem:$0x1F100] =	vst v11;
	v11 =	vmul.f32 $1.442695020e+00, v54;
	(erf) = vpow2.f32 v0  }
0x498: {  	[tilespmem:$0x1F0B0] =	vst v27;
	v5 =	vmul.f32 $1.442695020e+00, v62;
	v24 =	vld [tilespmem:s25+$0x8000];
	v21 =	vpop (erf);
	(erf) = vpow2.f32 v10  }
0x499: {  	[tilespmem:$0x1F010] =	vst v26;
	v26 =	vld [tilespmem:s25+$0x8040];
	v20 =	vpop (erf);
	v10 =	vmul.f32 $1.442695020e+00, v40;
	(erf) = vpow2.f32 v11  }
0x49a: {  	[tilespmem:$0x1F0A0] =	vst v29;
	v29 =	vld [tilespmem:s25+$0x8050];
	v6 =	vmul.f32 $1.442695020e+00, v23;
	(erf) = vpow2.f32 v4  }
0x49b: {  	v32 =	vld [tilespmem:s25+$0x8410];
	[tilespmem:$0x1F070] =	vst v30;
	v0 =	vmul.f32 $1.442695020e+00, v31;
	v17 =	vpop (erf);
	(erf) = vpow2.f32 v10  }
0x49c: {  	v27 =	vld [tilespmem:s25+$0x8400];
	[tilespmem:$0x1F0D0] =	vst v16;
	v16 =	vpop (erf);
	v10 =	vmul.f32 $1.442695020e+00, v34;
	(erf) = vpow2.f32 v5  }
0x49d: {  	v30 =	vld [tilespmem:s25+$0x8440];
	[tilespmem:$0x1EF80] =	vst v63;
	v63 =	vmul.f32 $1.442695020e+00, v24;
	(erf) = vpow2.f32 v0;
	v14 =	vpop (erf)  }
0x49e: {  	v37 =	vld [tilespmem:s25+$0x8450];
	[tilespmem:$0x1F1E0] =	vst v13;
	v7 =	vmul.f32 $1.442695020e+00, v26;
	(erf) = vpow2.f32 v10;
	v13 =	vpop (erf)  }
0x49f: {  	v33 =	vld [tilespmem:s25+$0x8800];
	v0 =	vmul.f32 $1.442695020e+00, v29;
	(erf) = vpow2.f32 v6;
	v12 =	vpop (erf)  }
0x4a0: {  	v56 =	vld [tilespmem:s25+$0x8810];
	[tilespmem:$0x1F0C0] =	vst v3;
	v3 =	vmul.f32 $1.442695020e+00, v32;
	(erf) = vpow2.f32 v63;
	v11 =	vpop (erf)  }
0x4a1: {  	[tilespmem:$0x1F090] =	vst v2;
	v2 =	vmul.f32 $1.442695020e+00, v27;
	v63 =	vld [tilespmem:s25+$0x8850];
	(erf) = vpow2.f32 v0;
	v10 =	vpop (erf)  }
0x4a2: {  	[tilespmem:$0x1F150] =	vst v60;
	v60 =	vld [tilespmem:s25+$0x8C00];
	v1 =	vmul.f32 $1.442695020e+00, v30;
	(erf) = vpow2.f32 v7;
	v9 =	vpop (erf)  }
0x4a3: {  	v15 =	vld [tilespmem:s25+$0x8840];
	[tilespmem:$0x1F060] =	vst v8;
	v4 =	vmul.f32 $1.442695020e+00, v37;
	(erf) = vpow2.f32 v3;
	v8 =	vpop (erf)  }
0x4a4: {  	v3 =	vmul.f32 $1.442695020e+00, v33;
	v7 =	vpop (erf);
	(erf) = vpow2.f32 v2  }
0x4a5: {  	v2 =	vmul.f32 $1.442695020e+00, v56;
	v6 =	vpop (erf);
	(erf) = vpow2.f32 v4  }
0x4a6: {  	v4 =	vmul.f32 $1.442695020e+00, v63;
	v0 =	vpop (erf);
	(erf) = vpow2.f32 v1  }
0x4a7: {  	v18 =	vmul.f32 $1.442695020e+00, v60;
	v1 =	vadd.f32 $0.0e+00, v0;
	v0 =	vpop (erf);
	(erf) = vpow2.f32 v2  }
0x4a8: {  	v5 =	vmul.f32 $1.442695020e+00, v15;
	v2 =	vadd.f32 $0.0e+00, v0;
	v0 =	vpop (erf);
	(erf) = vpow2.f32 v3  }
0x4a9: {  	v0 =	vadd.f32 $0.0e+00, v0;
	v1 =	vadd.f32 v6, v1;
	v3 =	vpop (erf);
	(erf) = vpow2.f32 v4  }
0x4aa: {  	v3 =	vadd.f32 $0.0e+00, v3;
	v2 =	vadd.f32 v7, v2;
	v4 =	vpop (erf);
	(erf) = vpow2.f32 v5  }
0x4ab: {  	v0 =	vadd.f32 v4, v0;
	v1 =	vadd.f32 v8, v1;
	v4 =	vpop (erf);
	(erf) = vpow2.f32 v19  }
0x4ac: {  	v3 =	vadd.f32 v4, v3;
	v2 =	vadd.f32 v9, v2;
	v4 =	vpop (erf);
	(erf) = vpow2.f32 v18  }
0x4ad: {  	v0 =	vadd.f32 v4, v0;
	v1 =	vadd.f32 v10, v1;
	v4 =	vpop (erf);
	(erf) = vpow2.f32 v25  }
0x4ae: {  	v3 =	vadd.f32 v4, v3;
	v2 =	vadd.f32 v11, v2;
	v25 =	vpop (erf);
	(erf) = vpow2.f32 v22  }
0x4af: {  	v0 =	vadd.f32 v25, v0;
	v1 =	vadd.f32 v12, v1;
	v25 =	vpop (erf);
	(erf) = vpow2.f32 v38  }
0x4b0: {  	v3 =	vadd.f32 v25, v3;
	v2 =	vadd.f32 v13, v2;
	v12 =	vpop (erf);
	(erf) = vpow2.f32 v35  }
0x4b1: {  	v10 =	vld [tilespmem:$0x1FF60];
	v0 =	vadd.f32 v12, v0;
	v1 =	vadd.f32 v14, v1;
	v13 =	vpop (erf);
	(erf) = vpow2.f32 v43  }
0x4b2: {  	v38 =	vld [tilespmem:$0x1EF70];
	v3 =	vadd.f32 v13, v3;
	v2 =	vadd.f32 v16, v2;
	v14 =	vpop (erf);
	(erf) = vpow2.f32 v41  }
0x4b3: {  	v43 =	vld [tilespmem:$0x1EF90];
	v0 =	vadd.f32 v14, v0;
	v1 =	vadd.f32 v17, v1;
	v16 =	vpop (erf);
	(erf) = vpow2.f32 v47  }
0x4b4: {  	v12 =	vld [tilespmem:$0x1EFB0];
	v3 =	vadd.f32 v16, v3;
	v2 =	vadd.f32 v20, v2;
	v17 =	vpop (erf);
	(erf) = vpow2.f32 v45  }
0x4b5: {  	v41 =	vld [tilespmem:$0x1EF80];
	v0 =	vadd.f32 v17, v0;
	v1 =	vadd.f32 v21, v1;
	v25 =	vpop (erf)  }
0x4b6: {  	v45 =	vld [tilespmem:$0x1EFA0];
	(erf) = vpow2.f32 v49;
	v3 =	vadd.f32 v25, v3;
	v2 =	vadd.f32 v28, v2;
	v35 =	vpop (erf)  }
0x4b7: {  	s24 =	sor.u32 $0x1C50, s24;
	v16 =	vld [tilespmem:$0x1EFC0];
	v0 =	vadd.f32 v35, v0;
	v1 =	vadd.f32 v36, v1;
	v36 =	vpop (erf)  }
0x4b8: {  	v49 =	vld [tilespmem:s24+$0x8000];
	(erf) = vpow2.f32 v57;
	v3 =	vadd.f32 v36, v3;
	v2 =	vadd.f32 v39, v2;
	v39 =	vpop (erf)  }
0x4b9: {  	s31 =	sadd.s32 $0x20, s23;
	v17 =	vld [tilespmem:$0x1EFD0];
	(erf) = vpow2.f32 v38;
	v0 =	vadd.f32 v39, v0;
	v1 =	vadd.f32 v42, v1;
	v42 =	vpop (erf)  }
0x4ba: {  	s25 =	sand.u32 $0x7FFFFFF0, s31;
	s24 =	sand.u32 $0xF, s23;
	v28 =	vld [tilespmem:$0x1EFE0];
	(erf) = vpow2.f32 v41;
	v3 =	vadd.f32 v42, v3;
	v2 =	vadd.f32 v44, v2;
	v44 =	vpop (erf)  }
0x4bb: {  	v20 =	vmov s24;
	v36 =	vld [tilespmem:s25+$0x10000];
	(erf) = vpow2.f32 v43;
	v0 =	vadd.f32 v44, v0;
	v47 =	vpop (erf)  }
0x4bc: {  	v38 =	vld [tilespmem:$0x1EFF0];
	(erf) = vpow2.f32 v45;
	v1 =	vadd.f32 v46, v1;
	v3 =	vadd.f32 v47, v3;
	v57 =	vpop (erf)  }
0x4bd: {  	v42 =	vld [tilespmem:$0x1F010];
	v46 =	vmul.f32 $1.442695020e+00, v49;
	v2 =	vadd.f32 v51, v2;
	v0 =	vadd.f32 v57, v0;
	v13 =	vpop (erf)  }
0x4be: {  	v41 =	vld [tilespmem:$0x1F000];
	(erf) = vpow2.f32 v12;
	v1 =	vadd.f32 v55, v1;
	v3 =	vadd.f32 v13, v3  }
0x4bf: {  	v44 =	vld [tilespmem:$0x1F020];
	(erf) = vpow2.f32 v46;
	v2 =	vadd.f32 v61, v2;
	v14 =	vpop (erf);
	v61 =	vadd.f32 $0.0e+00, v23  }
0x4c0: {  	v47 =	vld [tilespmem:$0x1F030];
	v7 =	vperm.xlane v36, v20;
	v0 =	vadd.f32 v14, v0;
	v1 =	vadd.f32 v17, v1  }
0x4c1: {  	(erf) = vpow2.f32 v16;
	v25 =	vpop (erf);
	v14 =	vadd.f32 $0.0e+00, v24;
	v24 =	vld [tilespmem:$0x1FC00];
	v2 =	vadd.f32 v28, v2  }
0x4c2: {  	v51 =	vld [tilespmem:$0x1F040];
	v4 =	vperm.xlane v42, v10;
	v3 =	vadd.f32 v25, v3;
	v35 =	vpop (erf);
	v1 =	vadd.f32 v38, v1  }
0x4c3: {  	v17 =	vlaneseq.u32;
	v0 =	vadd.f32 v35, v0;
	v39 =	vpop (erf);
	v35 =	vld [tilespmem:$0x1FBF0];
	v2 =	vadd.f32 v41, v2  }
0x4c4: {  	vm3 =	veq.s32 v7, v17;
	v3 =	vadd.f32 v39, v3;
	v43 =	vpop (erf);
	v39 =	vld [tilespmem:$0x1FC20];
	v11 =	vadd.f32 v44, v1  }
0x4c5: {  	v42 =	vld [tilespmem:$0x1FC40];
	v0 =	vadd.f32 v43, v0;
	v46 =	vpop (erf);
	v8 =	vadd.f32 v47, v2;
	v2 =	vsel vm0, $0x0, v4  }
0x4c6: {  	v3 =	vadd.f32 v46, v3;
	vm4 =	veq.s32 v7, v24;
	v9 =	vadd.f32 v2, v11;
	v11 =	vld [tilespmem:$0x1FC50]  }
0x4c7: {  	v55 =	vld [tilespmem:$0x1F050];
	v28 =	vnsel vm3, $0x0, v14;
	v0 =	vadd.f32 v51, v0;
	v1 =	vpop (erf);
	v36 =	vnsel vm4, $0x0, v31  }
0x4c8: {  	v44 =	vld [tilespmem:$0x1FC60];
	v3 =	vadd.f32 v1, v3;
	v1 =	vpop (erf);
	vm3 =	veq.s32 v7, v35;
	v4 =	vadd.f32 v36, v28  }
0x4c9: {  	v46 =	vld [tilespmem:$0x1FC80];
	v1 =	vadd.f32 v1, v0;
	v0 =	vadd.f32 v9, v8;
	vm6 =	veq.s32 v7, v39  }
0x4ca: {  	v5 =	vnsel vm3, $0x0, v61;
	vm3 =	veq.s32 v7, v42;
	v8 =	vnsel vm6, $0x0, v26  }
0x4cb: {  	v4 =	vadd.f32 v8, v4;
	v8 =	vnsel vm3, $0x0, v62;
	vm3 =	veq.s32 v7, v11;
	v11 =	vld [tilespmem:$0x1FC70]  }
0x4cc: {  	v51 =	vld [tilespmem:$0x1FCA0]  }
0x4cd: {  	v45 =	vperm.xlane v49, v10;
	vm13 =	veq.s32 v7, v44;
	v4 =	vadd.f32 v8, v4  }
0x4ce: {  	v57 =	vperm.xlane v55, v10;
	v55 =	vld [tilespmem:$0x1FCC0];
	vm14 =	veq.s32 v7, v46;
	v8 =	vnsel vm13, $0x0, v27  }
0x4cf: {  	v4 =	vadd.f32 v8, v4;
	v8 =	vnsel vm14, $0x0, v58;
	v58 =	vld [tilespmem:$0x1FCE0]  }
0x4d0: {  	v2 =	vsel vm0, v45, v57;
	v45 =	vnsel vm3, $0x0, v40;
	vm3 =	veq.s32 v7, v11;
	v11 =	vld [tilespmem:$0x1FC90]  }
0x4d1: {  	vm15 =	veq.s32 v7, v51;
	v4 =	vadd.f32 v8, v4  }
0x4d2: {  	v13 =	vpop (erf);
	v62 =	vld [tilespmem:$0x1FD00];
	v8 =	vnsel vm15, $0x0, v30  }
0x4d3: {  	vm8 =	veq.s32 v7, v55;
	v3 =	vadd.f32 v13, v3;
	v13 =	vld [tilespmem:$0x1FD20];
	v4 =	vadd.f32 v8, v4  }
0x4d4: {  	v47 =	vnsel vm3, $0x0, v32;
	v8 =	vnsel vm8, $0x0, v52  }
0x4d5: {  	vm9 =	veq.s32 v7, v58;
	v4 =	vadd.f32 v8, v4;
	vm3 =	veq.s32 v7, v11;
	v11 =	vld [tilespmem:$0x1FCB0]  }
0x4d6: {  	v8 =	vnsel vm9, $0x0, v33  }
0x4d7: {  	vm10 =	veq.s32 v7, v62;
	v4 =	vadd.f32 v8, v4  }
0x4d8: {  	v38 =	vld [tilespmem:$0x1FC10];
	vm11 =	veq.s32 v7, v13;
	v8 =	vnsel vm10, $0x0, v50  }
0x4d9: {  	v4 =	vadd.f32 v8, v4;
	v8 =	vnsel vm11, $0x0, v15;
	v15 =	vld [tilespmem:$0x1FD40]  }
0x4da: {  	v54 =	vnsel vm3, $0x0, v54;
	vm3 =	veq.s32 v7, v11;
	v11 =	vld [tilespmem:$0x1FCD0]  }
0x4db: {  	v17 =	vld [tilespmem:$0x1FD60]  }
0x4dc: {  	v25 =	vld [tilespmem:$0x1FC30]  }
0x4dd: {  	vm12 =	veq.s32 v7, v38  }
0x4de: {  	v41 =	vnsel vm12, $0x0, v34;
	v4 =	vadd.f32 v8, v4;
	vm12 =	veq.s32 v7, v15  }
0x4df: {  	v57 =	vnsel vm3, $0x0, v37;
	v8 =	vnsel vm12, $0x0, v59;
	vm3 =	veq.s32 v7, v11;
	v11 =	vld [tilespmem:$0x1FCF0]  }
0x4e0: {  	vm13 =	veq.s32 v7, v17;
	v4 =	vadd.f32 v8, v4  }
0x4e1: {  	vm5 =	veq.s32 v7, v25;
	v25 =	vld [tilespmem:$0x1FD80];
	v8 =	vnsel vm13, $0x0, v60  }
0x4e2: {  	v4 =	vadd.f32 v8, v4;
	v8 =	vld [tilespmem:$0x1F080];
	_ =	sdelay $0x1  }
0x4e3: {  	v61 =	vnsel vm3, $0x0, v48;
	vm3 =	veq.s32 v7, v11;
	v11 =	vld [tilespmem:$0x1FD10];
	_ =	sdelay $0x1  }
0x4e4: {  	vm14 =	veq.s32 v7, v25  }
0x4e5: {  	v27 =	vld [tilespmem:$0x1FDA0];
	v8 =	vnsel vm14, $0x0, v8  }
0x4e6: {  	v4 =	vadd.f32 v8, v4;
	v8 =	vld [tilespmem:$0x1F0A0]  }
0x4e7: {  	v5 =	vadd.f32 v41, v5;
	v12 =	vnsel vm3, $0x0, v56;
	vm3 =	veq.s32 v7, v11;
	v11 =	vld [tilespmem:$0x1FD30]  }
0x4e8: {  	v43 =	vnsel vm5, $0x0, v29  }
0x4e9: {  	v5 =	vadd.f32 v43, v5  }
0x4ea: {  	v16 =	vld [tilespmem:$0x1FFF0]  }
0x4eb: {  	v29 =	vld [tilespmem:$0x1FDC0];
	v5 =	vadd.f32 v45, v5;
	vm15 =	veq.s32 v7, v27  }
0x4ec: {  	v14 =	vnsel vm3, $0x0, v53;
	v8 =	vnsel vm15, $0x0, v8;
	vm3 =	veq.s32 v7, v11;
	v11 =	vld [tilespmem:$0x1FD50]  }
0x4ed: {  	v5 =	vadd.f32 v47, v5;
	v4 =	vadd.f32 v8, v4;
	v8 =	vld [tilespmem:$0x1F0C0];
	_ =	sdelay $0x1  }
0x4ee: {  	v5 =	vadd.f32 v54, v5  }
0x4ef: {  	vm2 =	veq.s32 v7, v16;
	v24 =	vld [tilespmem:$0x1F060];
	vm8 =	veq.s32 v7, v29  }
0x4f0: {  	v5 =	vadd.f32 v57, v5;
	v16 =	vnsel vm3, $0x0, v63;
	vm3 =	veq.s32 v7, v11;
	v11 =	vld [tilespmem:$0x1FD70]  }
0x4f1: {  	v31 =	vld [tilespmem:$0x1FDE0];
	v8 =	vnsel vm8, $0x0, v8  }
0x4f2: {  	v5 =	vadd.f32 v61, v5;
	v4 =	vadd.f32 v8, v4;
	v8 =	vld [tilespmem:$0x1F0E0];
	_ =	sdelay $0x1  }
0x4f3: {  	v26 =	vld [tilespmem:$0x1F070];
	v5 =	vadd.f32 v12, v5  }
0x4f4: {  	v6 =	vnsel vm3, $0x0, v24;
	vm3 =	veq.s32 v7, v11;
	v11 =	vld [tilespmem:$0x1FD90]  }
0x4f5: {  	vm9 =	veq.s32 v7, v31;
	v5 =	vadd.f32 v14, v5  }
0x4f6: {  	v33 =	vld [tilespmem:$0x1FE00];
	v8 =	vnsel vm9, $0x0, v8  }
0x4f7: {  	v5 =	vadd.f32 v16, v5;
	v4 =	vadd.f32 v8, v4;
	v8 =	vld [tilespmem:$0x1F100]  }
0x4f8: {  	v28 =	vld [tilespmem:$0x1F090]  }
0x4f9: {  	v5 =	vadd.f32 v6, v5;
	v6 =	vnsel vm3, $0x0, v26;
	vm3 =	veq.s32 v7, v11;
	v11 =	vld [tilespmem:$0x1FDB0];
	_ =	sdelay $0x1  }
0x4fa: {  	v35 =	vld [tilespmem:$0x1FE20];
	vm10 =	veq.s32 v7, v33  }
0x4fb: {  	v30 =	vld [tilespmem:$0x1F0B0];
	v8 =	vnsel vm10, $0x0, v8  }
0x4fc: {  	v4 =	vadd.f32 v8, v4;
	v8 =	vld [tilespmem:$0x1F120]  }
0x4fd: {  	v5 =	vadd.f32 v6, v5;
	v6 =	vnsel vm3, $0x0, v28;
	vm3 =	veq.s32 v7, v11;
	v11 =	vld [tilespmem:$0x1FDD0];
	_ =	sdelay $0x2  }
0x4fe: {  	v32 =	vld [tilespmem:$0x1F0D0]  }
0x4ff: {  	vm11 =	veq.s32 v7, v35;
	v37 =	vld [tilespmem:$0x1FE40];
	v5 =	vadd.f32 v6, v5  }
0x500: {  	v6 =	vnsel vm3, $0x0, v30;
	v8 =	vnsel vm11, $0x0, v8;
	vm3 =	veq.s32 v7, v11;
	v11 =	vld [tilespmem:$0x1FDF0]  }
0x501: {  	v4 =	vadd.f32 v8, v4;
	v8 =	vld [tilespmem:$0x1F140];
	_ =	sdelay $0x2  }
0x502: {  	v34 =	vld [tilespmem:$0x1F0F0];
	vm12 =	veq.s32 v7, v37  }
0x503: {  	v5 =	vadd.f32 v6, v5;
	v6 =	vnsel vm3, $0x0, v32;
	vm3 =	veq.s32 v7, v11;
	v11 =	vld [tilespmem:$0x1FE10]  }
0x504: {  	v39 =	vld [tilespmem:$0x1FE60];
	v8 =	vnsel vm12, $0x0, v8  }
0x505: {  	v4 =	vadd.f32 v8, v4;
	v8 =	vld [tilespmem:$0x1F160];
	_ =	sdelay $0x1  }
0x506: {  	v36 =	vld [tilespmem:$0x1F110]  }
0x507: {  	v5 =	vadd.f32 v6, v5;
	v6 =	vnsel vm3, $0x0, v34;
	vm3 =	veq.s32 v7, v11;
	v11 =	vld [tilespmem:$0x1FE30]  }
0x508: {  	vm13 =	veq.s32 v7, v39  }
0x509: {  	v41 =	vld [tilespmem:$0x1FE80];
	v8 =	vnsel vm13, $0x0, v8  }
0x50a: {  	v4 =	vadd.f32 v8, v4;
	v8 =	vld [tilespmem:$0x1F180]  }
0x50b: {  	v38 =	vld [tilespmem:$0x1F130]  }
0x50c: {  	v5 =	vadd.f32 v6, v5;
	v6 =	vnsel vm3, $0x0, v36;
	vm3 =	veq.s32 v7, v11;
	v11 =	vld [tilespmem:$0x1FE50];
	_ =	sdelay $0x1  }
0x50d: {  	v43 =	vld [tilespmem:$0x1FEA0];
	vm14 =	veq.s32 v7, v41  }
0x50e: {  	v40 =	vld [tilespmem:$0x1F150];
	v8 =	vnsel vm14, $0x0, v8  }
0x50f: {  	v4 =	vadd.f32 v8, v4;
	v8 =	vld [tilespmem:$0x1F1A0]  }
0x510: {  	v5 =	vadd.f32 v6, v5;
	v6 =	vnsel vm3, $0x0, v38;
	vm3 =	veq.s32 v7, v11;
	v11 =	vld [tilespmem:$0x1FE70];
	_ =	sdelay $0x2  }
0x511: {  	v42 =	vld [tilespmem:$0x1F170]  }
0x512: {  	v45 =	vld [tilespmem:$0x1FEC0];
	vm15 =	veq.s32 v7, v43;
	v5 =	vadd.f32 v6, v5  }
0x513: {  	v6 =	vnsel vm3, $0x0, v40;
	v8 =	vnsel vm15, $0x0, v8;
	vm3 =	veq.s32 v7, v11;
	v11 =	vld [tilespmem:$0x1FE90]  }
0x514: {  	v4 =	vadd.f32 v8, v4;
	v8 =	vld [tilespmem:$0x1F1C0];
	_ =	sdelay $0x2  }
0x515: {  	v44 =	vld [tilespmem:$0x1F190];
	vm8 =	veq.s32 v7, v45  }
0x516: {  	v5 =	vadd.f32 v6, v5;
	v6 =	vnsel vm3, $0x0, v42;
	vm3 =	veq.s32 v7, v11;
	v11 =	vld [tilespmem:$0x1FEB0]  }
0x517: {  	v47 =	vld [tilespmem:$0x1FEE0];
	v8 =	vnsel vm8, $0x0, v8  }
0x518: {  	v4 =	vadd.f32 v8, v4;
	v8 =	vld [tilespmem:$0x1F1E0];
	_ =	sdelay $0x1  }
0x519: {  	v46 =	vld [tilespmem:$0x1F1B0]  }
0x51a: {  	v5 =	vadd.f32 v6, v5;
	v6 =	vnsel vm3, $0x0, v44;
	vm3 =	veq.s32 v7, v11;
	v11 =	vld [tilespmem:$0x1FED0]  }
0x51b: {  	vm9 =	veq.s32 v7, v47  }
0x51c: {  	v50 =	vld [tilespmem:$0x1FF00];
	v8 =	vnsel vm9, $0x0, v8  }
0x51d: {  	v4 =	vadd.f32 v8, v4;
	v8 =	vld [tilespmem:$0x1F200]  }
0x51e: {  	v48 =	vld [tilespmem:$0x1F1D0]  }
0x51f: {  	v5 =	vadd.f32 v6, v5;
	v6 =	vnsel vm3, $0x0, v46;
	vm3 =	veq.s32 v7, v11;
	v11 =	vld [tilespmem:$0x1FEF0];
	_ =	sdelay $0x1  }
0x520: {  	v51 =	vld [tilespmem:$0x1F1F0];
	vm10 =	veq.s32 v7, v50  }
0x521: {  	v52 =	vld [tilespmem:$0x1FF20];
	v8 =	vnsel vm10, $0x0, v8  }
0x522: {  	v4 =	vadd.f32 v8, v4;
	v8 =	vld [tilespmem:$0x1F220]  }
0x523: {  	v5 =	vadd.f32 v6, v5;
	v6 =	vnsel vm3, $0x0, v48;
	vm3 =	veq.s32 v7, v11;
	v11 =	vld [tilespmem:$0x1FF10];
	_ =	sdelay $0x2  }
0x524: {  	v54 =	vld [tilespmem:$0x1FF40]  }
0x525: {  	v53 =	vld [tilespmem:$0x1F210];
	vm11 =	veq.s32 v7, v52;
	v5 =	vadd.f32 v6, v5  }
0x526: {  	v8 =	vnsel vm11, $0x0, v8;
	v6 =	vnsel vm3, $0x0, v51;
	vm3 =	veq.s32 v7, v11;
	v11 =	vld [tilespmem:$0x1FF30]  }
0x527: {  	v4 =	vadd.f32 v8, v4;
	v8 =	vld [tilespmem:$0x1F240];
	_ =	sdelay $0x2  }
0x528: {  	v55 =	vld [tilespmem:$0x1F230];
	vm12 =	veq.s32 v7, v54  }
0x529: {  	v5 =	vadd.f32 v6, v5;
	v6 =	vnsel vm3, $0x0, v53;
	vm3 =	veq.s32 v7, v11;
	v11 =	vld [tilespmem:$0x1FF50]  }
0x52a: {  	v56 =	vld [tilespmem:$0x1FF70];
	v8 =	vnsel vm12, $0x0, v8  }
0x52b: {  	v4 =	vadd.f32 v8, v4;
	v8 =	vld [tilespmem:$0x1F260];
	_ =	sdelay $0x1  }
0x52c: {  	v57 =	vld [tilespmem:$0x1F250]  }
0x52d: {  	v5 =	vadd.f32 v6, v5;
	v6 =	vnsel vm3, $0x0, v55;
	vm3 =	veq.s32 v7, v11;
	v11 =	vld [tilespmem:$0x1FF80]  }
0x52e: {  	vm13 =	veq.s32 v7, v56  }
0x52f: {  	v58 =	vld [tilespmem:$0x1FF90];
	v8 =	vnsel vm13, $0x0, v8  }
0x530: {  	v4 =	vadd.f32 v8, v4;
	v8 =	vld [tilespmem:$0x1F280]  }
0x531: {  	v59 =	vld [tilespmem:$0x1F270]  }
0x532: {  	v5 =	vadd.f32 v6, v5;
	v6 =	vnsel vm3, $0x0, v57;
	vm3 =	veq.s32 v7, v11;
	v11 =	vld [tilespmem:$0x1FFA0];
	_ =	sdelay $0x1  }
0x533: {  	v60 =	vld [tilespmem:$0x1FFE0];
	vm14 =	veq.s32 v7, v58  }
0x534: {  	v61 =	vld [tilespmem:$0x1F290];
	v8 =	vnsel vm14, $0x0, v8  }
0x535: {  	v4 =	vadd.f32 v8, v4;
	v8 =	vld [tilespmem:$0x1F2A0]  }
0x536: {  	v5 =	vadd.f32 v6, v5;
	v6 =	vnsel vm3, $0x0, v59;
	vm3 =	veq.s32 v7, v11;
	v11 =	vld [tilespmem:$0x1FBE0];
	_ =	sdelay $0x3  }
0x537: {  	vm15 =	veq.s32 v7, v60;
	v5 =	vadd.f32 v6, v5  }
0x538: {  	v8 =	vnsel vm15, $0x0, v8;
	v6 =	vnsel vm3, $0x0, v61;
	vm3 =	veq.s32 v7, v11  }
0x539: {  	v4 =	vadd.f32 v8, v4;
	v5 =	vadd.f32 v6, v5;
	vm3 =	vmand vm3, vm1  }
0x53a: {  	v1 =	vadd.f32 v1, v3;
	v62 =	vnsel vm2, $0x0, v49;
	v2 =	vnsel vm3, $0x0, v2  }
0x53b: {  	v3 =	vadd.f32 v62, v5;
	v2 =	vadd.f32 v2, v4;
	_ =	sdelay $0x1  }
0x53c: {  	v0 =	vadd.f32 v0, v1;
	v1 =	vadd.f32 v2, v3;
	_ =	sdelay $0x1  }
0x53d: {  	v3 =	vperm.xlane v1, v10;
	_ =	sdelay $0x1  }
0x53e: {  	v1 =	vadd.f32 v1, v3;
	v3 =	vld [tilespmem:$0x1FFB0]  }
0x53f: {  	v2 =	vperm.xlane v0, v10;
	_ =	sdelay $0x1  }
0x540: {  	v0 =	vadd.f32 v0, v2;
	_ =	sdelay $0x1  }
0x541: {  	v2 =	vperm.xlane v0, v3;
	v3 =	vperm.xlane v1, v3;
	_ =	sdelay $0x1  }
0x542: {  	v1 =	vadd.f32 v3, v1;
	v3 =	vld [tilespmem:$0x1FFC0];
	_ =	sdelay $0x2  }
0x543: {  	v0 =	vadd.f32 v0, v2;
	_ =	sdelay $0x1  }
0x544: {  	v2 =	vperm.xlane v0, v3;
	_ =	sdelay $0x1  }
0x545: {  	v63 =	vadd.f32 v0, v2;
	v2 =	vld [tilespmem:$0x1FFD0]  }
0x546: {  	s23 =	sadd.s32 $0x1, s23  }
0x547: {  	p0 =	sne.s32 s23, $0x20  }
.Ltmp1:
0x548: {  	v3 =	vperm.xlane v1, v3;
	(pc) =	sbr.rel @p0 .LBB2_4-.Ltmp1, $3  }
0x549: {  	_ = 	snop  }
0x54a: {  	v0 =	vadd.f32 v3, v1;
	v1 =	vperm.xlane v63, v2;
	_ =	sdelay $0x1  }
0x54b: {  	s22 =	sadd.s32 $0x1, s22;
	v9 =	vlaneseq.u32;
	v2 =	vperm.xlane v0, v2;
	v1 =	vadd.f32 v63, v1  }
0x54c: {  	v62 =	vld [tilespmem:$0x1F3F0]  }
0x54d: {  	v63 =	vld [tilespmem:$0x1F400];
	_ =	sdelay $0x2  }
0x54e: {  	vm2 =	veq.s32 v20, v9;
	v0 =	vadd.f32 v2, v0  }
0x54f: {  	s19 =	sadd.s32 $0x1, s19;
	p0 =	sne.s32 s24, $0xF;
	v1 =	vsel vm2, v1, v62  }
0x550: {  	s18 =	sadd.s32 $0x1, s18;
	v0 =	vsel vm2, v0, v63;
	[tilespmem:s19+$0x0] =	vst @!p0 v1  }
0x551: {  	[tilespmem:s18+$0x0] =	vst @!p0 v0  }
0x552: {  	[hbm4b:s6+s2] =	stream.linear.scatter [tilespmem:s14], [sflag:$0x4], $0x80, $0x38;
	[tilespmem:$0x10180] =	vst v63  }
0x553: {  	s17 =	sadd.s32 $0x1, s17;
	_ =	swait.ge [sflag:s15], $0x80  }
0x554: {  	p0 =	sne.s32 s17, s8;
	[sflag:s15] =	ssyncset.done $0x0  }
.Ltmp2:
0x555: {  	[sflag:s15] =	ssyncadd.s32 $0xFFFFFF80;
	(pc) =	sbr.rel @p0 .LBB2_1-.Ltmp2, $4  }
0x556: {  	[hbm4b:s7+s2] =	stream.linear.scatter [tilespmem:s16], [sflag:$0x4], $0x80, $0x38;
	[tilespmem:$0x10180] =	vst v63  }
0x557: {  	_ =	swait.ge [sflag:s15], $0x80  }
0x558: {  	[sflag:s15] =	ssyncset.done $0x0  }
0x559: {  	[sflag:s15] =	ssyncadd.s32 $0xFFFFFF80  }
0x55a: {  	_ =	sfence.sel $0x180000  }
0x55b: {  	[bflag:$0x0] =	sbarrier.arrive $0xFFFF  }
0x55c: {  	p0 =	sne.s32 s1, $0x0;
	_ =	strace $0x90000047  }
0x55d: {  	s0 =	sadd.s32 @!p0 $0x100000, s0;
	[bflag:$0x2] =	sbarrier.arrive $0xFFFF  }
0x55e: {  	[sflag:s0] =	ssyncadd.tile.s32 @!p0 $0x1;
	_ =	shalt  }
.Lfunc_end2:
_tile_overlayer_lowered:
.L_overlay_start_2:
0x55f: {  	(tag) =	ssettag $0x2  }
0x560: {  	s0 =	rddreg [dreg:$0x0];
	s2 =	stileid.u32  }
0x561: {  	s1 =	rddreg [dreg:$0x1];
	p0 =	sne.s32 s2, $0x0  }
0x562: {  	s3 =	rddreg [dreg:$0x2];
	[bflag:$0x3] =	sbarrier.arrive $0xFFFF;
	s2 =	simm.s32 @!p0 $0x1C05  }
0x563: {  	[timem:s3], [sflag:s2] =	dma.local @!p0 [hbm:s0], s1  }
0x564: {  	s0 =	simm.s32 @!p0 $0x5  }
0x565: {  	_ =	swait.ge @!p0 [sflag:s0], s1  }
0x566: {  	s1 =	ssub.s32 @!p0 $0x0, s1;
	[sflag:s0] =	ssyncset.done @!p0 $0x0  }
0x567: {  	[sflag:s0] =	ssyncadd.s32 @!p0 s1  }
0x568: {  	[bflag:$0x3] =	sbarrier.arrive $0xFFFF  }
0x569: {  	_ =	shalt  }

</sc_bundles>
